<compile_context>
chip_gen: v7x
topology: tpu7x:2x2x1
jax: 0.10.2.dev20260603
libtpu: 0.0.44.dev20260713+nightly
codegen_flags: <defaults>
</compile_context>

<pallas_src>
import functools

import jax
import jax.numpy as jnp
from jax import lax
from jax.experimental import pallas as pl
from jax.experimental.pallas import tpu as pltpu
from jax.experimental.pallas import tpu_sc as plsc

N, T, D, H, KNN, C = 2048, 32, 128, 128, 16, 16
G4 = 4 * H
NW = 32


def _bdot(a, b):
    return jax.lax.dot_general(a.astype(jnp.bfloat16), b.astype(jnp.bfloat16),
                               (((1,), (0,)), ((), ())),
                               preferred_element_type=jnp.float32)


_BN = 256


def _lstm_body(x_ref, wih_ref, whh_ref, bih_ref, bhh_ref, m_ref, out_ref):
    wih = wih_ref[...].astype(jnp.bfloat16)
    whh = whh_ref[...].astype(jnp.bfloat16)
    bih = bih_ref[...]
    bhh = bhh_ref[...]
    mask = m_ref[...] > jnp.float32(0.0)
    lz = jnp.float32(0.0)
    h = jnp.zeros((_BN, H), jnp.float32)
    c = jnp.zeros((_BN, H), jnp.float32)
    for t in range(T):
        xt = x_ref[:, t, :]
        g1 = jax.lax.dot_general(xt.astype(jnp.bfloat16), wih,
                                 (((1,), (0,)), ((), ())),
                                 preferred_element_type=jnp.float32)
        g2 = jax.lax.dot_general(h.astype(jnp.bfloat16), whh,
                                 (((1,), (0,)), ((), ())),
                                 preferred_element_type=jnp.float32)
        s1 = jnp.where(mask, jnp.where(mask, g1, lz) + bih, lz)
        s2 = jnp.where(mask, s1 + jnp.where(mask, g2, lz), lz)
        g = s2 + bhh
        i = jax.nn.sigmoid(g[:, 0:H])
        f = jax.nn.sigmoid(g[:, H:2 * H])
        gg = jnp.tanh(g[:, 2 * H:3 * H])
        o = jax.nn.sigmoid(g[:, 3 * H:4 * H])
        c = f * c + i * gg
        h = o * jnp.tanh(c)
    out_ref[...] = h


def _lstm(inputs, wihT, whhT, bih, bhh):
    return pl.pallas_call(
        _lstm_body,
        grid=(N // _BN,),
        in_specs=[
            pl.BlockSpec((_BN, T, D), lambda i: (i, 0, 0)),
            pl.BlockSpec((D, G4), lambda i: (0, 0)),
            pl.BlockSpec((H, G4), lambda i: (0, 0)),
            pl.BlockSpec((1, G4), lambda i: (0, 0)),
            pl.BlockSpec((1, G4), lambda i: (0, 0)),
            pl.BlockSpec((1, G4), lambda i: (0, 0)),
        ],
        out_specs=pl.BlockSpec((_BN, H), lambda i: (i, 0)),
        out_shape=jax.ShapeDtypeStruct((N, H), jnp.float32),
    )(inputs, wihT, whhT, bih, bhh, jnp.ones((1, G4), jnp.float32))


_BR = 256


def _knn_body(xb_ref, xa_ref, sqc_ref, sqr_ref, nbr_ref, deg_ref):
    pid = pl.program_id(0)
    xb = xb_ref[...]
    xa = xa_ref[...]
    sqb = sqc_ref[...]
    sqr = sqr_ref[...]
    mm = jax.lax.dot_general(xb.astype(jnp.bfloat16),
                             xa.astype(jnp.bfloat16),
                             (((1,), (1,)), ((), ())),
                             preferred_element_type=jnp.float32)
    d2 = (sqb + sqr) - 2.0 * mm
    rid = pid * _BR + lax.broadcasted_iota(jnp.int32, (_BR, N), 0)
    cid = lax.broadcasted_iota(jnp.int32, (_BR, N), 1)
    d2 = d2 + jnp.where(rid == cid, jnp.float32(1e12), jnp.float32(0.0))
    cur = d2
    cols = []
    ohacc = jnp.zeros((_BR, N), jnp.float32)
    for _ in range(KNN):
        mn = jnp.min(cur, axis=1, keepdims=True)
        cand = jnp.where(cur == mn, cid, jnp.int32(N))
        am = jnp.min(cand, axis=1, keepdims=True)
        cols.append(am)
        hit = cid == am
        ohacc = ohacc + jnp.where(hit, jnp.float32(1.0), jnp.float32(0.0))
        cur = jnp.where(hit, jnp.float32(1e30), cur)
    nbr_ref[...] = jnp.concatenate(cols, axis=1)
    deg_ref[...] = jnp.sum(ohacc, axis=0, keepdims=True).reshape(1, 1, N)


def _knn(x, sqc, sqr):
    return pl.pallas_call(
        _knn_body,
        grid=(N // _BR,),
        in_specs=[
            pl.BlockSpec((_BR, H), lambda i: (i, 0)),
            pl.BlockSpec((N, H), lambda i: (0, 0)),
            pl.BlockSpec((_BR, 1), lambda i: (i, 0)),
            pl.BlockSpec((1, N), lambda i: (0, 0)),
        ],
        out_specs=[pl.BlockSpec((_BR, KNN), lambda i: (i, 0)),
                   pl.BlockSpec((1, 1, N), lambda i: (i, 0, 0))],
        out_shape=[jax.ShapeDtypeStruct((N, KNN), jnp.int32),
                   jax.ShapeDtypeStruct((N // _BR, 1, N), jnp.float32)],
    )(x, x, sqc, sqr)


def _sc_gather_sum(table, idx_flat, width, chunk):
    bt = N // NW
    nch = bt // chunk
    mesh = plsc.VectorSubcoreMesh(core_axis_name="c", subcore_axis_name="s")

    @functools.partial(
        pl.kernel,
        mesh=mesh,
        out_type=jax.ShapeDtypeStruct((N, width), jnp.float32),
        scratch_types=[
            pltpu.VMEM((chunk * KNN,), jnp.int32),
            pltpu.VMEM((chunk * KNN, width), jnp.float32),
            pltpu.VMEM((bt, width), jnp.float32),
            pltpu.SemaphoreType.DMA,
        ],
    )
    def gsum(table_hbm, idx_hbm, out_hbm, idx_v, rows_v, acc_v, sem):
        wid = lax.axis_index("s") * 2 + lax.axis_index("c")
        ebase = wid * (bt * KNN)
        for ch in range(nch):
            pltpu.sync_copy(idx_hbm.at[pl.ds(ebase + ch * chunk * KNN,
                                             chunk * KNN)], idx_v)
            pltpu.async_copy(table_hbm.at[idx_v], rows_v, sem).wait()

            def body(j, carry):
                for v in range(width // 16):
                    sl = pl.ds(v * 16, 16)
                    acc = rows_v[j * KNN, sl]
                    for k in range(1, KNN):
                        acc = acc + rows_v[j * KNN + k, sl]
                    acc_v[ch * chunk + j, sl] = acc
                return carry

            lax.fori_loop(0, chunk, body, 0)
        pltpu.sync_copy(acc_v, out_hbm.at[pl.ds(wid * bt, bt)])

    return gsum(table, idx_flat)


def _gmat_body(nbr_ref, sb_ref, g_ref):
    nbr = nbr_ref[...]
    sb16 = sb_ref[...].astype(jnp.bfloat16)
    cid = lax.broadcasted_iota(jnp.int32, (_BR, N), 1)
    acc = jnp.zeros((_BR, N), jnp.float32)
    for k in range(KNN):
        acc = acc + jnp.where(cid == nbr[:, k:k + 1], jnp.float32(1.0),
                              jnp.float32(0.0))
    g_ref[...] = jax.lax.dot_general(acc.astype(jnp.bfloat16), sb16,
                                     (((1,), (0,)), ((), ())),
                                     preferred_element_type=jnp.float32)


def _gmat(nbr, Sb):
    return pl.pallas_call(
        _gmat_body,
        grid=(N // _BR,),
        in_specs=[pl.BlockSpec((_BR, KNN), lambda i: (i, 0)),
                  pl.BlockSpec((N, H), lambda i: (0, 0))],
        out_specs=pl.BlockSpec((_BR, H), lambda i: (i, 0)),
        out_shape=jax.ShapeDtypeStruct((N, H), jnp.float32),
    )(nbr, Sb)


def _mix_body(x_ref, xs_ref, wout_ref, bout_ref, wroot_ref, wpool_ref,
              bpool_ref, s_ref):
    x = x_ref[...]
    xs = xs_ref[...]
    agg = (x + xs) * jnp.float32(1.0 / 17.0)
    x2 = (_bdot(agg, wout_ref[...]) + bout_ref[...]) + _bdot(x, wroot_ref[...])
    x2 = jnp.maximum(x2, jnp.float32(0.0))
    logits = _bdot(x2, wpool_ref[...]) + bpool_ref[...]
    lane = lax.broadcasted_iota(jnp.int32, (N, H), 1)
    logits = jnp.where(lane < C, logits, jnp.float32(-1e30))
    mx = jnp.max(logits, axis=1, keepdims=True)
    e = jnp.where(lane < C, jnp.exp(logits - mx), jnp.float32(0.0))
    s_ref[...] = e / jnp.sum(e, axis=1, keepdims=True)


def _mix(x, xs, W_out, b_out, W_root, W_pool, b_pool):
    return pl.pallas_call(
        _mix_body,
        in_specs=[pl.BlockSpec((N, H), lambda: (0, 0)),
                  pl.BlockSpec((N, H), lambda: (0, 0)),
                  pl.BlockSpec((H, H), lambda: (0, 0)),
                  pl.BlockSpec((1, H), lambda: (0, 0)),
                  pl.BlockSpec((H, H), lambda: (0, 0)),
                  pl.BlockSpec((H, H), lambda: (0, 0)),
                  pl.BlockSpec((1, H), lambda: (0, 0))],
        out_specs=pl.BlockSpec((N, H), lambda: (0, 0)),
        out_shape=jax.ShapeDtypeStruct((N, H), jnp.float32),
    )(x, xs, W_out, b_out, W_root, W_pool, b_pool)


def _loss_body(s_ref, sb_ref, g_ref, degh_ref, out_ref):
    S = s_ref[...]
    Sb = sb_ref[...]
    G = g_ref[...]
    degh = degh_ref[...]
    r0 = lax.broadcasted_iota(jnp.int32, (H, H), 0)
    r1 = lax.broadcasted_iota(jnp.int32, (H, H), 1)
    eye = jnp.where((r0 == r1) & (r0 < C), jnp.float32(1.0), jnp.float32(0.0))

    Sb16 = Sb.astype(jnp.bfloat16)
    Gb16 = G.astype(jnp.bfloat16)
    out_adj = jax.lax.dot_general(Gb16, Sb16, (((0,), (0,)), ((), ())),
                                  preferred_element_type=jnp.float32)
    oad = jnp.sum(out_adj * eye, axis=0, keepdims=True)
    deg_row = jnp.sum(degh, axis=0, keepdims=True)
    ca = jax.lax.dot_general(deg_row.astype(jnp.bfloat16), Sb16,
                             (((1,), (0,)), ((), ())),
                             preferred_element_type=jnp.float32)
    nd = (ca * ca) * jnp.float32(0.5) * jnp.float32(1.0 / 16384.0)
    spectral = -jnp.sum(oad - nd) * jnp.float32(0.5) * jnp.float32(1.0 / 16384.0)

    ss = jax.lax.dot_general(S, S, (((0,), (0,)), ((), ())),
                             preferred_element_type=jnp.float32)
    cs = jnp.sum(S, axis=0, keepdims=True)
    ssn = jnp.sqrt(jnp.sum(ss * ss))
    om = ss / ssn - eye * jnp.float32(1.0 / 4.0)
    ortho = jnp.sqrt(jnp.sum(om * om))
    clus = jnp.sqrt(jnp.sum(cs * cs)) * jnp.float32(4.0 / N) - jnp.float32(1.0)

    lane = lax.broadcasted_iota(jnp.int32, (1, 128), 1)
    out = jnp.where(lane == 0, spectral,
                    jnp.where(lane == 1, ortho,
                              jnp.where(lane == 2, clus, jnp.float32(0.0))))
    out_ref[...] = out


def _losses(S, Sb, G, degh):
    return pl.pallas_call(
        _loss_body,
        in_specs=[pl.BlockSpec((N, H), lambda: (0, 0)),
                  pl.BlockSpec((N, H), lambda: (0, 0)),
                  pl.BlockSpec((N, H), lambda: (0, 0)),
                  pl.BlockSpec((N // _BR, N), lambda: (0, 0))],
        out_specs=pl.BlockSpec((1, 128), lambda: (0, 0)),
        out_shape=jax.ShapeDtypeStruct((1, 128), jnp.float32),
    )(S, Sb, G, degh)


def kernel(inputs, W_ih, W_hh, b_ih, b_hh, W_out, b_out, W_root, W_pool,
           b_pool):
    x = _lstm(inputs, W_ih.T, W_hh.T, b_ih.reshape(1, G4),
              b_hh.reshape(1, G4))
    sqv = jnp.sum(x * x, axis=-1)
    nbr, degh = _knn(x, sqv.reshape(N, 1), sqv.reshape(1, N))
    degh = degh.reshape(N // _BR, N)
    idx_flat = nbr.reshape(-1)
    xs = _sc_gather_sum(x, idx_flat, H, 32)
    wpool_pad = jnp.pad(W_pool, ((0, 0), (0, H - C)))
    bpool_pad = jnp.pad(b_pool, (0, H - C)).reshape(1, H)
    S = _mix(x, xs, W_out, b_out.reshape(1, H), W_root, wpool_pad,
             bpool_pad)
    Sb = S.astype(jnp.bfloat16).astype(jnp.float32)
    G = _gmat(nbr, Sb)
    lo = _losses(S, Sb, G, degh)
    return S[None, :, :C], lo[0, 0], lo[0, 1], lo[0, 2]

# --- scband reference (transcript-rebuilt; emitter-appended) ---
"""Pipeline reference for scband-etecluster-model-6803228197025 (READ-ONLY COPY).

The authoritative reference and input builder live on the scoring server;
editing this copy changes nothing except your own understanding.
"""

import jax, jax.numpy as jnp
import numpy as np

N, T, D, H, KNN, C = 2048, 32, 128, 128, 16, 16


def setup_inputs(seed: int = 0):
    key = jax.random.key(seed)
    ks = jax.random.split(key, 10)
    s = 1.0 / np.sqrt(H)
    return {
        "inputs": jax.random.normal(ks[0], (N, T, D), dtype=jnp.float32),
        "W_ih": jax.random.uniform(ks[1], (4 * H, D), jnp.float32, -s, s),
        "W_hh": jax.random.uniform(ks[2], (4 * H, H), jnp.float32, -s, s),
        "b_ih": jax.random.uniform(ks[3], (4 * H,), jnp.float32, -s, s),
        "b_hh": jax.random.uniform(ks[4], (4 * H,), jnp.float32, -s, s),
        "W_out": jax.random.uniform(ks[5], (H, H), jnp.float32, -s, s),
        "b_out": jax.random.uniform(ks[6], (H,), jnp.float32, -s, s),
        "W_root": jax.random.uniform(ks[7], (H, H), jnp.float32, -s, s),
        "W_pool": jax.random.uniform(ks[8], (H, C), jnp.float32, -s, s),
        "b_pool": jnp.zeros((C,), jnp.float32),
    }


def reference(inputs, W_ih, W_hh, b_ih, b_hh, W_out, b_out, W_root, W_pool, b_pool):
    # 1) LSTM encoder (single layer, batch_first); final hidden state h_n is node embedding
    def step(carry, x_t):
        h, c = carry
        gates = x_t @ W_ih.T + b_ih + h @ W_hh.T + b_hh
        i, f, g, o = jnp.split(gates, 4, axis=-1)
        i = jax.nn.sigmoid(i)
        f = jax.nn.sigmoid(f)
        g = jnp.tanh(g)
        o = jax.nn.sigmoid(o)
        c = f * c + i * g
        h = o * jnp.tanh(c)
        return (h, c), None

    h0 = jnp.zeros((N, H), jnp.float32)
    (h_n, _), _ = jax.lax.scan(step, (h0, h0), jnp.swapaxes(inputs, 0, 1))
    x = h_n  # [N, H] (squeezed h_n)

    # 2) knn_graph (Euclidean, loop=False): edge_index[0]=source neighbor, edge_index[1]=target node
    sq = jnp.sum(x * x, axis=-1)
    d2 = sq[:, None] + sq[None, :] - 2.0 * (x @ x.T)
    d2 = d2 + jnp.eye(N, dtype=jnp.float32) * 1e12  # exclude self (loop=False)
    _, nbr = jax.lax.top_k(-d2, KNN)  # [N, KNN] nearest neighbors
    row = nbr.reshape(-1)  # sources
    col = jnp.repeat(jnp.arange(N), KNN)  # targets

    # 3) ClusterGCNConv (diag_lambda=0, add self loops) + ReLU
    row_sl = jnp.concatenate([row, jnp.arange(N)])
    col_sl = jnp.concatenate([col, jnp.arange(N)])
    deg = jax.ops.segment_sum(jnp.ones(row_sl.shape[0], jnp.float32), col_sl, num_segments=N)
    deg_inv = 1.0 / jnp.maximum(deg, 1.0)
    ew = deg_inv[col_sl]
    agg = jnp.zeros((N, H), jnp.float32).at[col_sl].add(ew[:, None] * x[row_sl])
    x = jax.nn.relu(agg @ W_out + b_out + x @ W_root)

    # 4) to_dense_adj + DMoNPooling
    adj = jnp.zeros((N, N), jnp.float32).at[row, col].add(1.0)[None]  # [1,N,N]
    xb = x[None]  # [1,N,H]
    sass = jax.nn.softmax(xb @ W_pool + b_pool, axis=-1)  # [1,N,C]
    st = jnp.swapaxes(sass, 1, 2)  # [1,C,N]
    out_adj = st @ adj @ sass  # [1,C,C]

    degrees = jnp.sum(adj, axis=-1)[..., None]  # [1,N,1]
    m = jnp.sum(degrees, axis=(1, 2)) / 2.0  # [1]
    ca = st @ degrees  # [1,C,1]
    normalizer = (ca @ jnp.swapaxes(ca, 1, 2)) / 2.0 / m[:, None, None]
    decompose = out_adj - normalizer
    spectral_loss = jnp.mean(-jnp.trace(decompose, axis1=1, axis2=2) / 2.0 / m)

    ss = st @ sass  # [1,C,C]
    ss_norm = jnp.sqrt(jnp.sum(ss * ss, axis=(-2, -1), keepdims=True))
    i_s = jnp.eye(C, dtype=jnp.float32)
    ortho = ss / ss_norm - i_s / jnp.sqrt(jnp.float32(C))
    ortho_loss = jnp.mean(jnp.sqrt(jnp.sum(ortho * ortho, axis=(-2, -1))))

    cluster_size = jnp.sum(sass, axis=1)  # [1,C]
    cluster_loss = jnp.mean(
        jnp.sqrt(jnp.sum(cluster_size * cluster_size, axis=1)) / N * jnp.sqrt(jnp.float32(C)) - 1.0
    )
    return sass, spectral_loss, ortho_loss, cluster_loss

if __name__ == "__main__":
    import jax
    _d = setup_inputs()
    print(jax.jit(kernel)(*tuple(_d.values())))

</pallas_src>

<mosaic_0001>
#map = affine_map<(d0, d1) -> (0, 0)>
#map1 = affine_map<(d0, d1) -> (0)>
module attributes {stable_mosaic.version = 14 : i64} {
  func.func @gsum(%arg0: i32, %arg1: i32, %arg2: memref<2048x128xf32, #tpu.memory_space<hbm>>, %arg3: memref<32768xi32, #tpu.memory_space<hbm>>, %arg4: memref<2048x128xf32, #tpu.memory_space<hbm>>, %arg5: memref<512xi32, #tpu.memory_space<vmem>>, %arg6: memref<512x128xf32, #tpu.memory_space<vmem>>, %arg7: memref<64x128xf32, #tpu.memory_space<vmem>>, %arg8: memref<!tpu.dma_semaphore, #tpu.memory_space<semaphore_mem>>) attributes {dimension_semantics = [#tpu.dimension_semantics<core_parallel>, #tpu.dimension_semantics<subcore_parallel>], iteration_bounds = array<i64: 2, 16>, scalar_prefetch = 0 : i64, scratch_operands = 4 : i64, tpu.core_type = #tpu.core_type<sc_vector_subcore>, window_params = [{transform_indices = #map}, {transform_indices = #map1}, {transform_indices = #map}]} {
    %mul3A = arith.constant 2 : i32
    %mul3A_0 = arith.muli %arg1, %mul3A : i32
    %add3A = arith.addi %mul3A_0, %arg0 : i32
    %mul3A_1 = arith.constant 1024 : i32
    %mul3A_2 = arith.muli %add3A, %mul3A_1 : i32
    %add3A_3 = arith.constant 0 : i32
    %add3A_4 = arith.addi %mul3A_2, %add3A_3 : i32
    "tpu.region"() ({
      %run_scoped3A = tpu.sem_alloc : memref<!tpu.dma_semaphore, #tpu.memory_space<semaphore_mem>>
      %dma_start3A_30 = tpu.memref_slice %arg3[%add3A_4] : memref<32768xi32, #tpu.memory_space<hbm>> -> memref<512xi32, #tpu.memory_space<hbm>>
      %dma_start3A_31 = tpu.memref_slice %arg3[%add3A_4] : memref<32768xi32, #tpu.memory_space<hbm>> -> memref<512xi32, #tpu.memory_space<hbm>>
      tpu.enqueue_dma source(%dma_start3A_31 : memref<512xi32, #tpu.memory_space<hbm>>) target(%arg5 : memref<512xi32, #tpu.memory_space<vmem>>) target_semaphore(%run_scoped3A : memref<!tpu.dma_semaphore, #tpu.memory_space<semaphore_mem>>)
      %dma_wait3A_32 = tpu.memref_slice %arg3[%add3A_4] : memref<32768xi32, #tpu.memory_space<hbm>> -> memref<512xi32, #tpu.memory_space<hbm>>
      %dma_wait3A_33 = tpu.memref_slice %arg3[%add3A_4] : memref<32768xi32, #tpu.memory_space<hbm>> -> memref<512xi32, #tpu.memory_space<hbm>>
      tpu.wait_dma2 semaphore(%run_scoped3A : memref<!tpu.dma_semaphore, #tpu.memory_space<semaphore_mem>>) src(%dma_wait3A_33 : memref<512xi32, #tpu.memory_space<hbm>>) dst(%arg5 : memref<512xi32, #tpu.memory_space<vmem>>)
      tpu.yield
    }) : () -> ()
    %dma_start3A = arith.constant 0 : i32
    %dma_start3A_5 = arith.constant 0 : i32
    %dma_start3A_6 = tpu.memref_slice %arg2[%dma_start3A, %dma_start3A_5] : memref<2048x128xf32, #tpu.memory_space<hbm>> -> memref<2048x128xf32, #tpu.memory_space<hbm>>
    tpu.enqueue_indirect_dma source(%dma_start3A_6 : memref<2048x128xf32, #tpu.memory_space<hbm>>) target(%arg6 : memref<512x128xf32, #tpu.memory_space<vmem>>) offsets(%arg5 : memref<512xi32, #tpu.memory_space<vmem>>) semaphore(%arg8 : memref<!tpu.dma_semaphore, #tpu.memory_space<semaphore_mem>>)
    %dma_wait3A = arith.constant 0 : i32
    %dma_wait3A_7 = arith.constant 0 : i32
    %dma_wait3A_8 = tpu.memref_slice %arg2[%dma_wait3A, %dma_wait3A_7] : memref<2048x128xf32, #tpu.memory_space<hbm>> -> memref<2048x128xf32, #tpu.memory_space<hbm>>
    tpu.wait_indirect_dma semaphore(%arg8 : memref<!tpu.dma_semaphore, #tpu.memory_space<semaphore_mem>>) src(%dma_wait3A_8 : memref<2048x128xf32, #tpu.memory_space<hbm>>) dst(%arg6 : memref<512x128xf32, #tpu.memory_space<vmem>>)
    %scan3A = arith.constant 0 : i32
    %scan3A_9 = arith.constant 0 : i32
    %scan3A_10 = arith.constant 32 : i32
    %scan3A_11 = arith.addi %scan3A_9, %scan3A_10 : i32
    %scan3A_12 = arith.constant 1 : i32
    scf.for %scan3A_30 = %scan3A_9 to %scan3A_11 step %scan3A_12  : i32 {
      %mul3A_31 = arith.constant 16 : i32
      %mul3A_32 = arith.muli %scan3A_30, %mul3A_31 : i32
      %get3A = arith.index_cast %mul3A_32 : i32 to index
      %get3A_33 = arith.constant 0 : index
      %get3A_34 = tpu.vector_load %arg6[%get3A, %get3A_33] {strides = array<i32>} : memref<512x128xf32, #tpu.memory_space<vmem>>, vector<1x16xf32>,
      %get3A_35 = vector.shape_cast %get3A_34 : vector<1x16xf32> to vector<16xf32>
      %mul3A_36 = arith.constant 16 : i32
      %mul3A_37 = arith.muli %scan3A_30, %mul3A_36 : i32
      %add3A_38 = arith.constant 1 : i32
      %add3A_39 = arith.addi %mul3A_37, %add3A_38 : i32
      %get3A_40 = arith.index_cast %add3A_39 : i32 to index
      %get3A_41 = arith.constant 0 : index
      %get3A_42 = tpu.vector_load %arg6[%get3A_40, %get3A_41] {strides = array<i32>} : memref<512x128xf32, #tpu.memory_space<vmem>>, vector<1x16xf32>,
      %get3A_43 = vector.shape_cast %get3A_42 : vector<1x16xf32> to vector<16xf32>
      %add3A_44 = arith.addf %get3A_35, %get3A_43 : vector<16xf32>
      %mul3A_45 = arith.constant 16 : i32
      %mul3A_46 = arith.muli %scan3A_30, %mul3A_45 : i32
      %add3A_47 = arith.constant 2 : i32
      %add3A_48 = arith.addi %mul3A_46, %add3A_47 : i32
      %get3A_49 = arith.index_cast %add3A_48 : i32 to index
      %get3A_50 = arith.constant 0 : index
      %get3A_51 = tpu.vector_load %arg6[%get3A_49, %get3A_50] {strides = array<i32>} : memref<512x128xf32, #tpu.memory_space<vmem>>, vector<1x16xf32>,
      %get3A_52 = vector.shape_cast %get3A_51 : vector<1x16xf32> to vector<16xf32>
      %add3A_53 = arith.addf %add3A_44, %get3A_52 : vector<16xf32>
      %mul3A_54 = arith.constant 16 : i32
      %mul3A_55 = arith.muli %scan3A_30, %mul3A_54 : i32
      %add3A_56 = arith.constant 3 : i32
      %add3A_57 = arith.addi %mul3A_55, %add3A_56 : i32
      %get3A_58 = arith.index_cast %add3A_57 : i32 to index
      %get3A_59 = arith.constant 0 : index
      %get3A_60 = tpu.vector_load %arg6[%get3A_58, %get3A_59] {strides = array<i32>} : memref<512x128xf32, #tpu.memory_space<vmem>>, vector<1x16xf32>,
      %get3A_61 = vector.shape_cast %get3A_60 : vector<1x16xf32> to vector<16xf32>
      %add3A_62 = arith.addf %add3A_53, %get3A_61 : vector<16xf32>
      %mul3A_63 = arith.constant 16 : i32
      %mul3A_64 = arith.muli %scan3A_30, %mul3A_63 : i32
      %add3A_65 = arith.constant 4 : i32
      %add3A_66 = arith.addi %mul3A_64, %add3A_65 : i32
      %get3A_67 = arith.index_cast %add3A_66 : i32 to index
      %get3A_68 = arith.constant 0 : index
      %get3A_69 = tpu.vector_load %arg6[%get3A_67, %get3A_68] {strides = array<i32>} : memref<512x128xf32, #tpu.memory_space<vmem>>, vector<1x16xf32>,
      %get3A_70 = vector.shape_cast %get3A_69 : vector<1x16xf32> to vector<16xf32>
      %add3A_71 = arith.addf %add3A_62, %get3A_70 : vector<16xf32>
      %mul3A_72 = arith.constant 16 : i32
      %mul3A_73 = arith.muli %scan3A_30, %mul3A_72 : i32
      %add3A_74 = arith.constant 5 : i32
      %add3A_75 = arith.addi %mul3A_73, %add3A_74 : i32
      %get3A_76 = arith.index_cast %add3A_75 : i32 to index
      %get3A_77 = arith.constant 0 : index
      %get3A_78 = tpu.vector_load %arg6[%get3A_76, %get3A_77] {strides = array<i32>} : memref<512x128xf32, #tpu.memory_space<vmem>>, vector<1x16xf32>,
      %get3A_79 = vector.shape_cast %get3A_78 : vector<1x16xf32> to vector<16xf32>
      %add3A_80 = arith.addf %add3A_71, %get3A_79 : vector<16xf32>
      %mul3A_81 = arith.constant 16 : i32
      %mul3A_82 = arith.muli %scan3A_30, %mul3A_81 : i32
      %add3A_83 = arith.constant 6 : i32
      %add3A_84 = arith.addi %mul3A_82, %add3A_83 : i32
      %get3A_85 = arith.index_cast %add3A_84 : i32 to index
      %get3A_86 = arith.constant 0 : index
      %get3A_87 = tpu.vector_load %arg6[%get3A_85, %get3A_86] {strides = array<i32>} : memref<512x128xf32, #tpu.memory_space<vmem>>, vector<1x16xf32>,
      %get3A_88 = vector.shape_cast %get3A_87 : vector<1x16xf32> to vector<16xf32>
      %add3A_89 = arith.addf %add3A_80, %get3A_88 : vector<16xf32>
      %mul3A_90 = arith.constant 16 : i32
      %mul3A_91 = arith.muli %scan3A_30, %mul3A_90 : i32
      %add3A_92 = arith.constant 7 : i32
      %add3A_93 = arith.addi %mul3A_91, %add3A_92 : i32
      %get3A_94 = arith.index_cast %add3A_93 : i32 to index
      %get3A_95 = arith.constant 0 : index
      %get3A_96 = tpu.vector_load %arg6[%get3A_94, %get3A_95] {strides = array<i32>} : memref<512x128xf32, #tpu.memory_space<vmem>>, vector<1x16xf32>,
      %get3A_97 = vector.shape_cast %get3A_96 : vector<1x16xf32> to vector<16xf32>
      %add3A_98 = arith.addf %add3A_89, %get3A_97 : vector<16xf32>
      %mul3A_99 = arith.constant 16 : i32
      %mul3A_100 = arith.muli %scan3A_30, %mul3A_99 : i32
      %add3A_101 = arith.constant 8 : i32
      %add3A_102 = arith.addi %mul3A_100, %add3A_101 : i32
      %get3A_103 = arith.index_cast %add3A_102 : i32 to index
      %get3A_104 = arith.constant 0 : index
      %get3A_105 = tpu.vector_load %arg6[%get3A_103, %get3A_104] {strides = array<i32>} : memref<512x128xf32, #tpu.memory_space<vmem>>, vector<1x16xf32>,
      %get3A_106 = vector.shape_cast %get3A_105 : vector<1x16xf32> to vector<16xf32>
      %add3A_107 = arith.addf %add3A_98, %get3A_106 : vector<16xf32>
      %mul3A_108 = arith.constant 16 : i32
      %mul3A_109 = arith.muli %scan3A_30, %mul3A_108 : i32
      %add3A_110 = arith.constant 9 : i32
      %add3A_111 = arith.addi %mul3A_109, %add3A_110 : i32
      %get3A_112 = arith.index_cast %add3A_111 : i32 to index
      %get3A_113 = arith.constant 0 : index
      %get3A_114 = tpu.vector_load %arg6[%get3A_112, %get3A_113] {strides = array<i32>} : memref<512x128xf32, #tpu.memory_space<vmem>>, vector<1x16xf32>,
      %get3A_115 = vector.shape_cast %get3A_114 : vector<1x16xf32> to vector<16xf32>
      %add3A_116 = arith.addf %add3A_107, %get3A_115 : vector<16xf32>
      %mul3A_117 = arith.constant 16 : i32
      %mul3A_118 = arith.muli %scan3A_30, %mul3A_117 : i32
      %add3A_119 = arith.constant 10 : i32
      %add3A_120 = arith.addi %mul3A_118, %add3A_119 : i32
      %get3A_121 = arith.index_cast %add3A_120 : i32 to index
      %get3A_122 = arith.constant 0 : index
      %get3A_123 = tpu.vector_load %arg6[%get3A_121, %get3A_122] {strides = array<i32>} : memref<512x128xf32, #tpu.memory_space<vmem>>, vector<1x16xf32>,
      %get3A_124 = vector.shape_cast %get3A_123 : vector<1x16xf32> to vector<16xf32>
      %add3A_125 = arith.addf %add3A_116, %get3A_124 : vector<16xf32>
      %mul3A_126 = arith.constant 16 : i32
      %mul3A_127 = arith.muli %scan3A_30, %mul3A_126 : i32
      %add3A_128 = arith.constant 11 : i32
      %add3A_129 = arith.addi %mul3A_127, %add3A_128 : i32
      %get3A_130 = arith.index_cast %add3A_129 : i32 to index
      %get3A_131 = arith.constant 0 : index
      %get3A_132 = tpu.vector_load %arg6[%get3A_130, %get3A_131] {strides = array<i32>} : memref<512x128xf32, #tpu.memory_space<vmem>>, vector<1x16xf32>,
      %get3A_133 = vector.shape_cast %get3A_132 : vector<1x16xf32> to vector<16xf32>
      %add3A_134 = arith.addf %add3A_125, %get3A_133 : vector<16xf32>
      %mul3A_135 = arith.constant 16 : i32
      %mul3A_136 = arith.muli %scan3A_30, %mul3A_135 : i32
      %add3A_137 = arith.constant 12 : i32
      %add3A_138 = arith.addi %mul3A_136, %add3A_137 : i32
      %get3A_139 = arith.index_cast %add3A_138 : i32 to index
      %get3A_140 = arith.constant 0 : index
      %get3A_141 = tpu.vector_load %arg6[%get3A_139, %get3A_140] {strides = array<i32>} : memref<512x128xf32, #tpu.memory_space<vmem>>, vector<1x16xf32>,
      %get3A_142 = vector.shape_cast %get3A_141 : vector<1x16xf32> to vector<16xf32>
      %add3A_143 = arith.addf %add3A_134, %get3A_142 : vector<16xf32>
      %mul3A_144 = arith.constant 16 : i32
      %mul3A_145 = arith.muli %scan3A_30, %mul3A_144 : i32
      %add3A_146 = arith.constant 13 : i32
      %add3A_147 = arith.addi %mul3A_145, %add3A_146 : i32
      %get3A_148 = arith.index_cast %add3A_147 : i32 to index
      %get3A_149 = arith.constant 0 : index
      %get3A_150 = tpu.vector_load %arg6[%get3A_148, %get3A_149] {strides = array<i32>} : memref<512x128xf32, #tpu.memory_space<vmem>>, vector<1x16xf32>,
      %get3A_151 = vector.shape_cast %get3A_150 : vector<1x16xf32> to vector<16xf32>
      %add3A_152 = arith.addf %add3A_143, %get3A_151 : vector<16xf32>
      %mul3A_153 = arith.constant 16 : i32
      %mul3A_154 = arith.muli %scan3A_30, %mul3A_153 : i32
      %add3A_155 = arith.constant 14 : i32
      %add3A_156 = arith.addi %mul3A_154, %add3A_155 : i32
      %get3A_157 = arith.index_cast %add3A_156 : i32 to index
      %get3A_158 = arith.constant 0 : index
      %get3A_159 = tpu.vector_load %arg6[%get3A_157, %get3A_158] {strides = array<i32>} : memref<512x128xf32, #tpu.memory_space<vmem>>, vector<1x16xf32>,
      %get3A_160 = vector.shape_cast %get3A_159 : vector<1x16xf32> to vector<16xf32>
      %add3A_161 = arith.addf %add3A_152, %get3A_160 : vector<16xf32>
      %mul3A_162 = arith.constant 16 : i32
      %mul3A_163 = arith.muli %scan3A_30, %mul3A_162 : i32
      %add3A_164 = arith.constant 15 : i32
      %add3A_165 = arith.addi %mul3A_163, %add3A_164 : i32
      %get3A_166 = arith.index_cast %add3A_165 : i32 to index
      %get3A_167 = arith.constant 0 : index
      %get3A_168 = tpu.vector_load %arg6[%get3A_166, %get3A_167] {strides = array<i32>} : memref<512x128xf32, #tpu.memory_space<vmem>>, vector<1x16xf32>,
      %get3A_169 = vector.shape_cast %get3A_168 : vector<1x16xf32> to vector<16xf32>
      %add3A_170 = arith.addf %add3A_161, %get3A_169 : vector<16xf32>
      %add3A_171 = arith.constant 0 : i32
      %add3A_172 = arith.addi %add3A_171, %scan3A_30 : i32
      %swap3A = arith.index_cast %add3A_172 : i32 to index
      %swap3A_173 = arith.constant 0 : index
      %swap3A_174 = tpu.vector_load %arg7[%swap3A, %swap3A_173] {strides = array<i32>} : memref<64x128xf32, #tpu.memory_space<vmem>>, vector<1x16xf32>,
      %swap3A_175 = vector.shape_cast %swap3A_174 : vector<1x16xf32> to vector<16xf32>
      %swap3A_176 = vector.shape_cast %add3A_170 : vector<16xf32> to vector<1x16xf32>
      tpu.vector_store %arg7[%swap3A, %swap3A_173], %swap3A_176 {strides = array<i32>} : memref<64x128xf32, #tpu.memory_space<vmem>>, vector<1x16xf32>,
      %mul3A_177 = arith.constant 16 : i32
      %mul3A_178 = arith.muli %scan3A_30, %mul3A_177 : i32
      %get3A_179 = arith.index_cast %mul3A_178 : i32 to index
      %get3A_180 = arith.constant 16 : index
      %get3A_181 = tpu.vector_load %arg6[%get3A_179, %get3A_180] {strides = array<i32>} : memref<512x128xf32, #tpu.memory_space<vmem>>, vector<1x16xf32>,
      %get3A_182 = vector.shape_cast %get3A_181 : vector<1x16xf32> to vector<16xf32>
      %mul3A_183 = arith.constant 16 : i32
      %mul3A_184 = arith.muli %scan3A_30, %mul3A_183 : i32
      %add3A_185 = arith.constant 1 : i32
      %add3A_186 = arith.addi %mul3A_184, %add3A_185 : i32
      %get3A_187 = arith.index_cast %add3A_186 : i32 to index
      %get3A_188 = arith.constant 16 : index
      %get3A_189 = tpu.vector_load %arg6[%get3A_187, %get3A_188] {strides = array<i32>} : memref<512x128xf32, #tpu.memory_space<vmem>>, vector<1x16xf32>,
      %get3A_190 = vector.shape_cast %get3A_189 : vector<1x16xf32> to vector<16xf32>
      %add3A_191 = arith.addf %get3A_182, %get3A_190 : vector<16xf32>
      %mul3A_192 = arith.constant 16 : i32
      %mul3A_193 = arith.muli %scan3A_30, %mul3A_192 : i32
      %add3A_194 = arith.constant 2 : i32
      %add3A_195 = arith.addi %mul3A_193, %add3A_194 : i32
      %get3A_196 = arith.index_cast %add3A_195 : i32 to index
      %get3A_197 = arith.constant 16 : index
      %get3A_198 = tpu.vector_load %arg6[%get3A_196, %get3A_197] {strides = array<i32>} : memref<512x128xf32, #tpu.memory_space<vmem>>, vector<1x16xf32>,
      %get3A_199 = vector.shape_cast %get3A_198 : vector<1x16xf32> to vector<16xf32>
      %add3A_200 = arith.addf %add3A_191, %get3A_199 : vector<16xf32>
      %mul3A_201 = arith.constant 16 : i32
      %mul3A_202 = arith.muli %scan3A_30, %mul3A_201 : i32
      %add3A_203 = arith.constant 3 : i32
      %add3A_204 = arith.addi %mul3A_202, %add3A_203 : i32
      %get3A_205 = arith.index_cast %add3A_204 : i32 to index
      %get3A_206 = arith.constant 16 : index
      %get3A_207 = tpu.vector_load %arg6[%get3A_205, %get3A_206] {strides = array<i32>} : memref<512x128xf32, #tpu.memory_space<vmem>>, vector<1x16xf32>,
      %get3A_208 = vector.shape_cast %get3A_207 : vector<1x16xf32> to vector<16xf32>
      %add3A_209 = arith.addf %add3A_200, %get3A_208 : vector<16xf32>
      %mul3A_210 = arith.constant 16 : i32
      %mul3A_211 = arith.muli %scan3A_30, %mul3A_210 : i32
      %add3A_212 = arith.constant 4 : i32
      %add3A_213 = arith.addi %mul3A_211, %add3A_212 : i32
      %get3A_214 = arith.index_cast %add3A_213 : i32 to index
      %get3A_215 = arith.constant 16 : index
      %get3A_216 = tpu.vector_load %arg6[%get3A_214, %get3A_215] {strides = array<i32>} : memref<512x128xf32, #tpu.memory_space<vmem>>, vector<1x16xf32>,
      %get3A_217 = vector.shape_cast %get3A_216 : vector<1x16xf32> to vector<16xf32>
      %add3A_218 = arith.addf %add3A_209, %get3A_217 : vector<16xf32>
      %mul3A_219 = arith.constant 16 : i32
      %mul3A_220 = arith.muli %scan3A_30, %mul3A_219 : i32
      %add3A_221 = arith.constant 5 : i32
      %add3A_222 = arith.addi %mul3A_220, %add3A_221 : i32
      %get3A_223 = arith.index_cast %add3A_222 : i32 to index
      %get3A_224 = arith.constant 16 : index
      %get3A_225 = tpu.vector_load %arg6[%get3A_223, %get3A_224] {strides = array<i32>} : memref<512x128xf32, #tpu.memory_space<vmem>>, vector<1x16xf32>,
      %get3A_226 = vector.shape_cast %get3A_225 : vector<1x16xf32> to vector<16xf32>
      %add3A_227 = arith.addf %add3A_218, %get3A_226 : vector<16xf32>
      %mul3A_228 = arith.constant 16 : i32
      %mul3A_229 = arith.muli %scan3A_30, %mul3A_228 : i32
      %add3A_230 = arith.constant 6 : i32
      %add3A_231 = arith.addi %mul3A_229, %add3A_230 : i32
      %get3A_232 = arith.index_cast %add3A_231 : i32 to index
      %get3A_233 = arith.constant 16 : index
      %get3A_234 = tpu.vector_load %arg6[%get3A_232, %get3A_233] {strides = array<i32>} : memref<512x128xf32, #tpu.memory_space<vmem>>, vector<1x16xf32>,
      %get3A_235 = vector.shape_cast %get3A_234 : vector<1x16xf32> to vector<16xf32>
      %add3A_236 = arith.addf %add3A_227, %get3A_235 : vector<16xf32>
      %mul3A_237 = arith.constant 16 : i32
      %mul3A_238 = arith.muli %scan3A_30, %mul3A_237 : i32
      %add3A_239 = arith.constant 7 : i32
      %add3A_240 = arith.addi %mul3A_238, %add3A_239 : i32
      %get3A_241 = arith.index_cast %add3A_240 : i32 to index
      %get3A_242 = arith.constant 16 : index
      %get3A_243 = tpu.vector_load %arg6[%get3A_241, %get3A_242] {strides = array<i32>} : memref<512x128xf32, #tpu.memory_space<vmem>>, vector<1x16xf32>,
      %get3A_244 = vector.shape_cast %get3A_243 : vector<1x16xf32> to vector<16xf32>
      %add3A_245 = arith.addf %add3A_236, %get3A_244 : vector<16xf32>
      %mul3A_246 = arith.constant 16 : i32
      %mul3A_247 = arith.muli %scan3A_30, %mul3A_246 : i32
      %add3A_248 = arith.constant 8 : i32
      %add3A_249 = arith.addi %mul3A_247, %add3A_248 : i32
      %get3A_250 = arith.index_cast %add3A_249 : i32 to index
      %get3A_251 = arith.constant 16 : index
      %get3A_252 = tpu.vector_load %arg6[%get3A_250, %get3A_251] {strides = array<i32>} : memref<512x128xf32, #tpu.memory_space<vmem>>, vector<1x16xf32>,
      %get3A_253 = vector.shape_cast %get3A_252 : vector<1x16xf32> to vector<16xf32>
      %add3A_254 = arith.addf %add3A_245, %get3A_253 : vector<16xf32>
      %mul3A_255 = arith.constant 16 : i32
      %mul3A_256 = arith.muli %scan3A_30, %mul3A_255 : i32
      %add3A_257 = arith.constant 9 : i32
      %add3A_258 = arith.addi %mul3A_256, %add3A_257 : i32
      %get3A_259 = arith.index_cast %add3A_258 : i32 to index
      %get3A_260 = arith.constant 16 : index
      %get3A_261 = tpu.vector_load %arg6[%get3A_259, %get3A_260] {strides = array<i32>} : memref<512x128xf32, #tpu.memory_space<vmem>>, vector<1x16xf32>,
      %get3A_262 = vector.shape_cast %get3A_261 : vector<1x16xf32> to vector<16xf32>
      %add3A_263 = arith.addf %add3A_254, %get3A_262 : vector<16xf32>
      %mul3A_264 = arith.constant 16 : i32
      %mul3A_265 = arith.muli %scan3A_30, %mul3A_264 : i32
      %add3A_266 = arith.constant 10 : i32
      %add3A_267 = arith.addi %mul3A_265, %add3A_266 : i32
      %get3A_268 = arith.index_cast %add3A_267 : i32 to index
      %get3A_269 = arith.constant 16 : index
      %get3A_270 = tpu.vector_load %arg6[%get3A_268, %get3A_269] {strides = array<i32>} : memref<512x128xf32, #tpu.memory_space<vmem>>, vector<1x16xf32>,
      %get3A_271 = vector.shape_cast %get3A_270 : vector<1x16xf32> to vector<16xf32>
      %add3A_272 = arith.addf %add3A_263, %get3A_271 : vector<16xf32>
      %mul3A_273 = arith.constant 16 : i32
      %mul3A_274 = arith.muli %scan3A_30, %mul3A_273 : i32
      %add3A_275 = arith.constant 11 : i32
      %add3A_276 = arith.addi %mul3A_274, %add3A_275 : i32
      %get3A_277 = arith.index_cast %add3A_276 : i32 to index
      %get3A_278 = arith.constant 16 : index
      %get3A_279 = tpu.vector_load %arg6[%get3A_277, %get3A_278] {strides = array<i32>} : memref<512x128xf32, #tpu.memory_space<vmem>>, vector<1x16xf32>,
      %get3A_280 = vector.shape_cast %get3A_279 : vector<1x16xf32> to vector<16xf32>
      %add3A_281 = arith.addf %add3A_272, %get3A_280 : vector<16xf32>
      %mul3A_282 = arith.constant 16 : i32
      %mul3A_283 = arith.muli %scan3A_30, %mul3A_282 : i32
      %add3A_284 = arith.constant 12 : i32
      %add3A_285 = arith.addi %mul3A_283, %add3A_284 : i32
      %get3A_286 = arith.index_cast %add3A_285 : i32 to index
      %get3A_287 = arith.constant 16 : index
      %get3A_288 = tpu.vector_load %arg6[%get3A_286, %get3A_287] {strides = array<i32>} : memref<512x128xf32, #tpu.memory_space<vmem>>, vector<1x16xf32>,
      %get3A_289 = vector.shape_cast %get3A_288 : vector<1x16xf32> to vector<16xf32>
      %add3A_290 = arith.addf %add3A_281, %get3A_289 : vector<16xf32>
      %mul3A_291 = arith.constant 16 : i32
      %mul3A_292 = arith.muli %scan3A_30, %mul3A_291 : i32
      %add3A_293 = arith.constant 13 : i32
      %add3A_294 = arith.addi %mul3A_292, %add3A_293 : i32
      %get3A_295 = arith.index_cast %add3A_294 : i32 to index
      %get3A_296 = arith.constant 16 : index
      %get3A_297 = tpu.vector_load %arg6[%get3A_295, %get3A_296] {strides = array<i32>} : memref<512x128xf32, #tpu.memory_space<vmem>>, vector<1x16xf32>,
      %get3A_298 = vector.shape_cast %get3A_297 : vector<1x16xf32> to vector<16xf32>
      %add3A_299 = arith.addf %add3A_290, %get3A_298 : vector<16xf32>
      %mul3A_300 = arith.constant 16 : i32
      %mul3A_301 = arith.muli %scan3A_30, %mul3A_300 : i32
      %add3A_302 = arith.constant 14 : i32
      %add3A_303 = arith.addi %mul3A_301, %add3A_302 : i32
      %get3A_304 = arith.index_cast %add3A_303 : i32 to index
      %get3A_305 = arith.constant 16 : index
      %get3A_306 = tpu.vector_load %arg6[%get3A_304, %get3A_305] {strides = array<i32>} : memref<512x128xf32, #tpu.memory_space<vmem>>, vector<1x16xf32>,
      %get3A_307 = vector.shape_cast %get3A_306 : vector<1x16xf32> to vector<16xf32>
      %add3A_308 = arith.addf %add3A_299, %get3A_307 : vector<16xf32>
      %mul3A_309 = arith.constant 16 : i32
      %mul3A_310 = arith.muli %scan3A_30, %mul3A_309 : i32
      %add3A_311 = arith.constant 15 : i32
      %add3A_312 = arith.addi %mul3A_310, %add3A_311 : i32
      %get3A_313 = arith.index_cast %add3A_312 : i32 to index
      %get3A_314 = arith.constant 16 : index
      %get3A_315 = tpu.vector_load %arg6[%get3A_313, %get3A_314] {strides = array<i32>} : memref<512x128xf32, #tpu.memory_space<vmem>>, vector<1x16xf32>,
      %get3A_316 = vector.shape_cast %get3A_315 : vector<1x16xf32> to vector<16xf32>
      %add3A_317 = arith.addf %add3A_308, %get3A_316 : vector<16xf32>
      %add3A_318 = arith.constant 0 : i32
      %add3A_319 = arith.addi %add3A_318, %scan3A_30 : i32
      %swap3A_320 = arith.index_cast %add3A_319 : i32 to index
      %swap3A_321 = arith.constant 16 : index
      %swap3A_322 = tpu.vector_load %arg7[%swap3A_320, %swap3A_321] {strides = array<i32>} : memref<64x128xf32, #tpu.memory_space<vmem>>, vector<1x16xf32>,
      %swap3A_323 = vector.shape_cast %swap3A_322 : vector<1x16xf32> to vector<16xf32>
      %swap3A_324 = vector.shape_cast %add3A_317 : vector<16xf32> to vector<1x16xf32>
      tpu.vector_store %arg7[%swap3A_320, %swap3A_321], %swap3A_324 {strides = array<i32>} : memref<64x128xf32, #tpu.memory_space<vmem>>, vector<1x16xf32>,
      %mul3A_325 = arith.constant 16 : i32
      %mul3A_326 = arith.muli %scan3A_30, %mul3A_325 : i32
      %get3A_327 = arith.index_cast %mul3A_326 : i32 to index
      %get3A_328 = arith.constant 32 : index
      %get3A_329 = tpu.vector_load %arg6[%get3A_327, %get3A_328] {strides = array<i32>} : memref<512x128xf32, #tpu.memory_space<vmem>>, vector<1x16xf32>,
      %get3A_330 = vector.shape_cast %get3A_329 : vector<1x16xf32> to vector<16xf32>
      %mul3A_331 = arith.constant 16 : i32
      %mul3A_332 = arith.muli %scan3A_30, %mul3A_331 : i32
      %add3A_333 = arith.constant 1 : i32
      %add3A_334 = arith.addi %mul3A_332, %add3A_333 : i32
      %get3A_335 = arith.index_cast %add3A_334 : i32 to index
      %get3A_336 = arith.constant 32 : index
      %get3A_337 = tpu.vector_load %arg6[%get3A_335, %get3A_336] {strides = array<i32>} : memref<512x128xf32, #tpu.memory_space<vmem>>, vector<1x16xf32>,
      %get3A_338 = vector.shape_cast %get3A_337 : vector<1x16xf32> to vector<16xf32>
      %add3A_339 = arith.addf %get3A_330, %get3A_338 : vector<16xf32>
      %mul3A_340 = arith.constant 16 : i32
      %mul3A_341 = arith.muli %scan3A_30, %mul3A_340 : i32
      %add3A_342 = arith.constant 2 : i32
      %add3A_343 = arith.addi %mul3A_341, %add3A_342 : i32
      %get3A_344 = arith.index_cast %add3A_343 : i32 to index
      %get3A_345 = arith.constant 32 : index
      %get3A_346 = tpu.vector_load %arg6[%get3A_344, %get3A_345] {strides = array<i32>} : memref<512x128xf32, #tpu.memory_space<vmem>>, vector<1x16xf32>,
      %get3A_347 = vector.shape_cast %get3A_346 : vector<1x16xf32> to vector<16xf32>
      %add3A_348 = arith.addf %add3A_339, %get3A_347 : vector<16xf32>
      %mul3A_349 = arith.constant 16 : i32
      %mul3A_350 = arith.muli %scan3A_30, %mul3A_349 : i32
      %add3A_351 = arith.constant 3 : i32
      %add3A_352 = arith.addi %mul3A_350, %add3A_351 : i32
      %get3A_353 = arith.index_cast %add3A_352 : i32 to index
      %get3A_354 = arith.constant 32 : index
      %get3A_355 = tpu.vector_load %arg6[%get3A_353, %get3A_354] {strides = array<i32>} : memref<512x128xf32, #tpu.memory_space<vmem>>, vector<1x16xf32>,
      %get3A_356 = vector.shape_cast %get3A_355 : vector<1x16xf32> to vector<16xf32>
      %add3A_357 = arith.addf %add3A_348, %get3A_356 : vector<16xf32>
      %mul3A_358 = arith.constant 16 : i32
      %mul3A_359 = arith.muli %scan3A_30, %mul3A_358 : i32
      %add3A_360 = arith.constant 4 : i32
      %add3A_361 = arith.addi %mul3A_359, %add3A_360 : i32
      %get3A_362 = arith.index_cast %add3A_361 : i32 to index
      %get3A_363 = arith.constant 32 : index
      %get3A_364 = tpu.vector_load %arg6[%get3A_362, %get3A_363] {strides = array<i32>} : memref<512x128xf32, #tpu.memory_space<vmem>>, vector<1x16xf32>,
      %get3A_365 = vector.shape_cast %get3A_364 : vector<1x16xf32> to vector<16xf32>
      %add3A_366 = arith.addf %add3A_357, %get3A_365 : vector<16xf32>
      %mul3A_367 = arith.constant 16 : i32
      %mul3A_368 = arith.muli %scan3A_30, %mul3A_367 : i32
      %add3A_369 = arith.constant 5 : i32
      %add3A_370 = arith.addi %mul3A_368, %add3A_369 : i32
      %get3A_371 = arith.index_cast %add3A_370 : i32 to index
      %get3A_372 = arith.constant 32 : index
      %get3A_373 = tpu.vector_load %arg6[%get3A_371, %get3A_372] {strides = array<i32>} : memref<512x128xf32, #tpu.memory_space<vmem>>, vector<1x16xf32>,
      %get3A_374 = vector.shape_cast %get3A_373 : vector<1x16xf32> to vector<16xf32>
      %add3A_375 = arith.addf %add3A_366, %get3A_374 : vector<16xf32>
      %mul3A_376 = arith.constant 16 : i32
      %mul3A_377 = arith.muli %scan3A_30, %mul3A_376 : i32
      %add3A_378 = arith.constant 6 : i32
      %add3A_379 = arith.addi %mul3A_377, %add3A_378 : i32
      %get3A_380 = arith.index_cast %add3A_379 : i32 to index
      %get3A_381 = arith.constant 32 : index
      %get3A_382 = tpu.vector_load %arg6[%get3A_380, %get3A_381] {strides = array<i32>} : memref<512x128xf32, #tpu.memory_space<vmem>>, vector<1x16xf32>,
      %get3A_383 = vector.shape_cast %get3A_382 : vector<1x16xf32> to vector<16xf32>
      %add3A_384 = arith.addf %add3A_375, %get3A_383 : vector<16xf32>
      %mul3A_385 = arith.constant 16 : i32
      %mul3A_386 = arith.muli %scan3A_30, %mul3A_385 : i32
      %add3A_387 = arith.constant 7 : i32
      %add3A_388 = arith.addi %mul3A_386, %add3A_387 : i32
      %get3A_389 = arith.index_cast %add3A_388 : i32 to index
      %get3A_390 = arith.constant 32 : index
      %get3A_391 = tpu.vector_load %arg6[%get3A_389, %get3A_390] {strides = array<i32>} : memref<512x128xf32, #tpu.memory_space<vmem>>, vector<1x16xf32>,
      %get3A_392 = vector.shape_cast %get3A_391 : vector<1x16xf32> to vector<16xf32>
      %add3A_393 = arith.addf %add3A_384, %get3A_392 : vector<16xf32>
      %mul3A_394 = arith.constant 16 : i32
      %mul3A_395 = arith.muli %scan3A_30, %mul3A_394 : i32
      %add3A_396 = arith.constant 8 : i32
      %add3A_397 = arith.addi %mul3A_395, %add3A_396 : i32
      %get3A_398 = arith.index_cast %add3A_397 : i32 to index
      %get3A_399 = arith.constant 32 : index
      %get3A_400 = tpu.vector_load %arg6[%get3A_398, %get3A_399] {strides = array<i32>} : memref<512x128xf32, #tpu.memory_space<vmem>>, vector<1x16xf32>,
      %get3A_401 = vector.shape_cast %get3A_400 : vector<1x16xf32> to vector<16xf32>
      %add3A_402 = arith.addf %add3A_393, %get3A_401 : vector<16xf32>
      %mul3A_403 = arith.constant 16 : i32
      %mul3A_404 = arith.muli %scan3A_30, %mul3A_403 : i32
      %add3A_405 = arith.constant 9 : i32
      %add3A_406 = arith.addi %mul3A_404, %add3A_405 : i32
      %get3A_407 = arith.index_cast %add3A_406 : i32 to index
      %get3A_408 = arith.constant 32 : index
      %get3A_409 = tpu.vector_load %arg6[%get3A_407, %get3A_408] {strides = array<i32>} : memref<512x128xf32, #tpu.memory_space<vmem>>, vector<1x16xf32>,
      %get3A_410 = vector.shape_cast %get3A_409 : vector<1x16xf32> to vector<16xf32>
      %add3A_411 = arith.addf %add3A_402, %get3A_410 : vector<16xf32>
      %mul3A_412 = arith.constant 16 : i32
      %mul3A_413 = arith.muli %scan3A_30, %mul3A_412 : i32
      %add3A_414 = arith.constant 10 : i32
      %add3A_415 = arith.addi %mul3A_413, %add3A_414 : i32
      %get3A_416 = arith.index_cast %add3A_415 : i32 to index
      %get3A_417 = arith.constant 32 : index
      %get3A_418 = tpu.vector_load %arg6[%get3A_416, %get3A_417] {strides = array<i32>} : memref<512x128xf32, #tpu.memory_space<vmem>>, vector<1x16xf32>,
      %get3A_419 = vector.shape_cast %get3A_418 : vector<1x16xf32> to vector<16xf32>
      %add3A_420 = arith.addf %add3A_411, %get3A_419 : vector<16xf32>
      %mul3A_421 = arith.constant 16 : i32
      %mul3A_422 = arith.muli %scan3A_30, %mul3A_421 : i32
      %add3A_423 = arith.constant 11 : i32
      %add3A_424 = arith.addi %mul3A_422, %add3A_423 : i32
      %get3A_425 = arith.index_cast %add3A_424 : i32 to index
      %get3A_426 = arith.constant 32 : index
      %get3A_427 = tpu.vector_load %arg6[%get3A_425, %get3A_426] {strides = array<i32>} : memref<512x128xf32, #tpu.memory_space<vmem>>, vector<1x16xf32>,
      %get3A_428 = vector.shape_cast %get3A_427 : vector<1x16xf32> to vector<16xf32>
      %add3A_429 = arith.addf %add3A_420, %get3A_428 : vector<16xf32>
      %mul3A_430 = arith.constant 16 : i32
      %mul3A_431 = arith.muli %scan3A_30, %mul3A_430 : i32
      %add3A_432 = arith.constant 12 : i32
      %add3A_433 = arith.addi %mul3A_431, %add3A_432 : i32
      %get3A_434 = arith.index_cast %add3A_433 : i32 to index
      %get3A_435 = arith.constant 32 : index
      %get3A_436 = tpu.vector_load %arg6[%get3A_434, %get3A_435] {strides = array<i32>} : memref<512x128xf32, #tpu.memory_space<vmem>>, vector<1x16xf32>,
      %get3A_437 = vector.shape_cast %get3A_436 : vector<1x16xf32> to vector<16xf32>
      %add3A_438 = arith.addf %add3A_429, %get3A_437 : vector<16xf32>
      %mul3A_439 = arith.constant 16 : i32
      %mul3A_440 = arith.muli %scan3A_30, %mul3A_439 : i32
      %add3A_441 = arith.constant 13 : i32
      %add3A_442 = arith.addi %mul3A_440, %add3A_441 : i32
      %get3A_443 = arith.index_cast %add3A_442 : i32 to index
      %get3A_444 = arith.constant 32 : index
      %get3A_445 = tpu.vector_load %arg6[%get3A_443, %get3A_444] {strides = array<i32>} : memref<512x128xf32, #tpu.memory_space<vmem>>, vector<1x16xf32>,
      %get3A_446 = vector.shape_cast %get3A_445 : vector<1x16xf32> to vector<16xf32>
      %add3A_447 = arith.addf %add3A_438, %get3A_446 : vector<16xf32>
      %mul3A_448 = arith.constant 16 : i32
      %mul3A_449 = arith.muli %scan3A_30, %mul3A_448 : i32
      %add3A_450 = arith.constant 14 : i32
      %add3A_451 = arith.addi %mul3A_449, %add3A_450 : i32
      %get3A_452 = arith.index_cast %add3A_451 : i32 to index
      %get3A_453 = arith.constant 32 : index
      %get3A_454 = tpu.vector_load %arg6[%get3A_452, %get3A_453] {strides = array<i32>} : memref<512x128xf32, #tpu.memory_space<vmem>>, vector<1x16xf32>,
      %get3A_455 = vector.shape_cast %get3A_454 : vector<1x16xf32> to vector<16xf32>
      %add3A_456 = arith.addf %add3A_447, %get3A_455 : vector<16xf32>
      %mul3A_457 = arith.constant 16 : i32
      %mul3A_458 = arith.muli %scan3A_30, %mul3A_457 : i32
      %add3A_459 = arith.constant 15 : i32
      %add3A_460 = arith.addi %mul3A_458, %add3A_459 : i32
      %get3A_461 = arith.index_cast %add3A_460 : i32 to index
      %get3A_462 = arith.constant 32 : index
      %get3A_463 = tpu.vector_load %arg6[%get3A_461, %get3A_462] {strides = array<i32>} : memref<512x128xf32, #tpu.memory_space<vmem>>, vector<1x16xf32>,
      %get3A_464 = vector.shape_cast %get3A_463 : vector<1x16xf32> to vector<16xf32>
      %add3A_465 = arith.addf %add3A_456, %get3A_464 : vector<16xf32>
      %add3A_466 = arith.constant 0 : i32
      %add3A_467 = arith.addi %add3A_466, %scan3A_30 : i32
      %swap3A_468 = arith.index_cast %add3A_467 : i32 to index
      %swap3A_469 = arith.constant 32 : index
      %swap3A_470 = tpu.vector_load %arg7[%swap3A_468, %swap3A_469] {strides = array<i32>} : memref<64x128xf32, #tpu.memory_space<vmem>>, vector<1x16xf32>,
      %swap3A_471 = vector.shape_cast %swap3A_470 : vector<1x16xf32> to vector<16xf32>
      %swap3A_472 = vector.shape_cast %add3A_465 : vector<16xf32> to vector<1x16xf32>
      tpu.vector_store %arg7[%swap3A_468, %swap3A_469], %swap3A_472 {strides = array<i32>} : memref<64x128xf32, #tpu.memory_space<vmem>>, vector<1x16xf32>,
      %mul3A_473 = arith.constant 16 : i32
      %mul3A_474 = arith.muli %scan3A_30, %mul3A_473 : i32
      %get3A_475 = arith.index_cast %mul3A_474 : i32 to index
      %get3A_476 = arith.constant 48 : index
      %get3A_477 = tpu.vector_load %arg6[%get3A_475, %get3A_476] {strides = array<i32>} : memref<512x128xf32, #tpu.memory_space<vmem>>, vector<1x16xf32>,
      %get3A_478 = vector.shape_cast %get3A_477 : vector<1x16xf32> to vector<16xf32>
      %mul3A_479 = arith.constant 16 : i32
      %mul3A_480 = arith.muli %scan3A_30, %mul3A_479 : i32
      %add3A_481 = arith.constant 1 : i32
      %add3A_482 = arith.addi %mul3A_480, %add3A_481 : i32
      %get3A_483 = arith.index_cast %add3A_482 : i32 to index
      %get3A_484 = arith.constant 48 : index
      %get3A_485 = tpu.vector_load %arg6[%get3A_483, %get3A_484] {strides = array<i32>} : memref<512x128xf32, #tpu.memory_space<vmem>>, vector<1x16xf32>,
      %get3A_486 = vector.shape_cast %get3A_485 : vector<1x16xf32> to vector<16xf32>
      %add3A_487 = arith.addf %get3A_478, %get3A_486 : vector<16xf32>
      %mul3A_488 = arith.constant 16 : i32
      %mul3A_489 = arith.muli %scan3A_30, %mul3A_488 : i32
      %add3A_490 = arith.constant 2 : i32
      %add3A_491 = arith.addi %mul3A_489, %add3A_490 : i32
      %get3A_492 = arith.index_cast %add3A_491 : i32 to index
      %get3A_493 = arith.constant 48 : index
      %get3A_494 = tpu.vector_load %arg6[%get3A_492, %get3A_493] {strides = array<i32>} : memref<512x128xf32, #tpu.memory_space<vmem>>, vector<1x16xf32>,
      %get3A_495 = vector.shape_cast %get3A_494 : vector<1x16xf32> to vector<16xf32>
      %add3A_496 = arith.addf %add3A_487, %get3A_495 : vector<16xf32>
      %mul3A_497 = arith.constant 16 : i32
      %mul3A_498 = arith.muli %scan3A_30, %mul3A_497 : i32
      %add3A_499 = arith.constant 3 : i32
      %add3A_500 = arith.addi %mul3A_498, %add3A_499 : i32
      %get3A_501 = arith.index_cast %add3A_500 : i32 to index
      %get3A_502 = arith.constant 48 : index
      %get3A_503 = tpu.vector_load %arg6[%get3A_501, %get3A_502] {strides = array<i32>} : memref<512x128xf32, #tpu.memory_space<vmem>>, vector<1x16xf32>,
      %get3A_504 = vector.shape_cast %get3A_503 : vector<1x16xf32> to vector<16xf32>
      %add3A_505 = arith.addf %add3A_496, %get3A_504 : vector<16xf32>
      %mul3A_506 = arith.constant 16 : i32
      %mul3A_507 = arith.muli %scan3A_30, %mul3A_506 : i32
      %add3A_508 = arith.constant 4 : i32
      %add3A_509 = arith.addi %mul3A_507, %add3A_508 : i32
      %get3A_510 = arith.index_cast %add3A_509 : i32 to index
      %get3A_511 = arith.constant 48 : index
      %get3A_512 = tpu.vector_load %arg6[%get3A_510, %get3A_511] {strides = array<i32>} : memref<512x128xf32, #tpu.memory_space<vmem>>, vector<1x16xf32>,
      %get3A_513 = vector.shape_cast %get3A_512 : vector<1x16xf32> to vector<16xf32>
      %add3A_514 = arith.addf %add3A_505, %get3A_513 : vector<16xf32>
      %mul3A_515 = arith.constant 16 : i32
      %mul3A_516 = arith.muli %scan3A_30, %mul3A_515 : i32
      %add3A_517 = arith.constant 5 : i32
      %add3A_518 = arith.addi %mul3A_516, %add3A_517 : i32
      %get3A_519 = arith.index_cast %add3A_518 : i32 to index
      %get3A_520 = arith.constant 48 : index
      %get3A_521 = tpu.vector_load %arg6[%get3A_519, %get3A_520] {strides = array<i32>} : memref<512x128xf32, #tpu.memory_space<vmem>>, vector<1x16xf32>,
      %get3A_522 = vector.shape_cast %get3A_521 : vector<1x16xf32> to vector<16xf32>
      %add3A_523 = arith.addf %add3A_514, %get3A_522 : vector<16xf32>
      %mul3A_524 = arith.constant 16 : i32
      %mul3A_525 = arith.muli %scan3A_30, %mul3A_524 : i32
      %add3A_526 = arith.constant 6 : i32
      %add3A_527 = arith.addi %mul3A_525, %add3A_526 : i32
      %get3A_528 = arith.index_cast %add3A_527 : i32 to index
      %get3A_529 = arith.constant 48 : index
      %get3A_530 = tpu.vector_load %arg6[%get3A_528, %get3A_529] {strides = array<i32>} : memref<512x128xf32, #tpu.memory_space<vmem>>, vector<1x16xf32>,
      %get3A_531 = vector.shape_cast %get3A_530 : vector<1x16xf32> to vector<16xf32>
      %add3A_532 = arith.addf %add3A_523, %get3A_531 : vector<16xf32>
      %mul3A_533 = arith.constant 16 : i32
      %mul3A_534 = arith.muli %scan3A_30, %mul3A_533 : i32
      %add3A_535 = arith.constant 7 : i32
      %add3A_536 = arith.addi %mul3A_534, %add3A_535 : i32
      %get3A_537 = arith.index_cast %add3A_536 : i32 to index
      %get3A_538 = arith.constant 48 : index
      %get3A_539 = tpu.vector_load %arg6[%get3A_537, %get3A_538] {strides = array<i32>} : memref<512x128xf32, #tpu.memory_space<vmem>>, vector<1x16xf32>,
      %get3A_540 = vector.shape_cast %get3A_539 : vector<1x16xf32> to vector<16xf32>
      %add3A_541 = arith.addf %add3A_532, %get3A_540 : vector<16xf32>
      %mul3A_542 = arith.constant 16 : i32
      %mul3A_543 = arith.muli %scan3A_30, %mul3A_542 : i32
      %add3A_544 = arith.constant 8 : i32
      %add3A_545 = arith.addi %mul3A_543, %add3A_544 : i32
      %get3A_546 = arith.index_cast %add3A_545 : i32 to index
      %get3A_547 = arith.constant 48 : index
      %get3A_548 = tpu.vector_load %arg6[%get3A_546, %get3A_547] {strides = array<i32>} : memref<512x128xf32, #tpu.memory_space<vmem>>, vector<1x16xf32>,
      %get3A_549 = vector.shape_cast %get3A_548 : vector<1x16xf32> to vector<16xf32>
      %add3A_550 = arith.addf %add3A_541, %get3A_549 : vector<16xf32>
      %mul3A_551 = arith.constant 16 : i32
      %mul3A_552 = arith.muli %scan3A_30, %mul3A_551 : i32
      %add3A_553 = arith.constant 9 : i32
      %add3A_554 = arith.addi %mul3A_552, %add3A_553 : i32
      %get3A_555 = arith.index_cast %add3A_554 : i32 to index
      %get3A_556 = arith.constant 48 : index
      %get3A_557 = tpu.vector_load %arg6[%get3A_555, %get3A_556] {strides = array<i32>} : memref<512x128xf32, #tpu.memory_space<vmem>>, vector<1x16xf32>,
      %get3A_558 = vector.shape_cast %get3A_557 : vector<1x16xf32> to vector<16xf32>
      %add3A_559 = arith.addf %add3A_550, %get3A_558 : vector<16xf32>
      %mul3A_560 = arith.constant 16 : i32
      %mul3A_561 = arith.muli %scan3A_30, %mul3A_560 : i32
      %add3A_562 = arith.constant 10 : i32
      %add3A_563 = arith.addi %mul3A_561, %add3A_562 : i32
      %get3A_564 = arith.index_cast %add3A_563 : i32 to index
      %get3A_565 = arith.constant 48 : index
      %get3A_566 = tpu.vector_load %arg6[%get3A_564, %get3A_565] {strides = array<i32>} : memref<512x128xf32, #tpu.memory_space<vmem>>, vector<1x16xf32>,
      %get3A_567 = vector.shape_cast %get3A_566 : vector<1x16xf32> to vector<16xf32>
      %add3A_568 = arith.addf %add3A_559, %get3A_567 : vector<16xf32>
      %mul3A_569 = arith.constant 16 : i32
      %mul3A_570 = arith.muli %scan3A_30, %mul3A_569 : i32
      %add3A_571 = arith.constant 11 : i32
      %add3A_572 = arith.addi %mul3A_570, %add3A_571 : i32
      %get3A_573 = arith.index_cast %add3A_572 : i32 to index
      %get3A_574 = arith.constant 48 : index
      %get3A_575 = tpu.vector_load %arg6[%get3A_573, %get3A_574] {strides = array<i32>} : memref<512x128xf32, #tpu.memory_space<vmem>>, vector<1x16xf32>,
      %get3A_576 = vector.shape_cast %get3A_575 : vector<1x16xf32> to vector<16xf32>
      %add3A_577 = arith.addf %add3A_568, %get3A_576 : vector<16xf32>
      %mul3A_578 = arith.constant 16 : i32
      %mul3A_579 = arith.muli %scan3A_30, %mul3A_578 : i32
      %add3A_580 = arith.constant 12 : i32
      %add3A_581 = arith.addi %mul3A_579, %add3A_580 : i32
      %get3A_582 = arith.index_cast %add3A_581 : i32 to index
      %get3A_583 = arith.constant 48 : index
      %get3A_584 = tpu.vector_load %arg6[%get3A_582, %get3A_583] {strides = array<i32>} : memref<512x128xf32, #tpu.memory_space<vmem>>, vector<1x16xf32>,
      %get3A_585 = vector.shape_cast %get3A_584 : vector<1x16xf32> to vector<16xf32>
      %add3A_586 = arith.addf %add3A_577, %get3A_585 : vector<16xf32>
      %mul3A_587 = arith.constant 16 : i32
      %mul3A_588 = arith.muli %scan3A_30, %mul3A_587 : i32
      %add3A_589 = arith.constant 13 : i32
      %add3A_590 = arith.addi %mul3A_588, %add3A_589 : i32
      %get3A_591 = arith.index_cast %add3A_590 : i32 to index
      %get3A_592 = arith.constant 48 : index
      %get3A_593 = tpu.vector_load %arg6[%get3A_591, %get3A_592] {strides = array<i32>} : memref<512x128xf32, #tpu.memory_space<vmem>>, vector<1x16xf32>,
      %get3A_594 = vector.shape_cast %get3A_593 : vector<1x16xf32> to vector<16xf32>
      %add3A_595 = arith.addf %add3A_586, %get3A_594 : vector<16xf32>
      %mul3A_596 = arith.constant 16 : i32
      %mul3A_597 = arith.muli %scan3A_30, %mul3A_596 : i32
      %add3A_598 = arith.constant 14 : i32
      %add3A_599 = arith.addi %mul3A_597, %add3A_598 : i32
      %get3A_600 = arith.index_cast %add3A_599 : i32 to index
      %get3A_601 = arith.constant 48 : index
      %get3A_602 = tpu.vector_load %arg6[%get3A_600, %get3A_601] {strides = array<i32>} : memref<512x128xf32, #tpu.memory_space<vmem>>, vector<1x16xf32>,
      %get3A_603 = vector.shape_cast %get3A_602 : vector<1x16xf32> to vector<16xf32>
      %add3A_604 = arith.addf %add3A_595, %get3A_603 : vector<16xf32>
      %mul3A_605 = arith.constant 16 : i32
      %mul3A_606 = arith.muli %scan3A_30, %mul3A_605 : i32
      %add3A_607 = arith.constant 15 : i32
      %add3A_608 = arith.addi %mul3A_606, %add3A_607 : i32
      %get3A_609 = arith.index_cast %add3A_608 : i32 to index
      %get3A_610 = arith.constant 48 : index
      %get3A_611 = tpu.vector_load %arg6[%get3A_609, %get3A_610] {strides = array<i32>} : memref<512x128xf32, #tpu.memory_space<vmem>>, vector<1x16xf32>,
      %get3A_612 = vector.shape_cast %get3A_611 : vector<1x16xf32> to vector<16xf32>
      %add3A_613 = arith.addf %add3A_604, %get3A_612 : vector<16xf32>
      %add3A_614 = arith.constant 0 : i32
      %add3A_615 = arith.addi %add3A_614, %scan3A_30 : i32
      %swap3A_616 = arith.index_cast %add3A_615 : i32 to index
      %swap3A_617 = arith.constant 48 : index
      %swap3A_618 = tpu.vector_load %arg7[%swap3A_616, %swap3A_617] {strides = array<i32>} : memref<64x128xf32, #tpu.memory_space<vmem>>, vector<1x16xf32>,
      %swap3A_619 = vector.shape_cast %swap3A_618 : vector<1x16xf32> to vector<16xf32>
      %swap3A_620 = vector.shape_cast %add3A_613 : vector<16xf32> to vector<1x16xf32>
      tpu.vector_store %arg7[%swap3A_616, %swap3A_617], %swap3A_620 {strides = array<i32>} : memref<64x128xf32, #tpu.memory_space<vmem>>, vector<1x16xf32>,
      %mul3A_621 = arith.constant 16 : i32
      %mul3A_622 = arith.muli %scan3A_30, %mul3A_621 : i32
      %get3A_623 = arith.index_cast %mul3A_622 : i32 to index
      %get3A_624 = arith.constant 64 : index
      %get3A_625 = tpu.vector_load %arg6[%get3A_623, %get3A_624] {strides = array<i32>} : memref<512x128xf32, #tpu.memory_space<vmem>>, vector<1x16xf32>,
      %get3A_626 = vector.shape_cast %get3A_625 : vector<1x16xf32> to vector<16xf32>
      %mul3A_627 = arith.constant 16 : i32
      %mul3A_628 = arith.muli %scan3A_30, %mul3A_627 : i32
      %add3A_629 = arith.constant 1 : i32
      %add3A_630 = arith.addi %mul3A_628, %add3A_629 : i32
      %get3A_631 = arith.index_cast %add3A_630 : i32 to index
      %get3A_632 = arith.constant 64 : index
      %get3A_633 = tpu.vector_load %arg6[%get3A_631, %get3A_632] {strides = array<i32>} : memref<512x128xf32, #tpu.memory_space<vmem>>, vector<1x16xf32>,
      %get3A_634 = vector.shape_cast %get3A_633 : vector<1x16xf32> to vector<16xf32>
      %add3A_635 = arith.addf %get3A_626, %get3A_634 : vector<16xf32>
      %mul3A_636 = arith.constant 16 : i32
      %mul3A_637 = arith.muli %scan3A_30, %mul3A_636 : i32
      %add3A_638 = arith.constant 2 : i32
      %add3A_639 = arith.addi %mul3A_637, %add3A_638 : i32
      %get3A_640 = arith.index_cast %add3A_639 : i32 to index
      %get3A_641 = arith.constant 64 : index
      %get3A_642 = tpu.vector_load %arg6[%get3A_640, %get3A_641] {strides = array<i32>} : memref<512x128xf32, #tpu.memory_space<vmem>>, vector<1x16xf32>,
      %get3A_643 = vector.shape_cast %get3A_642 : vector<1x16xf32> to vector<16xf32>
      %add3A_644 = arith.addf %add3A_635, %get3A_643 : vector<16xf32>
      %mul3A_645 = arith.constant 16 : i32
      %mul3A_646 = arith.muli %scan3A_30, %mul3A_645 : i32
      %add3A_647 = arith.constant 3 : i32
      %add3A_648 = arith.addi %mul3A_646, %add3A_647 : i32
      %get3A_649 = arith.index_cast %add3A_648 : i32 to index
      %get3A_650 = arith.constant 64 : index
      %get3A_651 = tpu.vector_load %arg6[%get3A_649, %get3A_650] {strides = array<i32>} : memref<512x128xf32, #tpu.memory_space<vmem>>, vector<1x16xf32>,
      %get3A_652 = vector.shape_cast %get3A_651 : vector<1x16xf32> to vector<16xf32>
      %add3A_653 = arith.addf %add3A_644, %get3A_652 : vector<16xf32>
      %mul3A_654 = arith.constant 16 : i32
      %mul3A_655 = arith.muli %scan3A_30, %mul3A_654 : i32
      %add3A_656 = arith.constant 4 : i32
      %add3A_657 = arith.addi %mul3A_655, %add3A_656 : i32
      %get3A_658 = arith.index_cast %add3A_657 : i32 to index
      %get3A_659 = arith.constant 64 : index
      %get3A_660 = tpu.vector_load %arg6[%get3A_658, %get3A_659] {strides = array<i32>} : memref<512x128xf32, #tpu.memory_space<vmem>>, vector<1x16xf32>,
      %get3A_661 = vector.shape_cast %get3A_660 : vector<1x16xf32> to vector<16xf32>
      %add3A_662 = arith.addf %add3A_653, %get3A_661 : vector<16xf32>
      %mul3A_663 = arith.constant 16 : i32
      %mul3A_664 = arith.muli %scan3A_30, %mul3A_663 : i32
      %add3A_665 = arith.constant 5 : i32
      %add3A_666 = arith.addi %mul3A_664, %add3A_665 : i32
      %get3A_667 = arith.index_cast %add3A_666 : i32 to index
      %get3A_668 = arith.constant 64 : index
      %get3A_669 = tpu.vector_load %arg6[%get3A_667, %get3A_668] {strides = array<i32>} : memref<512x128xf32, #tpu.memory_space<vmem>>, vector<1x16xf32>,
      %get3A_670 = vector.shape_cast %get3A_669 : vector<1x16xf32> to vector<16xf32>
      %add3A_671 = arith.addf %add3A_662, %get3A_670 : vector<16xf32>
      %mul3A_672 = arith.constant 16 : i32
      %mul3A_673 = arith.muli %scan3A_30, %mul3A_672 : i32
      %add3A_674 = arith.constant 6 : i32
      %add3A_675 = arith.addi %mul3A_673, %add3A_674 : i32
      %get3A_676 = arith.index_cast %add3A_675 : i32 to index
      %get3A_677 = arith.constant 64 : index
      %get3A_678 = tpu.vector_load %arg6[%get3A_676, %get3A_677] {strides = array<i32>} : memref<512x128xf32, #tpu.memory_space<vmem>>, vector<1x16xf32>,
      %get3A_679 = vector.shape_cast %get3A_678 : vector<1x16xf32> to vector<16xf32>
      %add3A_680 = arith.addf %add3A_671, %get3A_679 : vector<16xf32>
      %mul3A_681 = arith.constant 16 : i32
      %mul3A_682 = arith.muli %scan3A_30, %mul3A_681 : i32
      %add3A_683 = arith.constant 7 : i32
      %add3A_684 = arith.addi %mul3A_682, %add3A_683 : i32
      %get3A_685 = arith.index_cast %add3A_684 : i32 to index
      %get3A_686 = arith.constant 64 : index
      %get3A_687 = tpu.vector_load %arg6[%get3A_685, %get3A_686] {strides = array<i32>} : memref<512x128xf32, #tpu.memory_space<vmem>>, vector<1x16xf32>,
      %get3A_688 = vector.shape_cast %get3A_687 : vector<1x16xf32> to vector<16xf32>
      %add3A_689 = arith.addf %add3A_680, %get3A_688 : vector<16xf32>
      %mul3A_690 = arith.constant 16 : i32
      %mul3A_691 = arith.muli %scan3A_30, %mul3A_690 : i32
      %add3A_692 = arith.constant 8 : i32
      %add3A_693 = arith.addi %mul3A_691, %add3A_692 : i32
      %get3A_694 = arith.index_cast %add3A_693 : i32 to index
      %get3A_695 = arith.constant 64 : index
      %get3A_696 = tpu.vector_load %arg6[%get3A_694, %get3A_695] {strides = array<i32>} : memref<512x128xf32, #tpu.memory_space<vmem>>, vector<1x16xf32>,
      %get3A_697 = vector.shape_cast %get3A_696 : vector<1x16xf32> to vector<16xf32>
      %add3A_698 = arith.addf %add3A_689, %get3A_697 : vector<16xf32>
      %mul3A_699 = arith.constant 16 : i32
      %mul3A_700 = arith.muli %scan3A_30, %mul3A_699 : i32
      %add3A_701 = arith.constant 9 : i32
      %add3A_702 = arith.addi %mul3A_700, %add3A_701 : i32
      %get3A_703 = arith.index_cast %add3A_702 : i32 to index
      %get3A_704 = arith.constant 64 : index
      %get3A_705 = tpu.vector_load %arg6[%get3A_703, %get3A_704] {strides = array<i32>} : memref<512x128xf32, #tpu.memory_space<vmem>>, vector<1x16xf32>,
      %get3A_706 = vector.shape_cast %get3A_705 : vector<1x16xf32> to vector<16xf32>
      %add3A_707 = arith.addf %add3A_698, %get3A_706 : vector<16xf32>
      %mul3A_708 = arith.constant 16 : i32
      %mul3A_709 = arith.muli %scan3A_30, %mul3A_708 : i32
      %add3A_710 = arith.constant 10 : i32
      %add3A_711 = arith.addi %mul3A_709, %add3A_710 : i32
      %get3A_712 = arith.index_cast %add3A_711 : i32 to index
      %get3A_713 = arith.constant 64 : index
      %get3A_714 = tpu.vector_load %arg6[%get3A_712, %get3A_713] {strides = array<i32>} : memref<512x128xf32, #tpu.memory_space<vmem>>, vector<1x16xf32>,
      %get3A_715 = vector.shape_cast %get3A_714 : vector<1x16xf32> to vector<16xf32>
      %add3A_716 = arith.addf %add3A_707, %get3A_715 : vector<16xf32>
      %mul3A_717 = arith.constant 16 : i32
      %mul3A_718 = arith.muli %scan3A_30, %mul3A_717 : i32
      %add3A_719 = arith.constant 11 : i32
      %add3A_720 = arith.addi %mul3A_718, %add3A_719 : i32
      %get3A_721 = arith.index_cast %add3A_720 : i32 to index
      %get3A_722 = arith.constant 64 : index
      %get3A_723 = tpu.vector_load %arg6[%get3A_721, %get3A_722] {strides = array<i32>} : memref<512x128xf32, #tpu.memory_space<vmem>>, vector<1x16xf32>,
      %get3A_724 = vector.shape_cast %get3A_723 : vector<1x16xf32> to vector<16xf32>
      %add3A_725 = arith.addf %add3A_716, %get3A_724 : vector<16xf32>
      %mul3A_726 = arith.constant 16 : i32
      %mul3A_727 = arith.muli %scan3A_30, %mul3A_726 : i32
      %add3A_728 = arith.constant 12 : i32
      %add3A_729 = arith.addi %mul3A_727, %add3A_728 : i32
      %get3A_730 = arith.index_cast %add3A_729 : i32 to index
      %get3A_731 = arith.constant 64 : index
      %get3A_732 = tpu.vector_load %arg6[%get3A_730, %get3A_731] {strides = array<i32>} : memref<512x128xf32, #tpu.memory_space<vmem>>, vector<1x16xf32>,
      %get3A_733 = vector.shape_cast %get3A_732 : vector<1x16xf32> to vector<16xf32>
      %add3A_734 = arith.addf %add3A_725, %get3A_733 : vector<16xf32>
      %mul3A_735 = arith.constant 16 : i32
      %mul3A_736 = arith.muli %scan3A_30, %mul3A_735 : i32
      %add3A_737 = arith.constant 13 : i32
      %add3A_738 = arith.addi %mul3A_736, %add3A_737 : i32
      %get3A_739 = arith.index_cast %add3A_738 : i32 to index
      %get3A_740 = arith.constant 64 : index
      %get3A_741 = tpu.vector_load %arg6[%get3A_739, %get3A_740] {strides = array<i32>} : memref<512x128xf32, #tpu.memory_space<vmem>>, vector<1x16xf32>,
      %get3A_742 = vector.shape_cast %get3A_741 : vector<1x16xf32> to vector<16xf32>
      %add3A_743 = arith.addf %add3A_734, %get3A_742 : vector<16xf32>
      %mul3A_744 = arith.constant 16 : i32
      %mul3A_745 = arith.muli %scan3A_30, %mul3A_744 : i32
      %add3A_746 = arith.constant 14 : i32
      %add3A_747 = arith.addi %mul3A_745, %add3A_746 : i32
      %get3A_748 = arith.index_cast %add3A_747 : i32 to index
      %get3A_749 = arith.constant 64 : index
      %get3A_750 = tpu.vector_load %arg6[%get3A_748, %get3A_749] {strides = array<i32>} : memref<512x128xf32, #tpu.memory_space<vmem>>, vector<1x16xf32>,
      %get3A_751 = vector.shape_cast %get3A_750 : vector<1x16xf32> to vector<16xf32>
      %add3A_752 = arith.addf %add3A_743, %get3A_751 : vector<16xf32>
      %mul3A_753 = arith.constant 16 : i32
      %mul3A_754 = arith.muli %scan3A_30, %mul3A_753 : i32
      %add3A_755 = arith.constant 15 : i32
      %add3A_756 = arith.addi %mul3A_754, %add3A_755 : i32
      %get3A_757 = arith.index_cast %add3A_756 : i32 to index
      %get3A_758 = arith.constant 64 : index
      %get3A_759 = tpu.vector_load %arg6[%get3A_757, %get3A_758] {strides = array<i32>} : memref<512x128xf32, #tpu.memory_space<vmem>>, vector<1x16xf32>,
      %get3A_760 = vector.shape_cast %get3A_759 : vector<1x16xf32> to vector<16xf32>
      %add3A_761 = arith.addf %add3A_752, %get3A_760 : vector<16xf32>
      %add3A_762 = arith.constant 0 : i32
      %add3A_763 = arith.addi %add3A_762, %scan3A_30 : i32
      %swap3A_764 = arith.index_cast %add3A_763 : i32 to index
      %swap3A_765 = arith.constant 64 : index
      %swap3A_766 = tpu.vector_load %arg7[%swap3A_764, %swap3A_765] {strides = array<i32>} : memref<64x128xf32, #tpu.memory_space<vmem>>, vector<1x16xf32>,
      %swap3A_767 = vector.shape_cast %swap3A_766 : vector<1x16xf32> to vector<16xf32>
      %swap3A_768 = vector.shape_cast %add3A_761 : vector<16xf32> to vector<1x16xf32>
      tpu.vector_store %arg7[%swap3A_764, %swap3A_765], %swap3A_768 {strides = array<i32>} : memref<64x128xf32, #tpu.memory_space<vmem>>, vector<1x16xf32>,
      %mul3A_769 = arith.constant 16 : i32
      %mul3A_770 = arith.muli %scan3A_30, %mul3A_769 : i32
      %get3A_771 = arith.index_cast %mul3A_770 : i32 to index
      %get3A_772 = arith.constant 80 : index
      %get3A_773 = tpu.vector_load %arg6[%get3A_771, %get3A_772] {strides = array<i32>} : memref<512x128xf32, #tpu.memory_space<vmem>>, vector<1x16xf32>,
      %get3A_774 = vector.shape_cast %get3A_773 : vector<1x16xf32> to vector<16xf32>
      %mul3A_775 = arith.constant 16 : i32
      %mul3A_776 = arith.muli %scan3A_30, %mul3A_775 : i32
      %add3A_777 = arith.constant 1 : i32
      %add3A_778 = arith.addi %mul3A_776, %add3A_777 : i32
      %get3A_779 = arith.index_cast %add3A_778 : i32 to index
      %get3A_780 = arith.constant 80 : index
      %get3A_781 = tpu.vector_load %arg6[%get3A_779, %get3A_780] {strides = array<i32>} : memref<512x128xf32, #tpu.memory_space<vmem>>, vector<1x16xf32>,
      %get3A_782 = vector.shape_cast %get3A_781 : vector<1x16xf32> to vector<16xf32>
      %add3A_783 = arith.addf %get3A_774, %get3A_782 : vector<16xf32>
      %mul3A_784 = arith.constant 16 : i32
      %mul3A_785 = arith.muli %scan3A_30, %mul3A_784 : i32
      %add3A_786 = arith.constant 2 : i32
      %add3A_787 = arith.addi %mul3A_785, %add3A_786 : i32
      %get3A_788 = arith.index_cast %add3A_787 : i32 to index
      %get3A_789 = arith.constant 80 : index
      %get3A_790 = tpu.vector_load %arg6[%get3A_788, %get3A_789] {strides = array<i32>} : memref<512x128xf32, #tpu.memory_space<vmem>>, vector<1x16xf32>,
      %get3A_791 = vector.shape_cast %get3A_790 : vector<1x16xf32> to vector<16xf32>
      %add3A_792 = arith.addf %add3A_783, %get3A_791 : vector<16xf32>
      %mul3A_793 = arith.constant 16 : i32
      %mul3A_794 = arith.muli %scan3A_30, %mul3A_793 : i32
      %add3A_795 = arith.constant 3 : i32
      %add3A_796 = arith.addi %mul3A_794, %add3A_795 : i32
      %get3A_797 = arith.index_cast %add3A_796 : i32 to index
      %get3A_798 = arith.constant 80 : index
      %get3A_799 = tpu.vector_load %arg6[%get3A_797, %get3A_798] {strides = array<i32>} : memref<512x128xf32, #tpu.memory_space<vmem>>, vector<1x16xf32>,
      %get3A_800 = vector.shape_cast %get3A_799 : vector<1x16xf32> to vector<16xf32>
      %add3A_801 = arith.addf %add3A_792, %get3A_800 : vector<16xf32>
      %mul3A_802 = arith.constant 16 : i32
      %mul3A_803 = arith.muli %scan3A_30, %mul3A_802 : i32
      %add3A_804 = arith.constant 4 : i32
      %add3A_805 = arith.addi %mul3A_803, %add3A_804 : i32
      %get3A_806 = arith.index_cast %add3A_805 : i32 to index
      %get3A_807 = arith.constant 80 : index
      %get3A_808 = tpu.vector_load %arg6[%get3A_806, %get3A_807] {strides = array<i32>} : memref<512x128xf32, #tpu.memory_space<vmem>>, vector<1x16xf32>,
      %get3A_809 = vector.shape_cast %get3A_808 : vector<1x16xf32> to vector<16xf32>
      %add3A_810 = arith.addf %add3A_801, %get3A_809 : vector<16xf32>
      %mul3A_811 = arith.constant 16 : i32
      %mul3A_812 = arith.muli %scan3A_30, %mul3A_811 : i32
      %add3A_813 = arith.constant 5 : i32
      %add3A_814 = arith.addi %mul3A_812, %add3A_813 : i32
      %get3A_815 = arith.index_cast %add3A_814 : i32 to index
      %get3A_816 = arith.constant 80 : index
      %get3A_817 = tpu.vector_load %arg6[%get3A_815, %get3A_816] {strides = array<i32>} : memref<512x128xf32, #tpu.memory_space<vmem>>, vector<1x16xf32>,
      %get3A_818 = vector.shape_cast %get3A_817 : vector<1x16xf32> to vector<16xf32>
      %add3A_819 = arith.addf %add3A_810, %get3A_818 : vector<16xf32>
      %mul3A_820 = arith.constant 16 : i32
      %mul3A_821 = arith.muli %scan3A_30, %mul3A_820 : i32
      %add3A_822 = arith.constant 6 : i32
      %add3A_823 = arith.addi %mul3A_821, %add3A_822 : i32
      %get3A_824 = arith.index_cast %add3A_823 : i32 to index
      %get3A_825 = arith.constant 80 : index
      %get3A_826 = tpu.vector_load %arg6[%get3A_824, %get3A_825] {strides = array<i32>} : memref<512x128xf32, #tpu.memory_space<vmem>>, vector<1x16xf32>,
      %get3A_827 = vector.shape_cast %get3A_826 : vector<1x16xf32> to vector<16xf32>
      %add3A_828 = arith.addf %add3A_819, %get3A_827 : vector<16xf32>
      %mul3A_829 = arith.constant 16 : i32
      %mul3A_830 = arith.muli %scan3A_30, %mul3A_829 : i32
      %add3A_831 = arith.constant 7 : i32
      %add3A_832 = arith.addi %mul3A_830, %add3A_831 : i32
      %get3A_833 = arith.index_cast %add3A_832 : i32 to index
      %get3A_834 = arith.constant 80 : index
      %get3A_835 = tpu.vector_load %arg6[%get3A_833, %get3A_834] {strides = array<i32>} : memref<512x128xf32, #tpu.memory_space<vmem>>, vector<1x16xf32>,
      %get3A_836 = vector.shape_cast %get3A_835 : vector<1x16xf32> to vector<16xf32>
      %add3A_837 = arith.addf %add3A_828, %get3A_836 : vector<16xf32>
      %mul3A_838 = arith.constant 16 : i32
      %mul3A_839 = arith.muli %scan3A_30, %mul3A_838 : i32
      %add3A_840 = arith.constant 8 : i32
      %add3A_841 = arith.addi %mul3A_839, %add3A_840 : i32
      %get3A_842 = arith.index_cast %add3A_841 : i32 to index
      %get3A_843 = arith.constant 80 : index
      %get3A_844 = tpu.vector_load %arg6[%get3A_842, %get3A_843] {strides = array<i32>} : memref<512x128xf32, #tpu.memory_space<vmem>>, vector<1x16xf32>,
      %get3A_845 = vector.shape_cast %get3A_844 : vector<1x16xf32> to vector<16xf32>
      %add3A_846 = arith.addf %add3A_837, %get3A_845 : vector<16xf32>
      %mul3A_847 = arith.constant 16 : i32
      %mul3A_848 = arith.muli %scan3A_30, %mul3A_847 : i32
      %add3A_849 = arith.constant 9 : i32
      %add3A_850 = arith.addi %mul3A_848, %add3A_849 : i32
      %get3A_851 = arith.index_cast %add3A_850 : i32 to index
      %get3A_852 = arith.constant 80 : index
      %get3A_853 = tpu.vector_load %arg6[%get3A_851, %get3A_852] {strides = array<i32>} : memref<512x128xf32, #tpu.memory_space<vmem>>, vector<1x16xf32>,
      %get3A_854 = vector.shape_cast %get3A_853 : vector<1x16xf32> to vector<16xf32>
      %add3A_855 = arith.addf %add3A_846, %get3A_854 : vector<16xf32>
      %mul3A_856 = arith.constant 16 : i32
      %mul3A_857 = arith.muli %scan3A_30, %mul3A_856 : i32
      %add3A_858 = arith.constant 10 : i32
      %add3A_859 = arith.addi %mul3A_857, %add3A_858 : i32
      %get3A_860 = arith.index_cast %add3A_859 : i32 to index
      %get3A_861 = arith.constant 80 : index
      %get3A_862 = tpu.vector_load %arg6[%get3A_860, %get3A_861] {strides = array<i32>} : memref<512x128xf32, #tpu.memory_space<vmem>>, vector<1x16xf32>,
      %get3A_863 = vector.shape_cast %get3A_862 : vector<1x16xf32> to vector<16xf32>
      %add3A_864 = arith.addf %add3A_855, %get3A_863 : vector<16xf32>
      %mul3A_865 = arith.constant 16 : i32
      %mul3A_866 = arith.muli %scan3A_30, %mul3A_865 : i32
      %add3A_867 = arith.constant 11 : i32
      %add3A_868 = arith.addi %mul3A_866, %add3A_867 : i32
      %get3A_869 = arith.index_cast %add3A_868 : i32 to index
      %get3A_870 = arith.constant 80 : index
      %get3A_871 = tpu.vector_load %arg6[%get3A_869, %get3A_870] {strides = array<i32>} : memref<512x128xf32, #tpu.memory_space<vmem>>, vector<1x16xf32>,
      %get3A_872 = vector.shape_cast %get3A_871 : vector<1x16xf32> to vector<16xf32>
      %add3A_873 = arith.addf %add3A_864, %get3A_872 : vector<16xf32>
      %mul3A_874 = arith.constant 16 : i32
      %mul3A_875 = arith.muli %scan3A_30, %mul3A_874 : i32
      %add3A_876 = arith.constant 12 : i32
      %add3A_877 = arith.addi %mul3A_875, %add3A_876 : i32
      %get3A_878 = arith.index_cast %add3A_877 : i32 to index
      %get3A_879 = arith.constant 80 : index
      %get3A_880 = tpu.vector_load %arg6[%get3A_878, %get3A_879] {strides = array<i32>} : memref<512x128xf32, #tpu.memory_space<vmem>>, vector<1x16xf32>,
      %get3A_881 = vector.shape_cast %get3A_880 : vector<1x16xf32> to vector<16xf32>
      %add3A_882 = arith.addf %add3A_873, %get3A_881 : vector<16xf32>
      %mul3A_883 = arith.constant 16 : i32
      %mul3A_884 = arith.muli %scan3A_30, %mul3A_883 : i32
      %add3A_885 = arith.constant 13 : i32
      %add3A_886 = arith.addi %mul3A_884, %add3A_885 : i32
      %get3A_887 = arith.index_cast %add3A_886 : i32 to index
      %get3A_888 = arith.constant 80 : index
      %get3A_889 = tpu.vector_load %arg6[%get3A_887, %get3A_888] {strides = array<i32>} : memref<512x128xf32, #tpu.memory_space<vmem>>, vector<1x16xf32>,
      %get3A_890 = vector.shape_cast %get3A_889 : vector<1x16xf32> to vector<16xf32>
      %add3A_891 = arith.addf %add3A_882, %get3A_890 : vector<16xf32>
      %mul3A_892 = arith.constant 16 : i32
      %mul3A_893 = arith.muli %scan3A_30, %mul3A_892 : i32
      %add3A_894 = arith.constant 14 : i32
      %add3A_895 = arith.addi %mul3A_893, %add3A_894 : i32
      %get3A_896 = arith.index_cast %add3A_895 : i32 to index
      %get3A_897 = arith.constant 80 : index
      %get3A_898 = tpu.vector_load %arg6[%get3A_896, %get3A_897] {strides = array<i32>} : memref<512x128xf32, #tpu.memory_space<vmem>>, vector<1x16xf32>,
      %get3A_899 = vector.shape_cast %get3A_898 : vector<1x16xf32> to vector<16xf32>
      %add3A_900 = arith.addf %add3A_891, %get3A_899 : vector<16xf32>
      %mul3A_901 = arith.constant 16 : i32
      %mul3A_902 = arith.muli %scan3A_30, %mul3A_901 : i32
      %add3A_903 = arith.constant 15 : i32
      %add3A_904 = arith.addi %mul3A_902, %add3A_903 : i32
      %get3A_905 = arith.index_cast %add3A_904 : i32 to index
      %get3A_906 = arith.constant 80 : index
      %get3A_907 = tpu.vector_load %arg6[%get3A_905, %get3A_906] {strides = array<i32>} : memref<512x128xf32, #tpu.memory_space<vmem>>, vector<1x16xf32>,
      %get3A_908 = vector.shape_cast %get3A_907 : vector<1x16xf32> to vector<16xf32>
      %add3A_909 = arith.addf %add3A_900, %get3A_908 : vector<16xf32>
      %add3A_910 = arith.constant 0 : i32
      %add3A_911 = arith.addi %add3A_910, %scan3A_30 : i32
      %swap3A_912 = arith.index_cast %add3A_911 : i32 to index
      %swap3A_913 = arith.constant 80 : index
      %swap3A_914 = tpu.vector_load %arg7[%swap3A_912, %swap3A_913] {strides = array<i32>} : memref<64x128xf32, #tpu.memory_space<vmem>>, vector<1x16xf32>,
      %swap3A_915 = vector.shape_cast %swap3A_914 : vector<1x16xf32> to vector<16xf32>
      %swap3A_916 = vector.shape_cast %add3A_909 : vector<16xf32> to vector<1x16xf32>
      tpu.vector_store %arg7[%swap3A_912, %swap3A_913], %swap3A_916 {strides = array<i32>} : memref<64x128xf32, #tpu.memory_space<vmem>>, vector<1x16xf32>,
      %mul3A_917 = arith.constant 16 : i32
      %mul3A_918 = arith.muli %scan3A_30, %mul3A_917 : i32
      %get3A_919 = arith.index_cast %mul3A_918 : i32 to index
      %get3A_920 = arith.constant 96 : index
      %get3A_921 = tpu.vector_load %arg6[%get3A_919, %get3A_920] {strides = array<i32>} : memref<512x128xf32, #tpu.memory_space<vmem>>, vector<1x16xf32>,
      %get3A_922 = vector.shape_cast %get3A_921 : vector<1x16xf32> to vector<16xf32>
      %mul3A_923 = arith.constant 16 : i32
      %mul3A_924 = arith.muli %scan3A_30, %mul3A_923 : i32
      %add3A_925 = arith.constant 1 : i32
      %add3A_926 = arith.addi %mul3A_924, %add3A_925 : i32
      %get3A_927 = arith.index_cast %add3A_926 : i32 to index
      %get3A_928 = arith.constant 96 : index
      %get3A_929 = tpu.vector_load %arg6[%get3A_927, %get3A_928] {strides = array<i32>} : memref<512x128xf32, #tpu.memory_space<vmem>>, vector<1x16xf32>,
      %get3A_930 = vector.shape_cast %get3A_929 : vector<1x16xf32> to vector<16xf32>
      %add3A_931 = arith.addf %get3A_922, %get3A_930 : vector<16xf32>
      %mul3A_932 = arith.constant 16 : i32
      %mul3A_933 = arith.muli %scan3A_30, %mul3A_932 : i32
      %add3A_934 = arith.constant 2 : i32
      %add3A_935 = arith.addi %mul3A_933, %add3A_934 : i32
      %get3A_936 = arith.index_cast %add3A_935 : i32 to index
      %get3A_937 = arith.constant 96 : index
      %get3A_938 = tpu.vector_load %arg6[%get3A_936, %get3A_937] {strides = array<i32>} : memref<512x128xf32, #tpu.memory_space<vmem>>, vector<1x16xf32>,
      %get3A_939 = vector.shape_cast %get3A_938 : vector<1x16xf32> to vector<16xf32>
      %add3A_940 = arith.addf %add3A_931, %get3A_939 : vector<16xf32>
      %mul3A_941 = arith.constant 16 : i32
      %mul3A_942 = arith.muli %scan3A_30, %mul3A_941 : i32
      %add3A_943 = arith.constant 3 : i32
      %add3A_944 = arith.addi %mul3A_942, %add3A_943 : i32
      %get3A_945 = arith.index_cast %add3A_944 : i32 to index
      %get3A_946 = arith.constant 96 : index
      %get3A_947 = tpu.vector_load %arg6[%get3A_945, %get3A_946] {strides = array<i32>} : memref<512x128xf32, #tpu.memory_space<vmem>>, vector<1x16xf32>,
      %get3A_948 = vector.shape_cast %get3A_947 : vector<1x16xf32> to vector<16xf32>
      %add3A_949 = arith.addf %add3A_940, %get3A_948 : vector<16xf32>
      %mul3A_950 = arith.constant 16 : i32
      %mul3A_951 = arith.muli %scan3A_30, %mul3A_950 : i32
      %add3A_952 = arith.constant 4 : i32
      %add3A_953 = arith.addi %mul3A_951, %add3A_952 : i32
      %get3A_954 = arith.index_cast %add3A_953 : i32 to index
      %get3A_955 = arith.constant 96 : index
      %get3A_956 = tpu.vector_load %arg6[%get3A_954, %get3A_955] {strides = array<i32>} : memref<512x128xf32, #tpu.memory_space<vmem>>, vector<1x16xf32>,
      %get3A_957 = vector.shape_cast %get3A_956 : vector<1x16xf32> to vector<16xf32>
      %add3A_958 = arith.addf %add3A_949, %get3A_957 : vector<16xf32>
      %mul3A_959 = arith.constant 16 : i32
      %mul3A_960 = arith.muli %scan3A_30, %mul3A_959 : i32
      %add3A_961 = arith.constant 5 : i32
      %add3A_962 = arith.addi %mul3A_960, %add3A_961 : i32
      %get3A_963 = arith.index_cast %add3A_962 : i32 to index
      %get3A_964 = arith.constant 96 : index
      %get3A_965 = tpu.vector_load %arg6[%get3A_963, %get3A_964] {strides = array<i32>} : memref<512x128xf32, #tpu.memory_space<vmem>>, vector<1x16xf32>,
      %get3A_966 = vector.shape_cast %get3A_965 : vector<1x16xf32> to vector<16xf32>
      %add3A_967 = arith.addf %add3A_958, %get3A_966 : vector<16xf32>
      %mul3A_968 = arith.constant 16 : i32
      %mul3A_969 = arith.muli %scan3A_30, %mul3A_968 : i32
      %add3A_970 = arith.constant 6 : i32
      %add3A_971 = arith.addi %mul3A_969, %add3A_970 : i32
      %get3A_972 = arith.index_cast %add3A_971 : i32 to index
      %get3A_973 = arith.constant 96 : index
      %get3A_974 = tpu.vector_load %arg6[%get3A_972, %get3A_973] {strides = array<i32>} : memref<512x128xf32, #tpu.memory_space<vmem>>, vector<1x16xf32>,
      %get3A_975 = vector.shape_cast %get3A_974 : vector<1x16xf32> to vector<16xf32>
      %add3A_976 = arith.addf %add3A_967, %get3A_975 : vector<16xf32>
      %mul3A_977 = arith.constant 16 : i32
      %mul3A_978 = arith.muli %scan3A_30, %mul3A_977 : i32
      %add3A_979 = arith.constant 7 : i32
      %add3A_980 = arith.addi %mul3A_978, %add3A_979 : i32
      %get3A_981 = arith.index_cast %add3A_980 : i32 to index
      %get3A_982 = arith.constant 96 : index
      %get3A_983 = tpu.vector_load %arg6[%get3A_981, %get3A_982] {strides = array<i32>} : memref<512x128xf32, #tpu.memory_space<vmem>>, vector<1x16xf32>,
      %get3A_984 = vector.shape_cast %get3A_983 : vector<1x16xf32> to vector<16xf32>
      %add3A_985 = arith.addf %add3A_976, %get3A_984 : vector<16xf32>
      %mul3A_986 = arith.constant 16 : i32
      %mul3A_987 = arith.muli %scan3A_30, %mul3A_986 : i32
      %add3A_988 = arith.constant 8 : i32
      %add3A_989 = arith.addi %mul3A_987, %add3A_988 : i32
      %get3A_990 = arith.index_cast %add3A_989 : i32 to index
      %get3A_991 = arith.constant 96 : index
      %get3A_992 = tpu.vector_load %arg6[%get3A_990, %get3A_991] {strides = array<i32>} : memref<512x128xf32, #tpu.memory_space<vmem>>, vector<1x16xf32>,
      %get3A_993 = vector.shape_cast %get3A_992 : vector<1x16xf32> to vector<16xf32>
      %add3A_994 = arith.addf %add3A_985, %get3A_993 : vector<16xf32>
      %mul3A_995 = arith.constant 16 : i32
      %mul3A_996 = arith.muli %scan3A_30, %mul3A_995 : i32
      %add3A_997 = arith.constant 9 : i32
      %add3A_998 = arith.addi %mul3A_996, %add3A_997 : i32
      %get3A_999 = arith.index_cast %add3A_998 : i32 to index
      %get3A_1000 = arith.constant 96 : index
      %get3A_1001 = tpu.vector_load %arg6[%get3A_999, %get3A_1000] {strides = array<i32>} : memref<512x128xf32, #tpu.memory_space<vmem>>, vector<1x16xf32>,
      %get3A_1002 = vector.shape_cast %get3A_1001 : vector<1x16xf32> to vector<16xf32>
      %add3A_1003 = arith.addf %add3A_994, %get3A_1002 : vector<16xf32>
      %mul3A_1004 = arith.constant 16 : i32
      %mul3A_1005 = arith.muli %scan3A_30, %mul3A_1004 : i32
      %add3A_1006 = arith.constant 10 : i32
      %add3A_1007 = arith.addi %mul3A_1005, %add3A_1006 : i32
      %get3A_1008 = arith.index_cast %add3A_1007 : i32 to index
      %get3A_1009 = arith.constant 96 : index
      %get3A_1010 = tpu.vector_load %arg6[%get3A_1008, %get3A_1009] {strides = array<i32>} : memref<512x128xf32, #tpu.memory_space<vmem>>, vector<1x16xf32>,
      %get3A_1011 = vector.shape_cast %get3A_1010 : vector<1x16xf32> to vector<16xf32>
      %add3A_1012 = arith.addf %add3A_1003, %get3A_1011 : vector<16xf32>
      %mul3A_1013 = arith.constant 16 : i32
      %mul3A_1014 = arith.muli %scan3A_30, %mul3A_1013 : i32
      %add3A_1015 = arith.constant 11 : i32
      %add3A_1016 = arith.addi %mul3A_1014, %add3A_1015 : i32
      %get3A_1017 = arith.index_cast %add3A_1016 : i32 to index
      %get3A_1018 = arith.constant 96 : index
      %get3A_1019 = tpu.vector_load %arg6[%get3A_1017, %get3A_1018] {strides = array<i32>} : memref<512x128xf32, #tpu.memory_space<vmem>>, vector<1x16xf32>,
      %get3A_1020 = vector.shape_cast %get3A_1019 : vector<1x16xf32> to vector<16xf32>
      %add3A_1021 = arith.addf %add3A_1012, %get3A_1020 : vector<16xf32>
      %mul3A_1022 = arith.constant 16 : i32
      %mul3A_1023 = arith.muli %scan3A_30, %mul3A_1022 : i32
      %add3A_1024 = arith.constant 12 : i32
      %add3A_1025 = arith.addi %mul3A_1023, %add3A_1024 : i32
      %get3A_1026 = arith.index_cast %add3A_1025 : i32 to index
      %get3A_1027 = arith.constant 96 : index
      %get3A_1028 = tpu.vector_load %arg6[%get3A_1026, %get3A_1027] {strides = array<i32>} : memref<512x128xf32, #tpu.memory_space<vmem>>, vector<1x16xf32>,
      %get3A_1029 = vector.shape_cast %get3A_1028 : vector<1x16xf32> to vector<16xf32>
      %add3A_1030 = arith.addf %add3A_1021, %get3A_1029 : vector<16xf32>
      %mul3A_1031 = arith.constant 16 : i32
      %mul3A_1032 = arith.muli %scan3A_30, %mul3A_1031 : i32
      %add3A_1033 = arith.constant 13 : i32
      %add3A_1034 = arith.addi %mul3A_1032, %add3A_1033 : i32
      %get3A_1035 = arith.index_cast %add3A_1034 : i32 to index
      %get3A_1036 = arith.constant 96 : index
      %get3A_1037 = tpu.vector_load %arg6[%get3A_1035, %get3A_1036] {strides = array<i32>} : memref<512x128xf32, #tpu.memory_space<vmem>>, vector<1x16xf32>,
      %get3A_1038 = vector.shape_cast %get3A_1037 : vector<1x16xf32> to vector<16xf32>
      %add3A_1039 = arith.addf %add3A_1030, %get3A_1038 : vector<16xf32>
      %mul3A_1040 = arith.constant 16 : i32
      %mul3A_1041 = arith.muli %scan3A_30, %mul3A_1040 : i32
      %add3A_1042 = arith.constant 14 : i32
      %add3A_1043 = arith.addi %mul3A_1041, %add3A_1042 : i32
      %get3A_1044 = arith.index_cast %add3A_1043 : i32 to index
      %get3A_1045 = arith.constant 96 : index
      %get3A_1046 = tpu.vector_load %arg6[%get3A_1044, %get3A_1045] {strides = array<i32>} : memref<512x128xf32, #tpu.memory_space<vmem>>, vector<1x16xf32>,
      %get3A_1047 = vector.shape_cast %get3A_1046 : vector<1x16xf32> to vector<16xf32>
      %add3A_1048 = arith.addf %add3A_1039, %get3A_1047 : vector<16xf32>
      %mul3A_1049 = arith.constant 16 : i32
      %mul3A_1050 = arith.muli %scan3A_30, %mul3A_1049 : i32
      %add3A_1051 = arith.constant 15 : i32
      %add3A_1052 = arith.addi %mul3A_1050, %add3A_1051 : i32
      %get3A_1053 = arith.index_cast %add3A_1052 : i32 to index
      %get3A_1054 = arith.constant 96 : index
      %get3A_1055 = tpu.vector_load %arg6[%get3A_1053, %get3A_1054] {strides = array<i32>} : memref<512x128xf32, #tpu.memory_space<vmem>>, vector<1x16xf32>,
      %get3A_1056 = vector.shape_cast %get3A_1055 : vector<1x16xf32> to vector<16xf32>
      %add3A_1057 = arith.addf %add3A_1048, %get3A_1056 : vector<16xf32>
      %add3A_1058 = arith.constant 0 : i32
      %add3A_1059 = arith.addi %add3A_1058, %scan3A_30 : i32
      %swap3A_1060 = arith.index_cast %add3A_1059 : i32 to index
      %swap3A_1061 = arith.constant 96 : index
      %swap3A_1062 = tpu.vector_load %arg7[%swap3A_1060, %swap3A_1061] {strides = array<i32>} : memref<64x128xf32, #tpu.memory_space<vmem>>, vector<1x16xf32>,
      %swap3A_1063 = vector.shape_cast %swap3A_1062 : vector<1x16xf32> to vector<16xf32>
      %swap3A_1064 = vector.shape_cast %add3A_1057 : vector<16xf32> to vector<1x16xf32>
      tpu.vector_store %arg7[%swap3A_1060, %swap3A_1061], %swap3A_1064 {strides = array<i32>} : memref<64x128xf32, #tpu.memory_space<vmem>>, vector<1x16xf32>,
      %mul3A_1065 = arith.constant 16 : i32
      %mul3A_1066 = arith.muli %scan3A_30, %mul3A_1065 : i32
      %get3A_1067 = arith.index_cast %mul3A_1066 : i32 to index
      %get3A_1068 = arith.constant 112 : index
      %get3A_1069 = tpu.vector_load %arg6[%get3A_1067, %get3A_1068] {strides = array<i32>} : memref<512x128xf32, #tpu.memory_space<vmem>>, vector<1x16xf32>,
      %get3A_1070 = vector.shape_cast %get3A_1069 : vector<1x16xf32> to vector<16xf32>
      %mul3A_1071 = arith.constant 16 : i32
      %mul3A_1072 = arith.muli %scan3A_30, %mul3A_1071 : i32
      %add3A_1073 = arith.constant 1 : i32
      %add3A_1074 = arith.addi %mul3A_1072, %add3A_1073 : i32
      %get3A_1075 = arith.index_cast %add3A_1074 : i32 to index
      %get3A_1076 = arith.constant 112 : index
      %get3A_1077 = tpu.vector_load %arg6[%get3A_1075, %get3A_1076] {strides = array<i32>} : memref<512x128xf32, #tpu.memory_space<vmem>>, vector<1x16xf32>,
      %get3A_1078 = vector.shape_cast %get3A_1077 : vector<1x16xf32> to vector<16xf32>
      %add3A_1079 = arith.addf %get3A_1070, %get3A_1078 : vector<16xf32>
      %mul3A_1080 = arith.constant 16 : i32
      %mul3A_1081 = arith.muli %scan3A_30, %mul3A_1080 : i32
      %add3A_1082 = arith.constant 2 : i32
      %add3A_1083 = arith.addi %mul3A_1081, %add3A_1082 : i32
      %get3A_1084 = arith.index_cast %add3A_1083 : i32 to index
      %get3A_1085 = arith.constant 112 : index
      %get3A_1086 = tpu.vector_load %arg6[%get3A_1084, %get3A_1085] {strides = array<i32>} : memref<512x128xf32, #tpu.memory_space<vmem>>, vector<1x16xf32>,
      %get3A_1087 = vector.shape_cast %get3A_1086 : vector<1x16xf32> to vector<16xf32>
      %add3A_1088 = arith.addf %add3A_1079, %get3A_1087 : vector<16xf32>
      %mul3A_1089 = arith.constant 16 : i32
      %mul3A_1090 = arith.muli %scan3A_30, %mul3A_1089 : i32
      %add3A_1091 = arith.constant 3 : i32
      %add3A_1092 = arith.addi %mul3A_1090, %add3A_1091 : i32
      %get3A_1093 = arith.index_cast %add3A_1092 : i32 to index
      %get3A_1094 = arith.constant 112 : index
      %get3A_1095 = tpu.vector_load %arg6[%get3A_1093, %get3A_1094] {strides = array<i32>} : memref<512x128xf32, #tpu.memory_space<vmem>>, vector<1x16xf32>,
      %get3A_1096 = vector.shape_cast %get3A_1095 : vector<1x16xf32> to vector<16xf32>
      %add3A_1097 = arith.addf %add3A_1088, %get3A_1096 : vector<16xf32>
      %mul3A_1098 = arith.constant 16 : i32
      %mul3A_1099 = arith.muli %scan3A_30, %mul3A_1098 : i32
      %add3A_1100 = arith.constant 4 : i32
      %add3A_1101 = arith.addi %mul3A_1099, %add3A_1100 : i32
      %get3A_1102 = arith.index_cast %add3A_1101 : i32 to index
      %get3A_1103 = arith.constant 112 : index
      %get3A_1104 = tpu.vector_load %arg6[%get3A_1102, %get3A_1103] {strides = array<i32>} : memref<512x128xf32, #tpu.memory_space<vmem>>, vector<1x16xf32>,
      %get3A_1105 = vector.shape_cast %get3A_1104 : vector<1x16xf32> to vector<16xf32>
      %add3A_1106 = arith.addf %add3A_1097, %get3A_1105 : vector<16xf32>
      %mul3A_1107 = arith.constant 16 : i32
      %mul3A_1108 = arith.muli %scan3A_30, %mul3A_1107 : i32
      %add3A_1109 = arith.constant 5 : i32
      %add3A_1110 = arith.addi %mul3A_1108, %add3A_1109 : i32
      %get3A_1111 = arith.index_cast %add3A_1110 : i32 to index
      %get3A_1112 = arith.constant 112 : index
      %get3A_1113 = tpu.vector_load %arg6[%get3A_1111, %get3A_1112] {strides = array<i32>} : memref<512x128xf32, #tpu.memory_space<vmem>>, vector<1x16xf32>,
      %get3A_1114 = vector.shape_cast %get3A_1113 : vector<1x16xf32> to vector<16xf32>
      %add3A_1115 = arith.addf %add3A_1106, %get3A_1114 : vector<16xf32>
      %mul3A_1116 = arith.constant 16 : i32
      %mul3A_1117 = arith.muli %scan3A_30, %mul3A_1116 : i32
      %add3A_1118 = arith.constant 6 : i32
      %add3A_1119 = arith.addi %mul3A_1117, %add3A_1118 : i32
      %get3A_1120 = arith.index_cast %add3A_1119 : i32 to index
      %get3A_1121 = arith.constant 112 : index
      %get3A_1122 = tpu.vector_load %arg6[%get3A_1120, %get3A_1121] {strides = array<i32>} : memref<512x128xf32, #tpu.memory_space<vmem>>, vector<1x16xf32>,
      %get3A_1123 = vector.shape_cast %get3A_1122 : vector<1x16xf32> to vector<16xf32>
      %add3A_1124 = arith.addf %add3A_1115, %get3A_1123 : vector<16xf32>
      %mul3A_1125 = arith.constant 16 : i32
      %mul3A_1126 = arith.muli %scan3A_30, %mul3A_1125 : i32
      %add3A_1127 = arith.constant 7 : i32
      %add3A_1128 = arith.addi %mul3A_1126, %add3A_1127 : i32
      %get3A_1129 = arith.index_cast %add3A_1128 : i32 to index
      %get3A_1130 = arith.constant 112 : index
      %get3A_1131 = tpu.vector_load %arg6[%get3A_1129, %get3A_1130] {strides = array<i32>} : memref<512x128xf32, #tpu.memory_space<vmem>>, vector<1x16xf32>,
      %get3A_1132 = vector.shape_cast %get3A_1131 : vector<1x16xf32> to vector<16xf32>
      %add3A_1133 = arith.addf %add3A_1124, %get3A_1132 : vector<16xf32>
      %mul3A_1134 = arith.constant 16 : i32
      %mul3A_1135 = arith.muli %scan3A_30, %mul3A_1134 : i32
      %add3A_1136 = arith.constant 8 : i32
      %add3A_1137 = arith.addi %mul3A_1135, %add3A_1136 : i32
      %get3A_1138 = arith.index_cast %add3A_1137 : i32 to index
      %get3A_1139 = arith.constant 112 : index
      %get3A_1140 = tpu.vector_load %arg6[%get3A_1138, %get3A_1139] {strides = array<i32>} : memref<512x128xf32, #tpu.memory_space<vmem>>, vector<1x16xf32>,
      %get3A_1141 = vector.shape_cast %get3A_1140 : vector<1x16xf32> to vector<16xf32>
      %add3A_1142 = arith.addf %add3A_1133, %get3A_1141 : vector<16xf32>
      %mul3A_1143 = arith.constant 16 : i32
      %mul3A_1144 = arith.muli %scan3A_30, %mul3A_1143 : i32
      %add3A_1145 = arith.constant 9 : i32
      %add3A_1146 = arith.addi %mul3A_1144, %add3A_1145 : i32
      %get3A_1147 = arith.index_cast %add3A_1146 : i32 to index
      %get3A_1148 = arith.constant 112 : index
      %get3A_1149 = tpu.vector_load %arg6[%get3A_1147, %get3A_1148] {strides = array<i32>} : memref<512x128xf32, #tpu.memory_space<vmem>>, vector<1x16xf32>,
      %get3A_1150 = vector.shape_cast %get3A_1149 : vector<1x16xf32> to vector<16xf32>
      %add3A_1151 = arith.addf %add3A_1142, %get3A_1150 : vector<16xf32>
      %mul3A_1152 = arith.constant 16 : i32
      %mul3A_1153 = arith.muli %scan3A_30, %mul3A_1152 : i32
      %add3A_1154 = arith.constant 10 : i32
      %add3A_1155 = arith.addi %mul3A_1153, %add3A_1154 : i32
      %get3A_1156 = arith.index_cast %add3A_1155 : i32 to index
      %get3A_1157 = arith.constant 112 : index
      %get3A_1158 = tpu.vector_load %arg6[%get3A_1156, %get3A_1157] {strides = array<i32>} : memref<512x128xf32, #tpu.memory_space<vmem>>, vector<1x16xf32>,
      %get3A_1159 = vector.shape_cast %get3A_1158 : vector<1x16xf32> to vector<16xf32>
      %add3A_1160 = arith.addf %add3A_1151, %get3A_1159 : vector<16xf32>
      %mul3A_1161 = arith.constant 16 : i32
      %mul3A_1162 = arith.muli %scan3A_30, %mul3A_1161 : i32
      %add3A_1163 = arith.constant 11 : i32
      %add3A_1164 = arith.addi %mul3A_1162, %add3A_1163 : i32
      %get3A_1165 = arith.index_cast %add3A_1164 : i32 to index
      %get3A_1166 = arith.constant 112 : index
      %get3A_1167 = tpu.vector_load %arg6[%get3A_1165, %get3A_1166] {strides = array<i32>} : memref<512x128xf32, #tpu.memory_space<vmem>>, vector<1x16xf32>,
      %get3A_1168 = vector.shape_cast %get3A_1167 : vector<1x16xf32> to vector<16xf32>
      %add3A_1169 = arith.addf %add3A_1160, %get3A_1168 : vector<16xf32>
      %mul3A_1170 = arith.constant 16 : i32
      %mul3A_1171 = arith.muli %scan3A_30, %mul3A_1170 : i32
      %add3A_1172 = arith.constant 12 : i32
      %add3A_1173 = arith.addi %mul3A_1171, %add3A_1172 : i32
      %get3A_1174 = arith.index_cast %add3A_1173 : i32 to index
      %get3A_1175 = arith.constant 112 : index
      %get3A_1176 = tpu.vector_load %arg6[%get3A_1174, %get3A_1175] {strides = array<i32>} : memref<512x128xf32, #tpu.memory_space<vmem>>, vector<1x16xf32>,
      %get3A_1177 = vector.shape_cast %get3A_1176 : vector<1x16xf32> to vector<16xf32>
      %add3A_1178 = arith.addf %add3A_1169, %get3A_1177 : vector<16xf32>
      %mul3A_1179 = arith.constant 16 : i32
      %mul3A_1180 = arith.muli %scan3A_30, %mul3A_1179 : i32
      %add3A_1181 = arith.constant 13 : i32
      %add3A_1182 = arith.addi %mul3A_1180, %add3A_1181 : i32
      %get3A_1183 = arith.index_cast %add3A_1182 : i32 to index
      %get3A_1184 = arith.constant 112 : index
      %get3A_1185 = tpu.vector_load %arg6[%get3A_1183, %get3A_1184] {strides = array<i32>} : memref<512x128xf32, #tpu.memory_space<vmem>>, vector<1x16xf32>,
      %get3A_1186 = vector.shape_cast %get3A_1185 : vector<1x16xf32> to vector<16xf32>
      %add3A_1187 = arith.addf %add3A_1178, %get3A_1186 : vector<16xf32>
      %mul3A_1188 = arith.constant 16 : i32
      %mul3A_1189 = arith.muli %scan3A_30, %mul3A_1188 : i32
      %add3A_1190 = arith.constant 14 : i32
      %add3A_1191 = arith.addi %mul3A_1189, %add3A_1190 : i32
      %get3A_1192 = arith.index_cast %add3A_1191 : i32 to index
      %get3A_1193 = arith.constant 112 : index
      %get3A_1194 = tpu.vector_load %arg6[%get3A_1192, %get3A_1193] {strides = array<i32>} : memref<512x128xf32, #tpu.memory_space<vmem>>, vector<1x16xf32>,
      %get3A_1195 = vector.shape_cast %get3A_1194 : vector<1x16xf32> to vector<16xf32>
      %add3A_1196 = arith.addf %add3A_1187, %get3A_1195 : vector<16xf32>
      %mul3A_1197 = arith.constant 16 : i32
      %mul3A_1198 = arith.muli %scan3A_30, %mul3A_1197 : i32
      %add3A_1199 = arith.constant 15 : i32
      %add3A_1200 = arith.addi %mul3A_1198, %add3A_1199 : i32
      %get3A_1201 = arith.index_cast %add3A_1200 : i32 to index
      %get3A_1202 = arith.constant 112 : index
      %get3A_1203 = tpu.vector_load %arg6[%get3A_1201, %get3A_1202] {strides = array<i32>} : memref<512x128xf32, #tpu.memory_space<vmem>>, vector<1x16xf32>,
      %get3A_1204 = vector.shape_cast %get3A_1203 : vector<1x16xf32> to vector<16xf32>
      %add3A_1205 = arith.addf %add3A_1196, %get3A_1204 : vector<16xf32>
      %add3A_1206 = arith.constant 0 : i32
      %add3A_1207 = arith.addi %add3A_1206, %scan3A_30 : i32
      %swap3A_1208 = arith.index_cast %add3A_1207 : i32 to index
      %swap3A_1209 = arith.constant 112 : index
      %swap3A_1210 = tpu.vector_load %arg7[%swap3A_1208, %swap3A_1209] {strides = array<i32>} : memref<64x128xf32, #tpu.memory_space<vmem>>, vector<1x16xf32>,
      %swap3A_1211 = vector.shape_cast %swap3A_1210 : vector<1x16xf32> to vector<16xf32>
      %swap3A_1212 = vector.shape_cast %add3A_1205 : vector<16xf32> to vector<1x16xf32>
      tpu.vector_store %arg7[%swap3A_1208, %swap3A_1209], %swap3A_1212 {strides = array<i32>} : memref<64x128xf32, #tpu.memory_space<vmem>>, vector<1x16xf32>,
    }
    %scan3A_13 = arith.constant 32 : i32
    %add3A_14 = arith.constant 512 : i32
    %add3A_15 = arith.addi %mul3A_2, %add3A_14 : i32
    "tpu.region"() ({
      %run_scoped3A = tpu.sem_alloc : memref<!tpu.dma_semaphore, #tpu.memory_space<semaphore_mem>>
      %dma_start3A_30 = tpu.memref_slice %arg3[%add3A_15] : memref<32768xi32, #tpu.memory_space<hbm>> -> memref<512xi32, #tpu.memory_space<hbm>>
      %dma_start3A_31 = tpu.memref_slice %arg3[%add3A_15] : memref<32768xi32, #tpu.memory_space<hbm>> -> memref<512xi32, #tpu.memory_space<hbm>>
      tpu.enqueue_dma source(%dma_start3A_31 : memref<512xi32, #tpu.memory_space<hbm>>) target(%arg5 : memref<512xi32, #tpu.memory_space<vmem>>) target_semaphore(%run_scoped3A : memref<!tpu.dma_semaphore, #tpu.memory_space<semaphore_mem>>)
      %dma_wait3A_32 = tpu.memref_slice %arg3[%add3A_15] : memref<32768xi32, #tpu.memory_space<hbm>> -> memref<512xi32, #tpu.memory_space<hbm>>
      %dma_wait3A_33 = tpu.memref_slice %arg3[%add3A_15] : memref<32768xi32, #tpu.memory_space<hbm>> -> memref<512xi32, #tpu.memory_space<hbm>>
      tpu.wait_dma2 semaphore(%run_scoped3A : memref<!tpu.dma_semaphore, #tpu.memory_space<semaphore_mem>>) src(%dma_wait3A_33 : memref<512xi32, #tpu.memory_space<hbm>>) dst(%arg5 : memref<512xi32, #tpu.memory_space<vmem>>)
      tpu.yield
    }) : () -> ()
    %dma_start3A_16 = arith.constant 0 : i32
    %dma_start3A_17 = arith.constant 0 : i32
    %dma_start3A_18 = tpu.memref_slice %arg2[%dma_start3A_16, %dma_start3A_17] : memref<2048x128xf32, #tpu.memory_space<hbm>> -> memref<2048x128xf32, #tpu.memory_space<hbm>>
    tpu.enqueue_indirect_dma source(%dma_start3A_18 : memref<2048x128xf32, #tpu.memory_space<hbm>>) target(%arg6 : memref<512x128xf32, #tpu.memory_space<vmem>>) offsets(%arg5 : memref<512xi32, #tpu.memory_space<vmem>>) semaphore(%arg8 : memref<!tpu.dma_semaphore, #tpu.memory_space<semaphore_mem>>)
    %dma_wait3A_19 = arith.constant 0 : i32
    %dma_wait3A_20 = arith.constant 0 : i32
    %dma_wait3A_21 = tpu.memref_slice %arg2[%dma_wait3A_19, %dma_wait3A_20] : memref<2048x128xf32, #tpu.memory_space<hbm>> -> memref<2048x128xf32, #tpu.memory_space<hbm>>
    tpu.wait_indirect_dma semaphore(%arg8 : memref<!tpu.dma_semaphore, #tpu.memory_space<semaphore_mem>>) src(%dma_wait3A_21 : memref<2048x128xf32, #tpu.memory_space<hbm>>) dst(%arg6 : memref<512x128xf32, #tpu.memory_space<vmem>>)
    %scan3A_22 = arith.constant 0 : i32
    %scan3A_23 = arith.constant 0 : i32
    %scan3A_24 = arith.constant 32 : i32
    %scan3A_25 = arith.addi %scan3A_23, %scan3A_24 : i32
    %scan3A_26 = arith.constant 1 : i32
    scf.for %scan3A_30 = %scan3A_23 to %scan3A_25 step %scan3A_26  : i32 {
      %mul3A_31 = arith.constant 16 : i32
      %mul3A_32 = arith.muli %scan3A_30, %mul3A_31 : i32
      %get3A = arith.index_cast %mul3A_32 : i32 to index
      %get3A_33 = arith.constant 0 : index
      %get3A_34 = tpu.vector_load %arg6[%get3A, %get3A_33] {strides = array<i32>} : memref<512x128xf32, #tpu.memory_space<vmem>>, vector<1x16xf32>,
      %get3A_35 = vector.shape_cast %get3A_34 : vector<1x16xf32> to vector<16xf32>
      %mul3A_36 = arith.constant 16 : i32
      %mul3A_37 = arith.muli %scan3A_30, %mul3A_36 : i32
      %add3A_38 = arith.constant 1 : i32
      %add3A_39 = arith.addi %mul3A_37, %add3A_38 : i32
      %get3A_40 = arith.index_cast %add3A_39 : i32 to index
      %get3A_41 = arith.constant 0 : index
      %get3A_42 = tpu.vector_load %arg6[%get3A_40, %get3A_41] {strides = array<i32>} : memref<512x128xf32, #tpu.memory_space<vmem>>, vector<1x16xf32>,
      %get3A_43 = vector.shape_cast %get3A_42 : vector<1x16xf32> to vector<16xf32>
      %add3A_44 = arith.addf %get3A_35, %get3A_43 : vector<16xf32>
      %mul3A_45 = arith.constant 16 : i32
      %mul3A_46 = arith.muli %scan3A_30, %mul3A_45 : i32
      %add3A_47 = arith.constant 2 : i32
      %add3A_48 = arith.addi %mul3A_46, %add3A_47 : i32
      %get3A_49 = arith.index_cast %add3A_48 : i32 to index
      %get3A_50 = arith.constant 0 : index
      %get3A_51 = tpu.vector_load %arg6[%get3A_49, %get3A_50] {strides = array<i32>} : memref<512x128xf32, #tpu.memory_space<vmem>>, vector<1x16xf32>,
      %get3A_52 = vector.shape_cast %get3A_51 : vector<1x16xf32> to vector<16xf32>
      %add3A_53 = arith.addf %add3A_44, %get3A_52 : vector<16xf32>
      %mul3A_54 = arith.constant 16 : i32
      %mul3A_55 = arith.muli %scan3A_30, %mul3A_54 : i32
      %add3A_56 = arith.constant 3 : i32
      %add3A_57 = arith.addi %mul3A_55, %add3A_56 : i32
      %get3A_58 = arith.index_cast %add3A_57 : i32 to index
      %get3A_59 = arith.constant 0 : index
      %get3A_60 = tpu.vector_load %arg6[%get3A_58, %get3A_59] {strides = array<i32>} : memref<512x128xf32, #tpu.memory_space<vmem>>, vector<1x16xf32>,
      %get3A_61 = vector.shape_cast %get3A_60 : vector<1x16xf32> to vector<16xf32>
      %add3A_62 = arith.addf %add3A_53, %get3A_61 : vector<16xf32>
      %mul3A_63 = arith.constant 16 : i32
      %mul3A_64 = arith.muli %scan3A_30, %mul3A_63 : i32
      %add3A_65 = arith.constant 4 : i32
      %add3A_66 = arith.addi %mul3A_64, %add3A_65 : i32
      %get3A_67 = arith.index_cast %add3A_66 : i32 to index
      %get3A_68 = arith.constant 0 : index
      %get3A_69 = tpu.vector_load %arg6[%get3A_67, %get3A_68] {strides = array<i32>} : memref<512x128xf32, #tpu.memory_space<vmem>>, vector<1x16xf32>,
      %get3A_70 = vector.shape_cast %get3A_69 : vector<1x16xf32> to vector<16xf32>
      %add3A_71 = arith.addf %add3A_62, %get3A_70 : vector<16xf32>
      %mul3A_72 = arith.constant 16 : i32
      %mul3A_73 = arith.muli %scan3A_30, %mul3A_72 : i32
      %add3A_74 = arith.constant 5 : i32
      %add3A_75 = arith.addi %mul3A_73, %add3A_74 : i32
      %get3A_76 = arith.index_cast %add3A_75 : i32 to index
      %get3A_77 = arith.constant 0 : index
      %get3A_78 = tpu.vector_load %arg6[%get3A_76, %get3A_77] {strides = array<i32>} : memref<512x128xf32, #tpu.memory_space<vmem>>, vector<1x16xf32>,
      %get3A_79 = vector.shape_cast %get3A_78 : vector<1x16xf32> to vector<16xf32>
      %add3A_80 = arith.addf %add3A_71, %get3A_79 : vector<16xf32>
      %mul3A_81 = arith.constant 16 : i32
      %mul3A_82 = arith.muli %scan3A_30, %mul3A_81 : i32
      %add3A_83 = arith.constant 6 : i32
      %add3A_84 = arith.addi %mul3A_82, %add3A_83 : i32
      %get3A_85 = arith.index_cast %add3A_84 : i32 to index
      %get3A_86 = arith.constant 0 : index
      %get3A_87 = tpu.vector_load %arg6[%get3A_85, %get3A_86] {strides = array<i32>} : memref<512x128xf32, #tpu.memory_space<vmem>>, vector<1x16xf32>,
      %get3A_88 = vector.shape_cast %get3A_87 : vector<1x16xf32> to vector<16xf32>
      %add3A_89 = arith.addf %add3A_80, %get3A_88 : vector<16xf32>
      %mul3A_90 = arith.constant 16 : i32
      %mul3A_91 = arith.muli %scan3A_30, %mul3A_90 : i32
      %add3A_92 = arith.constant 7 : i32
      %add3A_93 = arith.addi %mul3A_91, %add3A_92 : i32
      %get3A_94 = arith.index_cast %add3A_93 : i32 to index
      %get3A_95 = arith.constant 0 : index
      %get3A_96 = tpu.vector_load %arg6[%get3A_94, %get3A_95] {strides = array<i32>} : memref<512x128xf32, #tpu.memory_space<vmem>>, vector<1x16xf32>,
      %get3A_97 = vector.shape_cast %get3A_96 : vector<1x16xf32> to vector<16xf32>
      %add3A_98 = arith.addf %add3A_89, %get3A_97 : vector<16xf32>
      %mul3A_99 = arith.constant 16 : i32
      %mul3A_100 = arith.muli %scan3A_30, %mul3A_99 : i32
      %add3A_101 = arith.constant 8 : i32
      %add3A_102 = arith.addi %mul3A_100, %add3A_101 : i32
      %get3A_103 = arith.index_cast %add3A_102 : i32 to index
      %get3A_104 = arith.constant 0 : index
      %get3A_105 = tpu.vector_load %arg6[%get3A_103, %get3A_104] {strides = array<i32>} : memref<512x128xf32, #tpu.memory_space<vmem>>, vector<1x16xf32>,
      %get3A_106 = vector.shape_cast %get3A_105 : vector<1x16xf32> to vector<16xf32>
      %add3A_107 = arith.addf %add3A_98, %get3A_106 : vector<16xf32>
      %mul3A_108 = arith.constant 16 : i32
      %mul3A_109 = arith.muli %scan3A_30, %mul3A_108 : i32
      %add3A_110 = arith.constant 9 : i32
      %add3A_111 = arith.addi %mul3A_109, %add3A_110 : i32
      %get3A_112 = arith.index_cast %add3A_111 : i32 to index
      %get3A_113 = arith.constant 0 : index
      %get3A_114 = tpu.vector_load %arg6[%get3A_112, %get3A_113] {strides = array<i32>} : memref<512x128xf32, #tpu.memory_space<vmem>>, vector<1x16xf32>,
      %get3A_115 = vector.shape_cast %get3A_114 : vector<1x16xf32> to vector<16xf32>
      %add3A_116 = arith.addf %add3A_107, %get3A_115 : vector<16xf32>
      %mul3A_117 = arith.constant 16 : i32
      %mul3A_118 = arith.muli %scan3A_30, %mul3A_117 : i32
      %add3A_119 = arith.constant 10 : i32
      %add3A_120 = arith.addi %mul3A_118, %add3A_119 : i32
      %get3A_121 = arith.index_cast %add3A_120 : i32 to index
      %get3A_122 = arith.constant 0 : index
      %get3A_123 = tpu.vector_load %arg6[%get3A_121, %get3A_122] {strides = array<i32>} : memref<512x128xf32, #tpu.memory_space<vmem>>, vector<1x16xf32>,
      %get3A_124 = vector.shape_cast %get3A_123 : vector<1x16xf32> to vector<16xf32>
      %add3A_125 = arith.addf %add3A_116, %get3A_124 : vector<16xf32>
      %mul3A_126 = arith.constant 16 : i32
      %mul3A_127 = arith.muli %scan3A_30, %mul3A_126 : i32
      %add3A_128 = arith.constant 11 : i32
      %add3A_129 = arith.addi %mul3A_127, %add3A_128 : i32
      %get3A_130 = arith.index_cast %add3A_129 : i32 to index
      %get3A_131 = arith.constant 0 : index
      %get3A_132 = tpu.vector_load %arg6[%get3A_130, %get3A_131] {strides = array<i32>} : memref<512x128xf32, #tpu.memory_space<vmem>>, vector<1x16xf32>,
      %get3A_133 = vector.shape_cast %get3A_132 : vector<1x16xf32> to vector<16xf32>
      %add3A_134 = arith.addf %add3A_125, %get3A_133 : vector<16xf32>
      %mul3A_135 = arith.constant 16 : i32
      %mul3A_136 = arith.muli %scan3A_30, %mul3A_135 : i32
      %add3A_137 = arith.constant 12 : i32
      %add3A_138 = arith.addi %mul3A_136, %add3A_137 : i32
      %get3A_139 = arith.index_cast %add3A_138 : i32 to index
      %get3A_140 = arith.constant 0 : index
      %get3A_141 = tpu.vector_load %arg6[%get3A_139, %get3A_140] {strides = array<i32>} : memref<512x128xf32, #tpu.memory_space<vmem>>, vector<1x16xf32>,
      %get3A_142 = vector.shape_cast %get3A_141 : vector<1x16xf32> to vector<16xf32>
      %add3A_143 = arith.addf %add3A_134, %get3A_142 : vector<16xf32>
      %mul3A_144 = arith.constant 16 : i32
      %mul3A_145 = arith.muli %scan3A_30, %mul3A_144 : i32
      %add3A_146 = arith.constant 13 : i32
      %add3A_147 = arith.addi %mul3A_145, %add3A_146 : i32
      %get3A_148 = arith.index_cast %add3A_147 : i32 to index
      %get3A_149 = arith.constant 0 : index
      %get3A_150 = tpu.vector_load %arg6[%get3A_148, %get3A_149] {strides = array<i32>} : memref<512x128xf32, #tpu.memory_space<vmem>>, vector<1x16xf32>,
      %get3A_151 = vector.shape_cast %get3A_150 : vector<1x16xf32> to vector<16xf32>
      %add3A_152 = arith.addf %add3A_143, %get3A_151 : vector<16xf32>
      %mul3A_153 = arith.constant 16 : i32
      %mul3A_154 = arith.muli %scan3A_30, %mul3A_153 : i32
      %add3A_155 = arith.constant 14 : i32
      %add3A_156 = arith.addi %mul3A_154, %add3A_155 : i32
      %get3A_157 = arith.index_cast %add3A_156 : i32 to index
      %get3A_158 = arith.constant 0 : index
      %get3A_159 = tpu.vector_load %arg6[%get3A_157, %get3A_158] {strides = array<i32>} : memref<512x128xf32, #tpu.memory_space<vmem>>, vector<1x16xf32>,
      %get3A_160 = vector.shape_cast %get3A_159 : vector<1x16xf32> to vector<16xf32>
      %add3A_161 = arith.addf %add3A_152, %get3A_160 : vector<16xf32>
      %mul3A_162 = arith.constant 16 : i32
      %mul3A_163 = arith.muli %scan3A_30, %mul3A_162 : i32
      %add3A_164 = arith.constant 15 : i32
      %add3A_165 = arith.addi %mul3A_163, %add3A_164 : i32
      %get3A_166 = arith.index_cast %add3A_165 : i32 to index
      %get3A_167 = arith.constant 0 : index
      %get3A_168 = tpu.vector_load %arg6[%get3A_166, %get3A_167] {strides = array<i32>} : memref<512x128xf32, #tpu.memory_space<vmem>>, vector<1x16xf32>,
      %get3A_169 = vector.shape_cast %get3A_168 : vector<1x16xf32> to vector<16xf32>
      %add3A_170 = arith.addf %add3A_161, %get3A_169 : vector<16xf32>
      %add3A_171 = arith.constant 32 : i32
      %add3A_172 = arith.addi %add3A_171, %scan3A_30 : i32
      %swap3A = arith.index_cast %add3A_172 : i32 to index
      %swap3A_173 = arith.constant 0 : index
      %swap3A_174 = tpu.vector_load %arg7[%swap3A, %swap3A_173] {strides = array<i32>} : memref<64x128xf32, #tpu.memory_space<vmem>>, vector<1x16xf32>,
      %swap3A_175 = vector.shape_cast %swap3A_174 : vector<1x16xf32> to vector<16xf32>
      %swap3A_176 = vector.shape_cast %add3A_170 : vector<16xf32> to vector<1x16xf32>
      tpu.vector_store %arg7[%swap3A, %swap3A_173], %swap3A_176 {strides = array<i32>} : memref<64x128xf32, #tpu.memory_space<vmem>>, vector<1x16xf32>,
      %mul3A_177 = arith.constant 16 : i32
      %mul3A_178 = arith.muli %scan3A_30, %mul3A_177 : i32
      %get3A_179 = arith.index_cast %mul3A_178 : i32 to index
      %get3A_180 = arith.constant 16 : index
      %get3A_181 = tpu.vector_load %arg6[%get3A_179, %get3A_180] {strides = array<i32>} : memref<512x128xf32, #tpu.memory_space<vmem>>, vector<1x16xf32>,
      %get3A_182 = vector.shape_cast %get3A_181 : vector<1x16xf32> to vector<16xf32>
      %mul3A_183 = arith.constant 16 : i32
      %mul3A_184 = arith.muli %scan3A_30, %mul3A_183 : i32
      %add3A_185 = arith.constant 1 : i32
      %add3A_186 = arith.addi %mul3A_184, %add3A_185 : i32
      %get3A_187 = arith.index_cast %add3A_186 : i32 to index
      %get3A_188 = arith.constant 16 : index
      %get3A_189 = tpu.vector_load %arg6[%get3A_187, %get3A_188] {strides = array<i32>} : memref<512x128xf32, #tpu.memory_space<vmem>>, vector<1x16xf32>,
      %get3A_190 = vector.shape_cast %get3A_189 : vector<1x16xf32> to vector<16xf32>
      %add3A_191 = arith.addf %get3A_182, %get3A_190 : vector<16xf32>
      %mul3A_192 = arith.constant 16 : i32
      %mul3A_193 = arith.muli %scan3A_30, %mul3A_192 : i32
      %add3A_194 = arith.constant 2 : i32
      %add3A_195 = arith.addi %mul3A_193, %add3A_194 : i32
      %get3A_196 = arith.index_cast %add3A_195 : i32 to index
      %get3A_197 = arith.constant 16 : index
      %get3A_198 = tpu.vector_load %arg6[%get3A_196, %get3A_197] {strides = array<i32>} : memref<512x128xf32, #tpu.memory_space<vmem>>, vector<1x16xf32>,
      %get3A_199 = vector.shape_cast %get3A_198 : vector<1x16xf32> to vector<16xf32>
      %add3A_200 = arith.addf %add3A_191, %get3A_199 : vector<16xf32>
      %mul3A_201 = arith.constant 16 : i32
      %mul3A_202 = arith.muli %scan3A_30, %mul3A_201 : i32
      %add3A_203 = arith.constant 3 : i32
      %add3A_204 = arith.addi %mul3A_202, %add3A_203 : i32
      %get3A_205 = arith.index_cast %add3A_204 : i32 to index
      %get3A_206 = arith.constant 16 : index
      %get3A_207 = tpu.vector_load %arg6[%get3A_205, %get3A_206] {strides = array<i32>} : memref<512x128xf32, #tpu.memory_space<vmem>>, vector<1x16xf32>,
      %get3A_208 = vector.shape_cast %get3A_207 : vector<1x16xf32> to vector<16xf32>
      %add3A_209 = arith.addf %add3A_200, %get3A_208 : vector<16xf32>
      %mul3A_210 = arith.constant 16 : i32
      %mul3A_211 = arith.muli %scan3A_30, %mul3A_210 : i32
      %add3A_212 = arith.constant 4 : i32
      %add3A_213 = arith.addi %mul3A_211, %add3A_212 : i32
      %get3A_214 = arith.index_cast %add3A_213 : i32 to index
      %get3A_215 = arith.constant 16 : index
      %get3A_216 = tpu.vector_load %arg6[%get3A_214, %get3A_215] {strides = array<i32>} : memref<512x128xf32, #tpu.memory_space<vmem>>, vector<1x16xf32>,
      %get3A_217 = vector.shape_cast %get3A_216 : vector<1x16xf32> to vector<16xf32>
      %add3A_218 = arith.addf %add3A_209, %get3A_217 : vector<16xf32>
      %mul3A_219 = arith.constant 16 : i32
      %mul3A_220 = arith.muli %scan3A_30, %mul3A_219 : i32
      %add3A_221 = arith.constant 5 : i32
      %add3A_222 = arith.addi %mul3A_220, %add3A_221 : i32
      %get3A_223 = arith.index_cast %add3A_222 : i32 to index
      %get3A_224 = arith.constant 16 : index
      %get3A_225 = tpu.vector_load %arg6[%get3A_223, %get3A_224] {strides = array<i32>} : memref<512x128xf32, #tpu.memory_space<vmem>>, vector<1x16xf32>,
      %get3A_226 = vector.shape_cast %get3A_225 : vector<1x16xf32> to vector<16xf32>
      %add3A_227 = arith.addf %add3A_218, %get3A_226 : vector<16xf32>
      %mul3A_228 = arith.constant 16 : i32
      %mul3A_229 = arith.muli %scan3A_30, %mul3A_228 : i32
      %add3A_230 = arith.constant 6 : i32
      %add3A_231 = arith.addi %mul3A_229, %add3A_230 : i32
      %get3A_232 = arith.index_cast %add3A_231 : i32 to index
      %get3A_233 = arith.constant 16 : index
      %get3A_234 = tpu.vector_load %arg6[%get3A_232, %get3A_233] {strides = array<i32>} : memref<512x128xf32, #tpu.memory_space<vmem>>, vector<1x16xf32>,
      %get3A_235 = vector.shape_cast %get3A_234 : vector<1x16xf32> to vector<16xf32>
      %add3A_236 = arith.addf %add3A_227, %get3A_235 : vector<16xf32>
      %mul3A_237 = arith.constant 16 : i32
      %mul3A_238 = arith.muli %scan3A_30, %mul3A_237 : i32
      %add3A_239 = arith.constant 7 : i32
      %add3A_240 = arith.addi %mul3A_238, %add3A_239 : i32
      %get3A_241 = arith.index_cast %add3A_240 : i32 to index
      %get3A_242 = arith.constant 16 : index
      %get3A_243 = tpu.vector_load %arg6[%get3A_241, %get3A_242] {strides = array<i32>} : memref<512x128xf32, #tpu.memory_space<vmem>>, vector<1x16xf32>,
      %get3A_244 = vector.shape_cast %get3A_243 : vector<1x16xf32> to vector<16xf32>
      %add3A_245 = arith.addf %add3A_236, %get3A_244 : vector<16xf32>
      %mul3A_246 = arith.constant 16 : i32
      %mul3A_247 = arith.muli %scan3A_30, %mul3A_246 : i32
      %add3A_248 = arith.constant 8 : i32
      %add3A_249 = arith.addi %mul3A_247, %add3A_248 : i32
      %get3A_250 = arith.index_cast %add3A_249 : i32 to index
      %get3A_251 = arith.constant 16 : index
      %get3A_252 = tpu.vector_load %arg6[%get3A_250, %get3A_251] {strides = array<i32>} : memref<512x128xf32, #tpu.memory_space<vmem>>, vector<1x16xf32>,
      %get3A_253 = vector.shape_cast %get3A_252 : vector<1x16xf32> to vector<16xf32>
      %add3A_254 = arith.addf %add3A_245, %get3A_253 : vector<16xf32>
      %mul3A_255 = arith.constant 16 : i32
      %mul3A_256 = arith.muli %scan3A_30, %mul3A_255 : i32
      %add3A_257 = arith.constant 9 : i32
      %add3A_258 = arith.addi %mul3A_256, %add3A_257 : i32
      %get3A_259 = arith.index_cast %add3A_258 : i32 to index
      %get3A_260 = arith.constant 16 : index
      %get3A_261 = tpu.vector_load %arg6[%get3A_259, %get3A_260] {strides = array<i32>} : memref<512x128xf32, #tpu.memory_space<vmem>>, vector<1x16xf32>,
      %get3A_262 = vector.shape_cast %get3A_261 : vector<1x16xf32> to vector<16xf32>
      %add3A_263 = arith.addf %add3A_254, %get3A_262 : vector<16xf32>
      %mul3A_264 = arith.constant 16 : i32
      %mul3A_265 = arith.muli %scan3A_30, %mul3A_264 : i32
      %add3A_266 = arith.constant 10 : i32
      %add3A_267 = arith.addi %mul3A_265, %add3A_266 : i32
      %get3A_268 = arith.index_cast %add3A_267 : i32 to index
      %get3A_269 = arith.constant 16 : index
      %get3A_270 = tpu.vector_load %arg6[%get3A_268, %get3A_269] {strides = array<i32>} : memref<512x128xf32, #tpu.memory_space<vmem>>, vector<1x16xf32>,
      %get3A_271 = vector.shape_cast %get3A_270 : vector<1x16xf32> to vector<16xf32>
      %add3A_272 = arith.addf %add3A_263, %get3A_271 : vector<16xf32>
      %mul3A_273 = arith.constant 16 : i32
      %mul3A_274 = arith.muli %scan3A_30, %mul3A_273 : i32
      %add3A_275 = arith.constant 11 : i32
      %add3A_276 = arith.addi %mul3A_274, %add3A_275 : i32
      %get3A_277 = arith.index_cast %add3A_276 : i32 to index
      %get3A_278 = arith.constant 16 : index
      %get3A_279 = tpu.vector_load %arg6[%get3A_277, %get3A_278] {strides = array<i32>} : memref<512x128xf32, #tpu.memory_space<vmem>>, vector<1x16xf32>,
      %get3A_280 = vector.shape_cast %get3A_279 : vector<1x16xf32> to vector<16xf32>
      %add3A_281 = arith.addf %add3A_272, %get3A_280 : vector<16xf32>
      %mul3A_282 = arith.constant 16 : i32
      %mul3A_283 = arith.muli %scan3A_30, %mul3A_282 : i32
      %add3A_284 = arith.constant 12 : i32
      %add3A_285 = arith.addi %mul3A_283, %add3A_284 : i32
      %get3A_286 = arith.index_cast %add3A_285 : i32 to index
      %get3A_287 = arith.constant 16 : index
      %get3A_288 = tpu.vector_load %arg6[%get3A_286, %get3A_287] {strides = array<i32>} : memref<512x128xf32, #tpu.memory_space<vmem>>, vector<1x16xf32>,
      %get3A_289 = vector.shape_cast %get3A_288 : vector<1x16xf32> to vector<16xf32>
      %add3A_290 = arith.addf %add3A_281, %get3A_289 : vector<16xf32>
      %mul3A_291 = arith.constant 16 : i32
      %mul3A_292 = arith.muli %scan3A_30, %mul3A_291 : i32
      %add3A_293 = arith.constant 13 : i32
      %add3A_294 = arith.addi %mul3A_292, %add3A_293 : i32
      %get3A_295 = arith.index_cast %add3A_294 : i32 to index
      %get3A_296 = arith.constant 16 : index
      %get3A_297 = tpu.vector_load %arg6[%get3A_295, %get3A_296] {strides = array<i32>} : memref<512x128xf32, #tpu.memory_space<vmem>>, vector<1x16xf32>,
      %get3A_298 = vector.shape_cast %get3A_297 : vector<1x16xf32> to vector<16xf32>
      %add3A_299 = arith.addf %add3A_290, %get3A_298 : vector<16xf32>
      %mul3A_300 = arith.constant 16 : i32
      %mul3A_301 = arith.muli %scan3A_30, %mul3A_300 : i32
      %add3A_302 = arith.constant 14 : i32
      %add3A_303 = arith.addi %mul3A_301, %add3A_302 : i32
      %get3A_304 = arith.index_cast %add3A_303 : i32 to index
      %get3A_305 = arith.constant 16 : index
      %get3A_306 = tpu.vector_load %arg6[%get3A_304, %get3A_305] {strides = array<i32>} : memref<512x128xf32, #tpu.memory_space<vmem>>, vector<1x16xf32>,
      %get3A_307 = vector.shape_cast %get3A_306 : vector<1x16xf32> to vector<16xf32>
      %add3A_308 = arith.addf %add3A_299, %get3A_307 : vector<16xf32>
      %mul3A_309 = arith.constant 16 : i32
      %mul3A_310 = arith.muli %scan3A_30, %mul3A_309 : i32
      %add3A_311 = arith.constant 15 : i32
      %add3A_312 = arith.addi %mul3A_310, %add3A_311 : i32
      %get3A_313 = arith.index_cast %add3A_312 : i32 to index
      %get3A_314 = arith.constant 16 : index
      %get3A_315 = tpu.vector_load %arg6[%get3A_313, %get3A_314] {strides = array<i32>} : memref<512x128xf32, #tpu.memory_space<vmem>>, vector<1x16xf32>,
      %get3A_316 = vector.shape_cast %get3A_315 : vector<1x16xf32> to vector<16xf32>
      %add3A_317 = arith.addf %add3A_308, %get3A_316 : vector<16xf32>
      %add3A_318 = arith.constant 32 : i32
      %add3A_319 = arith.addi %add3A_318, %scan3A_30 : i32
      %swap3A_320 = arith.index_cast %add3A_319 : i32 to index
      %swap3A_321 = arith.constant 16 : index
      %swap3A_322 = tpu.vector_load %arg7[%swap3A_320, %swap3A_321] {strides = array<i32>} : memref<64x128xf32, #tpu.memory_space<vmem>>, vector<1x16xf32>,
      %swap3A_323 = vector.shape_cast %swap3A_322 : vector<1x16xf32> to vector<16xf32>
      %swap3A_324 = vector.shape_cast %add3A_317 : vector<16xf32> to vector<1x16xf32>
      tpu.vector_store %arg7[%swap3A_320, %swap3A_321], %swap3A_324 {strides = array<i32>} : memref<64x128xf32, #tpu.memory_space<vmem>>, vector<1x16xf32>,
      %mul3A_325 = arith.constant 16 : i32
      %mul3A_326 = arith.muli %scan3A_30, %mul3A_325 : i32
      %get3A_327 = arith.index_cast %mul3A_326 : i32 to index
      %get3A_328 = arith.constant 32 : index
      %get3A_329 = tpu.vector_load %arg6[%get3A_327, %get3A_328] {strides = array<i32>} : memref<512x128xf32, #tpu.memory_space<vmem>>, vector<1x16xf32>,
      %get3A_330 = vector.shape_cast %get3A_329 : vector<1x16xf32> to vector<16xf32>
      %mul3A_331 = arith.constant 16 : i32
      %mul3A_332 = arith.muli %scan3A_30, %mul3A_331 : i32
      %add3A_333 = arith.constant 1 : i32
      %add3A_334 = arith.addi %mul3A_332, %add3A_333 : i32
      %get3A_335 = arith.index_cast %add3A_334 : i32 to index
      %get3A_336 = arith.constant 32 : index
      %get3A_337 = tpu.vector_load %arg6[%get3A_335, %get3A_336] {strides = array<i32>} : memref<512x128xf32, #tpu.memory_space<vmem>>, vector<1x16xf32>,
      %get3A_338 = vector.shape_cast %get3A_337 : vector<1x16xf32> to vector<16xf32>
      %add3A_339 = arith.addf %get3A_330, %get3A_338 : vector<16xf32>
      %mul3A_340 = arith.constant 16 : i32
      %mul3A_341 = arith.muli %scan3A_30, %mul3A_340 : i32
      %add3A_342 = arith.constant 2 : i32
      %add3A_343 = arith.addi %mul3A_341, %add3A_342 : i32
      %get3A_344 = arith.index_cast %add3A_343 : i32 to index
      %get3A_345 = arith.constant 32 : index
      %get3A_346 = tpu.vector_load %arg6[%get3A_344, %get3A_345] {strides = array<i32>} : memref<512x128xf32, #tpu.memory_space<vmem>>, vector<1x16xf32>,
      %get3A_347 = vector.shape_cast %get3A_346 : vector<1x16xf32> to vector<16xf32>
      %add3A_348 = arith.addf %add3A_339, %get3A_347 : vector<16xf32>
      %mul3A_349 = arith.constant 16 : i32
      %mul3A_350 = arith.muli %scan3A_30, %mul3A_349 : i32
      %add3A_351 = arith.constant 3 : i32
      %add3A_352 = arith.addi %mul3A_350, %add3A_351 : i32
      %get3A_353 = arith.index_cast %add3A_352 : i32 to index
      %get3A_354 = arith.constant 32 : index
      %get3A_355 = tpu.vector_load %arg6[%get3A_353, %get3A_354] {strides = array<i32>} : memref<512x128xf32, #tpu.memory_space<vmem>>, vector<1x16xf32>,
      %get3A_356 = vector.shape_cast %get3A_355 : vector<1x16xf32> to vector<16xf32>
      %add3A_357 = arith.addf %add3A_348, %get3A_356 : vector<16xf32>
      %mul3A_358 = arith.constant 16 : i32
      %mul3A_359 = arith.muli %scan3A_30, %mul3A_358 : i32
      %add3A_360 = arith.constant 4 : i32
      %add3A_361 = arith.addi %mul3A_359, %add3A_360 : i32
      %get3A_362 = arith.index_cast %add3A_361 : i32 to index
      %get3A_363 = arith.constant 32 : index
      %get3A_364 = tpu.vector_load %arg6[%get3A_362, %get3A_363] {strides = array<i32>} : memref<512x128xf32, #tpu.memory_space<vmem>>, vector<1x16xf32>,
      %get3A_365 = vector.shape_cast %get3A_364 : vector<1x16xf32> to vector<16xf32>
      %add3A_366 = arith.addf %add3A_357, %get3A_365 : vector<16xf32>
      %mul3A_367 = arith.constant 16 : i32
      %mul3A_368 = arith.muli %scan3A_30, %mul3A_367 : i32
      %add3A_369 = arith.constant 5 : i32
      %add3A_370 = arith.addi %mul3A_368, %add3A_369 : i32
      %get3A_371 = arith.index_cast %add3A_370 : i32 to index
      %get3A_372 = arith.constant 32 : index
      %get3A_373 = tpu.vector_load %arg6[%get3A_371, %get3A_372] {strides = array<i32>} : memref<512x128xf32, #tpu.memory_space<vmem>>, vector<1x16xf32>,
      %get3A_374 = vector.shape_cast %get3A_373 : vector<1x16xf32> to vector<16xf32>
      %add3A_375 = arith.addf %add3A_366, %get3A_374 : vector<16xf32>
      %mul3A_376 = arith.constant 16 : i32
      %mul3A_377 = arith.muli %scan3A_30, %mul3A_376 : i32
      %add3A_378 = arith.constant 6 : i32
      %add3A_379 = arith.addi %mul3A_377, %add3A_378 : i32
      %get3A_380 = arith.index_cast %add3A_379 : i32 to index
      %get3A_381 = arith.constant 32 : index
      %get3A_382 = tpu.vector_load %arg6[%get3A_380, %get3A_381] {strides = array<i32>} : memref<512x128xf32, #tpu.memory_space<vmem>>, vector<1x16xf32>,
      %get3A_383 = vector.shape_cast %get3A_382 : vector<1x16xf32> to vector<16xf32>
      %add3A_384 = arith.addf %add3A_375, %get3A_383 : vector<16xf32>
      %mul3A_385 = arith.constant 16 : i32
      %mul3A_386 = arith.muli %scan3A_30, %mul3A_385 : i32
      %add3A_387 = arith.constant 7 : i32
      %add3A_388 = arith.addi %mul3A_386, %add3A_387 : i32
      %get3A_389 = arith.index_cast %add3A_388 : i32 to index
      %get3A_390 = arith.constant 32 : index
      %get3A_391 = tpu.vector_load %arg6[%get3A_389, %get3A_390] {strides = array<i32>} : memref<512x128xf32, #tpu.memory_space<vmem>>, vector<1x16xf32>,
      %get3A_392 = vector.shape_cast %get3A_391 : vector<1x16xf32> to vector<16xf32>
      %add3A_393 = arith.addf %add3A_384, %get3A_392 : vector<16xf32>
      %mul3A_394 = arith.constant 16 : i32
      %mul3A_395 = arith.muli %scan3A_30, %mul3A_394 : i32
      %add3A_396 = arith.constant 8 : i32
      %add3A_397 = arith.addi %mul3A_395, %add3A_396 : i32
      %get3A_398 = arith.index_cast %add3A_397 : i32 to index
      %get3A_399 = arith.constant 32 : index
      %get3A_400 = tpu.vector_load %arg6[%get3A_398, %get3A_399] {strides = array<i32>} : memref<512x128xf32, #tpu.memory_space<vmem>>, vector<1x16xf32>,
      %get3A_401 = vector.shape_cast %get3A_400 : vector<1x16xf32> to vector<16xf32>
      %add3A_402 = arith.addf %add3A_393, %get3A_401 : vector<16xf32>
      %mul3A_403 = arith.constant 16 : i32
      %mul3A_404 = arith.muli %scan3A_30, %mul3A_403 : i32
      %add3A_405 = arith.constant 9 : i32
      %add3A_406 = arith.addi %mul3A_404, %add3A_405 : i32
      %get3A_407 = arith.index_cast %add3A_406 : i32 to index
      %get3A_408 = arith.constant 32 : index
      %get3A_409 = tpu.vector_load %arg6[%get3A_407, %get3A_408] {strides = array<i32>} : memref<512x128xf32, #tpu.memory_space<vmem>>, vector<1x16xf32>,
      %get3A_410 = vector.shape_cast %get3A_409 : vector<1x16xf32> to vector<16xf32>
      %add3A_411 = arith.addf %add3A_402, %get3A_410 : vector<16xf32>
      %mul3A_412 = arith.constant 16 : i32
      %mul3A_413 = arith.muli %scan3A_30, %mul3A_412 : i32
      %add3A_414 = arith.constant 10 : i32
      %add3A_415 = arith.addi %mul3A_413, %add3A_414 : i32
      %get3A_416 = arith.index_cast %add3A_415 : i32 to index
      %get3A_417 = arith.constant 32 : index
      %get3A_418 = tpu.vector_load %arg6[%get3A_416, %get3A_417] {strides = array<i32>} : memref<512x128xf32, #tpu.memory_space<vmem>>, vector<1x16xf32>,
      %get3A_419 = vector.shape_cast %get3A_418 : vector<1x16xf32> to vector<16xf32>
      %add3A_420 = arith.addf %add3A_411, %get3A_419 : vector<16xf32>
      %mul3A_421 = arith.constant 16 : i32
      %mul3A_422 = arith.muli %scan3A_30, %mul3A_421 : i32
      %add3A_423 = arith.constant 11 : i32
      %add3A_424 = arith.addi %mul3A_422, %add3A_423 : i32
      %get3A_425 = arith.index_cast %add3A_424 : i32 to index
      %get3A_426 = arith.constant 32 : index
      %get3A_427 = tpu.vector_load %arg6[%get3A_425, %get3A_426] {strides = array<i32>} : memref<512x128xf32, #tpu.memory_space<vmem>>, vector<1x16xf32>,
      %get3A_428 = vector.shape_cast %get3A_427 : vector<1x16xf32> to vector<16xf32>
      %add3A_429 = arith.addf %add3A_420, %get3A_428 : vector<16xf32>
      %mul3A_430 = arith.constant 16 : i32
      %mul3A_431 = arith.muli %scan3A_30, %mul3A_430 : i32
      %add3A_432 = arith.constant 12 : i32
      %add3A_433 = arith.addi %mul3A_431, %add3A_432 : i32
      %get3A_434 = arith.index_cast %add3A_433 : i32 to index
      %get3A_435 = arith.constant 32 : index
      %get3A_436 = tpu.vector_load %arg6[%get3A_434, %get3A_435] {strides = array<i32>} : memref<512x128xf32, #tpu.memory_space<vmem>>, vector<1x16xf32>,
      %get3A_437 = vector.shape_cast %get3A_436 : vector<1x16xf32> to vector<16xf32>
      %add3A_438 = arith.addf %add3A_429, %get3A_437 : vector<16xf32>
      %mul3A_439 = arith.constant 16 : i32
      %mul3A_440 = arith.muli %scan3A_30, %mul3A_439 : i32
      %add3A_441 = arith.constant 13 : i32
      %add3A_442 = arith.addi %mul3A_440, %add3A_441 : i32
      %get3A_443 = arith.index_cast %add3A_442 : i32 to index
      %get3A_444 = arith.constant 32 : index
      %get3A_445 = tpu.vector_load %arg6[%get3A_443, %get3A_444] {strides = array<i32>} : memref<512x128xf32, #tpu.memory_space<vmem>>, vector<1x16xf32>,
      %get3A_446 = vector.shape_cast %get3A_445 : vector<1x16xf32> to vector<16xf32>
      %add3A_447 = arith.addf %add3A_438, %get3A_446 : vector<16xf32>
      %mul3A_448 = arith.constant 16 : i32
      %mul3A_449 = arith.muli %scan3A_30, %mul3A_448 : i32
      %add3A_450 = arith.constant 14 : i32
      %add3A_451 = arith.addi %mul3A_449, %add3A_450 : i32
      %get3A_452 = arith.index_cast %add3A_451 : i32 to index
      %get3A_453 = arith.constant 32 : index
      %get3A_454 = tpu.vector_load %arg6[%get3A_452, %get3A_453] {strides = array<i32>} : memref<512x128xf32, #tpu.memory_space<vmem>>, vector<1x16xf32>,
      %get3A_455 = vector.shape_cast %get3A_454 : vector<1x16xf32> to vector<16xf32>
      %add3A_456 = arith.addf %add3A_447, %get3A_455 : vector<16xf32>
      %mul3A_457 = arith.constant 16 : i32
      %mul3A_458 = arith.muli %scan3A_30, %mul3A_457 : i32
      %add3A_459 = arith.constant 15 : i32
      %add3A_460 = arith.addi %mul3A_458, %add3A_459 : i32
      %get3A_461 = arith.index_cast %add3A_460 : i32 to index
      %get3A_462 = arith.constant 32 : index
      %get3A_463 = tpu.vector_load %arg6[%get3A_461, %get3A_462] {strides = array<i32>} : memref<512x128xf32, #tpu.memory_space<vmem>>, vector<1x16xf32>,
      %get3A_464 = vector.shape_cast %get3A_463 : vector<1x16xf32> to vector<16xf32>
      %add3A_465 = arith.addf %add3A_456, %get3A_464 : vector<16xf32>
      %add3A_466 = arith.constant 32 : i32
      %add3A_467 = arith.addi %add3A_466, %scan3A_30 : i32
      %swap3A_468 = arith.index_cast %add3A_467 : i32 to index
      %swap3A_469 = arith.constant 32 : index
      %swap3A_470 = tpu.vector_load %arg7[%swap3A_468, %swap3A_469] {strides = array<i32>} : memref<64x128xf32, #tpu.memory_space<vmem>>, vector<1x16xf32>,
      %swap3A_471 = vector.shape_cast %swap3A_470 : vector<1x16xf32> to vector<16xf32>
      %swap3A_472 = vector.shape_cast %add3A_465 : vector<16xf32> to vector<1x16xf32>
      tpu.vector_store %arg7[%swap3A_468, %swap3A_469], %swap3A_472 {strides = array<i32>} : memref<64x128xf32, #tpu.memory_space<vmem>>, vector<1x16xf32>,
      %mul3A_473 = arith.constant 16 : i32
      %mul3A_474 = arith.muli %scan3A_30, %mul3A_473 : i32
      %get3A_475 = arith.index_cast %mul3A_474 : i32 to index
      %get3A_476 = arith.constant 48 : index
      %get3A_477 = tpu.vector_load %arg6[%get3A_475, %get3A_476] {strides = array<i32>} : memref<512x128xf32, #tpu.memory_space<vmem>>, vector<1x16xf32>,
      %get3A_478 = vector.shape_cast %get3A_477 : vector<1x16xf32> to vector<16xf32>
      %mul3A_479 = arith.constant 16 : i32
      %mul3A_480 = arith.muli %scan3A_30, %mul3A_479 : i32
      %add3A_481 = arith.constant 1 : i32
      %add3A_482 = arith.addi %mul3A_480, %add3A_481 : i32
      %get3A_483 = arith.index_cast %add3A_482 : i32 to index
      %get3A_484 = arith.constant 48 : index
      %get3A_485 = tpu.vector_load %arg6[%get3A_483, %get3A_484] {strides = array<i32>} : memref<512x128xf32, #tpu.memory_space<vmem>>, vector<1x16xf32>,
      %get3A_486 = vector.shape_cast %get3A_485 : vector<1x16xf32> to vector<16xf32>
      %add3A_487 = arith.addf %get3A_478, %get3A_486 : vector<16xf32>
      %mul3A_488 = arith.constant 16 : i32
      %mul3A_489 = arith.muli %scan3A_30, %mul3A_488 : i32
      %add3A_490 = arith.constant 2 : i32
      %add3A_491 = arith.addi %mul3A_489, %add3A_490 : i32
      %get3A_492 = arith.index_cast %add3A_491 : i32 to index
      %get3A_493 = arith.constant 48 : index
      %get3A_494 = tpu.vector_load %arg6[%get3A_492, %get3A_493] {strides = array<i32>} : memref<512x128xf32, #tpu.memory_space<vmem>>, vector<1x16xf32>,
      %get3A_495 = vector.shape_cast %get3A_494 : vector<1x16xf32> to vector<16xf32>
      %add3A_496 = arith.addf %add3A_487, %get3A_495 : vector<16xf32>
      %mul3A_497 = arith.constant 16 : i32
      %mul3A_498 = arith.muli %scan3A_30, %mul3A_497 : i32
      %add3A_499 = arith.constant 3 : i32
      %add3A_500 = arith.addi %mul3A_498, %add3A_499 : i32
      %get3A_501 = arith.index_cast %add3A_500 : i32 to index
      %get3A_502 = arith.constant 48 : index
      %get3A_503 = tpu.vector_load %arg6[%get3A_501, %get3A_502] {strides = array<i32>} : memref<512x128xf32, #tpu.memory_space<vmem>>, vector<1x16xf32>,
      %get3A_504 = vector.shape_cast %get3A_503 : vector<1x16xf32> to vector<16xf32>
      %add3A_505 = arith.addf %add3A_496, %get3A_504 : vector<16xf32>
      %mul3A_506 = arith.constant 16 : i32
      %mul3A_507 = arith.muli %scan3A_30, %mul3A_506 : i32
      %add3A_508 = arith.constant 4 : i32
      %add3A_509 = arith.addi %mul3A_507, %add3A_508 : i32
      %get3A_510 = arith.index_cast %add3A_509 : i32 to index
      %get3A_511 = arith.constant 48 : index
      %get3A_512 = tpu.vector_load %arg6[%get3A_510, %get3A_511] {strides = array<i32>} : memref<512x128xf32, #tpu.memory_space<vmem>>, vector<1x16xf32>,
      %get3A_513 = vector.shape_cast %get3A_512 : vector<1x16xf32> to vector<16xf32>
      %add3A_514 = arith.addf %add3A_505, %get3A_513 : vector<16xf32>
      %mul3A_515 = arith.constant 16 : i32
      %mul3A_516 = arith.muli %scan3A_30, %mul3A_515 : i32
      %add3A_517 = arith.constant 5 : i32
      %add3A_518 = arith.addi %mul3A_516, %add3A_517 : i32
      %get3A_519 = arith.index_cast %add3A_518 : i32 to index
      %get3A_520 = arith.constant 48 : index
      %get3A_521 = tpu.vector_load %arg6[%get3A_519, %get3A_520] {strides = array<i32>} : memref<512x128xf32, #tpu.memory_space<vmem>>, vector<1x16xf32>,
      %get3A_522 = vector.shape_cast %get3A_521 : vector<1x16xf32> to vector<16xf32>
      %add3A_523 = arith.addf %add3A_514, %get3A_522 : vector<16xf32>
      %mul3A_524 = arith.constant 16 : i32
      %mul3A_525 = arith.muli %scan3A_30, %mul3A_524 : i32
      %add3A_526 = arith.constant 6 : i32
      %add3A_527 = arith.addi %mul3A_525, %add3A_526 : i32
      %get3A_528 = arith.index_cast %add3A_527 : i32 to index
      %get3A_529 = arith.constant 48 : index
      %get3A_530 = tpu.vector_load %arg6[%get3A_528, %get3A_529] {strides = array<i32>} : memref<512x128xf32, #tpu.memory_space<vmem>>, vector<1x16xf32>,
      %get3A_531 = vector.shape_cast %get3A_530 : vector<1x16xf32> to vector<16xf32>
      %add3A_532 = arith.addf %add3A_523, %get3A_531 : vector<16xf32>
      %mul3A_533 = arith.constant 16 : i32
      %mul3A_534 = arith.muli %scan3A_30, %mul3A_533 : i32
      %add3A_535 = arith.constant 7 : i32
      %add3A_536 = arith.addi %mul3A_534, %add3A_535 : i32
      %get3A_537 = arith.index_cast %add3A_536 : i32 to index
      %get3A_538 = arith.constant 48 : index
      %get3A_539 = tpu.vector_load %arg6[%get3A_537, %get3A_538] {strides = array<i32>} : memref<512x128xf32, #tpu.memory_space<vmem>>, vector<1x16xf32>,
      %get3A_540 = vector.shape_cast %get3A_539 : vector<1x16xf32> to vector<16xf32>
      %add3A_541 = arith.addf %add3A_532, %get3A_540 : vector<16xf32>
      %mul3A_542 = arith.constant 16 : i32
      %mul3A_543 = arith.muli %scan3A_30, %mul3A_542 : i32
      %add3A_544 = arith.constant 8 : i32
      %add3A_545 = arith.addi %mul3A_543, %add3A_544 : i32
      %get3A_546 = arith.index_cast %add3A_545 : i32 to index
      %get3A_547 = arith.constant 48 : index
      %get3A_548 = tpu.vector_load %arg6[%get3A_546, %get3A_547] {strides = array<i32>} : memref<512x128xf32, #tpu.memory_space<vmem>>, vector<1x16xf32>,
      %get3A_549 = vector.shape_cast %get3A_548 : vector<1x16xf32> to vector<16xf32>
      %add3A_550 = arith.addf %add3A_541, %get3A_549 : vector<16xf32>
      %mul3A_551 = arith.constant 16 : i32
      %mul3A_552 = arith.muli %scan3A_30, %mul3A_551 : i32
      %add3A_553 = arith.constant 9 : i32
      %add3A_554 = arith.addi %mul3A_552, %add3A_553 : i32
      %get3A_555 = arith.index_cast %add3A_554 : i32 to index
      %get3A_556 = arith.constant 48 : index
      %get3A_557 = tpu.vector_load %arg6[%get3A_555, %get3A_556] {strides = array<i32>} : memref<512x128xf32, #tpu.memory_space<vmem>>, vector<1x16xf32>,
      %get3A_558 = vector.shape_cast %get3A_557 : vector<1x16xf32> to vector<16xf32>
      %add3A_559 = arith.addf %add3A_550, %get3A_558 : vector<16xf32>
      %mul3A_560 = arith.constant 16 : i32
      %mul3A_561 = arith.muli %scan3A_30, %mul3A_560 : i32
      %add3A_562 = arith.constant 10 : i32
      %add3A_563 = arith.addi %mul3A_561, %add3A_562 : i32
      %get3A_564 = arith.index_cast %add3A_563 : i32 to index
      %get3A_565 = arith.constant 48 : index
      %get3A_566 = tpu.vector_load %arg6[%get3A_564, %get3A_565] {strides = array<i32>} : memref<512x128xf32, #tpu.memory_space<vmem>>, vector<1x16xf32>,
      %get3A_567 = vector.shape_cast %get3A_566 : vector<1x16xf32> to vector<16xf32>
      %add3A_568 = arith.addf %add3A_559, %get3A_567 : vector<16xf32>
      %mul3A_569 = arith.constant 16 : i32
      %mul3A_570 = arith.muli %scan3A_30, %mul3A_569 : i32
      %add3A_571 = arith.constant 11 : i32
      %add3A_572 = arith.addi %mul3A_570, %add3A_571 : i32
      %get3A_573 = arith.index_cast %add3A_572 : i32 to index
      %get3A_574 = arith.constant 48 : index
      %get3A_575 = tpu.vector_load %arg6[%get3A_573, %get3A_574] {strides = array<i32>} : memref<512x128xf32, #tpu.memory_space<vmem>>, vector<1x16xf32>,
      %get3A_576 = vector.shape_cast %get3A_575 : vector<1x16xf32> to vector<16xf32>
      %add3A_577 = arith.addf %add3A_568, %get3A_576 : vector<16xf32>
      %mul3A_578 = arith.constant 16 : i32
      %mul3A_579 = arith.muli %scan3A_30, %mul3A_578 : i32
      %add3A_580 = arith.constant 12 : i32
      %add3A_581 = arith.addi %mul3A_579, %add3A_580 : i32
      %get3A_582 = arith.index_cast %add3A_581 : i32 to index
      %get3A_583 = arith.constant 48 : index
      %get3A_584 = tpu.vector_load %arg6[%get3A_582, %get3A_583] {strides = array<i32>} : memref<512x128xf32, #tpu.memory_space<vmem>>, vector<1x16xf32>,
      %get3A_585 = vector.shape_cast %get3A_584 : vector<1x16xf32> to vector<16xf32>
      %add3A_586 = arith.addf %add3A_577, %get3A_585 : vector<16xf32>
      %mul3A_587 = arith.constant 16 : i32
      %mul3A_588 = arith.muli %scan3A_30, %mul3A_587 : i32
      %add3A_589 = arith.constant 13 : i32
      %add3A_590 = arith.addi %mul3A_588, %add3A_589 : i32
      %get3A_591 = arith.index_cast %add3A_590 : i32 to index
      %get3A_592 = arith.constant 48 : index
      %get3A_593 = tpu.vector_load %arg6[%get3A_591, %get3A_592] {strides = array<i32>} : memref<512x128xf32, #tpu.memory_space<vmem>>, vector<1x16xf32>,
      %get3A_594 = vector.shape_cast %get3A_593 : vector<1x16xf32> to vector<16xf32>
      %add3A_595 = arith.addf %add3A_586, %get3A_594 : vector<16xf32>
      %mul3A_596 = arith.constant 16 : i32
      %mul3A_597 = arith.muli %scan3A_30, %mul3A_596 : i32
      %add3A_598 = arith.constant 14 : i32
      %add3A_599 = arith.addi %mul3A_597, %add3A_598 : i32
      %get3A_600 = arith.index_cast %add3A_599 : i32 to index
      %get3A_601 = arith.constant 48 : index
      %get3A_602 = tpu.vector_load %arg6[%get3A_600, %get3A_601] {strides = array<i32>} : memref<512x128xf32, #tpu.memory_space<vmem>>, vector<1x16xf32>,
      %get3A_603 = vector.shape_cast %get3A_602 : vector<1x16xf32> to vector<16xf32>
      %add3A_604 = arith.addf %add3A_595, %get3A_603 : vector<16xf32>
      %mul3A_605 = arith.constant 16 : i32
      %mul3A_606 = arith.muli %scan3A_30, %mul3A_605 : i32
      %add3A_607 = arith.constant 15 : i32
      %add3A_608 = arith.addi %mul3A_606, %add3A_607 : i32
      %get3A_609 = arith.index_cast %add3A_608 : i32 to index
      %get3A_610 = arith.constant 48 : index
      %get3A_611 = tpu.vector_load %arg6[%get3A_609, %get3A_610] {strides = array<i32>} : memref<512x128xf32, #tpu.memory_space<vmem>>, vector<1x16xf32>,
      %get3A_612 = vector.shape_cast %get3A_611 : vector<1x16xf32> to vector<16xf32>
      %add3A_613 = arith.addf %add3A_604, %get3A_612 : vector<16xf32>
      %add3A_614 = arith.constant 32 : i32
      %add3A_615 = arith.addi %add3A_614, %scan3A_30 : i32
      %swap3A_616 = arith.index_cast %add3A_615 : i32 to index
      %swap3A_617 = arith.constant 48 : index
      %swap3A_618 = tpu.vector_load %arg7[%swap3A_616, %swap3A_617] {strides = array<i32>} : memref<64x128xf32, #tpu.memory_space<vmem>>, vector<1x16xf32>,
      %swap3A_619 = vector.shape_cast %swap3A_618 : vector<1x16xf32> to vector<16xf32>
      %swap3A_620 = vector.shape_cast %add3A_613 : vector<16xf32> to vector<1x16xf32>
      tpu.vector_store %arg7[%swap3A_616, %swap3A_617], %swap3A_620 {strides = array<i32>} : memref<64x128xf32, #tpu.memory_space<vmem>>, vector<1x16xf32>,
      %mul3A_621 = arith.constant 16 : i32
      %mul3A_622 = arith.muli %scan3A_30, %mul3A_621 : i32
      %get3A_623 = arith.index_cast %mul3A_622 : i32 to index
      %get3A_624 = arith.constant 64 : index
      %get3A_625 = tpu.vector_load %arg6[%get3A_623, %get3A_624] {strides = array<i32>} : memref<512x128xf32, #tpu.memory_space<vmem>>, vector<1x16xf32>,
      %get3A_626 = vector.shape_cast %get3A_625 : vector<1x16xf32> to vector<16xf32>
      %mul3A_627 = arith.constant 16 : i32
      %mul3A_628 = arith.muli %scan3A_30, %mul3A_627 : i32
      %add3A_629 = arith.constant 1 : i32
      %add3A_630 = arith.addi %mul3A_628, %add3A_629 : i32
      %get3A_631 = arith.index_cast %add3A_630 : i32 to index
      %get3A_632 = arith.constant 64 : index
      %get3A_633 = tpu.vector_load %arg6[%get3A_631, %get3A_632] {strides = array<i32>} : memref<512x128xf32, #tpu.memory_space<vmem>>, vector<1x16xf32>,
      %get3A_634 = vector.shape_cast %get3A_633 : vector<1x16xf32> to vector<16xf32>
      %add3A_635 = arith.addf %get3A_626, %get3A_634 : vector<16xf32>
      %mul3A_636 = arith.constant 16 : i32
      %mul3A_637 = arith.muli %scan3A_30, %mul3A_636 : i32
      %add3A_638 = arith.constant 2 : i32
      %add3A_639 = arith.addi %mul3A_637, %add3A_638 : i32
      %get3A_640 = arith.index_cast %add3A_639 : i32 to index
      %get3A_641 = arith.constant 64 : index
      %get3A_642 = tpu.vector_load %arg6[%get3A_640, %get3A_641] {strides = array<i32>} : memref<512x128xf32, #tpu.memory_space<vmem>>, vector<1x16xf32>,
      %get3A_643 = vector.shape_cast %get3A_642 : vector<1x16xf32> to vector<16xf32>
      %add3A_644 = arith.addf %add3A_635, %get3A_643 : vector<16xf32>
      %mul3A_645 = arith.constant 16 : i32
      %mul3A_646 = arith.muli %scan3A_30, %mul3A_645 : i32
      %add3A_647 = arith.constant 3 : i32
      %add3A_648 = arith.addi %mul3A_646, %add3A_647 : i32
      %get3A_649 = arith.index_cast %add3A_648 : i32 to index
      %get3A_650 = arith.constant 64 : index
      %get3A_651 = tpu.vector_load %arg6[%get3A_649, %get3A_650] {strides = array<i32>} : memref<512x128xf32, #tpu.memory_space<vmem>>, vector<1x16xf32>,
      %get3A_652 = vector.shape_cast %get3A_651 : vector<1x16xf32> to vector<16xf32>
      %add3A_653 = arith.addf %add3A_644, %get3A_652 : vector<16xf32>
      %mul3A_654 = arith.constant 16 : i32
      %mul3A_655 = arith.muli %scan3A_30, %mul3A_654 : i32
      %add3A_656 = arith.constant 4 : i32
      %add3A_657 = arith.addi %mul3A_655, %add3A_656 : i32
      %get3A_658 = arith.index_cast %add3A_657 : i32 to index
      %get3A_659 = arith.constant 64 : index
      %get3A_660 = tpu.vector_load %arg6[%get3A_658, %get3A_659] {strides = array<i32>} : memref<512x128xf32, #tpu.memory_space<vmem>>, vector<1x16xf32>,
      %get3A_661 = vector.shape_cast %get3A_660 : vector<1x16xf32> to vector<16xf32>
      %add3A_662 = arith.addf %add3A_653, %get3A_661 : vector<16xf32>
      %mul3A_663 = arith.constant 16 : i32
      %mul3A_664 = arith.muli %scan3A_30, %mul3A_663 : i32
      %add3A_665 = arith.constant 5 : i32
      %add3A_666 = arith.addi %mul3A_664, %add3A_665 : i32
      %get3A_667 = arith.index_cast %add3A_666 : i32 to index
      %get3A_668 = arith.constant 64 : index
      %get3A_669 = tpu.vector_load %arg6[%get3A_667, %get3A_668] {strides = array<i32>} : memref<512x128xf32, #tpu.memory_space<vmem>>, vector<1x16xf32>,
      %get3A_670 = vector.shape_cast %get3A_669 : vector<1x16xf32> to vector<16xf32>
      %add3A_671 = arith.addf %add3A_662, %get3A_670 : vector<16xf32>
      %mul3A_672 = arith.constant 16 : i32
      %mul3A_673 = arith.muli %scan3A_30, %mul3A_672 : i32
      %add3A_674 = arith.constant 6 : i32
      %add3A_675 = arith.addi %mul3A_673, %add3A_674 : i32
      %get3A_676 = arith.index_cast %add3A_675 : i32 to index
      %get3A_677 = arith.constant 64 : index
      %get3A_678 = tpu.vector_load %arg6[%get3A_676, %get3A_677] {strides = array<i32>} : memref<512x128xf32, #tpu.memory_space<vmem>>, vector<1x16xf32>,
      %get3A_679 = vector.shape_cast %get3A_678 : vector<1x16xf32> to vector<16xf32>
      %add3A_680 = arith.addf %add3A_671, %get3A_679 : vector<16xf32>
      %mul3A_681 = arith.constant 16 : i32
      %mul3A_682 = arith.muli %scan3A_30, %mul3A_681 : i32
      %add3A_683 = arith.constant 7 : i32
      %add3A_684 = arith.addi %mul3A_682, %add3A_683 : i32
      %get3A_685 = arith.index_cast %add3A_684 : i32 to index
      %get3A_686 = arith.constant 64 : index
      %get3A_687 = tpu.vector_load %arg6[%get3A_685, %get3A_686] {strides = array<i32>} : memref<512x128xf32, #tpu.memory_space<vmem>>, vector<1x16xf32>,
      %get3A_688 = vector.shape_cast %get3A_687 : vector<1x16xf32> to vector<16xf32>
      %add3A_689 = arith.addf %add3A_680, %get3A_688 : vector<16xf32>
      %mul3A_690 = arith.constant 16 : i32
      %mul3A_691 = arith.muli %scan3A_30, %mul3A_690 : i32
      %add3A_692 = arith.constant 8 : i32
      %add3A_693 = arith.addi %mul3A_691, %add3A_692 : i32
      %get3A_694 = arith.index_cast %add3A_693 : i32 to index
      %get3A_695 = arith.constant 64 : index
      %get3A_696 = tpu.vector_load %arg6[%get3A_694, %get3A_695] {strides = array<i32>} : memref<512x128xf32, #tpu.memory_space<vmem>>, vector<1x16xf32>,
      %get3A_697 = vector.shape_cast %get3A_696 : vector<1x16xf32> to vector<16xf32>
      %add3A_698 = arith.addf %add3A_689, %get3A_697 : vector<16xf32>
      %mul3A_699 = arith.constant 16 : i32
      %mul3A_700 = arith.muli %scan3A_30, %mul3A_699 : i32
      %add3A_701 = arith.constant 9 : i32
      %add3A_702 = arith.addi %mul3A_700, %add3A_701 : i32
      %get3A_703 = arith.index_cast %add3A_702 : i32 to index
      %get3A_704 = arith.constant 64 : index
      %get3A_705 = tpu.vector_load %arg6[%get3A_703, %get3A_704] {strides = array<i32>} : memref<512x128xf32, #tpu.memory_space<vmem>>, vector<1x16xf32>,
      %get3A_706 = vector.shape_cast %get3A_705 : vector<1x16xf32> to vector<16xf32>
      %add3A_707 = arith.addf %add3A_698, %get3A_706 : vector<16xf32>
      %mul3A_708 = arith.constant 16 : i32
      %mul3A_709 = arith.muli %scan3A_30, %mul3A_708 : i32
      %add3A_710 = arith.constant 10 : i32
      %add3A_711 = arith.addi %mul3A_709, %add3A_710 : i32
      %get3A_712 = arith.index_cast %add3A_711 : i32 to index
      %get3A_713 = arith.constant 64 : index
      %get3A_714 = tpu.vector_load %arg6[%get3A_712, %get3A_713] {strides = array<i32>} : memref<512x128xf32, #tpu.memory_space<vmem>>, vector<1x16xf32>,
      %get3A_715 = vector.shape_cast %get3A_714 : vector<1x16xf32> to vector<16xf32>
      %add3A_716 = arith.addf %add3A_707, %get3A_715 : vector<16xf32>
      %mul3A_717 = arith.constant 16 : i32
      %mul3A_718 = arith.muli %scan3A_30, %mul3A_717 : i32
      %add3A_719 = arith.constant 11 : i32
      %add3A_720 = arith.addi %mul3A_718, %add3A_719 : i32
      %get3A_721 = arith.index_cast %add3A_720 : i32 to index
      %get3A_722 = arith.constant 64 : index
      %get3A_723 = tpu.vector_load %arg6[%get3A_721, %get3A_722] {strides = array<i32>} : memref<512x128xf32, #tpu.memory_space<vmem>>, vector<1x16xf32>,
      %get3A_724 = vector.shape_cast %get3A_723 : vector<1x16xf32> to vector<16xf32>
      %add3A_725 = arith.addf %add3A_716, %get3A_724 : vector<16xf32>
      %mul3A_726 = arith.constant 16 : i32
      %mul3A_727 = arith.muli %scan3A_30, %mul3A_726 : i32
      %add3A_728 = arith.constant 12 : i32
      %add3A_729 = arith.addi %mul3A_727, %add3A_728 : i32
      %get3A_730 = arith.index_cast %add3A_729 : i32 to index
      %get3A_731 = arith.constant 64 : index
      %get3A_732 = tpu.vector_load %arg6[%get3A_730, %get3A_731] {strides = array<i32>} : memref<512x128xf32, #tpu.memory_space<vmem>>, vector<1x16xf32>,
      %get3A_733 = vector.shape_cast %get3A_732 : vector<1x16xf32> to vector<16xf32>
      %add3A_734 = arith.addf %add3A_725, %get3A_733 : vector<16xf32>
      %mul3A_735 = arith.constant 16 : i32
      %mul3A_736 = arith.muli %scan3A_30, %mul3A_735 : i32
      %add3A_737 = arith.constant 13 : i32
      %add3A_738 = arith.addi %mul3A_736, %add3A_737 : i32
      %get3A_739 = arith.index_cast %add3A_738 : i32 to index
      %get3A_740 = arith.constant 64 : index
      %get3A_741 = tpu.vector_load %arg6[%get3A_739, %get3A_740] {strides = array<i32>} : memref<512x128xf32, #tpu.memory_space<vmem>>, vector<1x16xf32>,
      %get3A_742 = vector.shape_cast %get3A_741 : vector<1x16xf32> to vector<16xf32>
      %add3A_743 = arith.addf %add3A_734, %get3A_742 : vector<16xf32>
      %mul3A_744 = arith.constant 16 : i32
      %mul3A_745 = arith.muli %scan3A_30, %mul3A_744 : i32
      %add3A_746 = arith.constant 14 : i32
      %add3A_747 = arith.addi %mul3A_745, %add3A_746 : i32
      %get3A_748 = arith.index_cast %add3A_747 : i32 to index
      %get3A_749 = arith.constant 64 : index
      %get3A_750 = tpu.vector_load %arg6[%get3A_748, %get3A_749] {strides = array<i32>} : memref<512x128xf32, #tpu.memory_space<vmem>>, vector<1x16xf32>,
      %get3A_751 = vector.shape_cast %get3A_750 : vector<1x16xf32> to vector<16xf32>
      %add3A_752 = arith.addf %add3A_743, %get3A_751 : vector<16xf32>
      %mul3A_753 = arith.constant 16 : i32
      %mul3A_754 = arith.muli %scan3A_30, %mul3A_753 : i32
      %add3A_755 = arith.constant 15 : i32
      %add3A_756 = arith.addi %mul3A_754, %add3A_755 : i32
      %get3A_757 = arith.index_cast %add3A_756 : i32 to index
      %get3A_758 = arith.constant 64 : index
      %get3A_759 = tpu.vector_load %arg6[%get3A_757, %get3A_758] {strides = array<i32>} : memref<512x128xf32, #tpu.memory_space<vmem>>, vector<1x16xf32>,
      %get3A_760 = vector.shape_cast %get3A_759 : vector<1x16xf32> to vector<16xf32>
      %add3A_761 = arith.addf %add3A_752, %get3A_760 : vector<16xf32>
      %add3A_762 = arith.constant 32 : i32
      %add3A_763 = arith.addi %add3A_762, %scan3A_30 : i32
      %swap3A_764 = arith.index_cast %add3A_763 : i32 to index
      %swap3A_765 = arith.constant 64 : index
      %swap3A_766 = tpu.vector_load %arg7[%swap3A_764, %swap3A_765] {strides = array<i32>} : memref<64x128xf32, #tpu.memory_space<vmem>>, vector<1x16xf32>,
      %swap3A_767 = vector.shape_cast %swap3A_766 : vector<1x16xf32> to vector<16xf32>
      %swap3A_768 = vector.shape_cast %add3A_761 : vector<16xf32> to vector<1x16xf32>
      tpu.vector_store %arg7[%swap3A_764, %swap3A_765], %swap3A_768 {strides = array<i32>} : memref<64x128xf32, #tpu.memory_space<vmem>>, vector<1x16xf32>,
      %mul3A_769 = arith.constant 16 : i32
      %mul3A_770 = arith.muli %scan3A_30, %mul3A_769 : i32
      %get3A_771 = arith.index_cast %mul3A_770 : i32 to index
      %get3A_772 = arith.constant 80 : index
      %get3A_773 = tpu.vector_load %arg6[%get3A_771, %get3A_772] {strides = array<i32>} : memref<512x128xf32, #tpu.memory_space<vmem>>, vector<1x16xf32>,
      %get3A_774 = vector.shape_cast %get3A_773 : vector<1x16xf32> to vector<16xf32>
      %mul3A_775 = arith.constant 16 : i32
      %mul3A_776 = arith.muli %scan3A_30, %mul3A_775 : i32
      %add3A_777 = arith.constant 1 : i32
      %add3A_778 = arith.addi %mul3A_776, %add3A_777 : i32
      %get3A_779 = arith.index_cast %add3A_778 : i32 to index
      %get3A_780 = arith.constant 80 : index
      %get3A_781 = tpu.vector_load %arg6[%get3A_779, %get3A_780] {strides = array<i32>} : memref<512x128xf32, #tpu.memory_space<vmem>>, vector<1x16xf32>,
      %get3A_782 = vector.shape_cast %get3A_781 : vector<1x16xf32> to vector<16xf32>
      %add3A_783 = arith.addf %get3A_774, %get3A_782 : vector<16xf32>
      %mul3A_784 = arith.constant 16 : i32
      %mul3A_785 = arith.muli %scan3A_30, %mul3A_784 : i32
      %add3A_786 = arith.constant 2 : i32
      %add3A_787 = arith.addi %mul3A_785, %add3A_786 : i32
      %get3A_788 = arith.index_cast %add3A_787 : i32 to index
      %get3A_789 = arith.constant 80 : index
      %get3A_790 = tpu.vector_load %arg6[%get3A_788, %get3A_789] {strides = array<i32>} : memref<512x128xf32, #tpu.memory_space<vmem>>, vector<1x16xf32>,
      %get3A_791 = vector.shape_cast %get3A_790 : vector<1x16xf32> to vector<16xf32>
      %add3A_792 = arith.addf %add3A_783, %get3A_791 : vector<16xf32>
      %mul3A_793 = arith.constant 16 : i32
      %mul3A_794 = arith.muli %scan3A_30, %mul3A_793 : i32
      %add3A_795 = arith.constant 3 : i32
      %add3A_796 = arith.addi %mul3A_794, %add3A_795 : i32
      %get3A_797 = arith.index_cast %add3A_796 : i32 to index
      %get3A_798 = arith.constant 80 : index
      %get3A_799 = tpu.vector_load %arg6[%get3A_797, %get3A_798] {strides = array<i32>} : memref<512x128xf32, #tpu.memory_space<vmem>>, vector<1x16xf32>,
      %get3A_800 = vector.shape_cast %get3A_799 : vector<1x16xf32> to vector<16xf32>
      %add3A_801 = arith.addf %add3A_792, %get3A_800 : vector<16xf32>
      %mul3A_802 = arith.constant 16 : i32
      %mul3A_803 = arith.muli %scan3A_30, %mul3A_802 : i32
      %add3A_804 = arith.constant 4 : i32
      %add3A_805 = arith.addi %mul3A_803, %add3A_804 : i32
      %get3A_806 = arith.index_cast %add3A_805 : i32 to index
      %get3A_807 = arith.constant 80 : index
      %get3A_808 = tpu.vector_load %arg6[%get3A_806, %get3A_807] {strides = array<i32>} : memref<512x128xf32, #tpu.memory_space<vmem>>, vector<1x16xf32>,
      %get3A_809 = vector.shape_cast %get3A_808 : vector<1x16xf32> to vector<16xf32>
      %add3A_810 = arith.addf %add3A_801, %get3A_809 : vector<16xf32>
      %mul3A_811 = arith.constant 16 : i32
      %mul3A_812 = arith.muli %scan3A_30, %mul3A_811 : i32
      %add3A_813 = arith.constant 5 : i32
      %add3A_814 = arith.addi %mul3A_812, %add3A_813 : i32
      %get3A_815 = arith.index_cast %add3A_814 : i32 to index
      %get3A_816 = arith.constant 80 : index
      %get3A_817 = tpu.vector_load %arg6[%get3A_815, %get3A_816] {strides = array<i32>} : memref<512x128xf32, #tpu.memory_space<vmem>>, vector<1x16xf32>,
      %get3A_818 = vector.shape_cast %get3A_817 : vector<1x16xf32> to vector<16xf32>
      %add3A_819 = arith.addf %add3A_810, %get3A_818 : vector<16xf32>
      %mul3A_820 = arith.constant 16 : i32
      %mul3A_821 = arith.muli %scan3A_30, %mul3A_820 : i32
      %add3A_822 = arith.constant 6 : i32
      %add3A_823 = arith.addi %mul3A_821, %add3A_822 : i32
      %get3A_824 = arith.index_cast %add3A_823 : i32 to index
      %get3A_825 = arith.constant 80 : index
      %get3A_826 = tpu.vector_load %arg6[%get3A_824, %get3A_825] {strides = array<i32>} : memref<512x128xf32, #tpu.memory_space<vmem>>, vector<1x16xf32>,
      %get3A_827 = vector.shape_cast %get3A_826 : vector<1x16xf32> to vector<16xf32>
      %add3A_828 = arith.addf %add3A_819, %get3A_827 : vector<16xf32>
      %mul3A_829 = arith.constant 16 : i32
      %mul3A_830 = arith.muli %scan3A_30, %mul3A_829 : i32
      %add3A_831 = arith.constant 7 : i32
      %add3A_832 = arith.addi %mul3A_830, %add3A_831 : i32
      %get3A_833 = arith.index_cast %add3A_832 : i32 to index
      %get3A_834 = arith.constant 80 : index
      %get3A_835 = tpu.vector_load %arg6[%get3A_833, %get3A_834] {strides = array<i32>} : memref<512x128xf32, #tpu.memory_space<vmem>>, vector<1x16xf32>,
      %get3A_836 = vector.shape_cast %get3A_835 : vector<1x16xf32> to vector<16xf32>
      %add3A_837 = arith.addf %add3A_828, %get3A_836 : vector<16xf32>
      %mul3A_838 = arith.constant 16 : i32
      %mul3A_839 = arith.muli %scan3A_30, %mul3A_838 : i32
      %add3A_840 = arith.constant 8 : i32
      %add3A_841 = arith.addi %mul3A_839, %add3A_840 : i32
      %get3A_842 = arith.index_cast %add3A_841 : i32 to index
      %get3A_843 = arith.constant 80 : index
      %get3A_844 = tpu.vector_load %arg6[%get3A_842, %get3A_843] {strides = array<i32>} : memref<512x128xf32, #tpu.memory_space<vmem>>, vector<1x16xf32>,
      %get3A_845 = vector.shape_cast %get3A_844 : vector<1x16xf32> to vector<16xf32>
      %add3A_846 = arith.addf %add3A_837, %get3A_845 : vector<16xf32>
      %mul3A_847 = arith.constant 16 : i32
      %mul3A_848 = arith.muli %scan3A_30, %mul3A_847 : i32
      %add3A_849 = arith.constant 9 : i32
      %add3A_850 = arith.addi %mul3A_848, %add3A_849 : i32
      %get3A_851 = arith.index_cast %add3A_850 : i32 to index
      %get3A_852 = arith.constant 80 : index
      %get3A_853 = tpu.vector_load %arg6[%get3A_851, %get3A_852] {strides = array<i32>} : memref<512x128xf32, #tpu.memory_space<vmem>>, vector<1x16xf32>,
      %get3A_854 = vector.shape_cast %get3A_853 : vector<1x16xf32> to vector<16xf32>
      %add3A_855 = arith.addf %add3A_846, %get3A_854 : vector<16xf32>
      %mul3A_856 = arith.constant 16 : i32
      %mul3A_857 = arith.muli %scan3A_30, %mul3A_856 : i32
      %add3A_858 = arith.constant 10 : i32
      %add3A_859 = arith.addi %mul3A_857, %add3A_858 : i32
      %get3A_860 = arith.index_cast %add3A_859 : i32 to index
      %get3A_861 = arith.constant 80 : index
      %get3A_862 = tpu.vector_load %arg6[%get3A_860, %get3A_861] {strides = array<i32>} : memref<512x128xf32, #tpu.memory_space<vmem>>, vector<1x16xf32>,
      %get3A_863 = vector.shape_cast %get3A_862 : vector<1x16xf32> to vector<16xf32>
      %add3A_864 = arith.addf %add3A_855, %get3A_863 : vector<16xf32>
      %mul3A_865 = arith.constant 16 : i32
      %mul3A_866 = arith.muli %scan3A_30, %mul3A_865 : i32
      %add3A_867 = arith.constant 11 : i32
      %add3A_868 = arith.addi %mul3A_866, %add3A_867 : i32
      %get3A_869 = arith.index_cast %add3A_868 : i32 to index
      %get3A_870 = arith.constant 80 : index
      %get3A_871 = tpu.vector_load %arg6[%get3A_869, %get3A_870] {strides = array<i32>} : memref<512x128xf32, #tpu.memory_space<vmem>>, vector<1x16xf32>,
      %get3A_872 = vector.shape_cast %get3A_871 : vector<1x16xf32> to vector<16xf32>
      %add3A_873 = arith.addf %add3A_864, %get3A_872 : vector<16xf32>
      %mul3A_874 = arith.constant 16 : i32
      %mul3A_875 = arith.muli %scan3A_30, %mul3A_874 : i32
      %add3A_876 = arith.constant 12 : i32
      %add3A_877 = arith.addi %mul3A_875, %add3A_876 : i32
      %get3A_878 = arith.index_cast %add3A_877 : i32 to index
      %get3A_879 = arith.constant 80 : index
      %get3A_880 = tpu.vector_load %arg6[%get3A_878, %get3A_879] {strides = array<i32>} : memref<512x128xf32, #tpu.memory_space<vmem>>, vector<1x16xf32>,
      %get3A_881 = vector.shape_cast %get3A_880 : vector<1x16xf32> to vector<16xf32>
      %add3A_882 = arith.addf %add3A_873, %get3A_881 : vector<16xf32>
      %mul3A_883 = arith.constant 16 : i32
      %mul3A_884 = arith.muli %scan3A_30, %mul3A_883 : i32
      %add3A_885 = arith.constant 13 : i32
      %add3A_886 = arith.addi %mul3A_884, %add3A_885 : i32
      %get3A_887 = arith.index_cast %add3A_886 : i32 to index
      %get3A_888 = arith.constant 80 : index
      %get3A_889 = tpu.vector_load %arg6[%get3A_887, %get3A_888] {strides = array<i32>} : memref<512x128xf32, #tpu.memory_space<vmem>>, vector<1x16xf32>,
      %get3A_890 = vector.shape_cast %get3A_889 : vector<1x16xf32> to vector<16xf32>
      %add3A_891 = arith.addf %add3A_882, %get3A_890 : vector<16xf32>
      %mul3A_892 = arith.constant 16 : i32
      %mul3A_893 = arith.muli %scan3A_30, %mul3A_892 : i32
      %add3A_894 = arith.constant 14 : i32
      %add3A_895 = arith.addi %mul3A_893, %add3A_894 : i32
      %get3A_896 = arith.index_cast %add3A_895 : i32 to index
      %get3A_897 = arith.constant 80 : index
      %get3A_898 = tpu.vector_load %arg6[%get3A_896, %get3A_897] {strides = array<i32>} : memref<512x128xf32, #tpu.memory_space<vmem>>, vector<1x16xf32>,
      %get3A_899 = vector.shape_cast %get3A_898 : vector<1x16xf32> to vector<16xf32>
      %add3A_900 = arith.addf %add3A_891, %get3A_899 : vector<16xf32>
      %mul3A_901 = arith.constant 16 : i32
      %mul3A_902 = arith.muli %scan3A_30, %mul3A_901 : i32
      %add3A_903 = arith.constant 15 : i32
      %add3A_904 = arith.addi %mul3A_902, %add3A_903 : i32
      %get3A_905 = arith.index_cast %add3A_904 : i32 to index
      %get3A_906 = arith.constant 80 : index
      %get3A_907 = tpu.vector_load %arg6[%get3A_905, %get3A_906] {strides = array<i32>} : memref<512x128xf32, #tpu.memory_space<vmem>>, vector<1x16xf32>,
      %get3A_908 = vector.shape_cast %get3A_907 : vector<1x16xf32> to vector<16xf32>
      %add3A_909 = arith.addf %add3A_900, %get3A_908 : vector<16xf32>
      %add3A_910 = arith.constant 32 : i32
      %add3A_911 = arith.addi %add3A_910, %scan3A_30 : i32
      %swap3A_912 = arith.index_cast %add3A_911 : i32 to index
      %swap3A_913 = arith.constant 80 : index
      %swap3A_914 = tpu.vector_load %arg7[%swap3A_912, %swap3A_913] {strides = array<i32>} : memref<64x128xf32, #tpu.memory_space<vmem>>, vector<1x16xf32>,
      %swap3A_915 = vector.shape_cast %swap3A_914 : vector<1x16xf32> to vector<16xf32>
      %swap3A_916 = vector.shape_cast %add3A_909 : vector<16xf32> to vector<1x16xf32>
      tpu.vector_store %arg7[%swap3A_912, %swap3A_913], %swap3A_916 {strides = array<i32>} : memref<64x128xf32, #tpu.memory_space<vmem>>, vector<1x16xf32>,
      %mul3A_917 = arith.constant 16 : i32
      %mul3A_918 = arith.muli %scan3A_30, %mul3A_917 : i32
      %get3A_919 = arith.index_cast %mul3A_918 : i32 to index
      %get3A_920 = arith.constant 96 : index
      %get3A_921 = tpu.vector_load %arg6[%get3A_919, %get3A_920] {strides = array<i32>} : memref<512x128xf32, #tpu.memory_space<vmem>>, vector<1x16xf32>,
      %get3A_922 = vector.shape_cast %get3A_921 : vector<1x16xf32> to vector<16xf32>
      %mul3A_923 = arith.constant 16 : i32
      %mul3A_924 = arith.muli %scan3A_30, %mul3A_923 : i32
      %add3A_925 = arith.constant 1 : i32
      %add3A_926 = arith.addi %mul3A_924, %add3A_925 : i32
      %get3A_927 = arith.index_cast %add3A_926 : i32 to index
      %get3A_928 = arith.constant 96 : index
      %get3A_929 = tpu.vector_load %arg6[%get3A_927, %get3A_928] {strides = array<i32>} : memref<512x128xf32, #tpu.memory_space<vmem>>, vector<1x16xf32>,
      %get3A_930 = vector.shape_cast %get3A_929 : vector<1x16xf32> to vector<16xf32>
      %add3A_931 = arith.addf %get3A_922, %get3A_930 : vector<16xf32>
      %mul3A_932 = arith.constant 16 : i32
      %mul3A_933 = arith.muli %scan3A_30, %mul3A_932 : i32
      %add3A_934 = arith.constant 2 : i32
      %add3A_935 = arith.addi %mul3A_933, %add3A_934 : i32
      %get3A_936 = arith.index_cast %add3A_935 : i32 to index
      %get3A_937 = arith.constant 96 : index
      %get3A_938 = tpu.vector_load %arg6[%get3A_936, %get3A_937] {strides = array<i32>} : memref<512x128xf32, #tpu.memory_space<vmem>>, vector<1x16xf32>,
      %get3A_939 = vector.shape_cast %get3A_938 : vector<1x16xf32> to vector<16xf32>
      %add3A_940 = arith.addf %add3A_931, %get3A_939 : vector<16xf32>
      %mul3A_941 = arith.constant 16 : i32
      %mul3A_942 = arith.muli %scan3A_30, %mul3A_941 : i32
      %add3A_943 = arith.constant 3 : i32
      %add3A_944 = arith.addi %mul3A_942, %add3A_943 : i32
      %get3A_945 = arith.index_cast %add3A_944 : i32 to index
      %get3A_946 = arith.constant 96 : index
      %get3A_947 = tpu.vector_load %arg6[%get3A_945, %get3A_946] {strides = array<i32>} : memref<512x128xf32, #tpu.memory_space<vmem>>, vector<1x16xf32>,
      %get3A_948 = vector.shape_cast %get3A_947 : vector<1x16xf32> to vector<16xf32>
      %add3A_949 = arith.addf %add3A_940, %get3A_948 : vector<16xf32>
      %mul3A_950 = arith.constant 16 : i32
      %mul3A_951 = arith.muli %scan3A_30, %mul3A_950 : i32
      %add3A_952 = arith.constant 4 : i32
      %add3A_953 = arith.addi %mul3A_951, %add3A_952 : i32
      %get3A_954 = arith.index_cast %add3A_953 : i32 to index
      %get3A_955 = arith.constant 96 : index
      %get3A_956 = tpu.vector_load %arg6[%get3A_954, %get3A_955] {strides = array<i32>} : memref<512x128xf32, #tpu.memory_space<vmem>>, vector<1x16xf32>,
      %get3A_957 = vector.shape_cast %get3A_956 : vector<1x16xf32> to vector<16xf32>
      %add3A_958 = arith.addf %add3A_949, %get3A_957 : vector<16xf32>
      %mul3A_959 = arith.constant 16 : i32
      %mul3A_960 = arith.muli %scan3A_30, %mul3A_959 : i32
      %add3A_961 = arith.constant 5 : i32
      %add3A_962 = arith.addi %mul3A_960, %add3A_961 : i32
      %get3A_963 = arith.index_cast %add3A_962 : i32 to index
      %get3A_964 = arith.constant 96 : index
      %get3A_965 = tpu.vector_load %arg6[%get3A_963, %get3A_964] {strides = array<i32>} : memref<512x128xf32, #tpu.memory_space<vmem>>, vector<1x16xf32>,
      %get3A_966 = vector.shape_cast %get3A_965 : vector<1x16xf32> to vector<16xf32>
      %add3A_967 = arith.addf %add3A_958, %get3A_966 : vector<16xf32>
      %mul3A_968 = arith.constant 16 : i32
      %mul3A_969 = arith.muli %scan3A_30, %mul3A_968 : i32
      %add3A_970 = arith.constant 6 : i32
      %add3A_971 = arith.addi %mul3A_969, %add3A_970 : i32
      %get3A_972 = arith.index_cast %add3A_971 : i32 to index
      %get3A_973 = arith.constant 96 : index
      %get3A_974 = tpu.vector_load %arg6[%get3A_972, %get3A_973] {strides = array<i32>} : memref<512x128xf32, #tpu.memory_space<vmem>>, vector<1x16xf32>,
      %get3A_975 = vector.shape_cast %get3A_974 : vector<1x16xf32> to vector<16xf32>
      %add3A_976 = arith.addf %add3A_967, %get3A_975 : vector<16xf32>
      %mul3A_977 = arith.constant 16 : i32
      %mul3A_978 = arith.muli %scan3A_30, %mul3A_977 : i32
      %add3A_979 = arith.constant 7 : i32
      %add3A_980 = arith.addi %mul3A_978, %add3A_979 : i32
      %get3A_981 = arith.index_cast %add3A_980 : i32 to index
      %get3A_982 = arith.constant 96 : index
      %get3A_983 = tpu.vector_load %arg6[%get3A_981, %get3A_982] {strides = array<i32>} : memref<512x128xf32, #tpu.memory_space<vmem>>, vector<1x16xf32>,
      %get3A_984 = vector.shape_cast %get3A_983 : vector<1x16xf32> to vector<16xf32>
      %add3A_985 = arith.addf %add3A_976, %get3A_984 : vector<16xf32>
      %mul3A_986 = arith.constant 16 : i32
      %mul3A_987 = arith.muli %scan3A_30, %mul3A_986 : i32
      %add3A_988 = arith.constant 8 : i32
      %add3A_989 = arith.addi %mul3A_987, %add3A_988 : i32
      %get3A_990 = arith.index_cast %add3A_989 : i32 to index
      %get3A_991 = arith.constant 96 : index
      %get3A_992 = tpu.vector_load %arg6[%get3A_990, %get3A_991] {strides = array<i32>} : memref<512x128xf32, #tpu.memory_space<vmem>>, vector<1x16xf32>,
      %get3A_993 = vector.shape_cast %get3A_992 : vector<1x16xf32> to vector<16xf32>
      %add3A_994 = arith.addf %add3A_985, %get3A_993 : vector<16xf32>
      %mul3A_995 = arith.constant 16 : i32
      %mul3A_996 = arith.muli %scan3A_30, %mul3A_995 : i32
      %add3A_997 = arith.constant 9 : i32
      %add3A_998 = arith.addi %mul3A_996, %add3A_997 : i32
      %get3A_999 = arith.index_cast %add3A_998 : i32 to index
      %get3A_1000 = arith.constant 96 : index
      %get3A_1001 = tpu.vector_load %arg6[%get3A_999, %get3A_1000] {strides = array<i32>} : memref<512x128xf32, #tpu.memory_space<vmem>>, vector<1x16xf32>,
      %get3A_1002 = vector.shape_cast %get3A_1001 : vector<1x16xf32> to vector<16xf32>
      %add3A_1003 = arith.addf %add3A_994, %get3A_1002 : vector<16xf32>
      %mul3A_1004 = arith.constant 16 : i32
      %mul3A_1005 = arith.muli %scan3A_30, %mul3A_1004 : i32
      %add3A_1006 = arith.constant 10 : i32
      %add3A_1007 = arith.addi %mul3A_1005, %add3A_1006 : i32
      %get3A_1008 = arith.index_cast %add3A_1007 : i32 to index
      %get3A_1009 = arith.constant 96 : index
      %get3A_1010 = tpu.vector_load %arg6[%get3A_1008, %get3A_1009] {strides = array<i32>} : memref<512x128xf32, #tpu.memory_space<vmem>>, vector<1x16xf32>,
      %get3A_1011 = vector.shape_cast %get3A_1010 : vector<1x16xf32> to vector<16xf32>
      %add3A_1012 = arith.addf %add3A_1003, %get3A_1011 : vector<16xf32>
      %mul3A_1013 = arith.constant 16 : i32
      %mul3A_1014 = arith.muli %scan3A_30, %mul3A_1013 : i32
      %add3A_1015 = arith.constant 11 : i32
      %add3A_1016 = arith.addi %mul3A_1014, %add3A_1015 : i32
      %get3A_1017 = arith.index_cast %add3A_1016 : i32 to index
      %get3A_1018 = arith.constant 96 : index
      %get3A_1019 = tpu.vector_load %arg6[%get3A_1017, %get3A_1018] {strides = array<i32>} : memref<512x128xf32, #tpu.memory_space<vmem>>, vector<1x16xf32>,
      %get3A_1020 = vector.shape_cast %get3A_1019 : vector<1x16xf32> to vector<16xf32>
      %add3A_1021 = arith.addf %add3A_1012, %get3A_1020 : vector<16xf32>
      %mul3A_1022 = arith.constant 16 : i32
      %mul3A_1023 = arith.muli %scan3A_30, %mul3A_1022 : i32
      %add3A_1024 = arith.constant 12 : i32
      %add3A_1025 = arith.addi %mul3A_1023, %add3A_1024 : i32
      %get3A_1026 = arith.index_cast %add3A_1025 : i32 to index
      %get3A_1027 = arith.constant 96 : index
      %get3A_1028 = tpu.vector_load %arg6[%get3A_1026, %get3A_1027] {strides = array<i32>} : memref<512x128xf32, #tpu.memory_space<vmem>>, vector<1x16xf32>,
      %get3A_1029 = vector.shape_cast %get3A_1028 : vector<1x16xf32> to vector<16xf32>
      %add3A_1030 = arith.addf %add3A_1021, %get3A_1029 : vector<16xf32>
      %mul3A_1031 = arith.constant 16 : i32
      %mul3A_1032 = arith.muli %scan3A_30, %mul3A_1031 : i32
      %add3A_1033 = arith.constant 13 : i32
      %add3A_1034 = arith.addi %mul3A_1032, %add3A_1033 : i32
      %get3A_1035 = arith.index_cast %add3A_1034 : i32 to index
      %get3A_1036 = arith.constant 96 : index
      %get3A_1037 = tpu.vector_load %arg6[%get3A_1035, %get3A_1036] {strides = array<i32>} : memref<512x128xf32, #tpu.memory_space<vmem>>, vector<1x16xf32>,
      %get3A_1038 = vector.shape_cast %get3A_1037 : vector<1x16xf32> to vector<16xf32>
      %add3A_1039 = arith.addf %add3A_1030, %get3A_1038 : vector<16xf32>
      %mul3A_1040 = arith.constant 16 : i32
      %mul3A_1041 = arith.muli %scan3A_30, %mul3A_1040 : i32
      %add3A_1042 = arith.constant 14 : i32
      %add3A_1043 = arith.addi %mul3A_1041, %add3A_1042 : i32
      %get3A_1044 = arith.index_cast %add3A_1043 : i32 to index
      %get3A_1045 = arith.constant 96 : index
      %get3A_1046 = tpu.vector_load %arg6[%get3A_1044, %get3A_1045] {strides = array<i32>} : memref<512x128xf32, #tpu.memory_space<vmem>>, vector<1x16xf32>,
      %get3A_1047 = vector.shape_cast %get3A_1046 : vector<1x16xf32> to vector<16xf32>
      %add3A_1048 = arith.addf %add3A_1039, %get3A_1047 : vector<16xf32>
      %mul3A_1049 = arith.constant 16 : i32
      %mul3A_1050 = arith.muli %scan3A_30, %mul3A_1049 : i32
      %add3A_1051 = arith.constant 15 : i32
      %add3A_1052 = arith.addi %mul3A_1050, %add3A_1051 : i32
      %get3A_1053 = arith.index_cast %add3A_1052 : i32 to index
      %get3A_1054 = arith.constant 96 : index
      %get3A_1055 = tpu.vector_load %arg6[%get3A_1053, %get3A_1054] {strides = array<i32>} : memref<512x128xf32, #tpu.memory_space<vmem>>, vector<1x16xf32>,
      %get3A_1056 = vector.shape_cast %get3A_1055 : vector<1x16xf32> to vector<16xf32>
      %add3A_1057 = arith.addf %add3A_1048, %get3A_1056 : vector<16xf32>
      %add3A_1058 = arith.constant 32 : i32
      %add3A_1059 = arith.addi %add3A_1058, %scan3A_30 : i32
      %swap3A_1060 = arith.index_cast %add3A_1059 : i32 to index
      %swap3A_1061 = arith.constant 96 : index
      %swap3A_1062 = tpu.vector_load %arg7[%swap3A_1060, %swap3A_1061] {strides = array<i32>} : memref<64x128xf32, #tpu.memory_space<vmem>>, vector<1x16xf32>,
      %swap3A_1063 = vector.shape_cast %swap3A_1062 : vector<1x16xf32> to vector<16xf32>
      %swap3A_1064 = vector.shape_cast %add3A_1057 : vector<16xf32> to vector<1x16xf32>
      tpu.vector_store %arg7[%swap3A_1060, %swap3A_1061], %swap3A_1064 {strides = array<i32>} : memref<64x128xf32, #tpu.memory_space<vmem>>, vector<1x16xf32>,
      %mul3A_1065 = arith.constant 16 : i32
      %mul3A_1066 = arith.muli %scan3A_30, %mul3A_1065 : i32
      %get3A_1067 = arith.index_cast %mul3A_1066 : i32 to index
      %get3A_1068 = arith.constant 112 : index
      %get3A_1069 = tpu.vector_load %arg6[%get3A_1067, %get3A_1068] {strides = array<i32>} : memref<512x128xf32, #tpu.memory_space<vmem>>, vector<1x16xf32>,
      %get3A_1070 = vector.shape_cast %get3A_1069 : vector<1x16xf32> to vector<16xf32>
      %mul3A_1071 = arith.constant 16 : i32
      %mul3A_1072 = arith.muli %scan3A_30, %mul3A_1071 : i32
      %add3A_1073 = arith.constant 1 : i32
      %add3A_1074 = arith.addi %mul3A_1072, %add3A_1073 : i32
      %get3A_1075 = arith.index_cast %add3A_1074 : i32 to index
      %get3A_1076 = arith.constant 112 : index
      %get3A_1077 = tpu.vector_load %arg6[%get3A_1075, %get3A_1076] {strides = array<i32>} : memref<512x128xf32, #tpu.memory_space<vmem>>, vector<1x16xf32>,
      %get3A_1078 = vector.shape_cast %get3A_1077 : vector<1x16xf32> to vector<16xf32>
      %add3A_1079 = arith.addf %get3A_1070, %get3A_1078 : vector<16xf32>
      %mul3A_1080 = arith.constant 16 : i32
      %mul3A_1081 = arith.muli %scan3A_30, %mul3A_1080 : i32
      %add3A_1082 = arith.constant 2 : i32
      %add3A_1083 = arith.addi %mul3A_1081, %add3A_1082 : i32
      %get3A_1084 = arith.index_cast %add3A_1083 : i32 to index
      %get3A_1085 = arith.constant 112 : index
      %get3A_1086 = tpu.vector_load %arg6[%get3A_1084, %get3A_1085] {strides = array<i32>} : memref<512x128xf32, #tpu.memory_space<vmem>>, vector<1x16xf32>,
      %get3A_1087 = vector.shape_cast %get3A_1086 : vector<1x16xf32> to vector<16xf32>
      %add3A_1088 = arith.addf %add3A_1079, %get3A_1087 : vector<16xf32>
      %mul3A_1089 = arith.constant 16 : i32
      %mul3A_1090 = arith.muli %scan3A_30, %mul3A_1089 : i32
      %add3A_1091 = arith.constant 3 : i32
      %add3A_1092 = arith.addi %mul3A_1090, %add3A_1091 : i32
      %get3A_1093 = arith.index_cast %add3A_1092 : i32 to index
      %get3A_1094 = arith.constant 112 : index
      %get3A_1095 = tpu.vector_load %arg6[%get3A_1093, %get3A_1094] {strides = array<i32>} : memref<512x128xf32, #tpu.memory_space<vmem>>, vector<1x16xf32>,
      %get3A_1096 = vector.shape_cast %get3A_1095 : vector<1x16xf32> to vector<16xf32>
      %add3A_1097 = arith.addf %add3A_1088, %get3A_1096 : vector<16xf32>
      %mul3A_1098 = arith.constant 16 : i32
      %mul3A_1099 = arith.muli %scan3A_30, %mul3A_1098 : i32
      %add3A_1100 = arith.constant 4 : i32
      %add3A_1101 = arith.addi %mul3A_1099, %add3A_1100 : i32
      %get3A_1102 = arith.index_cast %add3A_1101 : i32 to index
      %get3A_1103 = arith.constant 112 : index
      %get3A_1104 = tpu.vector_load %arg6[%get3A_1102, %get3A_1103] {strides = array<i32>} : memref<512x128xf32, #tpu.memory_space<vmem>>, vector<1x16xf32>,
      %get3A_1105 = vector.shape_cast %get3A_1104 : vector<1x16xf32> to vector<16xf32>
      %add3A_1106 = arith.addf %add3A_1097, %get3A_1105 : vector<16xf32>
      %mul3A_1107 = arith.constant 16 : i32
      %mul3A_1108 = arith.muli %scan3A_30, %mul3A_1107 : i32
      %add3A_1109 = arith.constant 5 : i32
      %add3A_1110 = arith.addi %mul3A_1108, %add3A_1109 : i32
      %get3A_1111 = arith.index_cast %add3A_1110 : i32 to index
      %get3A_1112 = arith.constant 112 : index
      %get3A_1113 = tpu.vector_load %arg6[%get3A_1111, %get3A_1112] {strides = array<i32>} : memref<512x128xf32, #tpu.memory_space<vmem>>, vector<1x16xf32>,
      %get3A_1114 = vector.shape_cast %get3A_1113 : vector<1x16xf32> to vector<16xf32>
      %add3A_1115 = arith.addf %add3A_1106, %get3A_1114 : vector<16xf32>
      %mul3A_1116 = arith.constant 16 : i32
      %mul3A_1117 = arith.muli %scan3A_30, %mul3A_1116 : i32
      %add3A_1118 = arith.constant 6 : i32
      %add3A_1119 = arith.addi %mul3A_1117, %add3A_1118 : i32
      %get3A_1120 = arith.index_cast %add3A_1119 : i32 to index
      %get3A_1121 = arith.constant 112 : index
      %get3A_1122 = tpu.vector_load %arg6[%get3A_1120, %get3A_1121] {strides = array<i32>} : memref<512x128xf32, #tpu.memory_space<vmem>>, vector<1x16xf32>,
      %get3A_1123 = vector.shape_cast %get3A_1122 : vector<1x16xf32> to vector<16xf32>
      %add3A_1124 = arith.addf %add3A_1115, %get3A_1123 : vector<16xf32>
      %mul3A_1125 = arith.constant 16 : i32
      %mul3A_1126 = arith.muli %scan3A_30, %mul3A_1125 : i32
      %add3A_1127 = arith.constant 7 : i32
      %add3A_1128 = arith.addi %mul3A_1126, %add3A_1127 : i32
      %get3A_1129 = arith.index_cast %add3A_1128 : i32 to index
      %get3A_1130 = arith.constant 112 : index
      %get3A_1131 = tpu.vector_load %arg6[%get3A_1129, %get3A_1130] {strides = array<i32>} : memref<512x128xf32, #tpu.memory_space<vmem>>, vector<1x16xf32>,
      %get3A_1132 = vector.shape_cast %get3A_1131 : vector<1x16xf32> to vector<16xf32>
      %add3A_1133 = arith.addf %add3A_1124, %get3A_1132 : vector<16xf32>
      %mul3A_1134 = arith.constant 16 : i32
      %mul3A_1135 = arith.muli %scan3A_30, %mul3A_1134 : i32
      %add3A_1136 = arith.constant 8 : i32
      %add3A_1137 = arith.addi %mul3A_1135, %add3A_1136 : i32
      %get3A_1138 = arith.index_cast %add3A_1137 : i32 to index
      %get3A_1139 = arith.constant 112 : index
      %get3A_1140 = tpu.vector_load %arg6[%get3A_1138, %get3A_1139] {strides = array<i32>} : memref<512x128xf32, #tpu.memory_space<vmem>>, vector<1x16xf32>,
      %get3A_1141 = vector.shape_cast %get3A_1140 : vector<1x16xf32> to vector<16xf32>
      %add3A_1142 = arith.addf %add3A_1133, %get3A_1141 : vector<16xf32>
      %mul3A_1143 = arith.constant 16 : i32
      %mul3A_1144 = arith.muli %scan3A_30, %mul3A_1143 : i32
      %add3A_1145 = arith.constant 9 : i32
      %add3A_1146 = arith.addi %mul3A_1144, %add3A_1145 : i32
      %get3A_1147 = arith.index_cast %add3A_1146 : i32 to index
      %get3A_1148 = arith.constant 112 : index
      %get3A_1149 = tpu.vector_load %arg6[%get3A_1147, %get3A_1148] {strides = array<i32>} : memref<512x128xf32, #tpu.memory_space<vmem>>, vector<1x16xf32>,
      %get3A_1150 = vector.shape_cast %get3A_1149 : vector<1x16xf32> to vector<16xf32>
      %add3A_1151 = arith.addf %add3A_1142, %get3A_1150 : vector<16xf32>
      %mul3A_1152 = arith.constant 16 : i32
      %mul3A_1153 = arith.muli %scan3A_30, %mul3A_1152 : i32
      %add3A_1154 = arith.constant 10 : i32
      %add3A_1155 = arith.addi %mul3A_1153, %add3A_1154 : i32
      %get3A_1156 = arith.index_cast %add3A_1155 : i32 to index
      %get3A_1157 = arith.constant 112 : index
      %get3A_1158 = tpu.vector_load %arg6[%get3A_1156, %get3A_1157] {strides = array<i32>} : memref<512x128xf32, #tpu.memory_space<vmem>>, vector<1x16xf32>,
      %get3A_1159 = vector.shape_cast %get3A_1158 : vector<1x16xf32> to vector<16xf32>
      %add3A_1160 = arith.addf %add3A_1151, %get3A_1159 : vector<16xf32>
      %mul3A_1161 = arith.constant 16 : i32
      %mul3A_1162 = arith.muli %scan3A_30, %mul3A_1161 : i32
      %add3A_1163 = arith.constant 11 : i32
      %add3A_1164 = arith.addi %mul3A_1162, %add3A_1163 : i32
      %get3A_1165 = arith.index_cast %add3A_1164 : i32 to index
      %get3A_1166 = arith.constant 112 : index
      %get3A_1167 = tpu.vector_load %arg6[%get3A_1165, %get3A_1166] {strides = array<i32>} : memref<512x128xf32, #tpu.memory_space<vmem>>, vector<1x16xf32>,
      %get3A_1168 = vector.shape_cast %get3A_1167 : vector<1x16xf32> to vector<16xf32>
      %add3A_1169 = arith.addf %add3A_1160, %get3A_1168 : vector<16xf32>
      %mul3A_1170 = arith.constant 16 : i32
      %mul3A_1171 = arith.muli %scan3A_30, %mul3A_1170 : i32
      %add3A_1172 = arith.constant 12 : i32
      %add3A_1173 = arith.addi %mul3A_1171, %add3A_1172 : i32
      %get3A_1174 = arith.index_cast %add3A_1173 : i32 to index
      %get3A_1175 = arith.constant 112 : index
      %get3A_1176 = tpu.vector_load %arg6[%get3A_1174, %get3A_1175] {strides = array<i32>} : memref<512x128xf32, #tpu.memory_space<vmem>>, vector<1x16xf32>,
      %get3A_1177 = vector.shape_cast %get3A_1176 : vector<1x16xf32> to vector<16xf32>
      %add3A_1178 = arith.addf %add3A_1169, %get3A_1177 : vector<16xf32>
      %mul3A_1179 = arith.constant 16 : i32
      %mul3A_1180 = arith.muli %scan3A_30, %mul3A_1179 : i32
      %add3A_1181 = arith.constant 13 : i32
      %add3A_1182 = arith.addi %mul3A_1180, %add3A_1181 : i32
      %get3A_1183 = arith.index_cast %add3A_1182 : i32 to index
      %get3A_1184 = arith.constant 112 : index
      %get3A_1185 = tpu.vector_load %arg6[%get3A_1183, %get3A_1184] {strides = array<i32>} : memref<512x128xf32, #tpu.memory_space<vmem>>, vector<1x16xf32>,
      %get3A_1186 = vector.shape_cast %get3A_1185 : vector<1x16xf32> to vector<16xf32>
      %add3A_1187 = arith.addf %add3A_1178, %get3A_1186 : vector<16xf32>
      %mul3A_1188 = arith.constant 16 : i32
      %mul3A_1189 = arith.muli %scan3A_30, %mul3A_1188 : i32
      %add3A_1190 = arith.constant 14 : i32
      %add3A_1191 = arith.addi %mul3A_1189, %add3A_1190 : i32
      %get3A_1192 = arith.index_cast %add3A_1191 : i32 to index
      %get3A_1193 = arith.constant 112 : index
      %get3A_1194 = tpu.vector_load %arg6[%get3A_1192, %get3A_1193] {strides = array<i32>} : memref<512x128xf32, #tpu.memory_space<vmem>>, vector<1x16xf32>,
      %get3A_1195 = vector.shape_cast %get3A_1194 : vector<1x16xf32> to vector<16xf32>
      %add3A_1196 = arith.addf %add3A_1187, %get3A_1195 : vector<16xf32>
      %mul3A_1197 = arith.constant 16 : i32
      %mul3A_1198 = arith.muli %scan3A_30, %mul3A_1197 : i32
      %add3A_1199 = arith.constant 15 : i32
      %add3A_1200 = arith.addi %mul3A_1198, %add3A_1199 : i32
      %get3A_1201 = arith.index_cast %add3A_1200 : i32 to index
      %get3A_1202 = arith.constant 112 : index
      %get3A_1203 = tpu.vector_load %arg6[%get3A_1201, %get3A_1202] {strides = array<i32>} : memref<512x128xf32, #tpu.memory_space<vmem>>, vector<1x16xf32>,
      %get3A_1204 = vector.shape_cast %get3A_1203 : vector<1x16xf32> to vector<16xf32>
      %add3A_1205 = arith.addf %add3A_1196, %get3A_1204 : vector<16xf32>
      %add3A_1206 = arith.constant 32 : i32
      %add3A_1207 = arith.addi %add3A_1206, %scan3A_30 : i32
      %swap3A_1208 = arith.index_cast %add3A_1207 : i32 to index
      %swap3A_1209 = arith.constant 112 : index
      %swap3A_1210 = tpu.vector_load %arg7[%swap3A_1208, %swap3A_1209] {strides = array<i32>} : memref<64x128xf32, #tpu.memory_space<vmem>>, vector<1x16xf32>,
      %swap3A_1211 = vector.shape_cast %swap3A_1210 : vector<1x16xf32> to vector<16xf32>
      %swap3A_1212 = vector.shape_cast %add3A_1205 : vector<16xf32> to vector<1x16xf32>
      tpu.vector_store %arg7[%swap3A_1208, %swap3A_1209], %swap3A_1212 {strides = array<i32>} : memref<64x128xf32, #tpu.memory_space<vmem>>, vector<1x16xf32>,
    }
    %scan3A_27 = arith.constant 32 : i32
    %mul3A_28 = arith.constant 64 : i32
    %mul3A_29 = arith.muli %add3A, %mul3A_28 : i32
    "tpu.region"() ({
      %run_scoped3A = tpu.sem_alloc : memref<!tpu.dma_semaphore, #tpu.memory_space<semaphore_mem>>
      %dma_start3A_30 = arith.constant 0 : i32
      %dma_start3A_31 = tpu.memref_slice %arg4[%mul3A_29, %dma_start3A_30] : memref<2048x128xf32, #tpu.memory_space<hbm>> -> memref<64x128xf32, #tpu.memory_space<hbm>>
      %dma_start3A_32 = arith.constant 0 : i32
      %dma_start3A_33 = tpu.memref_slice %arg4[%mul3A_29, %dma_start3A_32] : memref<2048x128xf32, #tpu.memory_space<hbm>> -> memref<64x128xf32, #tpu.memory_space<hbm>>
      tpu.enqueue_dma source(%arg7 : memref<64x128xf32, #tpu.memory_space<vmem>>) target(%dma_start3A_33 : memref<64x128xf32, #tpu.memory_space<hbm>>) target_semaphore(%run_scoped3A : memref<!tpu.dma_semaphore, #tpu.memory_space<semaphore_mem>>)
      %dma_wait3A_34 = arith.constant 0 : i32
      %dma_wait3A_35 = tpu.memref_slice %arg4[%mul3A_29, %dma_wait3A_34] : memref<2048x128xf32, #tpu.memory_space<hbm>> -> memref<64x128xf32, #tpu.memory_space<hbm>>
      %dma_wait3A_36 = arith.constant 0 : i32
      %dma_wait3A_37 = tpu.memref_slice %arg4[%mul3A_29, %dma_wait3A_36] : memref<2048x128xf32, #tpu.memory_space<hbm>> -> memref<64x128xf32, #tpu.memory_space<hbm>>
      tpu.wait_dma2 semaphore(%run_scoped3A : memref<!tpu.dma_semaphore, #tpu.memory_space<semaphore_mem>>) src(%arg7 : memref<64x128xf32, #tpu.memory_space<vmem>>) dst(%dma_wait3A_37 : memref<64x128xf32, #tpu.memory_space<hbm>>)
      tpu.yield
    }) : () -> ()
    return
  }
}

module attributes {stable_mosaic.version = 14 : i64} {
  func.func @_lstm_body(%arg0: i32, %arg1: memref<256x32x128xf32, #tpu.memory_space<vmem>>, %arg2: memref<128x512xf32, #tpu.memory_space<vmem>>, %arg3: memref<128x512xf32, #tpu.memory_space<vmem>>, %arg4: memref<1x512xf32, #tpu.memory_space<vmem>>, %arg5: memref<1x512xf32, #tpu.memory_space<vmem>>, %arg6: memref<1x512xf32, #tpu.memory_space<vmem>>, %arg7: memref<256x128xf32, #tpu.memory_space<vmem>>) attributes {dimension_semantics = [#tpu.dimension_semantics<arbitrary>], iteration_bounds = array<i64: 8>, scalar_prefetch = 0 : i64, scratch_operands = 0 : i64, tpu.core_type = #tpu.core_type<tc>, window_params = [{transform_indices = @transform_0, window_bounds = array<i64: 256, 32, 128>}, {pipeline_mode = #tpu.pipeline_mode<synchronous>, transform_indices = @transform_1, window_bounds = array<i64: 128, 512>}, {pipeline_mode = #tpu.pipeline_mode<synchronous>, transform_indices = @transform_2, window_bounds = array<i64: 128, 512>}, {pipeline_mode = #tpu.pipeline_mode<synchronous>, transform_indices = @transform_3, window_bounds = array<i64: 1, 512>}, {pipeline_mode = #tpu.pipeline_mode<synchronous>, transform_indices = @transform_4, window_bounds = array<i64: 1, 512>}, {pipeline_mode = #tpu.pipeline_mode<synchronous>, transform_indices = @transform_5, window_bounds = array<i64: 1, 512>}, {transform_indices = @transform_6, window_bounds = array<i64: 256, 128>}]} {
    %get3A = arith.constant 0 : index
    %get3A_0 = arith.constant 0 : index
    %get3A_1 = vector.load %arg2[%get3A, %get3A_0] : memref<128x512xf32, #tpu.memory_space<vmem>>, vector<128x512xf32>
    %convert_element_type3A = arith.truncf %get3A_1 : vector<128x512xf32> to vector<128x512xbf16>
    %get3A_2 = arith.constant 0 : index
    %get3A_3 = arith.constant 0 : index
    %get3A_4 = vector.load %arg3[%get3A_2, %get3A_3] : memref<128x512xf32, #tpu.memory_space<vmem>>, vector<128x512xf32>
    %convert_element_type3A_5 = arith.truncf %get3A_4 : vector<128x512xf32> to vector<128x512xbf16>
    %get3A_6 = arith.constant 0 : index
    %get3A_7 = arith.constant 0 : index
    %get3A_8 = vector.load %arg4[%get3A_6, %get3A_7] : memref<1x512xf32, #tpu.memory_space<vmem>>, vector<1x512xf32>
    %get3A_9 = arith.constant 0 : index
    %get3A_10 = arith.constant 0 : index
    %get3A_11 = vector.load %arg5[%get3A_9, %get3A_10] : memref<1x512xf32, #tpu.memory_space<vmem>>, vector<1x512xf32>
    %get3A_12 = arith.constant 0 : index
    %get3A_13 = arith.constant 0 : index
    %get3A_14 = vector.load %arg6[%get3A_12, %get3A_13] : memref<1x512xf32, #tpu.memory_space<vmem>>, vector<1x512xf32>
    %gt3A = arith.constant 0.000000e+00 : f32
    %gt3A_15 = vector.broadcast %gt3A : f32 to vector<1x512xf32>
    %gt3A_16 = arith.cmpf ogt, %get3A_14, %gt3A_15 : vector<1x512xf32>
    %broadcast_in_dim3A = arith.constant 0.000000e+00 : f32
    %broadcast_in_dim3A_17 = vector.broadcast %broadcast_in_dim3A : f32 to vector<256x128xf32>
    %broadcast_in_dim3A_18 = arith.constant 0.000000e+00 : f32
    %broadcast_in_dim3A_19 = vector.broadcast %broadcast_in_dim3A_18 : f32 to vector<256x128xf32>
    %get3A_20 = arith.constant 0 : index
    %get3A_21 = arith.constant 0 : index
    %get3A_22 = arith.constant 0 : index
    %get3A_23 = vector.load %arg1[%get3A_20, %get3A_21, %get3A_22] : memref<256x32x128xf32, #tpu.memory_space<vmem>>, vector<256x1x128xf32>
    %get3A_24 = vector.shape_cast %get3A_23 : vector<256x1x128xf32> to vector<256x128xf32>
    %convert_element_type3A_25 = arith.truncf %get3A_24 : vector<256x128xf32> to vector<256x128xbf16>
    %dot_general3A = arith.constant dense<0.000000e+00> : vector<256x512xf32>
    %dot_general3A_26 = tpu.matmul %convert_element_type3A_25, %convert_element_type3A, %dot_general3A {dimension_numbers = #tpu.dot_dimension_numbers<[1], [0], [0], [1], [0, 0, 1, 1], [], []>, transpose_lhs_hint = false} : vector<256x128xbf16>, vector<128x512xbf16>, vector<256x512xf32> -> vector<256x512xf32>
    %convert_element_type3A_27 = arith.truncf %broadcast_in_dim3A_17 : vector<256x128xf32> to vector<256x128xbf16>
    %dot_general3A_28 = arith.constant dense<0.000000e+00> : vector<256x512xf32>
    %dot_general3A_29 = tpu.matmul %convert_element_type3A_27, %convert_element_type3A_5, %dot_general3A_28 {dimension_numbers = #tpu.dot_dimension_numbers<[1], [0], [0], [1], [0, 0, 1, 1], [], []>, transpose_lhs_hint = false} : vector<256x128xbf16>, vector<128x512xbf16>, vector<256x512xf32> -> vector<256x512xf32>
    %jit3A = arith.constant 0.000000e+00 : f32
    %broadcast_in_dim3A_30 = vector.shape_cast %gt3A_16 : vector<1x512xi1> to vector<1x512xi1>
    %broadcast_in_dim3A_31 = vector.broadcast %broadcast_in_dim3A_30 : vector<1x512xi1> to vector<256x512xi1>
    %broadcast_in_dim3A_32 = vector.broadcast %jit3A : f32 to vector<256x512xf32>
    %select_n3A = arith.select %broadcast_in_dim3A_31, %dot_general3A_26, %broadcast_in_dim3A_32 : vector<256x512xi1>, vector<256x512xf32>
    %add3A = vector.broadcast %get3A_8 : vector<1x512xf32> to vector<256x512xf32>
    %add3A_33 = arith.addf %select_n3A, %add3A : vector<256x512xf32>
    %jit3A_34 = arith.constant 0.000000e+00 : f32
    %broadcast_in_dim3A_35 = vector.shape_cast %gt3A_16 : vector<1x512xi1> to vector<1x512xi1>
    %broadcast_in_dim3A_36 = vector.broadcast %broadcast_in_dim3A_35 : vector<1x512xi1> to vector<256x512xi1>
    %broadcast_in_dim3A_37 = vector.broadcast %jit3A_34 : f32 to vector<256x512xf32>
    %select_n3A_38 = arith.select %broadcast_in_dim3A_36, %add3A_33, %broadcast_in_dim3A_37 : vector<256x512xi1>, vector<256x512xf32>
    %jit3A_39 = arith.constant 0.000000e+00 : f32
    %broadcast_in_dim3A_40 = vector.shape_cast %gt3A_16 : vector<1x512xi1> to vector<1x512xi1>
    %broadcast_in_dim3A_41 = vector.broadcast %broadcast_in_dim3A_40 : vector<1x512xi1> to vector<256x512xi1>
    %broadcast_in_dim3A_42 = vector.broadcast %jit3A_39 : f32 to vector<256x512xf32>
    %select_n3A_43 = arith.select %broadcast_in_dim3A_41, %dot_general3A_29, %broadcast_in_dim3A_42 : vector<256x512xi1>, vector<256x512xf32>
    %add3A_44 = arith.addf %select_n3A_38, %select_n3A_43 : vector<256x512xf32>
    %jit3A_45 = arith.constant 0.000000e+00 : f32
    %broadcast_in_dim3A_46 = vector.shape_cast %gt3A_16 : vector<1x512xi1> to vector<1x512xi1>
    %broadcast_in_dim3A_47 = vector.broadcast %broadcast_in_dim3A_46 : vector<1x512xi1> to vector<256x512xi1>
    %broadcast_in_dim3A_48 = vector.broadcast %jit3A_45 : f32 to vector<256x512xf32>
    %select_n3A_49 = arith.select %broadcast_in_dim3A_47, %add3A_44, %broadcast_in_dim3A_48 : vector<256x512xi1>, vector<256x512xf32>
    %add3A_50 = vector.broadcast %get3A_11 : vector<1x512xf32> to vector<256x512xf32>
    %add3A_51 = arith.addf %select_n3A_49, %add3A_50 : vector<256x512xf32>
    %slice3A = vector.extract_strided_slice %add3A_51 {offsets = [0, 0], sizes = [256, 128], strides = [1, 1]} : vector<256x512xf32> to vector<256x128xf32>
    %logistic3A = arith.negf %slice3A : vector<256x128xf32>
    %logistic3A_52 = math.exp %logistic3A : vector<256x128xf32>
    %logistic3A_53 = arith.constant 1.000000e+00 : f32
    %logistic3A_54 = vector.broadcast %logistic3A_53 : f32 to vector<256x128xf32>
    %logistic3A_55 = arith.addf %logistic3A_54, %logistic3A_52 : vector<256x128xf32>
    %logistic3A_56 = arith.divf %logistic3A_54, %logistic3A_55 : vector<256x128xf32>
    %slice3A_57 = vector.extract_strided_slice %add3A_51 {offsets = [0, 128], sizes = [256, 128], strides = [1, 1]} : vector<256x512xf32> to vector<256x128xf32>
    %logistic3A_58 = arith.negf %slice3A_57 : vector<256x128xf32>
    %logistic3A_59 = math.exp %logistic3A_58 : vector<256x128xf32>
    %logistic3A_60 = arith.constant 1.000000e+00 : f32
    %logistic3A_61 = vector.broadcast %logistic3A_60 : f32 to vector<256x128xf32>
    %logistic3A_62 = arith.addf %logistic3A_61, %logistic3A_59 : vector<256x128xf32>
    %logistic3A_63 = arith.divf %logistic3A_61, %logistic3A_62 : vector<256x128xf32>
    %slice3A_64 = vector.extract_strided_slice %add3A_51 {offsets = [0, 256], sizes = [256, 128], strides = [1, 1]} : vector<256x512xf32> to vector<256x128xf32>
    %tanh3A = math.tanh %slice3A_64 : vector<256x128xf32>
    %slice3A_65 = vector.extract_strided_slice %add3A_51 {offsets = [0, 384], sizes = [256, 128], strides = [1, 1]} : vector<256x512xf32> to vector<256x128xf32>
    %logistic3A_66 = arith.negf %slice3A_65 : vector<256x128xf32>
    %logistic3A_67 = math.exp %logistic3A_66 : vector<256x128xf32>
    %logistic3A_68 = arith.constant 1.000000e+00 : f32
    %logistic3A_69 = vector.broadcast %logistic3A_68 : f32 to vector<256x128xf32>
    %logistic3A_70 = arith.addf %logistic3A_69, %logistic3A_67 : vector<256x128xf32>
    %logistic3A_71 = arith.divf %logistic3A_69, %logistic3A_70 : vector<256x128xf32>
    %mul3A = arith.mulf %logistic3A_63, %broadcast_in_dim3A_19 : vector<256x128xf32>
    %mul3A_72 = arith.mulf %logistic3A_56, %tanh3A : vector<256x128xf32>
    %add3A_73 = arith.addf %mul3A, %mul3A_72 : vector<256x128xf32>
    %tanh3A_74 = math.tanh %add3A_73 : vector<256x128xf32>
    %mul3A_75 = arith.mulf %logistic3A_71, %tanh3A_74 : vector<256x128xf32>
    %get3A_76 = arith.constant 0 : index
    %get3A_77 = arith.constant 1 : index
    %get3A_78 = arith.constant 0 : index
    %get3A_79 = vector.load %arg1[%get3A_76, %get3A_77, %get3A_78] : memref<256x32x128xf32, #tpu.memory_space<vmem>>, vector<256x1x128xf32>
    %get3A_80 = vector.shape_cast %get3A_79 : vector<256x1x128xf32> to vector<256x128xf32>
    %convert_element_type3A_81 = arith.truncf %get3A_80 : vector<256x128xf32> to vector<256x128xbf16>
    %dot_general3A_82 = arith.constant dense<0.000000e+00> : vector<256x512xf32>
    %dot_general3A_83 = tpu.matmul %convert_element_type3A_81, %convert_element_type3A, %dot_general3A_82 {dimension_numbers = #tpu.dot_dimension_numbers<[1], [0], [0], [1], [0, 0, 1, 1], [], []>, transpose_lhs_hint = false} : vector<256x128xbf16>, vector<128x512xbf16>, vector<256x512xf32> -> vector<256x512xf32>
    %convert_element_type3A_84 = arith.truncf %mul3A_75 : vector<256x128xf32> to vector<256x128xbf16>
    %dot_general3A_85 = arith.constant dense<0.000000e+00> : vector<256x512xf32>
    %dot_general3A_86 = tpu.matmul %convert_element_type3A_84, %convert_element_type3A_5, %dot_general3A_85 {dimension_numbers = #tpu.dot_dimension_numbers<[1], [0], [0], [1], [0, 0, 1, 1], [], []>, transpose_lhs_hint = false} : vector<256x128xbf16>, vector<128x512xbf16>, vector<256x512xf32> -> vector<256x512xf32>
    %jit3A_87 = arith.constant 0.000000e+00 : f32
    %broadcast_in_dim3A_88 = vector.shape_cast %gt3A_16 : vector<1x512xi1> to vector<1x512xi1>
    %broadcast_in_dim3A_89 = vector.broadcast %broadcast_in_dim3A_88 : vector<1x512xi1> to vector<256x512xi1>
    %broadcast_in_dim3A_90 = vector.broadcast %jit3A_87 : f32 to vector<256x512xf32>
    %select_n3A_91 = arith.select %broadcast_in_dim3A_89, %dot_general3A_83, %broadcast_in_dim3A_90 : vector<256x512xi1>, vector<256x512xf32>
    %add3A_92 = vector.broadcast %get3A_8 : vector<1x512xf32> to vector<256x512xf32>
    %add3A_93 = arith.addf %select_n3A_91, %add3A_92 : vector<256x512xf32>
    %jit3A_94 = arith.constant 0.000000e+00 : f32
    %broadcast_in_dim3A_95 = vector.shape_cast %gt3A_16 : vector<1x512xi1> to vector<1x512xi1>
    %broadcast_in_dim3A_96 = vector.broadcast %broadcast_in_dim3A_95 : vector<1x512xi1> to vector<256x512xi1>
    %broadcast_in_dim3A_97 = vector.broadcast %jit3A_94 : f32 to vector<256x512xf32>
    %select_n3A_98 = arith.select %broadcast_in_dim3A_96, %add3A_93, %broadcast_in_dim3A_97 : vector<256x512xi1>, vector<256x512xf32>
    %jit3A_99 = arith.constant 0.000000e+00 : f32
    %broadcast_in_dim3A_100 = vector.shape_cast %gt3A_16 : vector<1x512xi1> to vector<1x512xi1>
    %broadcast_in_dim3A_101 = vector.broadcast %broadcast_in_dim3A_100 : vector<1x512xi1> to vector<256x512xi1>
    %broadcast_in_dim3A_102 = vector.broadcast %jit3A_99 : f32 to vector<256x512xf32>
    %select_n3A_103 = arith.select %broadcast_in_dim3A_101, %dot_general3A_86, %broadcast_in_dim3A_102 : vector<256x512xi1>, vector<256x512xf32>
    %add3A_104 = arith.addf %select_n3A_98, %select_n3A_103 : vector<256x512xf32>
    %jit3A_105 = arith.constant 0.000000e+00 : f32
    %broadcast_in_dim3A_106 = vector.shape_cast %gt3A_16 : vector<1x512xi1> to vector<1x512xi1>
    %broadcast_in_dim3A_107 = vector.broadcast %broadcast_in_dim3A_106 : vector<1x512xi1> to vector<256x512xi1>
    %broadcast_in_dim3A_108 = vector.broadcast %jit3A_105 : f32 to vector<256x512xf32>
    %select_n3A_109 = arith.select %broadcast_in_dim3A_107, %add3A_104, %broadcast_in_dim3A_108 : vector<256x512xi1>, vector<256x512xf32>
    %add3A_110 = vector.broadcast %get3A_11 : vector<1x512xf32> to vector<256x512xf32>
    %add3A_111 = arith.addf %select_n3A_109, %add3A_110 : vector<256x512xf32>
    %slice3A_112 = vector.extract_strided_slice %add3A_111 {offsets = [0, 0], sizes = [256, 128], strides = [1, 1]} : vector<256x512xf32> to vector<256x128xf32>
    %logistic3A_113 = arith.negf %slice3A_112 : vector<256x128xf32>
    %logistic3A_114 = math.exp %logistic3A_113 : vector<256x128xf32>
    %logistic3A_115 = arith.constant 1.000000e+00 : f32
    %logistic3A_116 = vector.broadcast %logistic3A_115 : f32 to vector<256x128xf32>
    %logistic3A_117 = arith.addf %logistic3A_116, %logistic3A_114 : vector<256x128xf32>
    %logistic3A_118 = arith.divf %logistic3A_116, %logistic3A_117 : vector<256x128xf32>
    %slice3A_119 = vector.extract_strided_slice %add3A_111 {offsets = [0, 128], sizes = [256, 128], strides = [1, 1]} : vector<256x512xf32> to vector<256x128xf32>
    %logistic3A_120 = arith.negf %slice3A_119 : vector<256x128xf32>
    %logistic3A_121 = math.exp %logistic3A_120 : vector<256x128xf32>
    %logistic3A_122 = arith.constant 1.000000e+00 : f32
    %logistic3A_123 = vector.broadcast %logistic3A_122 : f32 to vector<256x128xf32>
    %logistic3A_124 = arith.addf %logistic3A_123, %logistic3A_121 : vector<256x128xf32>
    %logistic3A_125 = arith.divf %logistic3A_123, %logistic3A_124 : vector<256x128xf32>
    %slice3A_126 = vector.extract_strided_slice %add3A_111 {offsets = [0, 256], sizes = [256, 128], strides = [1, 1]} : vector<256x512xf32> to vector<256x128xf32>
    %tanh3A_127 = math.tanh %slice3A_126 : vector<256x128xf32>
    %slice3A_128 = vector.extract_strided_slice %add3A_111 {offsets = [0, 384], sizes = [256, 128], strides = [1, 1]} : vector<256x512xf32> to vector<256x128xf32>
    %logistic3A_129 = arith.negf %slice3A_128 : vector<256x128xf32>
    %logistic3A_130 = math.exp %logistic3A_129 : vector<256x128xf32>
    %logistic3A_131 = arith.constant 1.000000e+00 : f32
    %logistic3A_132 = vector.broadcast %logistic3A_131 : f32 to vector<256x128xf32>
    %logistic3A_133 = arith.addf %logistic3A_132, %logistic3A_130 : vector<256x128xf32>
    %logistic3A_134 = arith.divf %logistic3A_132, %logistic3A_133 : vector<256x128xf32>
    %mul3A_135 = arith.mulf %logistic3A_125, %add3A_73 : vector<256x128xf32>
    %mul3A_136 = arith.mulf %logistic3A_118, %tanh3A_127 : vector<256x128xf32>
    %add3A_137 = arith.addf %mul3A_135, %mul3A_136 : vector<256x128xf32>
    %tanh3A_138 = math.tanh %add3A_137 : vector<256x128xf32>
    %mul3A_139 = arith.mulf %logistic3A_134, %tanh3A_138 : vector<256x128xf32>
    %get3A_140 = arith.constant 0 : index
    %get3A_141 = arith.constant 2 : index
    %get3A_142 = arith.constant 0 : index
    %get3A_143 = vector.load %arg1[%get3A_140, %get3A_141, %get3A_142] : memref<256x32x128xf32, #tpu.memory_space<vmem>>, vector<256x1x128xf32>
    %get3A_144 = vector.shape_cast %get3A_143 : vector<256x1x128xf32> to vector<256x128xf32>
    %convert_element_type3A_145 = arith.truncf %get3A_144 : vector<256x128xf32> to vector<256x128xbf16>
    %dot_general3A_146 = arith.constant dense<0.000000e+00> : vector<256x512xf32>
    %dot_general3A_147 = tpu.matmul %convert_element_type3A_145, %convert_element_type3A, %dot_general3A_146 {dimension_numbers = #tpu.dot_dimension_numbers<[1], [0], [0], [1], [0, 0, 1, 1], [], []>, transpose_lhs_hint = false} : vector<256x128xbf16>, vector<128x512xbf16>, vector<256x512xf32> -> vector<256x512xf32>
    %convert_element_type3A_148 = arith.truncf %mul3A_139 : vector<256x128xf32> to vector<256x128xbf16>
    %dot_general3A_149 = arith.constant dense<0.000000e+00> : vector<256x512xf32>
    %dot_general3A_150 = tpu.matmul %convert_element_type3A_148, %convert_element_type3A_5, %dot_general3A_149 {dimension_numbers = #tpu.dot_dimension_numbers<[1], [0], [0], [1], [0, 0, 1, 1], [], []>, transpose_lhs_hint = false} : vector<256x128xbf16>, vector<128x512xbf16>, vector<256x512xf32> -> vector<256x512xf32>
    %jit3A_151 = arith.constant 0.000000e+00 : f32
    %broadcast_in_dim3A_152 = vector.shape_cast %gt3A_16 : vector<1x512xi1> to vector<1x512xi1>
    %broadcast_in_dim3A_153 = vector.broadcast %broadcast_in_dim3A_152 : vector<1x512xi1> to vector<256x512xi1>
    %broadcast_in_dim3A_154 = vector.broadcast %jit3A_151 : f32 to vector<256x512xf32>
    %select_n3A_155 = arith.select %broadcast_in_dim3A_153, %dot_general3A_147, %broadcast_in_dim3A_154 : vector<256x512xi1>, vector<256x512xf32>
    %add3A_156 = vector.broadcast %get3A_8 : vector<1x512xf32> to vector<256x512xf32>
    %add3A_157 = arith.addf %select_n3A_155, %add3A_156 : vector<256x512xf32>
    %jit3A_158 = arith.constant 0.000000e+00 : f32
    %broadcast_in_dim3A_159 = vector.shape_cast %gt3A_16 : vector<1x512xi1> to vector<1x512xi1>
    %broadcast_in_dim3A_160 = vector.broadcast %broadcast_in_dim3A_159 : vector<1x512xi1> to vector<256x512xi1>
    %broadcast_in_dim3A_161 = vector.broadcast %jit3A_158 : f32 to vector<256x512xf32>
    %select_n3A_162 = arith.select %broadcast_in_dim3A_160, %add3A_157, %broadcast_in_dim3A_161 : vector<256x512xi1>, vector<256x512xf32>
    %jit3A_163 = arith.constant 0.000000e+00 : f32
    %broadcast_in_dim3A_164 = vector.shape_cast %gt3A_16 : vector<1x512xi1> to vector<1x512xi1>
    %broadcast_in_dim3A_165 = vector.broadcast %broadcast_in_dim3A_164 : vector<1x512xi1> to vector<256x512xi1>
    %broadcast_in_dim3A_166 = vector.broadcast %jit3A_163 : f32 to vector<256x512xf32>
    %select_n3A_167 = arith.select %broadcast_in_dim3A_165, %dot_general3A_150, %broadcast_in_dim3A_166 : vector<256x512xi1>, vector<256x512xf32>
    %add3A_168 = arith.addf %select_n3A_162, %select_n3A_167 : vector<256x512xf32>
    %jit3A_169 = arith.constant 0.000000e+00 : f32
    %broadcast_in_dim3A_170 = vector.shape_cast %gt3A_16 : vector<1x512xi1> to vector<1x512xi1>
    %broadcast_in_dim3A_171 = vector.broadcast %broadcast_in_dim3A_170 : vector<1x512xi1> to vector<256x512xi1>
    %broadcast_in_dim3A_172 = vector.broadcast %jit3A_169 : f32 to vector<256x512xf32>
    %select_n3A_173 = arith.select %broadcast_in_dim3A_171, %add3A_168, %broadcast_in_dim3A_172 : vector<256x512xi1>, vector<256x512xf32>
    %add3A_174 = vector.broadcast %get3A_11 : vector<1x512xf32> to vector<256x512xf32>
    %add3A_175 = arith.addf %select_n3A_173, %add3A_174 : vector<256x512xf32>
    %slice3A_176 = vector.extract_strided_slice %add3A_175 {offsets = [0, 0], sizes = [256, 128], strides = [1, 1]} : vector<256x512xf32> to vector<256x128xf32>
    %logistic3A_177 = arith.negf %slice3A_176 : vector<256x128xf32>
    %logistic3A_178 = math.exp %logistic3A_177 : vector<256x128xf32>
    %logistic3A_179 = arith.constant 1.000000e+00 : f32
    %logistic3A_180 = vector.broadcast %logistic3A_179 : f32 to vector<256x128xf32>
    %logistic3A_181 = arith.addf %logistic3A_180, %logistic3A_178 : vector<256x128xf32>
    %logistic3A_182 = arith.divf %logistic3A_180, %logistic3A_181 : vector<256x128xf32>
    %slice3A_183 = vector.extract_strided_slice %add3A_175 {offsets = [0, 128], sizes = [256, 128], strides = [1, 1]} : vector<256x512xf32> to vector<256x128xf32>
    %logistic3A_184 = arith.negf %slice3A_183 : vector<256x128xf32>
    %logistic3A_185 = math.exp %logistic3A_184 : vector<256x128xf32>
    %logistic3A_186 = arith.constant 1.000000e+00 : f32
    %logistic3A_187 = vector.broadcast %logistic3A_186 : f32 to vector<256x128xf32>
    %logistic3A_188 = arith.addf %logistic3A_187, %logistic3A_185 : vector<256x128xf32>
    %logistic3A_189 = arith.divf %logistic3A_187, %logistic3A_188 : vector<256x128xf32>
    %slice3A_190 = vector.extract_strided_slice %add3A_175 {offsets = [0, 256], sizes = [256, 128], strides = [1, 1]} : vector<256x512xf32> to vector<256x128xf32>
    %tanh3A_191 = math.tanh %slice3A_190 : vector<256x128xf32>
    %slice3A_192 = vector.extract_strided_slice %add3A_175 {offsets = [0, 384], sizes = [256, 128], strides = [1, 1]} : vector<256x512xf32> to vector<256x128xf32>
    %logistic3A_193 = arith.negf %slice3A_192 : vector<256x128xf32>
    %logistic3A_194 = math.exp %logistic3A_193 : vector<256x128xf32>
    %logistic3A_195 = arith.constant 1.000000e+00 : f32
    %logistic3A_196 = vector.broadcast %logistic3A_195 : f32 to vector<256x128xf32>
    %logistic3A_197 = arith.addf %logistic3A_196, %logistic3A_194 : vector<256x128xf32>
    %logistic3A_198 = arith.divf %logistic3A_196, %logistic3A_197 : vector<256x128xf32>
    %mul3A_199 = arith.mulf %logistic3A_189, %add3A_137 : vector<256x128xf32>
    %mul3A_200 = arith.mulf %logistic3A_182, %tanh3A_191 : vector<256x128xf32>
    %add3A_201 = arith.addf %mul3A_199, %mul3A_200 : vector<256x128xf32>
    %tanh3A_202 = math.tanh %add3A_201 : vector<256x128xf32>
    %mul3A_203 = arith.mulf %logistic3A_198, %tanh3A_202 : vector<256x128xf32>
    %get3A_204 = arith.constant 0 : index
    %get3A_205 = arith.constant 3 : index
    %get3A_206 = arith.constant 0 : index
    %get3A_207 = vector.load %arg1[%get3A_204, %get3A_205, %get3A_206] : memref<256x32x128xf32, #tpu.memory_space<vmem>>, vector<256x1x128xf32>
    %get3A_208 = vector.shape_cast %get3A_207 : vector<256x1x128xf32> to vector<256x128xf32>
    %convert_element_type3A_209 = arith.truncf %get3A_208 : vector<256x128xf32> to vector<256x128xbf16>
    %dot_general3A_210 = arith.constant dense<0.000000e+00> : vector<256x512xf32>
    %dot_general3A_211 = tpu.matmul %convert_element_type3A_209, %convert_element_type3A, %dot_general3A_210 {dimension_numbers = #tpu.dot_dimension_numbers<[1], [0], [0], [1], [0, 0, 1, 1], [], []>, transpose_lhs_hint = false} : vector<256x128xbf16>, vector<128x512xbf16>, vector<256x512xf32> -> vector<256x512xf32>
    %convert_element_type3A_212 = arith.truncf %mul3A_203 : vector<256x128xf32> to vector<256x128xbf16>
    %dot_general3A_213 = arith.constant dense<0.000000e+00> : vector<256x512xf32>
    %dot_general3A_214 = tpu.matmul %convert_element_type3A_212, %convert_element_type3A_5, %dot_general3A_213 {dimension_numbers = #tpu.dot_dimension_numbers<[1], [0], [0], [1], [0, 0, 1, 1], [], []>, transpose_lhs_hint = false} : vector<256x128xbf16>, vector<128x512xbf16>, vector<256x512xf32> -> vector<256x512xf32>
    %jit3A_215 = arith.constant 0.000000e+00 : f32
    %broadcast_in_dim3A_216 = vector.shape_cast %gt3A_16 : vector<1x512xi1> to vector<1x512xi1>
    %broadcast_in_dim3A_217 = vector.broadcast %broadcast_in_dim3A_216 : vector<1x512xi1> to vector<256x512xi1>
    %broadcast_in_dim3A_218 = vector.broadcast %jit3A_215 : f32 to vector<256x512xf32>
    %select_n3A_219 = arith.select %broadcast_in_dim3A_217, %dot_general3A_211, %broadcast_in_dim3A_218 : vector<256x512xi1>, vector<256x512xf32>
    %add3A_220 = vector.broadcast %get3A_8 : vector<1x512xf32> to vector<256x512xf32>
    %add3A_221 = arith.addf %select_n3A_219, %add3A_220 : vector<256x512xf32>
    %jit3A_222 = arith.constant 0.000000e+00 : f32
    %broadcast_in_dim3A_223 = vector.shape_cast %gt3A_16 : vector<1x512xi1> to vector<1x512xi1>
    %broadcast_in_dim3A_224 = vector.broadcast %broadcast_in_dim3A_223 : vector<1x512xi1> to vector<256x512xi1>
    %broadcast_in_dim3A_225 = vector.broadcast %jit3A_222 : f32 to vector<256x512xf32>
    %select_n3A_226 = arith.select %broadcast_in_dim3A_224, %add3A_221, %broadcast_in_dim3A_225 : vector<256x512xi1>, vector<256x512xf32>
    %jit3A_227 = arith.constant 0.000000e+00 : f32
    %broadcast_in_dim3A_228 = vector.shape_cast %gt3A_16 : vector<1x512xi1> to vector<1x512xi1>
    %broadcast_in_dim3A_229 = vector.broadcast %broadcast_in_dim3A_228 : vector<1x512xi1> to vector<256x512xi1>
    %broadcast_in_dim3A_230 = vector.broadcast %jit3A_227 : f32 to vector<256x512xf32>
    %select_n3A_231 = arith.select %broadcast_in_dim3A_229, %dot_general3A_214, %broadcast_in_dim3A_230 : vector<256x512xi1>, vector<256x512xf32>
    %add3A_232 = arith.addf %select_n3A_226, %select_n3A_231 : vector<256x512xf32>
    %jit3A_233 = arith.constant 0.000000e+00 : f32
    %broadcast_in_dim3A_234 = vector.shape_cast %gt3A_16 : vector<1x512xi1> to vector<1x512xi1>
    %broadcast_in_dim3A_235 = vector.broadcast %broadcast_in_dim3A_234 : vector<1x512xi1> to vector<256x512xi1>
    %broadcast_in_dim3A_236 = vector.broadcast %jit3A_233 : f32 to vector<256x512xf32>
    %select_n3A_237 = arith.select %broadcast_in_dim3A_235, %add3A_232, %broadcast_in_dim3A_236 : vector<256x512xi1>, vector<256x512xf32>
    %add3A_238 = vector.broadcast %get3A_11 : vector<1x512xf32> to vector<256x512xf32>
    %add3A_239 = arith.addf %select_n3A_237, %add3A_238 : vector<256x512xf32>
    %slice3A_240 = vector.extract_strided_slice %add3A_239 {offsets = [0, 0], sizes = [256, 128], strides = [1, 1]} : vector<256x512xf32> to vector<256x128xf32>
    %logistic3A_241 = arith.negf %slice3A_240 : vector<256x128xf32>
    %logistic3A_242 = math.exp %logistic3A_241 : vector<256x128xf32>
    %logistic3A_243 = arith.constant 1.000000e+00 : f32
    %logistic3A_244 = vector.broadcast %logistic3A_243 : f32 to vector<256x128xf32>
    %logistic3A_245 = arith.addf %logistic3A_244, %logistic3A_242 : vector<256x128xf32>
    %logistic3A_246 = arith.divf %logistic3A_244, %logistic3A_245 : vector<256x128xf32>
    %slice3A_247 = vector.extract_strided_slice %add3A_239 {offsets = [0, 128], sizes = [256, 128], strides = [1, 1]} : vector<256x512xf32> to vector<256x128xf32>
    %logistic3A_248 = arith.negf %slice3A_247 : vector<256x128xf32>
    %logistic3A_249 = math.exp %logistic3A_248 : vector<256x128xf32>
    %logistic3A_250 = arith.constant 1.000000e+00 : f32
    %logistic3A_251 = vector.broadcast %logistic3A_250 : f32 to vector<256x128xf32>
    %logistic3A_252 = arith.addf %logistic3A_251, %logistic3A_249 : vector<256x128xf32>
    %logistic3A_253 = arith.divf %logistic3A_251, %logistic3A_252 : vector<256x128xf32>
    %slice3A_254 = vector.extract_strided_slice %add3A_239 {offsets = [0, 256], sizes = [256, 128], strides = [1, 1]} : vector<256x512xf32> to vector<256x128xf32>
    %tanh3A_255 = math.tanh %slice3A_254 : vector<256x128xf32>
    %slice3A_256 = vector.extract_strided_slice %add3A_239 {offsets = [0, 384], sizes = [256, 128], strides = [1, 1]} : vector<256x512xf32> to vector<256x128xf32>
    %logistic3A_257 = arith.negf %slice3A_256 : vector<256x128xf32>
    %logistic3A_258 = math.exp %logistic3A_257 : vector<256x128xf32>
    %logistic3A_259 = arith.constant 1.000000e+00 : f32
    %logistic3A_260 = vector.broadcast %logistic3A_259 : f32 to vector<256x128xf32>
    %logistic3A_261 = arith.addf %logistic3A_260, %logistic3A_258 : vector<256x128xf32>
    %logistic3A_262 = arith.divf %logistic3A_260, %logistic3A_261 : vector<256x128xf32>
    %mul3A_263 = arith.mulf %logistic3A_253, %add3A_201 : vector<256x128xf32>
    %mul3A_264 = arith.mulf %logistic3A_246, %tanh3A_255 : vector<256x128xf32>
    %add3A_265 = arith.addf %mul3A_263, %mul3A_264 : vector<256x128xf32>
    %tanh3A_266 = math.tanh %add3A_265 : vector<256x128xf32>
    %mul3A_267 = arith.mulf %logistic3A_262, %tanh3A_266 : vector<256x128xf32>
    %get3A_268 = arith.constant 0 : index
    %get3A_269 = arith.constant 4 : index
    %get3A_270 = arith.constant 0 : index
    %get3A_271 = vector.load %arg1[%get3A_268, %get3A_269, %get3A_270] : memref<256x32x128xf32, #tpu.memory_space<vmem>>, vector<256x1x128xf32>
    %get3A_272 = vector.shape_cast %get3A_271 : vector<256x1x128xf32> to vector<256x128xf32>
    %convert_element_type3A_273 = arith.truncf %get3A_272 : vector<256x128xf32> to vector<256x128xbf16>
    %dot_general3A_274 = arith.constant dense<0.000000e+00> : vector<256x512xf32>
    %dot_general3A_275 = tpu.matmul %convert_element_type3A_273, %convert_element_type3A, %dot_general3A_274 {dimension_numbers = #tpu.dot_dimension_numbers<[1], [0], [0], [1], [0, 0, 1, 1], [], []>, transpose_lhs_hint = false} : vector<256x128xbf16>, vector<128x512xbf16>, vector<256x512xf32> -> vector<256x512xf32>
    %convert_element_type3A_276 = arith.truncf %mul3A_267 : vector<256x128xf32> to vector<256x128xbf16>
    %dot_general3A_277 = arith.constant dense<0.000000e+00> : vector<256x512xf32>
    %dot_general3A_278 = tpu.matmul %convert_element_type3A_276, %convert_element_type3A_5, %dot_general3A_277 {dimension_numbers = #tpu.dot_dimension_numbers<[1], [0], [0], [1], [0, 0, 1, 1], [], []>, transpose_lhs_hint = false} : vector<256x128xbf16>, vector<128x512xbf16>, vector<256x512xf32> -> vector<256x512xf32>
    %jit3A_279 = arith.constant 0.000000e+00 : f32
    %broadcast_in_dim3A_280 = vector.shape_cast %gt3A_16 : vector<1x512xi1> to vector<1x512xi1>
    %broadcast_in_dim3A_281 = vector.broadcast %broadcast_in_dim3A_280 : vector<1x512xi1> to vector<256x512xi1>
    %broadcast_in_dim3A_282 = vector.broadcast %jit3A_279 : f32 to vector<256x512xf32>
    %select_n3A_283 = arith.select %broadcast_in_dim3A_281, %dot_general3A_275, %broadcast_in_dim3A_282 : vector<256x512xi1>, vector<256x512xf32>
    %add3A_284 = vector.broadcast %get3A_8 : vector<1x512xf32> to vector<256x512xf32>
    %add3A_285 = arith.addf %select_n3A_283, %add3A_284 : vector<256x512xf32>
    %jit3A_286 = arith.constant 0.000000e+00 : f32
    %broadcast_in_dim3A_287 = vector.shape_cast %gt3A_16 : vector<1x512xi1> to vector<1x512xi1>
    %broadcast_in_dim3A_288 = vector.broadcast %broadcast_in_dim3A_287 : vector<1x512xi1> to vector<256x512xi1>
    %broadcast_in_dim3A_289 = vector.broadcast %jit3A_286 : f32 to vector<256x512xf32>
    %select_n3A_290 = arith.select %broadcast_in_dim3A_288, %add3A_285, %broadcast_in_dim3A_289 : vector<256x512xi1>, vector<256x512xf32>
    %jit3A_291 = arith.constant 0.000000e+00 : f32
    %broadcast_in_dim3A_292 = vector.shape_cast %gt3A_16 : vector<1x512xi1> to vector<1x512xi1>
    %broadcast_in_dim3A_293 = vector.broadcast %broadcast_in_dim3A_292 : vector<1x512xi1> to vector<256x512xi1>
    %broadcast_in_dim3A_294 = vector.broadcast %jit3A_291 : f32 to vector<256x512xf32>
    %select_n3A_295 = arith.select %broadcast_in_dim3A_293, %dot_general3A_278, %broadcast_in_dim3A_294 : vector<256x512xi1>, vector<256x512xf32>
    %add3A_296 = arith.addf %select_n3A_290, %select_n3A_295 : vector<256x512xf32>
    %jit3A_297 = arith.constant 0.000000e+00 : f32
    %broadcast_in_dim3A_298 = vector.shape_cast %gt3A_16 : vector<1x512xi1> to vector<1x512xi1>
    %broadcast_in_dim3A_299 = vector.broadcast %broadcast_in_dim3A_298 : vector<1x512xi1> to vector<256x512xi1>
    %broadcast_in_dim3A_300 = vector.broadcast %jit3A_297 : f32 to vector<256x512xf32>
    %select_n3A_301 = arith.select %broadcast_in_dim3A_299, %add3A_296, %broadcast_in_dim3A_300 : vector<256x512xi1>, vector<256x512xf32>
    %add3A_302 = vector.broadcast %get3A_11 : vector<1x512xf32> to vector<256x512xf32>
    %add3A_303 = arith.addf %select_n3A_301, %add3A_302 : vector<256x512xf32>
    %slice3A_304 = vector.extract_strided_slice %add3A_303 {offsets = [0, 0], sizes = [256, 128], strides = [1, 1]} : vector<256x512xf32> to vector<256x128xf32>
    %logistic3A_305 = arith.negf %slice3A_304 : vector<256x128xf32>
    %logistic3A_306 = math.exp %logistic3A_305 : vector<256x128xf32>
    %logistic3A_307 = arith.constant 1.000000e+00 : f32
    %logistic3A_308 = vector.broadcast %logistic3A_307 : f32 to vector<256x128xf32>
    %logistic3A_309 = arith.addf %logistic3A_308, %logistic3A_306 : vector<256x128xf32>
    %logistic3A_310 = arith.divf %logistic3A_308, %logistic3A_309 : vector<256x128xf32>
    %slice3A_311 = vector.extract_strided_slice %add3A_303 {offsets = [0, 128], sizes = [256, 128], strides = [1, 1]} : vector<256x512xf32> to vector<256x128xf32>
    %logistic3A_312 = arith.negf %slice3A_311 : vector<256x128xf32>
    %logistic3A_313 = math.exp %logistic3A_312 : vector<256x128xf32>
    %logistic3A_314 = arith.constant 1.000000e+00 : f32
    %logistic3A_315 = vector.broadcast %logistic3A_314 : f32 to vector<256x128xf32>
    %logistic3A_316 = arith.addf %logistic3A_315, %logistic3A_313 : vector<256x128xf32>
    %logistic3A_317 = arith.divf %logistic3A_315, %logistic3A_316 : vector<256x128xf32>
    %slice3A_318 = vector.extract_strided_slice %add3A_303 {offsets = [0, 256], sizes = [256, 128], strides = [1, 1]} : vector<256x512xf32> to vector<256x128xf32>
    %tanh3A_319 = math.tanh %slice3A_318 : vector<256x128xf32>
    %slice3A_320 = vector.extract_strided_slice %add3A_303 {offsets = [0, 384], sizes = [256, 128], strides = [1, 1]} : vector<256x512xf32> to vector<256x128xf32>
    %logistic3A_321 = arith.negf %slice3A_320 : vector<256x128xf32>
    %logistic3A_322 = math.exp %logistic3A_321 : vector<256x128xf32>
    %logistic3A_323 = arith.constant 1.000000e+00 : f32
    %logistic3A_324 = vector.broadcast %logistic3A_323 : f32 to vector<256x128xf32>
    %logistic3A_325 = arith.addf %logistic3A_324, %logistic3A_322 : vector<256x128xf32>
    %logistic3A_326 = arith.divf %logistic3A_324, %logistic3A_325 : vector<256x128xf32>
    %mul3A_327 = arith.mulf %logistic3A_317, %add3A_265 : vector<256x128xf32>
    %mul3A_328 = arith.mulf %logistic3A_310, %tanh3A_319 : vector<256x128xf32>
    %add3A_329 = arith.addf %mul3A_327, %mul3A_328 : vector<256x128xf32>
    %tanh3A_330 = math.tanh %add3A_329 : vector<256x128xf32>
    %mul3A_331 = arith.mulf %logistic3A_326, %tanh3A_330 : vector<256x128xf32>
    %get3A_332 = arith.constant 0 : index
    %get3A_333 = arith.constant 5 : index
    %get3A_334 = arith.constant 0 : index
    %get3A_335 = vector.load %arg1[%get3A_332, %get3A_333, %get3A_334] : memref<256x32x128xf32, #tpu.memory_space<vmem>>, vector<256x1x128xf32>
    %get3A_336 = vector.shape_cast %get3A_335 : vector<256x1x128xf32> to vector<256x128xf32>
    %convert_element_type3A_337 = arith.truncf %get3A_336 : vector<256x128xf32> to vector<256x128xbf16>
    %dot_general3A_338 = arith.constant dense<0.000000e+00> : vector<256x512xf32>
    %dot_general3A_339 = tpu.matmul %convert_element_type3A_337, %convert_element_type3A, %dot_general3A_338 {dimension_numbers = #tpu.dot_dimension_numbers<[1], [0], [0], [1], [0, 0, 1, 1], [], []>, transpose_lhs_hint = false} : vector<256x128xbf16>, vector<128x512xbf16>, vector<256x512xf32> -> vector<256x512xf32>
    %convert_element_type3A_340 = arith.truncf %mul3A_331 : vector<256x128xf32> to vector<256x128xbf16>
    %dot_general3A_341 = arith.constant dense<0.000000e+00> : vector<256x512xf32>
    %dot_general3A_342 = tpu.matmul %convert_element_type3A_340, %convert_element_type3A_5, %dot_general3A_341 {dimension_numbers = #tpu.dot_dimension_numbers<[1], [0], [0], [1], [0, 0, 1, 1], [], []>, transpose_lhs_hint = false} : vector<256x128xbf16>, vector<128x512xbf16>, vector<256x512xf32> -> vector<256x512xf32>
    %jit3A_343 = arith.constant 0.000000e+00 : f32
    %broadcast_in_dim3A_344 = vector.shape_cast %gt3A_16 : vector<1x512xi1> to vector<1x512xi1>
    %broadcast_in_dim3A_345 = vector.broadcast %broadcast_in_dim3A_344 : vector<1x512xi1> to vector<256x512xi1>
    %broadcast_in_dim3A_346 = vector.broadcast %jit3A_343 : f32 to vector<256x512xf32>
    %select_n3A_347 = arith.select %broadcast_in_dim3A_345, %dot_general3A_339, %broadcast_in_dim3A_346 : vector<256x512xi1>, vector<256x512xf32>
    %add3A_348 = vector.broadcast %get3A_8 : vector<1x512xf32> to vector<256x512xf32>
    %add3A_349 = arith.addf %select_n3A_347, %add3A_348 : vector<256x512xf32>
    %jit3A_350 = arith.constant 0.000000e+00 : f32
    %broadcast_in_dim3A_351 = vector.shape_cast %gt3A_16 : vector<1x512xi1> to vector<1x512xi1>
    %broadcast_in_dim3A_352 = vector.broadcast %broadcast_in_dim3A_351 : vector<1x512xi1> to vector<256x512xi1>
    %broadcast_in_dim3A_353 = vector.broadcast %jit3A_350 : f32 to vector<256x512xf32>
    %select_n3A_354 = arith.select %broadcast_in_dim3A_352, %add3A_349, %broadcast_in_dim3A_353 : vector<256x512xi1>, vector<256x512xf32>
    %jit3A_355 = arith.constant 0.000000e+00 : f32
    %broadcast_in_dim3A_356 = vector.shape_cast %gt3A_16 : vector<1x512xi1> to vector<1x512xi1>
    %broadcast_in_dim3A_357 = vector.broadcast %broadcast_in_dim3A_356 : vector<1x512xi1> to vector<256x512xi1>
    %broadcast_in_dim3A_358 = vector.broadcast %jit3A_355 : f32 to vector<256x512xf32>
    %select_n3A_359 = arith.select %broadcast_in_dim3A_357, %dot_general3A_342, %broadcast_in_dim3A_358 : vector<256x512xi1>, vector<256x512xf32>
    %add3A_360 = arith.addf %select_n3A_354, %select_n3A_359 : vector<256x512xf32>
    %jit3A_361 = arith.constant 0.000000e+00 : f32
    %broadcast_in_dim3A_362 = vector.shape_cast %gt3A_16 : vector<1x512xi1> to vector<1x512xi1>
    %broadcast_in_dim3A_363 = vector.broadcast %broadcast_in_dim3A_362 : vector<1x512xi1> to vector<256x512xi1>
    %broadcast_in_dim3A_364 = vector.broadcast %jit3A_361 : f32 to vector<256x512xf32>
    %select_n3A_365 = arith.select %broadcast_in_dim3A_363, %add3A_360, %broadcast_in_dim3A_364 : vector<256x512xi1>, vector<256x512xf32>
    %add3A_366 = vector.broadcast %get3A_11 : vector<1x512xf32> to vector<256x512xf32>
    %add3A_367 = arith.addf %select_n3A_365, %add3A_366 : vector<256x512xf32>
    %slice3A_368 = vector.extract_strided_slice %add3A_367 {offsets = [0, 0], sizes = [256, 128], strides = [1, 1]} : vector<256x512xf32> to vector<256x128xf32>
    %logistic3A_369 = arith.negf %slice3A_368 : vector<256x128xf32>
    %logistic3A_370 = math.exp %logistic3A_369 : vector<256x128xf32>
    %logistic3A_371 = arith.constant 1.000000e+00 : f32
    %logistic3A_372 = vector.broadcast %logistic3A_371 : f32 to vector<256x128xf32>
    %logistic3A_373 = arith.addf %logistic3A_372, %logistic3A_370 : vector<256x128xf32>
    %logistic3A_374 = arith.divf %logistic3A_372, %logistic3A_373 : vector<256x128xf32>
    %slice3A_375 = vector.extract_strided_slice %add3A_367 {offsets = [0, 128], sizes = [256, 128], strides = [1, 1]} : vector<256x512xf32> to vector<256x128xf32>
    %logistic3A_376 = arith.negf %slice3A_375 : vector<256x128xf32>
    %logistic3A_377 = math.exp %logistic3A_376 : vector<256x128xf32>
    %logistic3A_378 = arith.constant 1.000000e+00 : f32
    %logistic3A_379 = vector.broadcast %logistic3A_378 : f32 to vector<256x128xf32>
    %logistic3A_380 = arith.addf %logistic3A_379, %logistic3A_377 : vector<256x128xf32>
    %logistic3A_381 = arith.divf %logistic3A_379, %logistic3A_380 : vector<256x128xf32>
    %slice3A_382 = vector.extract_strided_slice %add3A_367 {offsets = [0, 256], sizes = [256, 128], strides = [1, 1]} : vector<256x512xf32> to vector<256x128xf32>
    %tanh3A_383 = math.tanh %slice3A_382 : vector<256x128xf32>
    %slice3A_384 = vector.extract_strided_slice %add3A_367 {offsets = [0, 384], sizes = [256, 128], strides = [1, 1]} : vector<256x512xf32> to vector<256x128xf32>
    %logistic3A_385 = arith.negf %slice3A_384 : vector<256x128xf32>
    %logistic3A_386 = math.exp %logistic3A_385 : vector<256x128xf32>
    %logistic3A_387 = arith.constant 1.000000e+00 : f32
    %logistic3A_388 = vector.broadcast %logistic3A_387 : f32 to vector<256x128xf32>
    %logistic3A_389 = arith.addf %logistic3A_388, %logistic3A_386 : vector<256x128xf32>
    %logistic3A_390 = arith.divf %logistic3A_388, %logistic3A_389 : vector<256x128xf32>
    %mul3A_391 = arith.mulf %logistic3A_381, %add3A_329 : vector<256x128xf32>
    %mul3A_392 = arith.mulf %logistic3A_374, %tanh3A_383 : vector<256x128xf32>
    %add3A_393 = arith.addf %mul3A_391, %mul3A_392 : vector<256x128xf32>
    %tanh3A_394 = math.tanh %add3A_393 : vector<256x128xf32>
    %mul3A_395 = arith.mulf %logistic3A_390, %tanh3A_394 : vector<256x128xf32>
    %get3A_396 = arith.constant 0 : index
    %get3A_397 = arith.constant 6 : index
    %get3A_398 = arith.constant 0 : index
    %get3A_399 = vector.load %arg1[%get3A_396, %get3A_397, %get3A_398] : memref<256x32x128xf32, #tpu.memory_space<vmem>>, vector<256x1x128xf32>
    %get3A_400 = vector.shape_cast %get3A_399 : vector<256x1x128xf32> to vector<256x128xf32>
    %convert_element_type3A_401 = arith.truncf %get3A_400 : vector<256x128xf32> to vector<256x128xbf16>
    %dot_general3A_402 = arith.constant dense<0.000000e+00> : vector<256x512xf32>
    %dot_general3A_403 = tpu.matmul %convert_element_type3A_401, %convert_element_type3A, %dot_general3A_402 {dimension_numbers = #tpu.dot_dimension_numbers<[1], [0], [0], [1], [0, 0, 1, 1], [], []>, transpose_lhs_hint = false} : vector<256x128xbf16>, vector<128x512xbf16>, vector<256x512xf32> -> vector<256x512xf32>
    %convert_element_type3A_404 = arith.truncf %mul3A_395 : vector<256x128xf32> to vector<256x128xbf16>
    %dot_general3A_405 = arith.constant dense<0.000000e+00> : vector<256x512xf32>
    %dot_general3A_406 = tpu.matmul %convert_element_type3A_404, %convert_element_type3A_5, %dot_general3A_405 {dimension_numbers = #tpu.dot_dimension_numbers<[1], [0], [0], [1], [0, 0, 1, 1], [], []>, transpose_lhs_hint = false} : vector<256x128xbf16>, vector<128x512xbf16>, vector<256x512xf32> -> vector<256x512xf32>
    %jit3A_407 = arith.constant 0.000000e+00 : f32
    %broadcast_in_dim3A_408 = vector.shape_cast %gt3A_16 : vector<1x512xi1> to vector<1x512xi1>
    %broadcast_in_dim3A_409 = vector.broadcast %broadcast_in_dim3A_408 : vector<1x512xi1> to vector<256x512xi1>
    %broadcast_in_dim3A_410 = vector.broadcast %jit3A_407 : f32 to vector<256x512xf32>
    %select_n3A_411 = arith.select %broadcast_in_dim3A_409, %dot_general3A_403, %broadcast_in_dim3A_410 : vector<256x512xi1>, vector<256x512xf32>
    %add3A_412 = vector.broadcast %get3A_8 : vector<1x512xf32> to vector<256x512xf32>
    %add3A_413 = arith.addf %select_n3A_411, %add3A_412 : vector<256x512xf32>
    %jit3A_414 = arith.constant 0.000000e+00 : f32
    %broadcast_in_dim3A_415 = vector.shape_cast %gt3A_16 : vector<1x512xi1> to vector<1x512xi1>
    %broadcast_in_dim3A_416 = vector.broadcast %broadcast_in_dim3A_415 : vector<1x512xi1> to vector<256x512xi1>
    %broadcast_in_dim3A_417 = vector.broadcast %jit3A_414 : f32 to vector<256x512xf32>
    %select_n3A_418 = arith.select %broadcast_in_dim3A_416, %add3A_413, %broadcast_in_dim3A_417 : vector<256x512xi1>, vector<256x512xf32>
    %jit3A_419 = arith.constant 0.000000e+00 : f32
    %broadcast_in_dim3A_420 = vector.shape_cast %gt3A_16 : vector<1x512xi1> to vector<1x512xi1>
    %broadcast_in_dim3A_421 = vector.broadcast %broadcast_in_dim3A_420 : vector<1x512xi1> to vector<256x512xi1>
    %broadcast_in_dim3A_422 = vector.broadcast %jit3A_419 : f32 to vector<256x512xf32>
    %select_n3A_423 = arith.select %broadcast_in_dim3A_421, %dot_general3A_406, %broadcast_in_dim3A_422 : vector<256x512xi1>, vector<256x512xf32>
    %add3A_424 = arith.addf %select_n3A_418, %select_n3A_423 : vector<256x512xf32>
    %jit3A_425 = arith.constant 0.000000e+00 : f32
    %broadcast_in_dim3A_426 = vector.shape_cast %gt3A_16 : vector<1x512xi1> to vector<1x512xi1>
    %broadcast_in_dim3A_427 = vector.broadcast %broadcast_in_dim3A_426 : vector<1x512xi1> to vector<256x512xi1>
    %broadcast_in_dim3A_428 = vector.broadcast %jit3A_425 : f32 to vector<256x512xf32>
    %select_n3A_429 = arith.select %broadcast_in_dim3A_427, %add3A_424, %broadcast_in_dim3A_428 : vector<256x512xi1>, vector<256x512xf32>
    %add3A_430 = vector.broadcast %get3A_11 : vector<1x512xf32> to vector<256x512xf32>
    %add3A_431 = arith.addf %select_n3A_429, %add3A_430 : vector<256x512xf32>
    %slice3A_432 = vector.extract_strided_slice %add3A_431 {offsets = [0, 0], sizes = [256, 128], strides = [1, 1]} : vector<256x512xf32> to vector<256x128xf32>
    %logistic3A_433 = arith.negf %slice3A_432 : vector<256x128xf32>
    %logistic3A_434 = math.exp %logistic3A_433 : vector<256x128xf32>
    %logistic3A_435 = arith.constant 1.000000e+00 : f32
    %logistic3A_436 = vector.broadcast %logistic3A_435 : f32 to vector<256x128xf32>
    %logistic3A_437 = arith.addf %logistic3A_436, %logistic3A_434 : vector<256x128xf32>
    %logistic3A_438 = arith.divf %logistic3A_436, %logistic3A_437 : vector<256x128xf32>
    %slice3A_439 = vector.extract_strided_slice %add3A_431 {offsets = [0, 128], sizes = [256, 128], strides = [1, 1]} : vector<256x512xf32> to vector<256x128xf32>
    %logistic3A_440 = arith.negf %slice3A_439 : vector<256x128xf32>
    %logistic3A_441 = math.exp %logistic3A_440 : vector<256x128xf32>
    %logistic3A_442 = arith.constant 1.000000e+00 : f32
    %logistic3A_443 = vector.broadcast %logistic3A_442 : f32 to vector<256x128xf32>
    %logistic3A_444 = arith.addf %logistic3A_443, %logistic3A_441 : vector<256x128xf32>
    %logistic3A_445 = arith.divf %logistic3A_443, %logistic3A_444 : vector<256x128xf32>
    %slice3A_446 = vector.extract_strided_slice %add3A_431 {offsets = [0, 256], sizes = [256, 128], strides = [1, 1]} : vector<256x512xf32> to vector<256x128xf32>
    %tanh3A_447 = math.tanh %slice3A_446 : vector<256x128xf32>
    %slice3A_448 = vector.extract_strided_slice %add3A_431 {offsets = [0, 384], sizes = [256, 128], strides = [1, 1]} : vector<256x512xf32> to vector<256x128xf32>
    %logistic3A_449 = arith.negf %slice3A_448 : vector<256x128xf32>
    %logistic3A_450 = math.exp %logistic3A_449 : vector<256x128xf32>
    %logistic3A_451 = arith.constant 1.000000e+00 : f32
    %logistic3A_452 = vector.broadcast %logistic3A_451 : f32 to vector<256x128xf32>
    %logistic3A_453 = arith.addf %logistic3A_452, %logistic3A_450 : vector<256x128xf32>
    %logistic3A_454 = arith.divf %logistic3A_452, %logistic3A_453 : vector<256x128xf32>
    %mul3A_455 = arith.mulf %logistic3A_445, %add3A_393 : vector<256x128xf32>
    %mul3A_456 = arith.mulf %logistic3A_438, %tanh3A_447 : vector<256x128xf32>
    %add3A_457 = arith.addf %mul3A_455, %mul3A_456 : vector<256x128xf32>
    %tanh3A_458 = math.tanh %add3A_457 : vector<256x128xf32>
    %mul3A_459 = arith.mulf %logistic3A_454, %tanh3A_458 : vector<256x128xf32>
    %get3A_460 = arith.constant 0 : index
    %get3A_461 = arith.constant 7 : index
    %get3A_462 = arith.constant 0 : index
    %get3A_463 = vector.load %arg1[%get3A_460, %get3A_461, %get3A_462] : memref<256x32x128xf32, #tpu.memory_space<vmem>>, vector<256x1x128xf32>
    %get3A_464 = vector.shape_cast %get3A_463 : vector<256x1x128xf32> to vector<256x128xf32>
    %convert_element_type3A_465 = arith.truncf %get3A_464 : vector<256x128xf32> to vector<256x128xbf16>
    %dot_general3A_466 = arith.constant dense<0.000000e+00> : vector<256x512xf32>
    %dot_general3A_467 = tpu.matmul %convert_element_type3A_465, %convert_element_type3A, %dot_general3A_466 {dimension_numbers = #tpu.dot_dimension_numbers<[1], [0], [0], [1], [0, 0, 1, 1], [], []>, transpose_lhs_hint = false} : vector<256x128xbf16>, vector<128x512xbf16>, vector<256x512xf32> -> vector<256x512xf32>
    %convert_element_type3A_468 = arith.truncf %mul3A_459 : vector<256x128xf32> to vector<256x128xbf16>
    %dot_general3A_469 = arith.constant dense<0.000000e+00> : vector<256x512xf32>
    %dot_general3A_470 = tpu.matmul %convert_element_type3A_468, %convert_element_type3A_5, %dot_general3A_469 {dimension_numbers = #tpu.dot_dimension_numbers<[1], [0], [0], [1], [0, 0, 1, 1], [], []>, transpose_lhs_hint = false} : vector<256x128xbf16>, vector<128x512xbf16>, vector<256x512xf32> -> vector<256x512xf32>
    %jit3A_471 = arith.constant 0.000000e+00 : f32
    %broadcast_in_dim3A_472 = vector.shape_cast %gt3A_16 : vector<1x512xi1> to vector<1x512xi1>
    %broadcast_in_dim3A_473 = vector.broadcast %broadcast_in_dim3A_472 : vector<1x512xi1> to vector<256x512xi1>
    %broadcast_in_dim3A_474 = vector.broadcast %jit3A_471 : f32 to vector<256x512xf32>
    %select_n3A_475 = arith.select %broadcast_in_dim3A_473, %dot_general3A_467, %broadcast_in_dim3A_474 : vector<256x512xi1>, vector<256x512xf32>
    %add3A_476 = vector.broadcast %get3A_8 : vector<1x512xf32> to vector<256x512xf32>
    %add3A_477 = arith.addf %select_n3A_475, %add3A_476 : vector<256x512xf32>
    %jit3A_478 = arith.constant 0.000000e+00 : f32
    %broadcast_in_dim3A_479 = vector.shape_cast %gt3A_16 : vector<1x512xi1> to vector<1x512xi1>
    %broadcast_in_dim3A_480 = vector.broadcast %broadcast_in_dim3A_479 : vector<1x512xi1> to vector<256x512xi1>
    %broadcast_in_dim3A_481 = vector.broadcast %jit3A_478 : f32 to vector<256x512xf32>
    %select_n3A_482 = arith.select %broadcast_in_dim3A_480, %add3A_477, %broadcast_in_dim3A_481 : vector<256x512xi1>, vector<256x512xf32>
    %jit3A_483 = arith.constant 0.000000e+00 : f32
    %broadcast_in_dim3A_484 = vector.shape_cast %gt3A_16 : vector<1x512xi1> to vector<1x512xi1>
    %broadcast_in_dim3A_485 = vector.broadcast %broadcast_in_dim3A_484 : vector<1x512xi1> to vector<256x512xi1>
    %broadcast_in_dim3A_486 = vector.broadcast %jit3A_483 : f32 to vector<256x512xf32>
    %select_n3A_487 = arith.select %broadcast_in_dim3A_485, %dot_general3A_470, %broadcast_in_dim3A_486 : vector<256x512xi1>, vector<256x512xf32>
    %add3A_488 = arith.addf %select_n3A_482, %select_n3A_487 : vector<256x512xf32>
    %jit3A_489 = arith.constant 0.000000e+00 : f32
    %broadcast_in_dim3A_490 = vector.shape_cast %gt3A_16 : vector<1x512xi1> to vector<1x512xi1>
    %broadcast_in_dim3A_491 = vector.broadcast %broadcast_in_dim3A_490 : vector<1x512xi1> to vector<256x512xi1>
    %broadcast_in_dim3A_492 = vector.broadcast %jit3A_489 : f32 to vector<256x512xf32>
    %select_n3A_493 = arith.select %broadcast_in_dim3A_491, %add3A_488, %broadcast_in_dim3A_492 : vector<256x512xi1>, vector<256x512xf32>
    %add3A_494 = vector.broadcast %get3A_11 : vector<1x512xf32> to vector<256x512xf32>
    %add3A_495 = arith.addf %select_n3A_493, %add3A_494 : vector<256x512xf32>
    %slice3A_496 = vector.extract_strided_slice %add3A_495 {offsets = [0, 0], sizes = [256, 128], strides = [1, 1]} : vector<256x512xf32> to vector<256x128xf32>
    %logistic3A_497 = arith.negf %slice3A_496 : vector<256x128xf32>
    %logistic3A_498 = math.exp %logistic3A_497 : vector<256x128xf32>
    %logistic3A_499 = arith.constant 1.000000e+00 : f32
    %logistic3A_500 = vector.broadcast %logistic3A_499 : f32 to vector<256x128xf32>
    %logistic3A_501 = arith.addf %logistic3A_500, %logistic3A_498 : vector<256x128xf32>
    %logistic3A_502 = arith.divf %logistic3A_500, %logistic3A_501 : vector<256x128xf32>
    %slice3A_503 = vector.extract_strided_slice %add3A_495 {offsets = [0, 128], sizes = [256, 128], strides = [1, 1]} : vector<256x512xf32> to vector<256x128xf32>
    %logistic3A_504 = arith.negf %slice3A_503 : vector<256x128xf32>
    %logistic3A_505 = math.exp %logistic3A_504 : vector<256x128xf32>
    %logistic3A_506 = arith.constant 1.000000e+00 : f32
    %logistic3A_507 = vector.broadcast %logistic3A_506 : f32 to vector<256x128xf32>
    %logistic3A_508 = arith.addf %logistic3A_507, %logistic3A_505 : vector<256x128xf32>
    %logistic3A_509 = arith.divf %logistic3A_507, %logistic3A_508 : vector<256x128xf32>
    %slice3A_510 = vector.extract_strided_slice %add3A_495 {offsets = [0, 256], sizes = [256, 128], strides = [1, 1]} : vector<256x512xf32> to vector<256x128xf32>
    %tanh3A_511 = math.tanh %slice3A_510 : vector<256x128xf32>
    %slice3A_512 = vector.extract_strided_slice %add3A_495 {offsets = [0, 384], sizes = [256, 128], strides = [1, 1]} : vector<256x512xf32> to vector<256x128xf32>
    %logistic3A_513 = arith.negf %slice3A_512 : vector<256x128xf32>
    %logistic3A_514 = math.exp %logistic3A_513 : vector<256x128xf32>
    %logistic3A_515 = arith.constant 1.000000e+00 : f32
    %logistic3A_516 = vector.broadcast %logistic3A_515 : f32 to vector<256x128xf32>
    %logistic3A_517 = arith.addf %logistic3A_516, %logistic3A_514 : vector<256x128xf32>
    %logistic3A_518 = arith.divf %logistic3A_516, %logistic3A_517 : vector<256x128xf32>
    %mul3A_519 = arith.mulf %logistic3A_509, %add3A_457 : vector<256x128xf32>
    %mul3A_520 = arith.mulf %logistic3A_502, %tanh3A_511 : vector<256x128xf32>
    %add3A_521 = arith.addf %mul3A_519, %mul3A_520 : vector<256x128xf32>
    %tanh3A_522 = math.tanh %add3A_521 : vector<256x128xf32>
    %mul3A_523 = arith.mulf %logistic3A_518, %tanh3A_522 : vector<256x128xf32>
    %get3A_524 = arith.constant 0 : index
    %get3A_525 = arith.constant 8 : index
    %get3A_526 = arith.constant 0 : index
    %get3A_527 = vector.load %arg1[%get3A_524, %get3A_525, %get3A_526] : memref<256x32x128xf32, #tpu.memory_space<vmem>>, vector<256x1x128xf32>
    %get3A_528 = vector.shape_cast %get3A_527 : vector<256x1x128xf32> to vector<256x128xf32>
    %convert_element_type3A_529 = arith.truncf %get3A_528 : vector<256x128xf32> to vector<256x128xbf16>
    %dot_general3A_530 = arith.constant dense<0.000000e+00> : vector<256x512xf32>
    %dot_general3A_531 = tpu.matmul %convert_element_type3A_529, %convert_element_type3A, %dot_general3A_530 {dimension_numbers = #tpu.dot_dimension_numbers<[1], [0], [0], [1], [0, 0, 1, 1], [], []>, transpose_lhs_hint = false} : vector<256x128xbf16>, vector<128x512xbf16>, vector<256x512xf32> -> vector<256x512xf32>
    %convert_element_type3A_532 = arith.truncf %mul3A_523 : vector<256x128xf32> to vector<256x128xbf16>
    %dot_general3A_533 = arith.constant dense<0.000000e+00> : vector<256x512xf32>
    %dot_general3A_534 = tpu.matmul %convert_element_type3A_532, %convert_element_type3A_5, %dot_general3A_533 {dimension_numbers = #tpu.dot_dimension_numbers<[1], [0], [0], [1], [0, 0, 1, 1], [], []>, transpose_lhs_hint = false} : vector<256x128xbf16>, vector<128x512xbf16>, vector<256x512xf32> -> vector<256x512xf32>
    %jit3A_535 = arith.constant 0.000000e+00 : f32
    %broadcast_in_dim3A_536 = vector.shape_cast %gt3A_16 : vector<1x512xi1> to vector<1x512xi1>
    %broadcast_in_dim3A_537 = vector.broadcast %broadcast_in_dim3A_536 : vector<1x512xi1> to vector<256x512xi1>
    %broadcast_in_dim3A_538 = vector.broadcast %jit3A_535 : f32 to vector<256x512xf32>
    %select_n3A_539 = arith.select %broadcast_in_dim3A_537, %dot_general3A_531, %broadcast_in_dim3A_538 : vector<256x512xi1>, vector<256x512xf32>
    %add3A_540 = vector.broadcast %get3A_8 : vector<1x512xf32> to vector<256x512xf32>
    %add3A_541 = arith.addf %select_n3A_539, %add3A_540 : vector<256x512xf32>
    %jit3A_542 = arith.constant 0.000000e+00 : f32
    %broadcast_in_dim3A_543 = vector.shape_cast %gt3A_16 : vector<1x512xi1> to vector<1x512xi1>
    %broadcast_in_dim3A_544 = vector.broadcast %broadcast_in_dim3A_543 : vector<1x512xi1> to vector<256x512xi1>
    %broadcast_in_dim3A_545 = vector.broadcast %jit3A_542 : f32 to vector<256x512xf32>
    %select_n3A_546 = arith.select %broadcast_in_dim3A_544, %add3A_541, %broadcast_in_dim3A_545 : vector<256x512xi1>, vector<256x512xf32>
    %jit3A_547 = arith.constant 0.000000e+00 : f32
    %broadcast_in_dim3A_548 = vector.shape_cast %gt3A_16 : vector<1x512xi1> to vector<1x512xi1>
    %broadcast_in_dim3A_549 = vector.broadcast %broadcast_in_dim3A_548 : vector<1x512xi1> to vector<256x512xi1>
    %broadcast_in_dim3A_550 = vector.broadcast %jit3A_547 : f32 to vector<256x512xf32>
    %select_n3A_551 = arith.select %broadcast_in_dim3A_549, %dot_general3A_534, %broadcast_in_dim3A_550 : vector<256x512xi1>, vector<256x512xf32>
    %add3A_552 = arith.addf %select_n3A_546, %select_n3A_551 : vector<256x512xf32>
    %jit3A_553 = arith.constant 0.000000e+00 : f32
    %broadcast_in_dim3A_554 = vector.shape_cast %gt3A_16 : vector<1x512xi1> to vector<1x512xi1>
    %broadcast_in_dim3A_555 = vector.broadcast %broadcast_in_dim3A_554 : vector<1x512xi1> to vector<256x512xi1>
    %broadcast_in_dim3A_556 = vector.broadcast %jit3A_553 : f32 to vector<256x512xf32>
    %select_n3A_557 = arith.select %broadcast_in_dim3A_555, %add3A_552, %broadcast_in_dim3A_556 : vector<256x512xi1>, vector<256x512xf32>
    %add3A_558 = vector.broadcast %get3A_11 : vector<1x512xf32> to vector<256x512xf32>
    %add3A_559 = arith.addf %select_n3A_557, %add3A_558 : vector<256x512xf32>
    %slice3A_560 = vector.extract_strided_slice %add3A_559 {offsets = [0, 0], sizes = [256, 128], strides = [1, 1]} : vector<256x512xf32> to vector<256x128xf32>
    %logistic3A_561 = arith.negf %slice3A_560 : vector<256x128xf32>
    %logistic3A_562 = math.exp %logistic3A_561 : vector<256x128xf32>
    %logistic3A_563 = arith.constant 1.000000e+00 : f32
    %logistic3A_564 = vector.broadcast %logistic3A_563 : f32 to vector<256x128xf32>
    %logistic3A_565 = arith.addf %logistic3A_564, %logistic3A_562 : vector<256x128xf32>
    %logistic3A_566 = arith.divf %logistic3A_564, %logistic3A_565 : vector<256x128xf32>
    %slice3A_567 = vector.extract_strided_slice %add3A_559 {offsets = [0, 128], sizes = [256, 128], strides = [1, 1]} : vector<256x512xf32> to vector<256x128xf32>
    %logistic3A_568 = arith.negf %slice3A_567 : vector<256x128xf32>
    %logistic3A_569 = math.exp %logistic3A_568 : vector<256x128xf32>
    %logistic3A_570 = arith.constant 1.000000e+00 : f32
    %logistic3A_571 = vector.broadcast %logistic3A_570 : f32 to vector<256x128xf32>
    %logistic3A_572 = arith.addf %logistic3A_571, %logistic3A_569 : vector<256x128xf32>
    %logistic3A_573 = arith.divf %logistic3A_571, %logistic3A_572 : vector<256x128xf32>
    %slice3A_574 = vector.extract_strided_slice %add3A_559 {offsets = [0, 256], sizes = [256, 128], strides = [1, 1]} : vector<256x512xf32> to vector<256x128xf32>
    %tanh3A_575 = math.tanh %slice3A_574 : vector<256x128xf32>
    %slice3A_576 = vector.extract_strided_slice %add3A_559 {offsets = [0, 384], sizes = [256, 128], strides = [1, 1]} : vector<256x512xf32> to vector<256x128xf32>
    %logistic3A_577 = arith.negf %slice3A_576 : vector<256x128xf32>
    %logistic3A_578 = math.exp %logistic3A_577 : vector<256x128xf32>
    %logistic3A_579 = arith.constant 1.000000e+00 : f32
    %logistic3A_580 = vector.broadcast %logistic3A_579 : f32 to vector<256x128xf32>
    %logistic3A_581 = arith.addf %logistic3A_580, %logistic3A_578 : vector<256x128xf32>
    %logistic3A_582 = arith.divf %logistic3A_580, %logistic3A_581 : vector<256x128xf32>
    %mul3A_583 = arith.mulf %logistic3A_573, %add3A_521 : vector<256x128xf32>
    %mul3A_584 = arith.mulf %logistic3A_566, %tanh3A_575 : vector<256x128xf32>
    %add3A_585 = arith.addf %mul3A_583, %mul3A_584 : vector<256x128xf32>
    %tanh3A_586 = math.tanh %add3A_585 : vector<256x128xf32>
    %mul3A_587 = arith.mulf %logistic3A_582, %tanh3A_586 : vector<256x128xf32>
    %get3A_588 = arith.constant 0 : index
    %get3A_589 = arith.constant 9 : index
    %get3A_590 = arith.constant 0 : index
    %get3A_591 = vector.load %arg1[%get3A_588, %get3A_589, %get3A_590] : memref<256x32x128xf32, #tpu.memory_space<vmem>>, vector<256x1x128xf32>
    %get3A_592 = vector.shape_cast %get3A_591 : vector<256x1x128xf32> to vector<256x128xf32>
    %convert_element_type3A_593 = arith.truncf %get3A_592 : vector<256x128xf32> to vector<256x128xbf16>
    %dot_general3A_594 = arith.constant dense<0.000000e+00> : vector<256x512xf32>
    %dot_general3A_595 = tpu.matmul %convert_element_type3A_593, %convert_element_type3A, %dot_general3A_594 {dimension_numbers = #tpu.dot_dimension_numbers<[1], [0], [0], [1], [0, 0, 1, 1], [], []>, transpose_lhs_hint = false} : vector<256x128xbf16>, vector<128x512xbf16>, vector<256x512xf32> -> vector<256x512xf32>
    %convert_element_type3A_596 = arith.truncf %mul3A_587 : vector<256x128xf32> to vector<256x128xbf16>
    %dot_general3A_597 = arith.constant dense<0.000000e+00> : vector<256x512xf32>
    %dot_general3A_598 = tpu.matmul %convert_element_type3A_596, %convert_element_type3A_5, %dot_general3A_597 {dimension_numbers = #tpu.dot_dimension_numbers<[1], [0], [0], [1], [0, 0, 1, 1], [], []>, transpose_lhs_hint = false} : vector<256x128xbf16>, vector<128x512xbf16>, vector<256x512xf32> -> vector<256x512xf32>
    %jit3A_599 = arith.constant 0.000000e+00 : f32
    %broadcast_in_dim3A_600 = vector.shape_cast %gt3A_16 : vector<1x512xi1> to vector<1x512xi1>
    %broadcast_in_dim3A_601 = vector.broadcast %broadcast_in_dim3A_600 : vector<1x512xi1> to vector<256x512xi1>
    %broadcast_in_dim3A_602 = vector.broadcast %jit3A_599 : f32 to vector<256x512xf32>
    %select_n3A_603 = arith.select %broadcast_in_dim3A_601, %dot_general3A_595, %broadcast_in_dim3A_602 : vector<256x512xi1>, vector<256x512xf32>
    %add3A_604 = vector.broadcast %get3A_8 : vector<1x512xf32> to vector<256x512xf32>
    %add3A_605 = arith.addf %select_n3A_603, %add3A_604 : vector<256x512xf32>
    %jit3A_606 = arith.constant 0.000000e+00 : f32
    %broadcast_in_dim3A_607 = vector.shape_cast %gt3A_16 : vector<1x512xi1> to vector<1x512xi1>
    %broadcast_in_dim3A_608 = vector.broadcast %broadcast_in_dim3A_607 : vector<1x512xi1> to vector<256x512xi1>
    %broadcast_in_dim3A_609 = vector.broadcast %jit3A_606 : f32 to vector<256x512xf32>
    %select_n3A_610 = arith.select %broadcast_in_dim3A_608, %add3A_605, %broadcast_in_dim3A_609 : vector<256x512xi1>, vector<256x512xf32>
    %jit3A_611 = arith.constant 0.000000e+00 : f32
    %broadcast_in_dim3A_612 = vector.shape_cast %gt3A_16 : vector<1x512xi1> to vector<1x512xi1>
    %broadcast_in_dim3A_613 = vector.broadcast %broadcast_in_dim3A_612 : vector<1x512xi1> to vector<256x512xi1>
    %broadcast_in_dim3A_614 = vector.broadcast %jit3A_611 : f32 to vector<256x512xf32>
    %select_n3A_615 = arith.select %broadcast_in_dim3A_613, %dot_general3A_598, %broadcast_in_dim3A_614 : vector<256x512xi1>, vector<256x512xf32>
    %add3A_616 = arith.addf %select_n3A_610, %select_n3A_615 : vector<256x512xf32>
    %jit3A_617 = arith.constant 0.000000e+00 : f32
    %broadcast_in_dim3A_618 = vector.shape_cast %gt3A_16 : vector<1x512xi1> to vector<1x512xi1>
    %broadcast_in_dim3A_619 = vector.broadcast %broadcast_in_dim3A_618 : vector<1x512xi1> to vector<256x512xi1>
    %broadcast_in_dim3A_620 = vector.broadcast %jit3A_617 : f32 to vector<256x512xf32>
    %select_n3A_621 = arith.select %broadcast_in_dim3A_619, %add3A_616, %broadcast_in_dim3A_620 : vector<256x512xi1>, vector<256x512xf32>
    %add3A_622 = vector.broadcast %get3A_11 : vector<1x512xf32> to vector<256x512xf32>
    %add3A_623 = arith.addf %select_n3A_621, %add3A_622 : vector<256x512xf32>
    %slice3A_624 = vector.extract_strided_slice %add3A_623 {offsets = [0, 0], sizes = [256, 128], strides = [1, 1]} : vector<256x512xf32> to vector<256x128xf32>
    %logistic3A_625 = arith.negf %slice3A_624 : vector<256x128xf32>
    %logistic3A_626 = math.exp %logistic3A_625 : vector<256x128xf32>
    %logistic3A_627 = arith.constant 1.000000e+00 : f32
    %logistic3A_628 = vector.broadcast %logistic3A_627 : f32 to vector<256x128xf32>
    %logistic3A_629 = arith.addf %logistic3A_628, %logistic3A_626 : vector<256x128xf32>
    %logistic3A_630 = arith.divf %logistic3A_628, %logistic3A_629 : vector<256x128xf32>
    %slice3A_631 = vector.extract_strided_slice %add3A_623 {offsets = [0, 128], sizes = [256, 128], strides = [1, 1]} : vector<256x512xf32> to vector<256x128xf32>
    %logistic3A_632 = arith.negf %slice3A_631 : vector<256x128xf32>
    %logistic3A_633 = math.exp %logistic3A_632 : vector<256x128xf32>
    %logistic3A_634 = arith.constant 1.000000e+00 : f32
    %logistic3A_635 = vector.broadcast %logistic3A_634 : f32 to vector<256x128xf32>
    %logistic3A_636 = arith.addf %logistic3A_635, %logistic3A_633 : vector<256x128xf32>
    %logistic3A_637 = arith.divf %logistic3A_635, %logistic3A_636 : vector<256x128xf32>
    %slice3A_638 = vector.extract_strided_slice %add3A_623 {offsets = [0, 256], sizes = [256, 128], strides = [1, 1]} : vector<256x512xf32> to vector<256x128xf32>
    %tanh3A_639 = math.tanh %slice3A_638 : vector<256x128xf32>
    %slice3A_640 = vector.extract_strided_slice %add3A_623 {offsets = [0, 384], sizes = [256, 128], strides = [1, 1]} : vector<256x512xf32> to vector<256x128xf32>
    %logistic3A_641 = arith.negf %slice3A_640 : vector<256x128xf32>
    %logistic3A_642 = math.exp %logistic3A_641 : vector<256x128xf32>
    %logistic3A_643 = arith.constant 1.000000e+00 : f32
    %logistic3A_644 = vector.broadcast %logistic3A_643 : f32 to vector<256x128xf32>
    %logistic3A_645 = arith.addf %logistic3A_644, %logistic3A_642 : vector<256x128xf32>
    %logistic3A_646 = arith.divf %logistic3A_644, %logistic3A_645 : vector<256x128xf32>
    %mul3A_647 = arith.mulf %logistic3A_637, %add3A_585 : vector<256x128xf32>
    %mul3A_648 = arith.mulf %logistic3A_630, %tanh3A_639 : vector<256x128xf32>
    %add3A_649 = arith.addf %mul3A_647, %mul3A_648 : vector<256x128xf32>
    %tanh3A_650 = math.tanh %add3A_649 : vector<256x128xf32>
    %mul3A_651 = arith.mulf %logistic3A_646, %tanh3A_650 : vector<256x128xf32>
    %get3A_652 = arith.constant 0 : index
    %get3A_653 = arith.constant 10 : index
    %get3A_654 = arith.constant 0 : index
    %get3A_655 = vector.load %arg1[%get3A_652, %get3A_653, %get3A_654] : memref<256x32x128xf32, #tpu.memory_space<vmem>>, vector<256x1x128xf32>
    %get3A_656 = vector.shape_cast %get3A_655 : vector<256x1x128xf32> to vector<256x128xf32>
    %convert_element_type3A_657 = arith.truncf %get3A_656 : vector<256x128xf32> to vector<256x128xbf16>
    %dot_general3A_658 = arith.constant dense<0.000000e+00> : vector<256x512xf32>
    %dot_general3A_659 = tpu.matmul %convert_element_type3A_657, %convert_element_type3A, %dot_general3A_658 {dimension_numbers = #tpu.dot_dimension_numbers<[1], [0], [0], [1], [0, 0, 1, 1], [], []>, transpose_lhs_hint = false} : vector<256x128xbf16>, vector<128x512xbf16>, vector<256x512xf32> -> vector<256x512xf32>
    %convert_element_type3A_660 = arith.truncf %mul3A_651 : vector<256x128xf32> to vector<256x128xbf16>
    %dot_general3A_661 = arith.constant dense<0.000000e+00> : vector<256x512xf32>
    %dot_general3A_662 = tpu.matmul %convert_element_type3A_660, %convert_element_type3A_5, %dot_general3A_661 {dimension_numbers = #tpu.dot_dimension_numbers<[1], [0], [0], [1], [0, 0, 1, 1], [], []>, transpose_lhs_hint = false} : vector<256x128xbf16>, vector<128x512xbf16>, vector<256x512xf32> -> vector<256x512xf32>
    %jit3A_663 = arith.constant 0.000000e+00 : f32
    %broadcast_in_dim3A_664 = vector.shape_cast %gt3A_16 : vector<1x512xi1> to vector<1x512xi1>
    %broadcast_in_dim3A_665 = vector.broadcast %broadcast_in_dim3A_664 : vector<1x512xi1> to vector<256x512xi1>
    %broadcast_in_dim3A_666 = vector.broadcast %jit3A_663 : f32 to vector<256x512xf32>
    %select_n3A_667 = arith.select %broadcast_in_dim3A_665, %dot_general3A_659, %broadcast_in_dim3A_666 : vector<256x512xi1>, vector<256x512xf32>
    %add3A_668 = vector.broadcast %get3A_8 : vector<1x512xf32> to vector<256x512xf32>
    %add3A_669 = arith.addf %select_n3A_667, %add3A_668 : vector<256x512xf32>
    %jit3A_670 = arith.constant 0.000000e+00 : f32
    %broadcast_in_dim3A_671 = vector.shape_cast %gt3A_16 : vector<1x512xi1> to vector<1x512xi1>
    %broadcast_in_dim3A_672 = vector.broadcast %broadcast_in_dim3A_671 : vector<1x512xi1> to vector<256x512xi1>
    %broadcast_in_dim3A_673 = vector.broadcast %jit3A_670 : f32 to vector<256x512xf32>
    %select_n3A_674 = arith.select %broadcast_in_dim3A_672, %add3A_669, %broadcast_in_dim3A_673 : vector<256x512xi1>, vector<256x512xf32>
    %jit3A_675 = arith.constant 0.000000e+00 : f32
    %broadcast_in_dim3A_676 = vector.shape_cast %gt3A_16 : vector<1x512xi1> to vector<1x512xi1>
    %broadcast_in_dim3A_677 = vector.broadcast %broadcast_in_dim3A_676 : vector<1x512xi1> to vector<256x512xi1>
    %broadcast_in_dim3A_678 = vector.broadcast %jit3A_675 : f32 to vector<256x512xf32>
    %select_n3A_679 = arith.select %broadcast_in_dim3A_677, %dot_general3A_662, %broadcast_in_dim3A_678 : vector<256x512xi1>, vector<256x512xf32>
    %add3A_680 = arith.addf %select_n3A_674, %select_n3A_679 : vector<256x512xf32>
    %jit3A_681 = arith.constant 0.000000e+00 : f32
    %broadcast_in_dim3A_682 = vector.shape_cast %gt3A_16 : vector<1x512xi1> to vector<1x512xi1>
    %broadcast_in_dim3A_683 = vector.broadcast %broadcast_in_dim3A_682 : vector<1x512xi1> to vector<256x512xi1>
    %broadcast_in_dim3A_684 = vector.broadcast %jit3A_681 : f32 to vector<256x512xf32>
    %select_n3A_685 = arith.select %broadcast_in_dim3A_683, %add3A_680, %broadcast_in_dim3A_684 : vector<256x512xi1>, vector<256x512xf32>
    %add3A_686 = vector.broadcast %get3A_11 : vector<1x512xf32> to vector<256x512xf32>
    %add3A_687 = arith.addf %select_n3A_685, %add3A_686 : vector<256x512xf32>
    %slice3A_688 = vector.extract_strided_slice %add3A_687 {offsets = [0, 0], sizes = [256, 128], strides = [1, 1]} : vector<256x512xf32> to vector<256x128xf32>
    %logistic3A_689 = arith.negf %slice3A_688 : vector<256x128xf32>
    %logistic3A_690 = math.exp %logistic3A_689 : vector<256x128xf32>
    %logistic3A_691 = arith.constant 1.000000e+00 : f32
    %logistic3A_692 = vector.broadcast %logistic3A_691 : f32 to vector<256x128xf32>
    %logistic3A_693 = arith.addf %logistic3A_692, %logistic3A_690 : vector<256x128xf32>
    %logistic3A_694 = arith.divf %logistic3A_692, %logistic3A_693 : vector<256x128xf32>
    %slice3A_695 = vector.extract_strided_slice %add3A_687 {offsets = [0, 128], sizes = [256, 128], strides = [1, 1]} : vector<256x512xf32> to vector<256x128xf32>
    %logistic3A_696 = arith.negf %slice3A_695 : vector<256x128xf32>
    %logistic3A_697 = math.exp %logistic3A_696 : vector<256x128xf32>
    %logistic3A_698 = arith.constant 1.000000e+00 : f32
    %logistic3A_699 = vector.broadcast %logistic3A_698 : f32 to vector<256x128xf32>
    %logistic3A_700 = arith.addf %logistic3A_699, %logistic3A_697 : vector<256x128xf32>
    %logistic3A_701 = arith.divf %logistic3A_699, %logistic3A_700 : vector<256x128xf32>
    %slice3A_702 = vector.extract_strided_slice %add3A_687 {offsets = [0, 256], sizes = [256, 128], strides = [1, 1]} : vector<256x512xf32> to vector<256x128xf32>
    %tanh3A_703 = math.tanh %slice3A_702 : vector<256x128xf32>
    %slice3A_704 = vector.extract_strided_slice %add3A_687 {offsets = [0, 384], sizes = [256, 128], strides = [1, 1]} : vector<256x512xf32> to vector<256x128xf32>
    %logistic3A_705 = arith.negf %slice3A_704 : vector<256x128xf32>
    %logistic3A_706 = math.exp %logistic3A_705 : vector<256x128xf32>
    %logistic3A_707 = arith.constant 1.000000e+00 : f32
    %logistic3A_708 = vector.broadcast %logistic3A_707 : f32 to vector<256x128xf32>
    %logistic3A_709 = arith.addf %logistic3A_708, %logistic3A_706 : vector<256x128xf32>
    %logistic3A_710 = arith.divf %logistic3A_708, %logistic3A_709 : vector<256x128xf32>
    %mul3A_711 = arith.mulf %logistic3A_701, %add3A_649 : vector<256x128xf32>
    %mul3A_712 = arith.mulf %logistic3A_694, %tanh3A_703 : vector<256x128xf32>
    %add3A_713 = arith.addf %mul3A_711, %mul3A_712 : vector<256x128xf32>
    %tanh3A_714 = math.tanh %add3A_713 : vector<256x128xf32>
    %mul3A_715 = arith.mulf %logistic3A_710, %tanh3A_714 : vector<256x128xf32>
    %get3A_716 = arith.constant 0 : index
    %get3A_717 = arith.constant 11 : index
    %get3A_718 = arith.constant 0 : index
    %get3A_719 = vector.load %arg1[%get3A_716, %get3A_717, %get3A_718] : memref<256x32x128xf32, #tpu.memory_space<vmem>>, vector<256x1x128xf32>
    %get3A_720 = vector.shape_cast %get3A_719 : vector<256x1x128xf32> to vector<256x128xf32>
    %convert_element_type3A_721 = arith.truncf %get3A_720 : vector<256x128xf32> to vector<256x128xbf16>
    %dot_general3A_722 = arith.constant dense<0.000000e+00> : vector<256x512xf32>
    %dot_general3A_723 = tpu.matmul %convert_element_type3A_721, %convert_element_type3A, %dot_general3A_722 {dimension_numbers = #tpu.dot_dimension_numbers<[1], [0], [0], [1], [0, 0, 1, 1], [], []>, transpose_lhs_hint = false} : vector<256x128xbf16>, vector<128x512xbf16>, vector<256x512xf32> -> vector<256x512xf32>
    %convert_element_type3A_724 = arith.truncf %mul3A_715 : vector<256x128xf32> to vector<256x128xbf16>
    %dot_general3A_725 = arith.constant dense<0.000000e+00> : vector<256x512xf32>
    %dot_general3A_726 = tpu.matmul %convert_element_type3A_724, %convert_element_type3A_5, %dot_general3A_725 {dimension_numbers = #tpu.dot_dimension_numbers<[1], [0], [0], [1], [0, 0, 1, 1], [], []>, transpose_lhs_hint = false} : vector<256x128xbf16>, vector<128x512xbf16>, vector<256x512xf32> -> vector<256x512xf32>
    %jit3A_727 = arith.constant 0.000000e+00 : f32
    %broadcast_in_dim3A_728 = vector.shape_cast %gt3A_16 : vector<1x512xi1> to vector<1x512xi1>
    %broadcast_in_dim3A_729 = vector.broadcast %broadcast_in_dim3A_728 : vector<1x512xi1> to vector<256x512xi1>
    %broadcast_in_dim3A_730 = vector.broadcast %jit3A_727 : f32 to vector<256x512xf32>
    %select_n3A_731 = arith.select %broadcast_in_dim3A_729, %dot_general3A_723, %broadcast_in_dim3A_730 : vector<256x512xi1>, vector<256x512xf32>
    %add3A_732 = vector.broadcast %get3A_8 : vector<1x512xf32> to vector<256x512xf32>
    %add3A_733 = arith.addf %select_n3A_731, %add3A_732 : vector<256x512xf32>
    %jit3A_734 = arith.constant 0.000000e+00 : f32
    %broadcast_in_dim3A_735 = vector.shape_cast %gt3A_16 : vector<1x512xi1> to vector<1x512xi1>
    %broadcast_in_dim3A_736 = vector.broadcast %broadcast_in_dim3A_735 : vector<1x512xi1> to vector<256x512xi1>
    %broadcast_in_dim3A_737 = vector.broadcast %jit3A_734 : f32 to vector<256x512xf32>
    %select_n3A_738 = arith.select %broadcast_in_dim3A_736, %add3A_733, %broadcast_in_dim3A_737 : vector<256x512xi1>, vector<256x512xf32>
    %jit3A_739 = arith.constant 0.000000e+00 : f32
    %broadcast_in_dim3A_740 = vector.shape_cast %gt3A_16 : vector<1x512xi1> to vector<1x512xi1>
    %broadcast_in_dim3A_741 = vector.broadcast %broadcast_in_dim3A_740 : vector<1x512xi1> to vector<256x512xi1>
    %broadcast_in_dim3A_742 = vector.broadcast %jit3A_739 : f32 to vector<256x512xf32>
    %select_n3A_743 = arith.select %broadcast_in_dim3A_741, %dot_general3A_726, %broadcast_in_dim3A_742 : vector<256x512xi1>, vector<256x512xf32>
    %add3A_744 = arith.addf %select_n3A_738, %select_n3A_743 : vector<256x512xf32>
    %jit3A_745 = arith.constant 0.000000e+00 : f32
    %broadcast_in_dim3A_746 = vector.shape_cast %gt3A_16 : vector<1x512xi1> to vector<1x512xi1>
    %broadcast_in_dim3A_747 = vector.broadcast %broadcast_in_dim3A_746 : vector<1x512xi1> to vector<256x512xi1>
    %broadcast_in_dim3A_748 = vector.broadcast %jit3A_745 : f32 to vector<256x512xf32>
    %select_n3A_749 = arith.select %broadcast_in_dim3A_747, %add3A_744, %broadcast_in_dim3A_748 : vector<256x512xi1>, vector<256x512xf32>
    %add3A_750 = vector.broadcast %get3A_11 : vector<1x512xf32> to vector<256x512xf32>
    %add3A_751 = arith.addf %select_n3A_749, %add3A_750 : vector<256x512xf32>
    %slice3A_752 = vector.extract_strided_slice %add3A_751 {offsets = [0, 0], sizes = [256, 128], strides = [1, 1]} : vector<256x512xf32> to vector<256x128xf32>
    %logistic3A_753 = arith.negf %slice3A_752 : vector<256x128xf32>
    %logistic3A_754 = math.exp %logistic3A_753 : vector<256x128xf32>
    %logistic3A_755 = arith.constant 1.000000e+00 : f32
    %logistic3A_756 = vector.broadcast %logistic3A_755 : f32 to vector<256x128xf32>
    %logistic3A_757 = arith.addf %logistic3A_756, %logistic3A_754 : vector<256x128xf32>
    %logistic3A_758 = arith.divf %logistic3A_756, %logistic3A_757 : vector<256x128xf32>
    %slice3A_759 = vector.extract_strided_slice %add3A_751 {offsets = [0, 128], sizes = [256, 128], strides = [1, 1]} : vector<256x512xf32> to vector<256x128xf32>
    %logistic3A_760 = arith.negf %slice3A_759 : vector<256x128xf32>
    %logistic3A_761 = math.exp %logistic3A_760 : vector<256x128xf32>
    %logistic3A_762 = arith.constant 1.000000e+00 : f32
    %logistic3A_763 = vector.broadcast %logistic3A_762 : f32 to vector<256x128xf32>
    %logistic3A_764 = arith.addf %logistic3A_763, %logistic3A_761 : vector<256x128xf32>
    %logistic3A_765 = arith.divf %logistic3A_763, %logistic3A_764 : vector<256x128xf32>
    %slice3A_766 = vector.extract_strided_slice %add3A_751 {offsets = [0, 256], sizes = [256, 128], strides = [1, 1]} : vector<256x512xf32> to vector<256x128xf32>
    %tanh3A_767 = math.tanh %slice3A_766 : vector<256x128xf32>
    %slice3A_768 = vector.extract_strided_slice %add3A_751 {offsets = [0, 384], sizes = [256, 128], strides = [1, 1]} : vector<256x512xf32> to vector<256x128xf32>
    %logistic3A_769 = arith.negf %slice3A_768 : vector<256x128xf32>
    %logistic3A_770 = math.exp %logistic3A_769 : vector<256x128xf32>
    %logistic3A_771 = arith.constant 1.000000e+00 : f32
    %logistic3A_772 = vector.broadcast %logistic3A_771 : f32 to vector<256x128xf32>
    %logistic3A_773 = arith.addf %logistic3A_772, %logistic3A_770 : vector<256x128xf32>
    %logistic3A_774 = arith.divf %logistic3A_772, %logistic3A_773 : vector<256x128xf32>
    %mul3A_775 = arith.mulf %logistic3A_765, %add3A_713 : vector<256x128xf32>
    %mul3A_776 = arith.mulf %logistic3A_758, %tanh3A_767 : vector<256x128xf32>
    %add3A_777 = arith.addf %mul3A_775, %mul3A_776 : vector<256x128xf32>
    %tanh3A_778 = math.tanh %add3A_777 : vector<256x128xf32>
    %mul3A_779 = arith.mulf %logistic3A_774, %tanh3A_778 : vector<256x128xf32>
    %get3A_780 = arith.constant 0 : index
    %get3A_781 = arith.constant 12 : index
    %get3A_782 = arith.constant 0 : index
    %get3A_783 = vector.load %arg1[%get3A_780, %get3A_781, %get3A_782] : memref<256x32x128xf32, #tpu.memory_space<vmem>>, vector<256x1x128xf32>
    %get3A_784 = vector.shape_cast %get3A_783 : vector<256x1x128xf32> to vector<256x128xf32>
    %convert_element_type3A_785 = arith.truncf %get3A_784 : vector<256x128xf32> to vector<256x128xbf16>
    %dot_general3A_786 = arith.constant dense<0.000000e+00> : vector<256x512xf32>
    %dot_general3A_787 = tpu.matmul %convert_element_type3A_785, %convert_element_type3A, %dot_general3A_786 {dimension_numbers = #tpu.dot_dimension_numbers<[1], [0], [0], [1], [0, 0, 1, 1], [], []>, transpose_lhs_hint = false} : vector<256x128xbf16>, vector<128x512xbf16>, vector<256x512xf32> -> vector<256x512xf32>
    %convert_element_type3A_788 = arith.truncf %mul3A_779 : vector<256x128xf32> to vector<256x128xbf16>
    %dot_general3A_789 = arith.constant dense<0.000000e+00> : vector<256x512xf32>
    %dot_general3A_790 = tpu.matmul %convert_element_type3A_788, %convert_element_type3A_5, %dot_general3A_789 {dimension_numbers = #tpu.dot_dimension_numbers<[1], [0], [0], [1], [0, 0, 1, 1], [], []>, transpose_lhs_hint = false} : vector<256x128xbf16>, vector<128x512xbf16>, vector<256x512xf32> -> vector<256x512xf32>
    %jit3A_791 = arith.constant 0.000000e+00 : f32
    %broadcast_in_dim3A_792 = vector.shape_cast %gt3A_16 : vector<1x512xi1> to vector<1x512xi1>
    %broadcast_in_dim3A_793 = vector.broadcast %broadcast_in_dim3A_792 : vector<1x512xi1> to vector<256x512xi1>
    %broadcast_in_dim3A_794 = vector.broadcast %jit3A_791 : f32 to vector<256x512xf32>
    %select_n3A_795 = arith.select %broadcast_in_dim3A_793, %dot_general3A_787, %broadcast_in_dim3A_794 : vector<256x512xi1>, vector<256x512xf32>
    %add3A_796 = vector.broadcast %get3A_8 : vector<1x512xf32> to vector<256x512xf32>
    %add3A_797 = arith.addf %select_n3A_795, %add3A_796 : vector<256x512xf32>
    %jit3A_798 = arith.constant 0.000000e+00 : f32
    %broadcast_in_dim3A_799 = vector.shape_cast %gt3A_16 : vector<1x512xi1> to vector<1x512xi1>
    %broadcast_in_dim3A_800 = vector.broadcast %broadcast_in_dim3A_799 : vector<1x512xi1> to vector<256x512xi1>
    %broadcast_in_dim3A_801 = vector.broadcast %jit3A_798 : f32 to vector<256x512xf32>
    %select_n3A_802 = arith.select %broadcast_in_dim3A_800, %add3A_797, %broadcast_in_dim3A_801 : vector<256x512xi1>, vector<256x512xf32>
    %jit3A_803 = arith.constant 0.000000e+00 : f32
    %broadcast_in_dim3A_804 = vector.shape_cast %gt3A_16 : vector<1x512xi1> to vector<1x512xi1>
    %broadcast_in_dim3A_805 = vector.broadcast %broadcast_in_dim3A_804 : vector<1x512xi1> to vector<256x512xi1>
    %broadcast_in_dim3A_806 = vector.broadcast %jit3A_803 : f32 to vector<256x512xf32>
    %select_n3A_807 = arith.select %broadcast_in_dim3A_805, %dot_general3A_790, %broadcast_in_dim3A_806 : vector<256x512xi1>, vector<256x512xf32>
    %add3A_808 = arith.addf %select_n3A_802, %select_n3A_807 : vector<256x512xf32>
    %jit3A_809 = arith.constant 0.000000e+00 : f32
    %broadcast_in_dim3A_810 = vector.shape_cast %gt3A_16 : vector<1x512xi1> to vector<1x512xi1>
    %broadcast_in_dim3A_811 = vector.broadcast %broadcast_in_dim3A_810 : vector<1x512xi1> to vector<256x512xi1>
    %broadcast_in_dim3A_812 = vector.broadcast %jit3A_809 : f32 to vector<256x512xf32>
    %select_n3A_813 = arith.select %broadcast_in_dim3A_811, %add3A_808, %broadcast_in_dim3A_812 : vector<256x512xi1>, vector<256x512xf32>
    %add3A_814 = vector.broadcast %get3A_11 : vector<1x512xf32> to vector<256x512xf32>
    %add3A_815 = arith.addf %select_n3A_813, %add3A_814 : vector<256x512xf32>
    %slice3A_816 = vector.extract_strided_slice %add3A_815 {offsets = [0, 0], sizes = [256, 128], strides = [1, 1]} : vector<256x512xf32> to vector<256x128xf32>
    %logistic3A_817 = arith.negf %slice3A_816 : vector<256x128xf32>
    %logistic3A_818 = math.exp %logistic3A_817 : vector<256x128xf32>
    %logistic3A_819 = arith.constant 1.000000e+00 : f32
    %logistic3A_820 = vector.broadcast %logistic3A_819 : f32 to vector<256x128xf32>
    %logistic3A_821 = arith.addf %logistic3A_820, %logistic3A_818 : vector<256x128xf32>
    %logistic3A_822 = arith.divf %logistic3A_820, %logistic3A_821 : vector<256x128xf32>
    %slice3A_823 = vector.extract_strided_slice %add3A_815 {offsets = [0, 128], sizes = [256, 128], strides = [1, 1]} : vector<256x512xf32> to vector<256x128xf32>
    %logistic3A_824 = arith.negf %slice3A_823 : vector<256x128xf32>
    %logistic3A_825 = math.exp %logistic3A_824 : vector<256x128xf32>
    %logistic3A_826 = arith.constant 1.000000e+00 : f32
    %logistic3A_827 = vector.broadcast %logistic3A_826 : f32 to vector<256x128xf32>
    %logistic3A_828 = arith.addf %logistic3A_827, %logistic3A_825 : vector<256x128xf32>
    %logistic3A_829 = arith.divf %logistic3A_827, %logistic3A_828 : vector<256x128xf32>
    %slice3A_830 = vector.extract_strided_slice %add3A_815 {offsets = [0, 256], sizes = [256, 128], strides = [1, 1]} : vector<256x512xf32> to vector<256x128xf32>
    %tanh3A_831 = math.tanh %slice3A_830 : vector<256x128xf32>
    %slice3A_832 = vector.extract_strided_slice %add3A_815 {offsets = [0, 384], sizes = [256, 128], strides = [1, 1]} : vector<256x512xf32> to vector<256x128xf32>
    %logistic3A_833 = arith.negf %slice3A_832 : vector<256x128xf32>
    %logistic3A_834 = math.exp %logistic3A_833 : vector<256x128xf32>
    %logistic3A_835 = arith.constant 1.000000e+00 : f32
    %logistic3A_836 = vector.broadcast %logistic3A_835 : f32 to vector<256x128xf32>
    %logistic3A_837 = arith.addf %logistic3A_836, %logistic3A_834 : vector<256x128xf32>
    %logistic3A_838 = arith.divf %logistic3A_836, %logistic3A_837 : vector<256x128xf32>
    %mul3A_839 = arith.mulf %logistic3A_829, %add3A_777 : vector<256x128xf32>
    %mul3A_840 = arith.mulf %logistic3A_822, %tanh3A_831 : vector<256x128xf32>
    %add3A_841 = arith.addf %mul3A_839, %mul3A_840 : vector<256x128xf32>
    %tanh3A_842 = math.tanh %add3A_841 : vector<256x128xf32>
    %mul3A_843 = arith.mulf %logistic3A_838, %tanh3A_842 : vector<256x128xf32>
    %get3A_844 = arith.constant 0 : index
    %get3A_845 = arith.constant 13 : index
    %get3A_846 = arith.constant 0 : index
    %get3A_847 = vector.load %arg1[%get3A_844, %get3A_845, %get3A_846] : memref<256x32x128xf32, #tpu.memory_space<vmem>>, vector<256x1x128xf32>
    %get3A_848 = vector.shape_cast %get3A_847 : vector<256x1x128xf32> to vector<256x128xf32>
    %convert_element_type3A_849 = arith.truncf %get3A_848 : vector<256x128xf32> to vector<256x128xbf16>
    %dot_general3A_850 = arith.constant dense<0.000000e+00> : vector<256x512xf32>
    %dot_general3A_851 = tpu.matmul %convert_element_type3A_849, %convert_element_type3A, %dot_general3A_850 {dimension_numbers = #tpu.dot_dimension_numbers<[1], [0], [0], [1], [0, 0, 1, 1], [], []>, transpose_lhs_hint = false} : vector<256x128xbf16>, vector<128x512xbf16>, vector<256x512xf32> -> vector<256x512xf32>
    %convert_element_type3A_852 = arith.truncf %mul3A_843 : vector<256x128xf32> to vector<256x128xbf16>
    %dot_general3A_853 = arith.constant dense<0.000000e+00> : vector<256x512xf32>
    %dot_general3A_854 = tpu.matmul %convert_element_type3A_852, %convert_element_type3A_5, %dot_general3A_853 {dimension_numbers = #tpu.dot_dimension_numbers<[1], [0], [0], [1], [0, 0, 1, 1], [], []>, transpose_lhs_hint = false} : vector<256x128xbf16>, vector<128x512xbf16>, vector<256x512xf32> -> vector<256x512xf32>
    %jit3A_855 = arith.constant 0.000000e+00 : f32
    %broadcast_in_dim3A_856 = vector.shape_cast %gt3A_16 : vector<1x512xi1> to vector<1x512xi1>
    %broadcast_in_dim3A_857 = vector.broadcast %broadcast_in_dim3A_856 : vector<1x512xi1> to vector<256x512xi1>
    %broadcast_in_dim3A_858 = vector.broadcast %jit3A_855 : f32 to vector<256x512xf32>
    %select_n3A_859 = arith.select %broadcast_in_dim3A_857, %dot_general3A_851, %broadcast_in_dim3A_858 : vector<256x512xi1>, vector<256x512xf32>
    %add3A_860 = vector.broadcast %get3A_8 : vector<1x512xf32> to vector<256x512xf32>
    %add3A_861 = arith.addf %select_n3A_859, %add3A_860 : vector<256x512xf32>
    %jit3A_862 = arith.constant 0.000000e+00 : f32
    %broadcast_in_dim3A_863 = vector.shape_cast %gt3A_16 : vector<1x512xi1> to vector<1x512xi1>
    %broadcast_in_dim3A_864 = vector.broadcast %broadcast_in_dim3A_863 : vector<1x512xi1> to vector<256x512xi1>
    %broadcast_in_dim3A_865 = vector.broadcast %jit3A_862 : f32 to vector<256x512xf32>
    %select_n3A_866 = arith.select %broadcast_in_dim3A_864, %add3A_861, %broadcast_in_dim3A_865 : vector<256x512xi1>, vector<256x512xf32>
    %jit3A_867 = arith.constant 0.000000e+00 : f32
    %broadcast_in_dim3A_868 = vector.shape_cast %gt3A_16 : vector<1x512xi1> to vector<1x512xi1>
    %broadcast_in_dim3A_869 = vector.broadcast %broadcast_in_dim3A_868 : vector<1x512xi1> to vector<256x512xi1>
    %broadcast_in_dim3A_870 = vector.broadcast %jit3A_867 : f32 to vector<256x512xf32>
    %select_n3A_871 = arith.select %broadcast_in_dim3A_869, %dot_general3A_854, %broadcast_in_dim3A_870 : vector<256x512xi1>, vector<256x512xf32>
    %add3A_872 = arith.addf %select_n3A_866, %select_n3A_871 : vector<256x512xf32>
    %jit3A_873 = arith.constant 0.000000e+00 : f32
    %broadcast_in_dim3A_874 = vector.shape_cast %gt3A_16 : vector<1x512xi1> to vector<1x512xi1>
    %broadcast_in_dim3A_875 = vector.broadcast %broadcast_in_dim3A_874 : vector<1x512xi1> to vector<256x512xi1>
    %broadcast_in_dim3A_876 = vector.broadcast %jit3A_873 : f32 to vector<256x512xf32>
    %select_n3A_877 = arith.select %broadcast_in_dim3A_875, %add3A_872, %broadcast_in_dim3A_876 : vector<256x512xi1>, vector<256x512xf32>
    %add3A_878 = vector.broadcast %get3A_11 : vector<1x512xf32> to vector<256x512xf32>
    %add3A_879 = arith.addf %select_n3A_877, %add3A_878 : vector<256x512xf32>
    %slice3A_880 = vector.extract_strided_slice %add3A_879 {offsets = [0, 0], sizes = [256, 128], strides = [1, 1]} : vector<256x512xf32> to vector<256x128xf32>
    %logistic3A_881 = arith.negf %slice3A_880 : vector<256x128xf32>
    %logistic3A_882 = math.exp %logistic3A_881 : vector<256x128xf32>
    %logistic3A_883 = arith.constant 1.000000e+00 : f32
    %logistic3A_884 = vector.broadcast %logistic3A_883 : f32 to vector<256x128xf32>
    %logistic3A_885 = arith.addf %logistic3A_884, %logistic3A_882 : vector<256x128xf32>
    %logistic3A_886 = arith.divf %logistic3A_884, %logistic3A_885 : vector<256x128xf32>
    %slice3A_887 = vector.extract_strided_slice %add3A_879 {offsets = [0, 128], sizes = [256, 128], strides = [1, 1]} : vector<256x512xf32> to vector<256x128xf32>
    %logistic3A_888 = arith.negf %slice3A_887 : vector<256x128xf32>
    %logistic3A_889 = math.exp %logistic3A_888 : vector<256x128xf32>
    %logistic3A_890 = arith.constant 1.000000e+00 : f32
    %logistic3A_891 = vector.broadcast %logistic3A_890 : f32 to vector<256x128xf32>
    %logistic3A_892 = arith.addf %logistic3A_891, %logistic3A_889 : vector<256x128xf32>
    %logistic3A_893 = arith.divf %logistic3A_891, %logistic3A_892 : vector<256x128xf32>
    %slice3A_894 = vector.extract_strided_slice %add3A_879 {offsets = [0, 256], sizes = [256, 128], strides = [1, 1]} : vector<256x512xf32> to vector<256x128xf32>
    %tanh3A_895 = math.tanh %slice3A_894 : vector<256x128xf32>
    %slice3A_896 = vector.extract_strided_slice %add3A_879 {offsets = [0, 384], sizes = [256, 128], strides = [1, 1]} : vector<256x512xf32> to vector<256x128xf32>
    %logistic3A_897 = arith.negf %slice3A_896 : vector<256x128xf32>
    %logistic3A_898 = math.exp %logistic3A_897 : vector<256x128xf32>
    %logistic3A_899 = arith.constant 1.000000e+00 : f32
    %logistic3A_900 = vector.broadcast %logistic3A_899 : f32 to vector<256x128xf32>
    %logistic3A_901 = arith.addf %logistic3A_900, %logistic3A_898 : vector<256x128xf32>
    %logistic3A_902 = arith.divf %logistic3A_900, %logistic3A_901 : vector<256x128xf32>
    %mul3A_903 = arith.mulf %logistic3A_893, %add3A_841 : vector<256x128xf32>
    %mul3A_904 = arith.mulf %logistic3A_886, %tanh3A_895 : vector<256x128xf32>
    %add3A_905 = arith.addf %mul3A_903, %mul3A_904 : vector<256x128xf32>
    %tanh3A_906 = math.tanh %add3A_905 : vector<256x128xf32>
    %mul3A_907 = arith.mulf %logistic3A_902, %tanh3A_906 : vector<256x128xf32>
    %get3A_908 = arith.constant 0 : index
    %get3A_909 = arith.constant 14 : index
    %get3A_910 = arith.constant 0 : index
    %get3A_911 = vector.load %arg1[%get3A_908, %get3A_909, %get3A_910] : memref<256x32x128xf32, #tpu.memory_space<vmem>>, vector<256x1x128xf32>
    %get3A_912 = vector.shape_cast %get3A_911 : vector<256x1x128xf32> to vector<256x128xf32>
    %convert_element_type3A_913 = arith.truncf %get3A_912 : vector<256x128xf32> to vector<256x128xbf16>
    %dot_general3A_914 = arith.constant dense<0.000000e+00> : vector<256x512xf32>
    %dot_general3A_915 = tpu.matmul %convert_element_type3A_913, %convert_element_type3A, %dot_general3A_914 {dimension_numbers = #tpu.dot_dimension_numbers<[1], [0], [0], [1], [0, 0, 1, 1], [], []>, transpose_lhs_hint = false} : vector<256x128xbf16>, vector<128x512xbf16>, vector<256x512xf32> -> vector<256x512xf32>
    %convert_element_type3A_916 = arith.truncf %mul3A_907 : vector<256x128xf32> to vector<256x128xbf16>
    %dot_general3A_917 = arith.constant dense<0.000000e+00> : vector<256x512xf32>
    %dot_general3A_918 = tpu.matmul %convert_element_type3A_916, %convert_element_type3A_5, %dot_general3A_917 {dimension_numbers = #tpu.dot_dimension_numbers<[1], [0], [0], [1], [0, 0, 1, 1], [], []>, transpose_lhs_hint = false} : vector<256x128xbf16>, vector<128x512xbf16>, vector<256x512xf32> -> vector<256x512xf32>
    %jit3A_919 = arith.constant 0.000000e+00 : f32
    %broadcast_in_dim3A_920 = vector.shape_cast %gt3A_16 : vector<1x512xi1> to vector<1x512xi1>
    %broadcast_in_dim3A_921 = vector.broadcast %broadcast_in_dim3A_920 : vector<1x512xi1> to vector<256x512xi1>
    %broadcast_in_dim3A_922 = vector.broadcast %jit3A_919 : f32 to vector<256x512xf32>
    %select_n3A_923 = arith.select %broadcast_in_dim3A_921, %dot_general3A_915, %broadcast_in_dim3A_922 : vector<256x512xi1>, vector<256x512xf32>
    %add3A_924 = vector.broadcast %get3A_8 : vector<1x512xf32> to vector<256x512xf32>
    %add3A_925 = arith.addf %select_n3A_923, %add3A_924 : vector<256x512xf32>
    %jit3A_926 = arith.constant 0.000000e+00 : f32
    %broadcast_in_dim3A_927 = vector.shape_cast %gt3A_16 : vector<1x512xi1> to vector<1x512xi1>
    %broadcast_in_dim3A_928 = vector.broadcast %broadcast_in_dim3A_927 : vector<1x512xi1> to vector<256x512xi1>
    %broadcast_in_dim3A_929 = vector.broadcast %jit3A_926 : f32 to vector<256x512xf32>
    %select_n3A_930 = arith.select %broadcast_in_dim3A_928, %add3A_925, %broadcast_in_dim3A_929 : vector<256x512xi1>, vector<256x512xf32>
    %jit3A_931 = arith.constant 0.000000e+00 : f32
    %broadcast_in_dim3A_932 = vector.shape_cast %gt3A_16 : vector<1x512xi1> to vector<1x512xi1>
    %broadcast_in_dim3A_933 = vector.broadcast %broadcast_in_dim3A_932 : vector<1x512xi1> to vector<256x512xi1>
    %broadcast_in_dim3A_934 = vector.broadcast %jit3A_931 : f32 to vector<256x512xf32>
    %select_n3A_935 = arith.select %broadcast_in_dim3A_933, %dot_general3A_918, %broadcast_in_dim3A_934 : vector<256x512xi1>, vector<256x512xf32>
    %add3A_936 = arith.addf %select_n3A_930, %select_n3A_935 : vector<256x512xf32>
    %jit3A_937 = arith.constant 0.000000e+00 : f32
    %broadcast_in_dim3A_938 = vector.shape_cast %gt3A_16 : vector<1x512xi1> to vector<1x512xi1>
    %broadcast_in_dim3A_939 = vector.broadcast %broadcast_in_dim3A_938 : vector<1x512xi1> to vector<256x512xi1>
    %broadcast_in_dim3A_940 = vector.broadcast %jit3A_937 : f32 to vector<256x512xf32>
    %select_n3A_941 = arith.select %broadcast_in_dim3A_939, %add3A_936, %broadcast_in_dim3A_940 : vector<256x512xi1>, vector<256x512xf32>
    %add3A_942 = vector.broadcast %get3A_11 : vector<1x512xf32> to vector<256x512xf32>
    %add3A_943 = arith.addf %select_n3A_941, %add3A_942 : vector<256x512xf32>
    %slice3A_944 = vector.extract_strided_slice %add3A_943 {offsets = [0, 0], sizes = [256, 128], strides = [1, 1]} : vector<256x512xf32> to vector<256x128xf32>
    %logistic3A_945 = arith.negf %slice3A_944 : vector<256x128xf32>
    %logistic3A_946 = math.exp %logistic3A_945 : vector<256x128xf32>
    %logistic3A_947 = arith.constant 1.000000e+00 : f32
    %logistic3A_948 = vector.broadcast %logistic3A_947 : f32 to vector<256x128xf32>
    %logistic3A_949 = arith.addf %logistic3A_948, %logistic3A_946 : vector<256x128xf32>
    %logistic3A_950 = arith.divf %logistic3A_948, %logistic3A_949 : vector<256x128xf32>
    %slice3A_951 = vector.extract_strided_slice %add3A_943 {offsets = [0, 128], sizes = [256, 128], strides = [1, 1]} : vector<256x512xf32> to vector<256x128xf32>
    %logistic3A_952 = arith.negf %slice3A_951 : vector<256x128xf32>
    %logistic3A_953 = math.exp %logistic3A_952 : vector<256x128xf32>
    %logistic3A_954 = arith.constant 1.000000e+00 : f32
    %logistic3A_955 = vector.broadcast %logistic3A_954 : f32 to vector<256x128xf32>
    %logistic3A_956 = arith.addf %logistic3A_955, %logistic3A_953 : vector<256x128xf32>
    %logistic3A_957 = arith.divf %logistic3A_955, %logistic3A_956 : vector<256x128xf32>
    %slice3A_958 = vector.extract_strided_slice %add3A_943 {offsets = [0, 256], sizes = [256, 128], strides = [1, 1]} : vector<256x512xf32> to vector<256x128xf32>
    %tanh3A_959 = math.tanh %slice3A_958 : vector<256x128xf32>
    %slice3A_960 = vector.extract_strided_slice %add3A_943 {offsets = [0, 384], sizes = [256, 128], strides = [1, 1]} : vector<256x512xf32> to vector<256x128xf32>
    %logistic3A_961 = arith.negf %slice3A_960 : vector<256x128xf32>
    %logistic3A_962 = math.exp %logistic3A_961 : vector<256x128xf32>
    %logistic3A_963 = arith.constant 1.000000e+00 : f32
    %logistic3A_964 = vector.broadcast %logistic3A_963 : f32 to vector<256x128xf32>
    %logistic3A_965 = arith.addf %logistic3A_964, %logistic3A_962 : vector<256x128xf32>
    %logistic3A_966 = arith.divf %logistic3A_964, %logistic3A_965 : vector<256x128xf32>
    %mul3A_967 = arith.mulf %logistic3A_957, %add3A_905 : vector<256x128xf32>
    %mul3A_968 = arith.mulf %logistic3A_950, %tanh3A_959 : vector<256x128xf32>
    %add3A_969 = arith.addf %mul3A_967, %mul3A_968 : vector<256x128xf32>
    %tanh3A_970 = math.tanh %add3A_969 : vector<256x128xf32>
    %mul3A_971 = arith.mulf %logistic3A_966, %tanh3A_970 : vector<256x128xf32>
    %get3A_972 = arith.constant 0 : index
    %get3A_973 = arith.constant 15 : index
    %get3A_974 = arith.constant 0 : index
    %get3A_975 = vector.load %arg1[%get3A_972, %get3A_973, %get3A_974] : memref<256x32x128xf32, #tpu.memory_space<vmem>>, vector<256x1x128xf32>
    %get3A_976 = vector.shape_cast %get3A_975 : vector<256x1x128xf32> to vector<256x128xf32>
    %convert_element_type3A_977 = arith.truncf %get3A_976 : vector<256x128xf32> to vector<256x128xbf16>
    %dot_general3A_978 = arith.constant dense<0.000000e+00> : vector<256x512xf32>
    %dot_general3A_979 = tpu.matmul %convert_element_type3A_977, %convert_element_type3A, %dot_general3A_978 {dimension_numbers = #tpu.dot_dimension_numbers<[1], [0], [0], [1], [0, 0, 1, 1], [], []>, transpose_lhs_hint = false} : vector<256x128xbf16>, vector<128x512xbf16>, vector<256x512xf32> -> vector<256x512xf32>
    %convert_element_type3A_980 = arith.truncf %mul3A_971 : vector<256x128xf32> to vector<256x128xbf16>
    %dot_general3A_981 = arith.constant dense<0.000000e+00> : vector<256x512xf32>
    %dot_general3A_982 = tpu.matmul %convert_element_type3A_980, %convert_element_type3A_5, %dot_general3A_981 {dimension_numbers = #tpu.dot_dimension_numbers<[1], [0], [0], [1], [0, 0, 1, 1], [], []>, transpose_lhs_hint = false} : vector<256x128xbf16>, vector<128x512xbf16>, vector<256x512xf32> -> vector<256x512xf32>
    %jit3A_983 = arith.constant 0.000000e+00 : f32
    %broadcast_in_dim3A_984 = vector.shape_cast %gt3A_16 : vector<1x512xi1> to vector<1x512xi1>
    %broadcast_in_dim3A_985 = vector.broadcast %broadcast_in_dim3A_984 : vector<1x512xi1> to vector<256x512xi1>
    %broadcast_in_dim3A_986 = vector.broadcast %jit3A_983 : f32 to vector<256x512xf32>
    %select_n3A_987 = arith.select %broadcast_in_dim3A_985, %dot_general3A_979, %broadcast_in_dim3A_986 : vector<256x512xi1>, vector<256x512xf32>
    %add3A_988 = vector.broadcast %get3A_8 : vector<1x512xf32> to vector<256x512xf32>
    %add3A_989 = arith.addf %select_n3A_987, %add3A_988 : vector<256x512xf32>
    %jit3A_990 = arith.constant 0.000000e+00 : f32
    %broadcast_in_dim3A_991 = vector.shape_cast %gt3A_16 : vector<1x512xi1> to vector<1x512xi1>
    %broadcast_in_dim3A_992 = vector.broadcast %broadcast_in_dim3A_991 : vector<1x512xi1> to vector<256x512xi1>
    %broadcast_in_dim3A_993 = vector.broadcast %jit3A_990 : f32 to vector<256x512xf32>
    %select_n3A_994 = arith.select %broadcast_in_dim3A_992, %add3A_989, %broadcast_in_dim3A_993 : vector<256x512xi1>, vector<256x512xf32>
    %jit3A_995 = arith.constant 0.000000e+00 : f32
    %broadcast_in_dim3A_996 = vector.shape_cast %gt3A_16 : vector<1x512xi1> to vector<1x512xi1>
    %broadcast_in_dim3A_997 = vector.broadcast %broadcast_in_dim3A_996 : vector<1x512xi1> to vector<256x512xi1>
    %broadcast_in_dim3A_998 = vector.broadcast %jit3A_995 : f32 to vector<256x512xf32>
    %select_n3A_999 = arith.select %broadcast_in_dim3A_997, %dot_general3A_982, %broadcast_in_dim3A_998 : vector<256x512xi1>, vector<256x512xf32>
    %add3A_1000 = arith.addf %select_n3A_994, %select_n3A_999 : vector<256x512xf32>
    %jit3A_1001 = arith.constant 0.000000e+00 : f32
    %broadcast_in_dim3A_1002 = vector.shape_cast %gt3A_16 : vector<1x512xi1> to vector<1x512xi1>
    %broadcast_in_dim3A_1003 = vector.broadcast %broadcast_in_dim3A_1002 : vector<1x512xi1> to vector<256x512xi1>
    %broadcast_in_dim3A_1004 = vector.broadcast %jit3A_1001 : f32 to vector<256x512xf32>
    %select_n3A_1005 = arith.select %broadcast_in_dim3A_1003, %add3A_1000, %broadcast_in_dim3A_1004 : vector<256x512xi1>, vector<256x512xf32>
    %add3A_1006 = vector.broadcast %get3A_11 : vector<1x512xf32> to vector<256x512xf32>
    %add3A_1007 = arith.addf %select_n3A_1005, %add3A_1006 : vector<256x512xf32>
    %slice3A_1008 = vector.extract_strided_slice %add3A_1007 {offsets = [0, 0], sizes = [256, 128], strides = [1, 1]} : vector<256x512xf32> to vector<256x128xf32>
    %logistic3A_1009 = arith.negf %slice3A_1008 : vector<256x128xf32>
    %logistic3A_1010 = math.exp %logistic3A_1009 : vector<256x128xf32>
    %logistic3A_1011 = arith.constant 1.000000e+00 : f32
    %logistic3A_1012 = vector.broadcast %logistic3A_1011 : f32 to vector<256x128xf32>
    %logistic3A_1013 = arith.addf %logistic3A_1012, %logistic3A_1010 : vector<256x128xf32>
    %logistic3A_1014 = arith.divf %logistic3A_1012, %logistic3A_1013 : vector<256x128xf32>
    %slice3A_1015 = vector.extract_strided_slice %add3A_1007 {offsets = [0, 128], sizes = [256, 128], strides = [1, 1]} : vector<256x512xf32> to vector<256x128xf32>
    %logistic3A_1016 = arith.negf %slice3A_1015 : vector<256x128xf32>
    %logistic3A_1017 = math.exp %logistic3A_1016 : vector<256x128xf32>
    %logistic3A_1018 = arith.constant 1.000000e+00 : f32
    %logistic3A_1019 = vector.broadcast %logistic3A_1018 : f32 to vector<256x128xf32>
    %logistic3A_1020 = arith.addf %logistic3A_1019, %logistic3A_1017 : vector<256x128xf32>
    %logistic3A_1021 = arith.divf %logistic3A_1019, %logistic3A_1020 : vector<256x128xf32>
    %slice3A_1022 = vector.extract_strided_slice %add3A_1007 {offsets = [0, 256], sizes = [256, 128], strides = [1, 1]} : vector<256x512xf32> to vector<256x128xf32>
    %tanh3A_1023 = math.tanh %slice3A_1022 : vector<256x128xf32>
    %slice3A_1024 = vector.extract_strided_slice %add3A_1007 {offsets = [0, 384], sizes = [256, 128], strides = [1, 1]} : vector<256x512xf32> to vector<256x128xf32>
    %logistic3A_1025 = arith.negf %slice3A_1024 : vector<256x128xf32>
    %logistic3A_1026 = math.exp %logistic3A_1025 : vector<256x128xf32>
    %logistic3A_1027 = arith.constant 1.000000e+00 : f32
    %logistic3A_1028 = vector.broadcast %logistic3A_1027 : f32 to vector<256x128xf32>
    %logistic3A_1029 = arith.addf %logistic3A_1028, %logistic3A_1026 : vector<256x128xf32>
    %logistic3A_1030 = arith.divf %logistic3A_1028, %logistic3A_1029 : vector<256x128xf32>
    %mul3A_1031 = arith.mulf %logistic3A_1021, %add3A_969 : vector<256x128xf32>
    %mul3A_1032 = arith.mulf %logistic3A_1014, %tanh3A_1023 : vector<256x128xf32>
    %add3A_1033 = arith.addf %mul3A_1031, %mul3A_1032 : vector<256x128xf32>
    %tanh3A_1034 = math.tanh %add3A_1033 : vector<256x128xf32>
    %mul3A_1035 = arith.mulf %logistic3A_1030, %tanh3A_1034 : vector<256x128xf32>
    %get3A_1036 = arith.constant 0 : index
    %get3A_1037 = arith.constant 16 : index
    %get3A_1038 = arith.constant 0 : index
    %get3A_1039 = vector.load %arg1[%get3A_1036, %get3A_1037, %get3A_1038] : memref<256x32x128xf32, #tpu.memory_space<vmem>>, vector<256x1x128xf32>
    %get3A_1040 = vector.shape_cast %get3A_1039 : vector<256x1x128xf32> to vector<256x128xf32>
    %convert_element_type3A_1041 = arith.truncf %get3A_1040 : vector<256x128xf32> to vector<256x128xbf16>
    %dot_general3A_1042 = arith.constant dense<0.000000e+00> : vector<256x512xf32>
    %dot_general3A_1043 = tpu.matmul %convert_element_type3A_1041, %convert_element_type3A, %dot_general3A_1042 {dimension_numbers = #tpu.dot_dimension_numbers<[1], [0], [0], [1], [0, 0, 1, 1], [], []>, transpose_lhs_hint = false} : vector<256x128xbf16>, vector<128x512xbf16>, vector<256x512xf32> -> vector<256x512xf32>
    %convert_element_type3A_1044 = arith.truncf %mul3A_1035 : vector<256x128xf32> to vector<256x128xbf16>
    %dot_general3A_1045 = arith.constant dense<0.000000e+00> : vector<256x512xf32>
    %dot_general3A_1046 = tpu.matmul %convert_element_type3A_1044, %convert_element_type3A_5, %dot_general3A_1045 {dimension_numbers = #tpu.dot_dimension_numbers<[1], [0], [0], [1], [0, 0, 1, 1], [], []>, transpose_lhs_hint = false} : vector<256x128xbf16>, vector<128x512xbf16>, vector<256x512xf32> -> vector<256x512xf32>
    %jit3A_1047 = arith.constant 0.000000e+00 : f32
    %broadcast_in_dim3A_1048 = vector.shape_cast %gt3A_16 : vector<1x512xi1> to vector<1x512xi1>
    %broadcast_in_dim3A_1049 = vector.broadcast %broadcast_in_dim3A_1048 : vector<1x512xi1> to vector<256x512xi1>
    %broadcast_in_dim3A_1050 = vector.broadcast %jit3A_1047 : f32 to vector<256x512xf32>
    %select_n3A_1051 = arith.select %broadcast_in_dim3A_1049, %dot_general3A_1043, %broadcast_in_dim3A_1050 : vector<256x512xi1>, vector<256x512xf32>
    %add3A_1052 = vector.broadcast %get3A_8 : vector<1x512xf32> to vector<256x512xf32>
    %add3A_1053 = arith.addf %select_n3A_1051, %add3A_1052 : vector<256x512xf32>
    %jit3A_1054 = arith.constant 0.000000e+00 : f32
    %broadcast_in_dim3A_1055 = vector.shape_cast %gt3A_16 : vector<1x512xi1> to vector<1x512xi1>
    %broadcast_in_dim3A_1056 = vector.broadcast %broadcast_in_dim3A_1055 : vector<1x512xi1> to vector<256x512xi1>
    %broadcast_in_dim3A_1057 = vector.broadcast %jit3A_1054 : f32 to vector<256x512xf32>
    %select_n3A_1058 = arith.select %broadcast_in_dim3A_1056, %add3A_1053, %broadcast_in_dim3A_1057 : vector<256x512xi1>, vector<256x512xf32>
    %jit3A_1059 = arith.constant 0.000000e+00 : f32
    %broadcast_in_dim3A_1060 = vector.shape_cast %gt3A_16 : vector<1x512xi1> to vector<1x512xi1>
    %broadcast_in_dim3A_1061 = vector.broadcast %broadcast_in_dim3A_1060 : vector<1x512xi1> to vector<256x512xi1>
    %broadcast_in_dim3A_1062 = vector.broadcast %jit3A_1059 : f32 to vector<256x512xf32>
    %select_n3A_1063 = arith.select %broadcast_in_dim3A_1061, %dot_general3A_1046, %broadcast_in_dim3A_1062 : vector<256x512xi1>, vector<256x512xf32>
    %add3A_1064 = arith.addf %select_n3A_1058, %select_n3A_1063 : vector<256x512xf32>
    %jit3A_1065 = arith.constant 0.000000e+00 : f32
    %broadcast_in_dim3A_1066 = vector.shape_cast %gt3A_16 : vector<1x512xi1> to vector<1x512xi1>
    %broadcast_in_dim3A_1067 = vector.broadcast %broadcast_in_dim3A_1066 : vector<1x512xi1> to vector<256x512xi1>
    %broadcast_in_dim3A_1068 = vector.broadcast %jit3A_1065 : f32 to vector<256x512xf32>
    %select_n3A_1069 = arith.select %broadcast_in_dim3A_1067, %add3A_1064, %broadcast_in_dim3A_1068 : vector<256x512xi1>, vector<256x512xf32>
    %add3A_1070 = vector.broadcast %get3A_11 : vector<1x512xf32> to vector<256x512xf32>
    %add3A_1071 = arith.addf %select_n3A_1069, %add3A_1070 : vector<256x512xf32>
    %slice3A_1072 = vector.extract_strided_slice %add3A_1071 {offsets = [0, 0], sizes = [256, 128], strides = [1, 1]} : vector<256x512xf32> to vector<256x128xf32>
    %logistic3A_1073 = arith.negf %slice3A_1072 : vector<256x128xf32>
    %logistic3A_1074 = math.exp %logistic3A_1073 : vector<256x128xf32>
    %logistic3A_1075 = arith.constant 1.000000e+00 : f32
    %logistic3A_1076 = vector.broadcast %logistic3A_1075 : f32 to vector<256x128xf32>
    %logistic3A_1077 = arith.addf %logistic3A_1076, %logistic3A_1074 : vector<256x128xf32>
    %logistic3A_1078 = arith.divf %logistic3A_1076, %logistic3A_1077 : vector<256x128xf32>
    %slice3A_1079 = vector.extract_strided_slice %add3A_1071 {offsets = [0, 128], sizes = [256, 128], strides = [1, 1]} : vector<256x512xf32> to vector<256x128xf32>
    %logistic3A_1080 = arith.negf %slice3A_1079 : vector<256x128xf32>
    %logistic3A_1081 = math.exp %logistic3A_1080 : vector<256x128xf32>
    %logistic3A_1082 = arith.constant 1.000000e+00 : f32
    %logistic3A_1083 = vector.broadcast %logistic3A_1082 : f32 to vector<256x128xf32>
    %logistic3A_1084 = arith.addf %logistic3A_1083, %logistic3A_1081 : vector<256x128xf32>
    %logistic3A_1085 = arith.divf %logistic3A_1083, %logistic3A_1084 : vector<256x128xf32>
    %slice3A_1086 = vector.extract_strided_slice %add3A_1071 {offsets = [0, 256], sizes = [256, 128], strides = [1, 1]} : vector<256x512xf32> to vector<256x128xf32>
    %tanh3A_1087 = math.tanh %slice3A_1086 : vector<256x128xf32>
    %slice3A_1088 = vector.extract_strided_slice %add3A_1071 {offsets = [0, 384], sizes = [256, 128], strides = [1, 1]} : vector<256x512xf32> to vector<256x128xf32>
    %logistic3A_1089 = arith.negf %slice3A_1088 : vector<256x128xf32>
    %logistic3A_1090 = math.exp %logistic3A_1089 : vector<256x128xf32>
    %logistic3A_1091 = arith.constant 1.000000e+00 : f32
    %logistic3A_1092 = vector.broadcast %logistic3A_1091 : f32 to vector<256x128xf32>
    %logistic3A_1093 = arith.addf %logistic3A_1092, %logistic3A_1090 : vector<256x128xf32>
    %logistic3A_1094 = arith.divf %logistic3A_1092, %logistic3A_1093 : vector<256x128xf32>
    %mul3A_1095 = arith.mulf %logistic3A_1085, %add3A_1033 : vector<256x128xf32>
    %mul3A_1096 = arith.mulf %logistic3A_1078, %tanh3A_1087 : vector<256x128xf32>
    %add3A_1097 = arith.addf %mul3A_1095, %mul3A_1096 : vector<256x128xf32>
    %tanh3A_1098 = math.tanh %add3A_1097 : vector<256x128xf32>
    %mul3A_1099 = arith.mulf %logistic3A_1094, %tanh3A_1098 : vector<256x128xf32>
    %get3A_1100 = arith.constant 0 : index
    %get3A_1101 = arith.constant 17 : index
    %get3A_1102 = arith.constant 0 : index
    %get3A_1103 = vector.load %arg1[%get3A_1100, %get3A_1101, %get3A_1102] : memref<256x32x128xf32, #tpu.memory_space<vmem>>, vector<256x1x128xf32>
    %get3A_1104 = vector.shape_cast %get3A_1103 : vector<256x1x128xf32> to vector<256x128xf32>
    %convert_element_type3A_1105 = arith.truncf %get3A_1104 : vector<256x128xf32> to vector<256x128xbf16>
    %dot_general3A_1106 = arith.constant dense<0.000000e+00> : vector<256x512xf32>
    %dot_general3A_1107 = tpu.matmul %convert_element_type3A_1105, %convert_element_type3A, %dot_general3A_1106 {dimension_numbers = #tpu.dot_dimension_numbers<[1], [0], [0], [1], [0, 0, 1, 1], [], []>, transpose_lhs_hint = false} : vector<256x128xbf16>, vector<128x512xbf16>, vector<256x512xf32> -> vector<256x512xf32>
    %convert_element_type3A_1108 = arith.truncf %mul3A_1099 : vector<256x128xf32> to vector<256x128xbf16>
    %dot_general3A_1109 = arith.constant dense<0.000000e+00> : vector<256x512xf32>
    %dot_general3A_1110 = tpu.matmul %convert_element_type3A_1108, %convert_element_type3A_5, %dot_general3A_1109 {dimension_numbers = #tpu.dot_dimension_numbers<[1], [0], [0], [1], [0, 0, 1, 1], [], []>, transpose_lhs_hint = false} : vector<256x128xbf16>, vector<128x512xbf16>, vector<256x512xf32> -> vector<256x512xf32>
    %jit3A_1111 = arith.constant 0.000000e+00 : f32
    %broadcast_in_dim3A_1112 = vector.shape_cast %gt3A_16 : vector<1x512xi1> to vector<1x512xi1>
    %broadcast_in_dim3A_1113 = vector.broadcast %broadcast_in_dim3A_1112 : vector<1x512xi1> to vector<256x512xi1>
    %broadcast_in_dim3A_1114 = vector.broadcast %jit3A_1111 : f32 to vector<256x512xf32>
    %select_n3A_1115 = arith.select %broadcast_in_dim3A_1113, %dot_general3A_1107, %broadcast_in_dim3A_1114 : vector<256x512xi1>, vector<256x512xf32>
    %add3A_1116 = vector.broadcast %get3A_8 : vector<1x512xf32> to vector<256x512xf32>
    %add3A_1117 = arith.addf %select_n3A_1115, %add3A_1116 : vector<256x512xf32>
    %jit3A_1118 = arith.constant 0.000000e+00 : f32
    %broadcast_in_dim3A_1119 = vector.shape_cast %gt3A_16 : vector<1x512xi1> to vector<1x512xi1>
    %broadcast_in_dim3A_1120 = vector.broadcast %broadcast_in_dim3A_1119 : vector<1x512xi1> to vector<256x512xi1>
    %broadcast_in_dim3A_1121 = vector.broadcast %jit3A_1118 : f32 to vector<256x512xf32>
    %select_n3A_1122 = arith.select %broadcast_in_dim3A_1120, %add3A_1117, %broadcast_in_dim3A_1121 : vector<256x512xi1>, vector<256x512xf32>
    %jit3A_1123 = arith.constant 0.000000e+00 : f32
    %broadcast_in_dim3A_1124 = vector.shape_cast %gt3A_16 : vector<1x512xi1> to vector<1x512xi1>
    %broadcast_in_dim3A_1125 = vector.broadcast %broadcast_in_dim3A_1124 : vector<1x512xi1> to vector<256x512xi1>
    %broadcast_in_dim3A_1126 = vector.broadcast %jit3A_1123 : f32 to vector<256x512xf32>
    %select_n3A_1127 = arith.select %broadcast_in_dim3A_1125, %dot_general3A_1110, %broadcast_in_dim3A_1126 : vector<256x512xi1>, vector<256x512xf32>
    %add3A_1128 = arith.addf %select_n3A_1122, %select_n3A_1127 : vector<256x512xf32>
    %jit3A_1129 = arith.constant 0.000000e+00 : f32
    %broadcast_in_dim3A_1130 = vector.shape_cast %gt3A_16 : vector<1x512xi1> to vector<1x512xi1>
    %broadcast_in_dim3A_1131 = vector.broadcast %broadcast_in_dim3A_1130 : vector<1x512xi1> to vector<256x512xi1>
    %broadcast_in_dim3A_1132 = vector.broadcast %jit3A_1129 : f32 to vector<256x512xf32>
    %select_n3A_1133 = arith.select %broadcast_in_dim3A_1131, %add3A_1128, %broadcast_in_dim3A_1132 : vector<256x512xi1>, vector<256x512xf32>
    %add3A_1134 = vector.broadcast %get3A_11 : vector<1x512xf32> to vector<256x512xf32>
    %add3A_1135 = arith.addf %select_n3A_1133, %add3A_1134 : vector<256x512xf32>
    %slice3A_1136 = vector.extract_strided_slice %add3A_1135 {offsets = [0, 0], sizes = [256, 128], strides = [1, 1]} : vector<256x512xf32> to vector<256x128xf32>
    %logistic3A_1137 = arith.negf %slice3A_1136 : vector<256x128xf32>
    %logistic3A_1138 = math.exp %logistic3A_1137 : vector<256x128xf32>
    %logistic3A_1139 = arith.constant 1.000000e+00 : f32
    %logistic3A_1140 = vector.broadcast %logistic3A_1139 : f32 to vector<256x128xf32>
    %logistic3A_1141 = arith.addf %logistic3A_1140, %logistic3A_1138 : vector<256x128xf32>
    %logistic3A_1142 = arith.divf %logistic3A_1140, %logistic3A_1141 : vector<256x128xf32>
    %slice3A_1143 = vector.extract_strided_slice %add3A_1135 {offsets = [0, 128], sizes = [256, 128], strides = [1, 1]} : vector<256x512xf32> to vector<256x128xf32>
    %logistic3A_1144 = arith.negf %slice3A_1143 : vector<256x128xf32>
    %logistic3A_1145 = math.exp %logistic3A_1144 : vector<256x128xf32>
    %logistic3A_1146 = arith.constant 1.000000e+00 : f32
    %logistic3A_1147 = vector.broadcast %logistic3A_1146 : f32 to vector<256x128xf32>
    %logistic3A_1148 = arith.addf %logistic3A_1147, %logistic3A_1145 : vector<256x128xf32>
    %logistic3A_1149 = arith.divf %logistic3A_1147, %logistic3A_1148 : vector<256x128xf32>
    %slice3A_1150 = vector.extract_strided_slice %add3A_1135 {offsets = [0, 256], sizes = [256, 128], strides = [1, 1]} : vector<256x512xf32> to vector<256x128xf32>
    %tanh3A_1151 = math.tanh %slice3A_1150 : vector<256x128xf32>
    %slice3A_1152 = vector.extract_strided_slice %add3A_1135 {offsets = [0, 384], sizes = [256, 128], strides = [1, 1]} : vector<256x512xf32> to vector<256x128xf32>
    %logistic3A_1153 = arith.negf %slice3A_1152 : vector<256x128xf32>
    %logistic3A_1154 = math.exp %logistic3A_1153 : vector<256x128xf32>
    %logistic3A_1155 = arith.constant 1.000000e+00 : f32
    %logistic3A_1156 = vector.broadcast %logistic3A_1155 : f32 to vector<256x128xf32>
    %logistic3A_1157 = arith.addf %logistic3A_1156, %logistic3A_1154 : vector<256x128xf32>
    %logistic3A_1158 = arith.divf %logistic3A_1156, %logistic3A_1157 : vector<256x128xf32>
    %mul3A_1159 = arith.mulf %logistic3A_1149, %add3A_1097 : vector<256x128xf32>
    %mul3A_1160 = arith.mulf %logistic3A_1142, %tanh3A_1151 : vector<256x128xf32>
    %add3A_1161 = arith.addf %mul3A_1159, %mul3A_1160 : vector<256x128xf32>
    %tanh3A_1162 = math.tanh %add3A_1161 : vector<256x128xf32>
    %mul3A_1163 = arith.mulf %logistic3A_1158, %tanh3A_1162 : vector<256x128xf32>
    %get3A_1164 = arith.constant 0 : index
    %get3A_1165 = arith.constant 18 : index
    %get3A_1166 = arith.constant 0 : index
    %get3A_1167 = vector.load %arg1[%get3A_1164, %get3A_1165, %get3A_1166] : memref<256x32x128xf32, #tpu.memory_space<vmem>>, vector<256x1x128xf32>
    %get3A_1168 = vector.shape_cast %get3A_1167 : vector<256x1x128xf32> to vector<256x128xf32>
    %convert_element_type3A_1169 = arith.truncf %get3A_1168 : vector<256x128xf32> to vector<256x128xbf16>
    %dot_general3A_1170 = arith.constant dense<0.000000e+00> : vector<256x512xf32>
    %dot_general3A_1171 = tpu.matmul %convert_element_type3A_1169, %convert_element_type3A, %dot_general3A_1170 {dimension_numbers = #tpu.dot_dimension_numbers<[1], [0], [0], [1], [0, 0, 1, 1], [], []>, transpose_lhs_hint = false} : vector<256x128xbf16>, vector<128x512xbf16>, vector<256x512xf32> -> vector<256x512xf32>
    %convert_element_type3A_1172 = arith.truncf %mul3A_1163 : vector<256x128xf32> to vector<256x128xbf16>
    %dot_general3A_1173 = arith.constant dense<0.000000e+00> : vector<256x512xf32>
    %dot_general3A_1174 = tpu.matmul %convert_element_type3A_1172, %convert_element_type3A_5, %dot_general3A_1173 {dimension_numbers = #tpu.dot_dimension_numbers<[1], [0], [0], [1], [0, 0, 1, 1], [], []>, transpose_lhs_hint = false} : vector<256x128xbf16>, vector<128x512xbf16>, vector<256x512xf32> -> vector<256x512xf32>
    %jit3A_1175 = arith.constant 0.000000e+00 : f32
    %broadcast_in_dim3A_1176 = vector.shape_cast %gt3A_16 : vector<1x512xi1> to vector<1x512xi1>
    %broadcast_in_dim3A_1177 = vector.broadcast %broadcast_in_dim3A_1176 : vector<1x512xi1> to vector<256x512xi1>
    %broadcast_in_dim3A_1178 = vector.broadcast %jit3A_1175 : f32 to vector<256x512xf32>
    %select_n3A_1179 = arith.select %broadcast_in_dim3A_1177, %dot_general3A_1171, %broadcast_in_dim3A_1178 : vector<256x512xi1>, vector<256x512xf32>
    %add3A_1180 = vector.broadcast %get3A_8 : vector<1x512xf32> to vector<256x512xf32>
    %add3A_1181 = arith.addf %select_n3A_1179, %add3A_1180 : vector<256x512xf32>
    %jit3A_1182 = arith.constant 0.000000e+00 : f32
    %broadcast_in_dim3A_1183 = vector.shape_cast %gt3A_16 : vector<1x512xi1> to vector<1x512xi1>
    %broadcast_in_dim3A_1184 = vector.broadcast %broadcast_in_dim3A_1183 : vector<1x512xi1> to vector<256x512xi1>
    %broadcast_in_dim3A_1185 = vector.broadcast %jit3A_1182 : f32 to vector<256x512xf32>
    %select_n3A_1186 = arith.select %broadcast_in_dim3A_1184, %add3A_1181, %broadcast_in_dim3A_1185 : vector<256x512xi1>, vector<256x512xf32>
    %jit3A_1187 = arith.constant 0.000000e+00 : f32
    %broadcast_in_dim3A_1188 = vector.shape_cast %gt3A_16 : vector<1x512xi1> to vector<1x512xi1>
    %broadcast_in_dim3A_1189 = vector.broadcast %broadcast_in_dim3A_1188 : vector<1x512xi1> to vector<256x512xi1>
    %broadcast_in_dim3A_1190 = vector.broadcast %jit3A_1187 : f32 to vector<256x512xf32>
    %select_n3A_1191 = arith.select %broadcast_in_dim3A_1189, %dot_general3A_1174, %broadcast_in_dim3A_1190 : vector<256x512xi1>, vector<256x512xf32>
    %add3A_1192 = arith.addf %select_n3A_1186, %select_n3A_1191 : vector<256x512xf32>
    %jit3A_1193 = arith.constant 0.000000e+00 : f32
    %broadcast_in_dim3A_1194 = vector.shape_cast %gt3A_16 : vector<1x512xi1> to vector<1x512xi1>
    %broadcast_in_dim3A_1195 = vector.broadcast %broadcast_in_dim3A_1194 : vector<1x512xi1> to vector<256x512xi1>
    %broadcast_in_dim3A_1196 = vector.broadcast %jit3A_1193 : f32 to vector<256x512xf32>
    %select_n3A_1197 = arith.select %broadcast_in_dim3A_1195, %add3A_1192, %broadcast_in_dim3A_1196 : vector<256x512xi1>, vector<256x512xf32>
    %add3A_1198 = vector.broadcast %get3A_11 : vector<1x512xf32> to vector<256x512xf32>
    %add3A_1199 = arith.addf %select_n3A_1197, %add3A_1198 : vector<256x512xf32>
    %slice3A_1200 = vector.extract_strided_slice %add3A_1199 {offsets = [0, 0], sizes = [256, 128], strides = [1, 1]} : vector<256x512xf32> to vector<256x128xf32>
    %logistic3A_1201 = arith.negf %slice3A_1200 : vector<256x128xf32>
    %logistic3A_1202 = math.exp %logistic3A_1201 : vector<256x128xf32>
    %logistic3A_1203 = arith.constant 1.000000e+00 : f32
    %logistic3A_1204 = vector.broadcast %logistic3A_1203 : f32 to vector<256x128xf32>
    %logistic3A_1205 = arith.addf %logistic3A_1204, %logistic3A_1202 : vector<256x128xf32>
    %logistic3A_1206 = arith.divf %logistic3A_1204, %logistic3A_1205 : vector<256x128xf32>
    %slice3A_1207 = vector.extract_strided_slice %add3A_1199 {offsets = [0, 128], sizes = [256, 128], strides = [1, 1]} : vector<256x512xf32> to vector<256x128xf32>
    %logistic3A_1208 = arith.negf %slice3A_1207 : vector<256x128xf32>
    %logistic3A_1209 = math.exp %logistic3A_1208 : vector<256x128xf32>
    %logistic3A_1210 = arith.constant 1.000000e+00 : f32
    %logistic3A_1211 = vector.broadcast %logistic3A_1210 : f32 to vector<256x128xf32>
    %logistic3A_1212 = arith.addf %logistic3A_1211, %logistic3A_1209 : vector<256x128xf32>
    %logistic3A_1213 = arith.divf %logistic3A_1211, %logistic3A_1212 : vector<256x128xf32>
    %slice3A_1214 = vector.extract_strided_slice %add3A_1199 {offsets = [0, 256], sizes = [256, 128], strides = [1, 1]} : vector<256x512xf32> to vector<256x128xf32>
    %tanh3A_1215 = math.tanh %slice3A_1214 : vector<256x128xf32>
    %slice3A_1216 = vector.extract_strided_slice %add3A_1199 {offsets = [0, 384], sizes = [256, 128], strides = [1, 1]} : vector<256x512xf32> to vector<256x128xf32>
    %logistic3A_1217 = arith.negf %slice3A_1216 : vector<256x128xf32>
    %logistic3A_1218 = math.exp %logistic3A_1217 : vector<256x128xf32>
    %logistic3A_1219 = arith.constant 1.000000e+00 : f32
    %logistic3A_1220 = vector.broadcast %logistic3A_1219 : f32 to vector<256x128xf32>
    %logistic3A_1221 = arith.addf %logistic3A_1220, %logistic3A_1218 : vector<256x128xf32>
    %logistic3A_1222 = arith.divf %logistic3A_1220, %logistic3A_1221 : vector<256x128xf32>
    %mul3A_1223 = arith.mulf %logistic3A_1213, %add3A_1161 : vector<256x128xf32>
    %mul3A_1224 = arith.mulf %logistic3A_1206, %tanh3A_1215 : vector<256x128xf32>
    %add3A_1225 = arith.addf %mul3A_1223, %mul3A_1224 : vector<256x128xf32>
    %tanh3A_1226 = math.tanh %add3A_1225 : vector<256x128xf32>
    %mul3A_1227 = arith.mulf %logistic3A_1222, %tanh3A_1226 : vector<256x128xf32>
    %get3A_1228 = arith.constant 0 : index
    %get3A_1229 = arith.constant 19 : index
    %get3A_1230 = arith.constant 0 : index
    %get3A_1231 = vector.load %arg1[%get3A_1228, %get3A_1229, %get3A_1230] : memref<256x32x128xf32, #tpu.memory_space<vmem>>, vector<256x1x128xf32>
    %get3A_1232 = vector.shape_cast %get3A_1231 : vector<256x1x128xf32> to vector<256x128xf32>
    %convert_element_type3A_1233 = arith.truncf %get3A_1232 : vector<256x128xf32> to vector<256x128xbf16>
    %dot_general3A_1234 = arith.constant dense<0.000000e+00> : vector<256x512xf32>
    %dot_general3A_1235 = tpu.matmul %convert_element_type3A_1233, %convert_element_type3A, %dot_general3A_1234 {dimension_numbers = #tpu.dot_dimension_numbers<[1], [0], [0], [1], [0, 0, 1, 1], [], []>, transpose_lhs_hint = false} : vector<256x128xbf16>, vector<128x512xbf16>, vector<256x512xf32> -> vector<256x512xf32>
    %convert_element_type3A_1236 = arith.truncf %mul3A_1227 : vector<256x128xf32> to vector<256x128xbf16>
    %dot_general3A_1237 = arith.constant dense<0.000000e+00> : vector<256x512xf32>
    %dot_general3A_1238 = tpu.matmul %convert_element_type3A_1236, %convert_element_type3A_5, %dot_general3A_1237 {dimension_numbers = #tpu.dot_dimension_numbers<[1], [0], [0], [1], [0, 0, 1, 1], [], []>, transpose_lhs_hint = false} : vector<256x128xbf16>, vector<128x512xbf16>, vector<256x512xf32> -> vector<256x512xf32>
    %jit3A_1239 = arith.constant 0.000000e+00 : f32
    %broadcast_in_dim3A_1240 = vector.shape_cast %gt3A_16 : vector<1x512xi1> to vector<1x512xi1>
    %broadcast_in_dim3A_1241 = vector.broadcast %broadcast_in_dim3A_1240 : vector<1x512xi1> to vector<256x512xi1>
    %broadcast_in_dim3A_1242 = vector.broadcast %jit3A_1239 : f32 to vector<256x512xf32>
    %select_n3A_1243 = arith.select %broadcast_in_dim3A_1241, %dot_general3A_1235, %broadcast_in_dim3A_1242 : vector<256x512xi1>, vector<256x512xf32>
    %add3A_1244 = vector.broadcast %get3A_8 : vector<1x512xf32> to vector<256x512xf32>
    %add3A_1245 = arith.addf %select_n3A_1243, %add3A_1244 : vector<256x512xf32>
    %jit3A_1246 = arith.constant 0.000000e+00 : f32
    %broadcast_in_dim3A_1247 = vector.shape_cast %gt3A_16 : vector<1x512xi1> to vector<1x512xi1>
    %broadcast_in_dim3A_1248 = vector.broadcast %broadcast_in_dim3A_1247 : vector<1x512xi1> to vector<256x512xi1>
    %broadcast_in_dim3A_1249 = vector.broadcast %jit3A_1246 : f32 to vector<256x512xf32>
    %select_n3A_1250 = arith.select %broadcast_in_dim3A_1248, %add3A_1245, %broadcast_in_dim3A_1249 : vector<256x512xi1>, vector<256x512xf32>
    %jit3A_1251 = arith.constant 0.000000e+00 : f32
    %broadcast_in_dim3A_1252 = vector.shape_cast %gt3A_16 : vector<1x512xi1> to vector<1x512xi1>
    %broadcast_in_dim3A_1253 = vector.broadcast %broadcast_in_dim3A_1252 : vector<1x512xi1> to vector<256x512xi1>
    %broadcast_in_dim3A_1254 = vector.broadcast %jit3A_1251 : f32 to vector<256x512xf32>
    %select_n3A_1255 = arith.select %broadcast_in_dim3A_1253, %dot_general3A_1238, %broadcast_in_dim3A_1254 : vector<256x512xi1>, vector<256x512xf32>
    %add3A_1256 = arith.addf %select_n3A_1250, %select_n3A_1255 : vector<256x512xf32>
    %jit3A_1257 = arith.constant 0.000000e+00 : f32
    %broadcast_in_dim3A_1258 = vector.shape_cast %gt3A_16 : vector<1x512xi1> to vector<1x512xi1>
    %broadcast_in_dim3A_1259 = vector.broadcast %broadcast_in_dim3A_1258 : vector<1x512xi1> to vector<256x512xi1>
    %broadcast_in_dim3A_1260 = vector.broadcast %jit3A_1257 : f32 to vector<256x512xf32>
    %select_n3A_1261 = arith.select %broadcast_in_dim3A_1259, %add3A_1256, %broadcast_in_dim3A_1260 : vector<256x512xi1>, vector<256x512xf32>
    %add3A_1262 = vector.broadcast %get3A_11 : vector<1x512xf32> to vector<256x512xf32>
    %add3A_1263 = arith.addf %select_n3A_1261, %add3A_1262 : vector<256x512xf32>
    %slice3A_1264 = vector.extract_strided_slice %add3A_1263 {offsets = [0, 0], sizes = [256, 128], strides = [1, 1]} : vector<256x512xf32> to vector<256x128xf32>
    %logistic3A_1265 = arith.negf %slice3A_1264 : vector<256x128xf32>
    %logistic3A_1266 = math.exp %logistic3A_1265 : vector<256x128xf32>
    %logistic3A_1267 = arith.constant 1.000000e+00 : f32
    %logistic3A_1268 = vector.broadcast %logistic3A_1267 : f32 to vector<256x128xf32>
    %logistic3A_1269 = arith.addf %logistic3A_1268, %logistic3A_1266 : vector<256x128xf32>
    %logistic3A_1270 = arith.divf %logistic3A_1268, %logistic3A_1269 : vector<256x128xf32>
    %slice3A_1271 = vector.extract_strided_slice %add3A_1263 {offsets = [0, 128], sizes = [256, 128], strides = [1, 1]} : vector<256x512xf32> to vector<256x128xf32>
    %logistic3A_1272 = arith.negf %slice3A_1271 : vector<256x128xf32>
    %logistic3A_1273 = math.exp %logistic3A_1272 : vector<256x128xf32>
    %logistic3A_1274 = arith.constant 1.000000e+00 : f32
    %logistic3A_1275 = vector.broadcast %logistic3A_1274 : f32 to vector<256x128xf32>
    %logistic3A_1276 = arith.addf %logistic3A_1275, %logistic3A_1273 : vector<256x128xf32>
    %logistic3A_1277 = arith.divf %logistic3A_1275, %logistic3A_1276 : vector<256x128xf32>
    %slice3A_1278 = vector.extract_strided_slice %add3A_1263 {offsets = [0, 256], sizes = [256, 128], strides = [1, 1]} : vector<256x512xf32> to vector<256x128xf32>
    %tanh3A_1279 = math.tanh %slice3A_1278 : vector<256x128xf32>
    %slice3A_1280 = vector.extract_strided_slice %add3A_1263 {offsets = [0, 384], sizes = [256, 128], strides = [1, 1]} : vector<256x512xf32> to vector<256x128xf32>
    %logistic3A_1281 = arith.negf %slice3A_1280 : vector<256x128xf32>
    %logistic3A_1282 = math.exp %logistic3A_1281 : vector<256x128xf32>
    %logistic3A_1283 = arith.constant 1.000000e+00 : f32
    %logistic3A_1284 = vector.broadcast %logistic3A_1283 : f32 to vector<256x128xf32>
    %logistic3A_1285 = arith.addf %logistic3A_1284, %logistic3A_1282 : vector<256x128xf32>
    %logistic3A_1286 = arith.divf %logistic3A_1284, %logistic3A_1285 : vector<256x128xf32>
    %mul3A_1287 = arith.mulf %logistic3A_1277, %add3A_1225 : vector<256x128xf32>
    %mul3A_1288 = arith.mulf %logistic3A_1270, %tanh3A_1279 : vector<256x128xf32>
    %add3A_1289 = arith.addf %mul3A_1287, %mul3A_1288 : vector<256x128xf32>
    %tanh3A_1290 = math.tanh %add3A_1289 : vector<256x128xf32>
    %mul3A_1291 = arith.mulf %logistic3A_1286, %tanh3A_1290 : vector<256x128xf32>
    %get3A_1292 = arith.constant 0 : index
    %get3A_1293 = arith.constant 20 : index
    %get3A_1294 = arith.constant 0 : index
    %get3A_1295 = vector.load %arg1[%get3A_1292, %get3A_1293, %get3A_1294] : memref<256x32x128xf32, #tpu.memory_space<vmem>>, vector<256x1x128xf32>
    %get3A_1296 = vector.shape_cast %get3A_1295 : vector<256x1x128xf32> to vector<256x128xf32>
    %convert_element_type3A_1297 = arith.truncf %get3A_1296 : vector<256x128xf32> to vector<256x128xbf16>
    %dot_general3A_1298 = arith.constant dense<0.000000e+00> : vector<256x512xf32>
    %dot_general3A_1299 = tpu.matmul %convert_element_type3A_1297, %convert_element_type3A, %dot_general3A_1298 {dimension_numbers = #tpu.dot_dimension_numbers<[1], [0], [0], [1], [0, 0, 1, 1], [], []>, transpose_lhs_hint = false} : vector<256x128xbf16>, vector<128x512xbf16>, vector<256x512xf32> -> vector<256x512xf32>
    %convert_element_type3A_1300 = arith.truncf %mul3A_1291 : vector<256x128xf32> to vector<256x128xbf16>
    %dot_general3A_1301 = arith.constant dense<0.000000e+00> : vector<256x512xf32>
    %dot_general3A_1302 = tpu.matmul %convert_element_type3A_1300, %convert_element_type3A_5, %dot_general3A_1301 {dimension_numbers = #tpu.dot_dimension_numbers<[1], [0], [0], [1], [0, 0, 1, 1], [], []>, transpose_lhs_hint = false} : vector<256x128xbf16>, vector<128x512xbf16>, vector<256x512xf32> -> vector<256x512xf32>
    %jit3A_1303 = arith.constant 0.000000e+00 : f32
    %broadcast_in_dim3A_1304 = vector.shape_cast %gt3A_16 : vector<1x512xi1> to vector<1x512xi1>
    %broadcast_in_dim3A_1305 = vector.broadcast %broadcast_in_dim3A_1304 : vector<1x512xi1> to vector<256x512xi1>
    %broadcast_in_dim3A_1306 = vector.broadcast %jit3A_1303 : f32 to vector<256x512xf32>
    %select_n3A_1307 = arith.select %broadcast_in_dim3A_1305, %dot_general3A_1299, %broadcast_in_dim3A_1306 : vector<256x512xi1>, vector<256x512xf32>
    %add3A_1308 = vector.broadcast %get3A_8 : vector<1x512xf32> to vector<256x512xf32>
    %add3A_1309 = arith.addf %select_n3A_1307, %add3A_1308 : vector<256x512xf32>
    %jit3A_1310 = arith.constant 0.000000e+00 : f32
    %broadcast_in_dim3A_1311 = vector.shape_cast %gt3A_16 : vector<1x512xi1> to vector<1x512xi1>
    %broadcast_in_dim3A_1312 = vector.broadcast %broadcast_in_dim3A_1311 : vector<1x512xi1> to vector<256x512xi1>
    %broadcast_in_dim3A_1313 = vector.broadcast %jit3A_1310 : f32 to vector<256x512xf32>
    %select_n3A_1314 = arith.select %broadcast_in_dim3A_1312, %add3A_1309, %broadcast_in_dim3A_1313 : vector<256x512xi1>, vector<256x512xf32>
    %jit3A_1315 = arith.constant 0.000000e+00 : f32
    %broadcast_in_dim3A_1316 = vector.shape_cast %gt3A_16 : vector<1x512xi1> to vector<1x512xi1>
    %broadcast_in_dim3A_1317 = vector.broadcast %broadcast_in_dim3A_1316 : vector<1x512xi1> to vector<256x512xi1>
    %broadcast_in_dim3A_1318 = vector.broadcast %jit3A_1315 : f32 to vector<256x512xf32>
    %select_n3A_1319 = arith.select %broadcast_in_dim3A_1317, %dot_general3A_1302, %broadcast_in_dim3A_1318 : vector<256x512xi1>, vector<256x512xf32>
    %add3A_1320 = arith.addf %select_n3A_1314, %select_n3A_1319 : vector<256x512xf32>
    %jit3A_1321 = arith.constant 0.000000e+00 : f32
    %broadcast_in_dim3A_1322 = vector.shape_cast %gt3A_16 : vector<1x512xi1> to vector<1x512xi1>
    %broadcast_in_dim3A_1323 = vector.broadcast %broadcast_in_dim3A_1322 : vector<1x512xi1> to vector<256x512xi1>
    %broadcast_in_dim3A_1324 = vector.broadcast %jit3A_1321 : f32 to vector<256x512xf32>
    %select_n3A_1325 = arith.select %broadcast_in_dim3A_1323, %add3A_1320, %broadcast_in_dim3A_1324 : vector<256x512xi1>, vector<256x512xf32>
    %add3A_1326 = vector.broadcast %get3A_11 : vector<1x512xf32> to vector<256x512xf32>
    %add3A_1327 = arith.addf %select_n3A_1325, %add3A_1326 : vector<256x512xf32>
    %slice3A_1328 = vector.extract_strided_slice %add3A_1327 {offsets = [0, 0], sizes = [256, 128], strides = [1, 1]} : vector<256x512xf32> to vector<256x128xf32>
    %logistic3A_1329 = arith.negf %slice3A_1328 : vector<256x128xf32>
    %logistic3A_1330 = math.exp %logistic3A_1329 : vector<256x128xf32>
    %logistic3A_1331 = arith.constant 1.000000e+00 : f32
    %logistic3A_1332 = vector.broadcast %logistic3A_1331 : f32 to vector<256x128xf32>
    %logistic3A_1333 = arith.addf %logistic3A_1332, %logistic3A_1330 : vector<256x128xf32>
    %logistic3A_1334 = arith.divf %logistic3A_1332, %logistic3A_1333 : vector<256x128xf32>
    %slice3A_1335 = vector.extract_strided_slice %add3A_1327 {offsets = [0, 128], sizes = [256, 128], strides = [1, 1]} : vector<256x512xf32> to vector<256x128xf32>
    %logistic3A_1336 = arith.negf %slice3A_1335 : vector<256x128xf32>
    %logistic3A_1337 = math.exp %logistic3A_1336 : vector<256x128xf32>
    %logistic3A_1338 = arith.constant 1.000000e+00 : f32
    %logistic3A_1339 = vector.broadcast %logistic3A_1338 : f32 to vector<256x128xf32>
    %logistic3A_1340 = arith.addf %logistic3A_1339, %logistic3A_1337 : vector<256x128xf32>
    %logistic3A_1341 = arith.divf %logistic3A_1339, %logistic3A_1340 : vector<256x128xf32>
    %slice3A_1342 = vector.extract_strided_slice %add3A_1327 {offsets = [0, 256], sizes = [256, 128], strides = [1, 1]} : vector<256x512xf32> to vector<256x128xf32>
    %tanh3A_1343 = math.tanh %slice3A_1342 : vector<256x128xf32>
    %slice3A_1344 = vector.extract_strided_slice %add3A_1327 {offsets = [0, 384], sizes = [256, 128], strides = [1, 1]} : vector<256x512xf32> to vector<256x128xf32>
    %logistic3A_1345 = arith.negf %slice3A_1344 : vector<256x128xf32>
    %logistic3A_1346 = math.exp %logistic3A_1345 : vector<256x128xf32>
    %logistic3A_1347 = arith.constant 1.000000e+00 : f32
    %logistic3A_1348 = vector.broadcast %logistic3A_1347 : f32 to vector<256x128xf32>
    %logistic3A_1349 = arith.addf %logistic3A_1348, %logistic3A_1346 : vector<256x128xf32>
    %logistic3A_1350 = arith.divf %logistic3A_1348, %logistic3A_1349 : vector<256x128xf32>
    %mul3A_1351 = arith.mulf %logistic3A_1341, %add3A_1289 : vector<256x128xf32>
    %mul3A_1352 = arith.mulf %logistic3A_1334, %tanh3A_1343 : vector<256x128xf32>
    %add3A_1353 = arith.addf %mul3A_1351, %mul3A_1352 : vector<256x128xf32>
    %tanh3A_1354 = math.tanh %add3A_1353 : vector<256x128xf32>
    %mul3A_1355 = arith.mulf %logistic3A_1350, %tanh3A_1354 : vector<256x128xf32>
    %get3A_1356 = arith.constant 0 : index
    %get3A_1357 = arith.constant 21 : index
    %get3A_1358 = arith.constant 0 : index
    %get3A_1359 = vector.load %arg1[%get3A_1356, %get3A_1357, %get3A_1358] : memref<256x32x128xf32, #tpu.memory_space<vmem>>, vector<256x1x128xf32>
    %get3A_1360 = vector.shape_cast %get3A_1359 : vector<256x1x128xf32> to vector<256x128xf32>
    %convert_element_type3A_1361 = arith.truncf %get3A_1360 : vector<256x128xf32> to vector<256x128xbf16>
    %dot_general3A_1362 = arith.constant dense<0.000000e+00> : vector<256x512xf32>
    %dot_general3A_1363 = tpu.matmul %convert_element_type3A_1361, %convert_element_type3A, %dot_general3A_1362 {dimension_numbers = #tpu.dot_dimension_numbers<[1], [0], [0], [1], [0, 0, 1, 1], [], []>, transpose_lhs_hint = false} : vector<256x128xbf16>, vector<128x512xbf16>, vector<256x512xf32> -> vector<256x512xf32>
    %convert_element_type3A_1364 = arith.truncf %mul3A_1355 : vector<256x128xf32> to vector<256x128xbf16>
    %dot_general3A_1365 = arith.constant dense<0.000000e+00> : vector<256x512xf32>
    %dot_general3A_1366 = tpu.matmul %convert_element_type3A_1364, %convert_element_type3A_5, %dot_general3A_1365 {dimension_numbers = #tpu.dot_dimension_numbers<[1], [0], [0], [1], [0, 0, 1, 1], [], []>, transpose_lhs_hint = false} : vector<256x128xbf16>, vector<128x512xbf16>, vector<256x512xf32> -> vector<256x512xf32>
    %jit3A_1367 = arith.constant 0.000000e+00 : f32
    %broadcast_in_dim3A_1368 = vector.shape_cast %gt3A_16 : vector<1x512xi1> to vector<1x512xi1>
    %broadcast_in_dim3A_1369 = vector.broadcast %broadcast_in_dim3A_1368 : vector<1x512xi1> to vector<256x512xi1>
    %broadcast_in_dim3A_1370 = vector.broadcast %jit3A_1367 : f32 to vector<256x512xf32>
    %select_n3A_1371 = arith.select %broadcast_in_dim3A_1369, %dot_general3A_1363, %broadcast_in_dim3A_1370 : vector<256x512xi1>, vector<256x512xf32>
    %add3A_1372 = vector.broadcast %get3A_8 : vector<1x512xf32> to vector<256x512xf32>
    %add3A_1373 = arith.addf %select_n3A_1371, %add3A_1372 : vector<256x512xf32>
    %jit3A_1374 = arith.constant 0.000000e+00 : f32
    %broadcast_in_dim3A_1375 = vector.shape_cast %gt3A_16 : vector<1x512xi1> to vector<1x512xi1>
    %broadcast_in_dim3A_1376 = vector.broadcast %broadcast_in_dim3A_1375 : vector<1x512xi1> to vector<256x512xi1>
    %broadcast_in_dim3A_1377 = vector.broadcast %jit3A_1374 : f32 to vector<256x512xf32>
    %select_n3A_1378 = arith.select %broadcast_in_dim3A_1376, %add3A_1373, %broadcast_in_dim3A_1377 : vector<256x512xi1>, vector<256x512xf32>
    %jit3A_1379 = arith.constant 0.000000e+00 : f32
    %broadcast_in_dim3A_1380 = vector.shape_cast %gt3A_16 : vector<1x512xi1> to vector<1x512xi1>
    %broadcast_in_dim3A_1381 = vector.broadcast %broadcast_in_dim3A_1380 : vector<1x512xi1> to vector<256x512xi1>
    %broadcast_in_dim3A_1382 = vector.broadcast %jit3A_1379 : f32 to vector<256x512xf32>
    %select_n3A_1383 = arith.select %broadcast_in_dim3A_1381, %dot_general3A_1366, %broadcast_in_dim3A_1382 : vector<256x512xi1>, vector<256x512xf32>
    %add3A_1384 = arith.addf %select_n3A_1378, %select_n3A_1383 : vector<256x512xf32>
    %jit3A_1385 = arith.constant 0.000000e+00 : f32
    %broadcast_in_dim3A_1386 = vector.shape_cast %gt3A_16 : vector<1x512xi1> to vector<1x512xi1>
    %broadcast_in_dim3A_1387 = vector.broadcast %broadcast_in_dim3A_1386 : vector<1x512xi1> to vector<256x512xi1>
    %broadcast_in_dim3A_1388 = vector.broadcast %jit3A_1385 : f32 to vector<256x512xf32>
    %select_n3A_1389 = arith.select %broadcast_in_dim3A_1387, %add3A_1384, %broadcast_in_dim3A_1388 : vector<256x512xi1>, vector<256x512xf32>
    %add3A_1390 = vector.broadcast %get3A_11 : vector<1x512xf32> to vector<256x512xf32>
    %add3A_1391 = arith.addf %select_n3A_1389, %add3A_1390 : vector<256x512xf32>
    %slice3A_1392 = vector.extract_strided_slice %add3A_1391 {offsets = [0, 0], sizes = [256, 128], strides = [1, 1]} : vector<256x512xf32> to vector<256x128xf32>
    %logistic3A_1393 = arith.negf %slice3A_1392 : vector<256x128xf32>
    %logistic3A_1394 = math.exp %logistic3A_1393 : vector<256x128xf32>
    %logistic3A_1395 = arith.constant 1.000000e+00 : f32
    %logistic3A_1396 = vector.broadcast %logistic3A_1395 : f32 to vector<256x128xf32>
    %logistic3A_1397 = arith.addf %logistic3A_1396, %logistic3A_1394 : vector<256x128xf32>
    %logistic3A_1398 = arith.divf %logistic3A_1396, %logistic3A_1397 : vector<256x128xf32>
    %slice3A_1399 = vector.extract_strided_slice %add3A_1391 {offsets = [0, 128], sizes = [256, 128], strides = [1, 1]} : vector<256x512xf32> to vector<256x128xf32>
    %logistic3A_1400 = arith.negf %slice3A_1399 : vector<256x128xf32>
    %logistic3A_1401 = math.exp %logistic3A_1400 : vector<256x128xf32>
    %logistic3A_1402 = arith.constant 1.000000e+00 : f32
    %logistic3A_1403 = vector.broadcast %logistic3A_1402 : f32 to vector<256x128xf32>
    %logistic3A_1404 = arith.addf %logistic3A_1403, %logistic3A_1401 : vector<256x128xf32>
    %logistic3A_1405 = arith.divf %logistic3A_1403, %logistic3A_1404 : vector<256x128xf32>
    %slice3A_1406 = vector.extract_strided_slice %add3A_1391 {offsets = [0, 256], sizes = [256, 128], strides = [1, 1]} : vector<256x512xf32> to vector<256x128xf32>
    %tanh3A_1407 = math.tanh %slice3A_1406 : vector<256x128xf32>
    %slice3A_1408 = vector.extract_strided_slice %add3A_1391 {offsets = [0, 384], sizes = [256, 128], strides = [1, 1]} : vector<256x512xf32> to vector<256x128xf32>
    %logistic3A_1409 = arith.negf %slice3A_1408 : vector<256x128xf32>
    %logistic3A_1410 = math.exp %logistic3A_1409 : vector<256x128xf32>
    %logistic3A_1411 = arith.constant 1.000000e+00 : f32
    %logistic3A_1412 = vector.broadcast %logistic3A_1411 : f32 to vector<256x128xf32>
    %logistic3A_1413 = arith.addf %logistic3A_1412, %logistic3A_1410 : vector<256x128xf32>
    %logistic3A_1414 = arith.divf %logistic3A_1412, %logistic3A_1413 : vector<256x128xf32>
    %mul3A_1415 = arith.mulf %logistic3A_1405, %add3A_1353 : vector<256x128xf32>
    %mul3A_1416 = arith.mulf %logistic3A_1398, %tanh3A_1407 : vector<256x128xf32>
    %add3A_1417 = arith.addf %mul3A_1415, %mul3A_1416 : vector<256x128xf32>
    %tanh3A_1418 = math.tanh %add3A_1417 : vector<256x128xf32>
    %mul3A_1419 = arith.mulf %logistic3A_1414, %tanh3A_1418 : vector<256x128xf32>
    %get3A_1420 = arith.constant 0 : index
    %get3A_1421 = arith.constant 22 : index
    %get3A_1422 = arith.constant 0 : index
    %get3A_1423 = vector.load %arg1[%get3A_1420, %get3A_1421, %get3A_1422] : memref<256x32x128xf32, #tpu.memory_space<vmem>>, vector<256x1x128xf32>
    %get3A_1424 = vector.shape_cast %get3A_1423 : vector<256x1x128xf32> to vector<256x128xf32>
    %convert_element_type3A_1425 = arith.truncf %get3A_1424 : vector<256x128xf32> to vector<256x128xbf16>
    %dot_general3A_1426 = arith.constant dense<0.000000e+00> : vector<256x512xf32>
    %dot_general3A_1427 = tpu.matmul %convert_element_type3A_1425, %convert_element_type3A, %dot_general3A_1426 {dimension_numbers = #tpu.dot_dimension_numbers<[1], [0], [0], [1], [0, 0, 1, 1], [], []>, transpose_lhs_hint = false} : vector<256x128xbf16>, vector<128x512xbf16>, vector<256x512xf32> -> vector<256x512xf32>
    %convert_element_type3A_1428 = arith.truncf %mul3A_1419 : vector<256x128xf32> to vector<256x128xbf16>
    %dot_general3A_1429 = arith.constant dense<0.000000e+00> : vector<256x512xf32>
    %dot_general3A_1430 = tpu.matmul %convert_element_type3A_1428, %convert_element_type3A_5, %dot_general3A_1429 {dimension_numbers = #tpu.dot_dimension_numbers<[1], [0], [0], [1], [0, 0, 1, 1], [], []>, transpose_lhs_hint = false} : vector<256x128xbf16>, vector<128x512xbf16>, vector<256x512xf32> -> vector<256x512xf32>
    %jit3A_1431 = arith.constant 0.000000e+00 : f32
    %broadcast_in_dim3A_1432 = vector.shape_cast %gt3A_16 : vector<1x512xi1> to vector<1x512xi1>
    %broadcast_in_dim3A_1433 = vector.broadcast %broadcast_in_dim3A_1432 : vector<1x512xi1> to vector<256x512xi1>
    %broadcast_in_dim3A_1434 = vector.broadcast %jit3A_1431 : f32 to vector<256x512xf32>
    %select_n3A_1435 = arith.select %broadcast_in_dim3A_1433, %dot_general3A_1427, %broadcast_in_dim3A_1434 : vector<256x512xi1>, vector<256x512xf32>
    %add3A_1436 = vector.broadcast %get3A_8 : vector<1x512xf32> to vector<256x512xf32>
    %add3A_1437 = arith.addf %select_n3A_1435, %add3A_1436 : vector<256x512xf32>
    %jit3A_1438 = arith.constant 0.000000e+00 : f32
    %broadcast_in_dim3A_1439 = vector.shape_cast %gt3A_16 : vector<1x512xi1> to vector<1x512xi1>
    %broadcast_in_dim3A_1440 = vector.broadcast %broadcast_in_dim3A_1439 : vector<1x512xi1> to vector<256x512xi1>
    %broadcast_in_dim3A_1441 = vector.broadcast %jit3A_1438 : f32 to vector<256x512xf32>
    %select_n3A_1442 = arith.select %broadcast_in_dim3A_1440, %add3A_1437, %broadcast_in_dim3A_1441 : vector<256x512xi1>, vector<256x512xf32>
    %jit3A_1443 = arith.constant 0.000000e+00 : f32
    %broadcast_in_dim3A_1444 = vector.shape_cast %gt3A_16 : vector<1x512xi1> to vector<1x512xi1>
    %broadcast_in_dim3A_1445 = vector.broadcast %broadcast_in_dim3A_1444 : vector<1x512xi1> to vector<256x512xi1>
    %broadcast_in_dim3A_1446 = vector.broadcast %jit3A_1443 : f32 to vector<256x512xf32>
    %select_n3A_1447 = arith.select %broadcast_in_dim3A_1445, %dot_general3A_1430, %broadcast_in_dim3A_1446 : vector<256x512xi1>, vector<256x512xf32>
    %add3A_1448 = arith.addf %select_n3A_1442, %select_n3A_1447 : vector<256x512xf32>
    %jit3A_1449 = arith.constant 0.000000e+00 : f32
    %broadcast_in_dim3A_1450 = vector.shape_cast %gt3A_16 : vector<1x512xi1> to vector<1x512xi1>
    %broadcast_in_dim3A_1451 = vector.broadcast %broadcast_in_dim3A_1450 : vector<1x512xi1> to vector<256x512xi1>
    %broadcast_in_dim3A_1452 = vector.broadcast %jit3A_1449 : f32 to vector<256x512xf32>
    %select_n3A_1453 = arith.select %broadcast_in_dim3A_1451, %add3A_1448, %broadcast_in_dim3A_1452 : vector<256x512xi1>, vector<256x512xf32>
    %add3A_1454 = vector.broadcast %get3A_11 : vector<1x512xf32> to vector<256x512xf32>
    %add3A_1455 = arith.addf %select_n3A_1453, %add3A_1454 : vector<256x512xf32>
    %slice3A_1456 = vector.extract_strided_slice %add3A_1455 {offsets = [0, 0], sizes = [256, 128], strides = [1, 1]} : vector<256x512xf32> to vector<256x128xf32>
    %logistic3A_1457 = arith.negf %slice3A_1456 : vector<256x128xf32>
    %logistic3A_1458 = math.exp %logistic3A_1457 : vector<256x128xf32>
    %logistic3A_1459 = arith.constant 1.000000e+00 : f32
    %logistic3A_1460 = vector.broadcast %logistic3A_1459 : f32 to vector<256x128xf32>
    %logistic3A_1461 = arith.addf %logistic3A_1460, %logistic3A_1458 : vector<256x128xf32>
    %logistic3A_1462 = arith.divf %logistic3A_1460, %logistic3A_1461 : vector<256x128xf32>
    %slice3A_1463 = vector.extract_strided_slice %add3A_1455 {offsets = [0, 128], sizes = [256, 128], strides = [1, 1]} : vector<256x512xf32> to vector<256x128xf32>
    %logistic3A_1464 = arith.negf %slice3A_1463 : vector<256x128xf32>
    %logistic3A_1465 = math.exp %logistic3A_1464 : vector<256x128xf32>
    %logistic3A_1466 = arith.constant 1.000000e+00 : f32
    %logistic3A_1467 = vector.broadcast %logistic3A_1466 : f32 to vector<256x128xf32>
    %logistic3A_1468 = arith.addf %logistic3A_1467, %logistic3A_1465 : vector<256x128xf32>
    %logistic3A_1469 = arith.divf %logistic3A_1467, %logistic3A_1468 : vector<256x128xf32>
    %slice3A_1470 = vector.extract_strided_slice %add3A_1455 {offsets = [0, 256], sizes = [256, 128], strides = [1, 1]} : vector<256x512xf32> to vector<256x128xf32>
    %tanh3A_1471 = math.tanh %slice3A_1470 : vector<256x128xf32>
    %slice3A_1472 = vector.extract_strided_slice %add3A_1455 {offsets = [0, 384], sizes = [256, 128], strides = [1, 1]} : vector<256x512xf32> to vector<256x128xf32>
    %logistic3A_1473 = arith.negf %slice3A_1472 : vector<256x128xf32>
    %logistic3A_1474 = math.exp %logistic3A_1473 : vector<256x128xf32>
    %logistic3A_1475 = arith.constant 1.000000e+00 : f32
    %logistic3A_1476 = vector.broadcast %logistic3A_1475 : f32 to vector<256x128xf32>
    %logistic3A_1477 = arith.addf %logistic3A_1476, %logistic3A_1474 : vector<256x128xf32>
    %logistic3A_1478 = arith.divf %logistic3A_1476, %logistic3A_1477 : vector<256x128xf32>
    %mul3A_1479 = arith.mulf %logistic3A_1469, %add3A_1417 : vector<256x128xf32>
    %mul3A_1480 = arith.mulf %logistic3A_1462, %tanh3A_1471 : vector<256x128xf32>
    %add3A_1481 = arith.addf %mul3A_1479, %mul3A_1480 : vector<256x128xf32>
    %tanh3A_1482 = math.tanh %add3A_1481 : vector<256x128xf32>
    %mul3A_1483 = arith.mulf %logistic3A_1478, %tanh3A_1482 : vector<256x128xf32>
    %get3A_1484 = arith.constant 0 : index
    %get3A_1485 = arith.constant 23 : index
    %get3A_1486 = arith.constant 0 : index
    %get3A_1487 = vector.load %arg1[%get3A_1484, %get3A_1485, %get3A_1486] : memref<256x32x128xf32, #tpu.memory_space<vmem>>, vector<256x1x128xf32>
    %get3A_1488 = vector.shape_cast %get3A_1487 : vector<256x1x128xf32> to vector<256x128xf32>
    %convert_element_type3A_1489 = arith.truncf %get3A_1488 : vector<256x128xf32> to vector<256x128xbf16>
    %dot_general3A_1490 = arith.constant dense<0.000000e+00> : vector<256x512xf32>
    %dot_general3A_1491 = tpu.matmul %convert_element_type3A_1489, %convert_element_type3A, %dot_general3A_1490 {dimension_numbers = #tpu.dot_dimension_numbers<[1], [0], [0], [1], [0, 0, 1, 1], [], []>, transpose_lhs_hint = false} : vector<256x128xbf16>, vector<128x512xbf16>, vector<256x512xf32> -> vector<256x512xf32>
    %convert_element_type3A_1492 = arith.truncf %mul3A_1483 : vector<256x128xf32> to vector<256x128xbf16>
    %dot_general3A_1493 = arith.constant dense<0.000000e+00> : vector<256x512xf32>
    %dot_general3A_1494 = tpu.matmul %convert_element_type3A_1492, %convert_element_type3A_5, %dot_general3A_1493 {dimension_numbers = #tpu.dot_dimension_numbers<[1], [0], [0], [1], [0, 0, 1, 1], [], []>, transpose_lhs_hint = false} : vector<256x128xbf16>, vector<128x512xbf16>, vector<256x512xf32> -> vector<256x512xf32>
    %jit3A_1495 = arith.constant 0.000000e+00 : f32
    %broadcast_in_dim3A_1496 = vector.shape_cast %gt3A_16 : vector<1x512xi1> to vector<1x512xi1>
    %broadcast_in_dim3A_1497 = vector.broadcast %broadcast_in_dim3A_1496 : vector<1x512xi1> to vector<256x512xi1>
    %broadcast_in_dim3A_1498 = vector.broadcast %jit3A_1495 : f32 to vector<256x512xf32>
    %select_n3A_1499 = arith.select %broadcast_in_dim3A_1497, %dot_general3A_1491, %broadcast_in_dim3A_1498 : vector<256x512xi1>, vector<256x512xf32>
    %add3A_1500 = vector.broadcast %get3A_8 : vector<1x512xf32> to vector<256x512xf32>
    %add3A_1501 = arith.addf %select_n3A_1499, %add3A_1500 : vector<256x512xf32>
    %jit3A_1502 = arith.constant 0.000000e+00 : f32
    %broadcast_in_dim3A_1503 = vector.shape_cast %gt3A_16 : vector<1x512xi1> to vector<1x512xi1>
    %broadcast_in_dim3A_1504 = vector.broadcast %broadcast_in_dim3A_1503 : vector<1x512xi1> to vector<256x512xi1>
    %broadcast_in_dim3A_1505 = vector.broadcast %jit3A_1502 : f32 to vector<256x512xf32>
    %select_n3A_1506 = arith.select %broadcast_in_dim3A_1504, %add3A_1501, %broadcast_in_dim3A_1505 : vector<256x512xi1>, vector<256x512xf32>
    %jit3A_1507 = arith.constant 0.000000e+00 : f32
    %broadcast_in_dim3A_1508 = vector.shape_cast %gt3A_16 : vector<1x512xi1> to vector<1x512xi1>
    %broadcast_in_dim3A_1509 = vector.broadcast %broadcast_in_dim3A_1508 : vector<1x512xi1> to vector<256x512xi1>
    %broadcast_in_dim3A_1510 = vector.broadcast %jit3A_1507 : f32 to vector<256x512xf32>
    %select_n3A_1511 = arith.select %broadcast_in_dim3A_1509, %dot_general3A_1494, %broadcast_in_dim3A_1510 : vector<256x512xi1>, vector<256x512xf32>
    %add3A_1512 = arith.addf %select_n3A_1506, %select_n3A_1511 : vector<256x512xf32>
    %jit3A_1513 = arith.constant 0.000000e+00 : f32
    %broadcast_in_dim3A_1514 = vector.shape_cast %gt3A_16 : vector<1x512xi1> to vector<1x512xi1>
    %broadcast_in_dim3A_1515 = vector.broadcast %broadcast_in_dim3A_1514 : vector<1x512xi1> to vector<256x512xi1>
    %broadcast_in_dim3A_1516 = vector.broadcast %jit3A_1513 : f32 to vector<256x512xf32>
    %select_n3A_1517 = arith.select %broadcast_in_dim3A_1515, %add3A_1512, %broadcast_in_dim3A_1516 : vector<256x512xi1>, vector<256x512xf32>
    %add3A_1518 = vector.broadcast %get3A_11 : vector<1x512xf32> to vector<256x512xf32>
    %add3A_1519 = arith.addf %select_n3A_1517, %add3A_1518 : vector<256x512xf32>
    %slice3A_1520 = vector.extract_strided_slice %add3A_1519 {offsets = [0, 0], sizes = [256, 128], strides = [1, 1]} : vector<256x512xf32> to vector<256x128xf32>
    %logistic3A_1521 = arith.negf %slice3A_1520 : vector<256x128xf32>
    %logistic3A_1522 = math.exp %logistic3A_1521 : vector<256x128xf32>
    %logistic3A_1523 = arith.constant 1.000000e+00 : f32
    %logistic3A_1524 = vector.broadcast %logistic3A_1523 : f32 to vector<256x128xf32>
    %logistic3A_1525 = arith.addf %logistic3A_1524, %logistic3A_1522 : vector<256x128xf32>
    %logistic3A_1526 = arith.divf %logistic3A_1524, %logistic3A_1525 : vector<256x128xf32>
    %slice3A_1527 = vector.extract_strided_slice %add3A_1519 {offsets = [0, 128], sizes = [256, 128], strides = [1, 1]} : vector<256x512xf32> to vector<256x128xf32>
    %logistic3A_1528 = arith.negf %slice3A_1527 : vector<256x128xf32>
    %logistic3A_1529 = math.exp %logistic3A_1528 : vector<256x128xf32>
    %logistic3A_1530 = arith.constant 1.000000e+00 : f32
    %logistic3A_1531 = vector.broadcast %logistic3A_1530 : f32 to vector<256x128xf32>
    %logistic3A_1532 = arith.addf %logistic3A_1531, %logistic3A_1529 : vector<256x128xf32>
    %logistic3A_1533 = arith.divf %logistic3A_1531, %logistic3A_1532 : vector<256x128xf32>
    %slice3A_1534 = vector.extract_strided_slice %add3A_1519 {offsets = [0, 256], sizes = [256, 128], strides = [1, 1]} : vector<256x512xf32> to vector<256x128xf32>
    %tanh3A_1535 = math.tanh %slice3A_1534 : vector<256x128xf32>
    %slice3A_1536 = vector.extract_strided_slice %add3A_1519 {offsets = [0, 384], sizes = [256, 128], strides = [1, 1]} : vector<256x512xf32> to vector<256x128xf32>
    %logistic3A_1537 = arith.negf %slice3A_1536 : vector<256x128xf32>
    %logistic3A_1538 = math.exp %logistic3A_1537 : vector<256x128xf32>
    %logistic3A_1539 = arith.constant 1.000000e+00 : f32
    %logistic3A_1540 = vector.broadcast %logistic3A_1539 : f32 to vector<256x128xf32>
    %logistic3A_1541 = arith.addf %logistic3A_1540, %logistic3A_1538 : vector<256x128xf32>
    %logistic3A_1542 = arith.divf %logistic3A_1540, %logistic3A_1541 : vector<256x128xf32>
    %mul3A_1543 = arith.mulf %logistic3A_1533, %add3A_1481 : vector<256x128xf32>
    %mul3A_1544 = arith.mulf %logistic3A_1526, %tanh3A_1535 : vector<256x128xf32>
    %add3A_1545 = arith.addf %mul3A_1543, %mul3A_1544 : vector<256x128xf32>
    %tanh3A_1546 = math.tanh %add3A_1545 : vector<256x128xf32>
    %mul3A_1547 = arith.mulf %logistic3A_1542, %tanh3A_1546 : vector<256x128xf32>
    %get3A_1548 = arith.constant 0 : index
    %get3A_1549 = arith.constant 24 : index
    %get3A_1550 = arith.constant 0 : index
    %get3A_1551 = vector.load %arg1[%get3A_1548, %get3A_1549, %get3A_1550] : memref<256x32x128xf32, #tpu.memory_space<vmem>>, vector<256x1x128xf32>
    %get3A_1552 = vector.shape_cast %get3A_1551 : vector<256x1x128xf32> to vector<256x128xf32>
    %convert_element_type3A_1553 = arith.truncf %get3A_1552 : vector<256x128xf32> to vector<256x128xbf16>
    %dot_general3A_1554 = arith.constant dense<0.000000e+00> : vector<256x512xf32>
    %dot_general3A_1555 = tpu.matmul %convert_element_type3A_1553, %convert_element_type3A, %dot_general3A_1554 {dimension_numbers = #tpu.dot_dimension_numbers<[1], [0], [0], [1], [0, 0, 1, 1], [], []>, transpose_lhs_hint = false} : vector<256x128xbf16>, vector<128x512xbf16>, vector<256x512xf32> -> vector<256x512xf32>
    %convert_element_type3A_1556 = arith.truncf %mul3A_1547 : vector<256x128xf32> to vector<256x128xbf16>
    %dot_general3A_1557 = arith.constant dense<0.000000e+00> : vector<256x512xf32>
    %dot_general3A_1558 = tpu.matmul %convert_element_type3A_1556, %convert_element_type3A_5, %dot_general3A_1557 {dimension_numbers = #tpu.dot_dimension_numbers<[1], [0], [0], [1], [0, 0, 1, 1], [], []>, transpose_lhs_hint = false} : vector<256x128xbf16>, vector<128x512xbf16>, vector<256x512xf32> -> vector<256x512xf32>
    %jit3A_1559 = arith.constant 0.000000e+00 : f32
    %broadcast_in_dim3A_1560 = vector.shape_cast %gt3A_16 : vector<1x512xi1> to vector<1x512xi1>
    %broadcast_in_dim3A_1561 = vector.broadcast %broadcast_in_dim3A_1560 : vector<1x512xi1> to vector<256x512xi1>
    %broadcast_in_dim3A_1562 = vector.broadcast %jit3A_1559 : f32 to vector<256x512xf32>
    %select_n3A_1563 = arith.select %broadcast_in_dim3A_1561, %dot_general3A_1555, %broadcast_in_dim3A_1562 : vector<256x512xi1>, vector<256x512xf32>
    %add3A_1564 = vector.broadcast %get3A_8 : vector<1x512xf32> to vector<256x512xf32>
    %add3A_1565 = arith.addf %select_n3A_1563, %add3A_1564 : vector<256x512xf32>
    %jit3A_1566 = arith.constant 0.000000e+00 : f32
    %broadcast_in_dim3A_1567 = vector.shape_cast %gt3A_16 : vector<1x512xi1> to vector<1x512xi1>
    %broadcast_in_dim3A_1568 = vector.broadcast %broadcast_in_dim3A_1567 : vector<1x512xi1> to vector<256x512xi1>
    %broadcast_in_dim3A_1569 = vector.broadcast %jit3A_1566 : f32 to vector<256x512xf32>
    %select_n3A_1570 = arith.select %broadcast_in_dim3A_1568, %add3A_1565, %broadcast_in_dim3A_1569 : vector<256x512xi1>, vector<256x512xf32>
    %jit3A_1571 = arith.constant 0.000000e+00 : f32
    %broadcast_in_dim3A_1572 = vector.shape_cast %gt3A_16 : vector<1x512xi1> to vector<1x512xi1>
    %broadcast_in_dim3A_1573 = vector.broadcast %broadcast_in_dim3A_1572 : vector<1x512xi1> to vector<256x512xi1>
    %broadcast_in_dim3A_1574 = vector.broadcast %jit3A_1571 : f32 to vector<256x512xf32>
    %select_n3A_1575 = arith.select %broadcast_in_dim3A_1573, %dot_general3A_1558, %broadcast_in_dim3A_1574 : vector<256x512xi1>, vector<256x512xf32>
    %add3A_1576 = arith.addf %select_n3A_1570, %select_n3A_1575 : vector<256x512xf32>
    %jit3A_1577 = arith.constant 0.000000e+00 : f32
    %broadcast_in_dim3A_1578 = vector.shape_cast %gt3A_16 : vector<1x512xi1> to vector<1x512xi1>
    %broadcast_in_dim3A_1579 = vector.broadcast %broadcast_in_dim3A_1578 : vector<1x512xi1> to vector<256x512xi1>
    %broadcast_in_dim3A_1580 = vector.broadcast %jit3A_1577 : f32 to vector<256x512xf32>
    %select_n3A_1581 = arith.select %broadcast_in_dim3A_1579, %add3A_1576, %broadcast_in_dim3A_1580 : vector<256x512xi1>, vector<256x512xf32>
    %add3A_1582 = vector.broadcast %get3A_11 : vector<1x512xf32> to vector<256x512xf32>
    %add3A_1583 = arith.addf %select_n3A_1581, %add3A_1582 : vector<256x512xf32>
    %slice3A_1584 = vector.extract_strided_slice %add3A_1583 {offsets = [0, 0], sizes = [256, 128], strides = [1, 1]} : vector<256x512xf32> to vector<256x128xf32>
    %logistic3A_1585 = arith.negf %slice3A_1584 : vector<256x128xf32>
    %logistic3A_1586 = math.exp %logistic3A_1585 : vector<256x128xf32>
    %logistic3A_1587 = arith.constant 1.000000e+00 : f32
    %logistic3A_1588 = vector.broadcast %logistic3A_1587 : f32 to vector<256x128xf32>
    %logistic3A_1589 = arith.addf %logistic3A_1588, %logistic3A_1586 : vector<256x128xf32>
    %logistic3A_1590 = arith.divf %logistic3A_1588, %logistic3A_1589 : vector<256x128xf32>
    %slice3A_1591 = vector.extract_strided_slice %add3A_1583 {offsets = [0, 128], sizes = [256, 128], strides = [1, 1]} : vector<256x512xf32> to vector<256x128xf32>
    %logistic3A_1592 = arith.negf %slice3A_1591 : vector<256x128xf32>
    %logistic3A_1593 = math.exp %logistic3A_1592 : vector<256x128xf32>
    %logistic3A_1594 = arith.constant 1.000000e+00 : f32
    %logistic3A_1595 = vector.broadcast %logistic3A_1594 : f32 to vector<256x128xf32>
    %logistic3A_1596 = arith.addf %logistic3A_1595, %logistic3A_1593 : vector<256x128xf32>
    %logistic3A_1597 = arith.divf %logistic3A_1595, %logistic3A_1596 : vector<256x128xf32>
    %slice3A_1598 = vector.extract_strided_slice %add3A_1583 {offsets = [0, 256], sizes = [256, 128], strides = [1, 1]} : vector<256x512xf32> to vector<256x128xf32>
    %tanh3A_1599 = math.tanh %slice3A_1598 : vector<256x128xf32>
    %slice3A_1600 = vector.extract_strided_slice %add3A_1583 {offsets = [0, 384], sizes = [256, 128], strides = [1, 1]} : vector<256x512xf32> to vector<256x128xf32>
    %logistic3A_1601 = arith.negf %slice3A_1600 : vector<256x128xf32>
    %logistic3A_1602 = math.exp %logistic3A_1601 : vector<256x128xf32>
    %logistic3A_1603 = arith.constant 1.000000e+00 : f32
    %logistic3A_1604 = vector.broadcast %logistic3A_1603 : f32 to vector<256x128xf32>
    %logistic3A_1605 = arith.addf %logistic3A_1604, %logistic3A_1602 : vector<256x128xf32>
    %logistic3A_1606 = arith.divf %logistic3A_1604, %logistic3A_1605 : vector<256x128xf32>
    %mul3A_1607 = arith.mulf %logistic3A_1597, %add3A_1545 : vector<256x128xf32>
    %mul3A_1608 = arith.mulf %logistic3A_1590, %tanh3A_1599 : vector<256x128xf32>
    %add3A_1609 = arith.addf %mul3A_1607, %mul3A_1608 : vector<256x128xf32>
    %tanh3A_1610 = math.tanh %add3A_1609 : vector<256x128xf32>
    %mul3A_1611 = arith.mulf %logistic3A_1606, %tanh3A_1610 : vector<256x128xf32>
    %get3A_1612 = arith.constant 0 : index
    %get3A_1613 = arith.constant 25 : index
    %get3A_1614 = arith.constant 0 : index
    %get3A_1615 = vector.load %arg1[%get3A_1612, %get3A_1613, %get3A_1614] : memref<256x32x128xf32, #tpu.memory_space<vmem>>, vector<256x1x128xf32>
    %get3A_1616 = vector.shape_cast %get3A_1615 : vector<256x1x128xf32> to vector<256x128xf32>
    %convert_element_type3A_1617 = arith.truncf %get3A_1616 : vector<256x128xf32> to vector<256x128xbf16>
    %dot_general3A_1618 = arith.constant dense<0.000000e+00> : vector<256x512xf32>
    %dot_general3A_1619 = tpu.matmul %convert_element_type3A_1617, %convert_element_type3A, %dot_general3A_1618 {dimension_numbers = #tpu.dot_dimension_numbers<[1], [0], [0], [1], [0, 0, 1, 1], [], []>, transpose_lhs_hint = false} : vector<256x128xbf16>, vector<128x512xbf16>, vector<256x512xf32> -> vector<256x512xf32>
    %convert_element_type3A_1620 = arith.truncf %mul3A_1611 : vector<256x128xf32> to vector<256x128xbf16>
    %dot_general3A_1621 = arith.constant dense<0.000000e+00> : vector<256x512xf32>
    %dot_general3A_1622 = tpu.matmul %convert_element_type3A_1620, %convert_element_type3A_5, %dot_general3A_1621 {dimension_numbers = #tpu.dot_dimension_numbers<[1], [0], [0], [1], [0, 0, 1, 1], [], []>, transpose_lhs_hint = false} : vector<256x128xbf16>, vector<128x512xbf16>, vector<256x512xf32> -> vector<256x512xf32>
    %jit3A_1623 = arith.constant 0.000000e+00 : f32
    %broadcast_in_dim3A_1624 = vector.shape_cast %gt3A_16 : vector<1x512xi1> to vector<1x512xi1>
    %broadcast_in_dim3A_1625 = vector.broadcast %broadcast_in_dim3A_1624 : vector<1x512xi1> to vector<256x512xi1>
    %broadcast_in_dim3A_1626 = vector.broadcast %jit3A_1623 : f32 to vector<256x512xf32>
    %select_n3A_1627 = arith.select %broadcast_in_dim3A_1625, %dot_general3A_1619, %broadcast_in_dim3A_1626 : vector<256x512xi1>, vector<256x512xf32>
    %add3A_1628 = vector.broadcast %get3A_8 : vector<1x512xf32> to vector<256x512xf32>
    %add3A_1629 = arith.addf %select_n3A_1627, %add3A_1628 : vector<256x512xf32>
    %jit3A_1630 = arith.constant 0.000000e+00 : f32
    %broadcast_in_dim3A_1631 = vector.shape_cast %gt3A_16 : vector<1x512xi1> to vector<1x512xi1>
    %broadcast_in_dim3A_1632 = vector.broadcast %broadcast_in_dim3A_1631 : vector<1x512xi1> to vector<256x512xi1>
    %broadcast_in_dim3A_1633 = vector.broadcast %jit3A_1630 : f32 to vector<256x512xf32>
    %select_n3A_1634 = arith.select %broadcast_in_dim3A_1632, %add3A_1629, %broadcast_in_dim3A_1633 : vector<256x512xi1>, vector<256x512xf32>
    %jit3A_1635 = arith.constant 0.000000e+00 : f32
    %broadcast_in_dim3A_1636 = vector.shape_cast %gt3A_16 : vector<1x512xi1> to vector<1x512xi1>
    %broadcast_in_dim3A_1637 = vector.broadcast %broadcast_in_dim3A_1636 : vector<1x512xi1> to vector<256x512xi1>
    %broadcast_in_dim3A_1638 = vector.broadcast %jit3A_1635 : f32 to vector<256x512xf32>
    %select_n3A_1639 = arith.select %broadcast_in_dim3A_1637, %dot_general3A_1622, %broadcast_in_dim3A_1638 : vector<256x512xi1>, vector<256x512xf32>
    %add3A_1640 = arith.addf %select_n3A_1634, %select_n3A_1639 : vector<256x512xf32>
    %jit3A_1641 = arith.constant 0.000000e+00 : f32
    %broadcast_in_dim3A_1642 = vector.shape_cast %gt3A_16 : vector<1x512xi1> to vector<1x512xi1>
    %broadcast_in_dim3A_1643 = vector.broadcast %broadcast_in_dim3A_1642 : vector<1x512xi1> to vector<256x512xi1>
    %broadcast_in_dim3A_1644 = vector.broadcast %jit3A_1641 : f32 to vector<256x512xf32>
    %select_n3A_1645 = arith.select %broadcast_in_dim3A_1643, %add3A_1640, %broadcast_in_dim3A_1644 : vector<256x512xi1>, vector<256x512xf32>
    %add3A_1646 = vector.broadcast %get3A_11 : vector<1x512xf32> to vector<256x512xf32>
    %add3A_1647 = arith.addf %select_n3A_1645, %add3A_1646 : vector<256x512xf32>
    %slice3A_1648 = vector.extract_strided_slice %add3A_1647 {offsets = [0, 0], sizes = [256, 128], strides = [1, 1]} : vector<256x512xf32> to vector<256x128xf32>
    %logistic3A_1649 = arith.negf %slice3A_1648 : vector<256x128xf32>
    %logistic3A_1650 = math.exp %logistic3A_1649 : vector<256x128xf32>
    %logistic3A_1651 = arith.constant 1.000000e+00 : f32
    %logistic3A_1652 = vector.broadcast %logistic3A_1651 : f32 to vector<256x128xf32>
    %logistic3A_1653 = arith.addf %logistic3A_1652, %logistic3A_1650 : vector<256x128xf32>
    %logistic3A_1654 = arith.divf %logistic3A_1652, %logistic3A_1653 : vector<256x128xf32>
    %slice3A_1655 = vector.extract_strided_slice %add3A_1647 {offsets = [0, 128], sizes = [256, 128], strides = [1, 1]} : vector<256x512xf32> to vector<256x128xf32>
    %logistic3A_1656 = arith.negf %slice3A_1655 : vector<256x128xf32>
    %logistic3A_1657 = math.exp %logistic3A_1656 : vector<256x128xf32>
    %logistic3A_1658 = arith.constant 1.000000e+00 : f32
    %logistic3A_1659 = vector.broadcast %logistic3A_1658 : f32 to vector<256x128xf32>
    %logistic3A_1660 = arith.addf %logistic3A_1659, %logistic3A_1657 : vector<256x128xf32>
    %logistic3A_1661 = arith.divf %logistic3A_1659, %logistic3A_1660 : vector<256x128xf32>
    %slice3A_1662 = vector.extract_strided_slice %add3A_1647 {offsets = [0, 256], sizes = [256, 128], strides = [1, 1]} : vector<256x512xf32> to vector<256x128xf32>
    %tanh3A_1663 = math.tanh %slice3A_1662 : vector<256x128xf32>
    %slice3A_1664 = vector.extract_strided_slice %add3A_1647 {offsets = [0, 384], sizes = [256, 128], strides = [1, 1]} : vector<256x512xf32> to vector<256x128xf32>
    %logistic3A_1665 = arith.negf %slice3A_1664 : vector<256x128xf32>
    %logistic3A_1666 = math.exp %logistic3A_1665 : vector<256x128xf32>
    %logistic3A_1667 = arith.constant 1.000000e+00 : f32
    %logistic3A_1668 = vector.broadcast %logistic3A_1667 : f32 to vector<256x128xf32>
    %logistic3A_1669 = arith.addf %logistic3A_1668, %logistic3A_1666 : vector<256x128xf32>
    %logistic3A_1670 = arith.divf %logistic3A_1668, %logistic3A_1669 : vector<256x128xf32>
    %mul3A_1671 = arith.mulf %logistic3A_1661, %add3A_1609 : vector<256x128xf32>
    %mul3A_1672 = arith.mulf %logistic3A_1654, %tanh3A_1663 : vector<256x128xf32>
    %add3A_1673 = arith.addf %mul3A_1671, %mul3A_1672 : vector<256x128xf32>
    %tanh3A_1674 = math.tanh %add3A_1673 : vector<256x128xf32>
    %mul3A_1675 = arith.mulf %logistic3A_1670, %tanh3A_1674 : vector<256x128xf32>
    %get3A_1676 = arith.constant 0 : index
    %get3A_1677 = arith.constant 26 : index
    %get3A_1678 = arith.constant 0 : index
    %get3A_1679 = vector.load %arg1[%get3A_1676, %get3A_1677, %get3A_1678] : memref<256x32x128xf32, #tpu.memory_space<vmem>>, vector<256x1x128xf32>
    %get3A_1680 = vector.shape_cast %get3A_1679 : vector<256x1x128xf32> to vector<256x128xf32>
    %convert_element_type3A_1681 = arith.truncf %get3A_1680 : vector<256x128xf32> to vector<256x128xbf16>
    %dot_general3A_1682 = arith.constant dense<0.000000e+00> : vector<256x512xf32>
    %dot_general3A_1683 = tpu.matmul %convert_element_type3A_1681, %convert_element_type3A, %dot_general3A_1682 {dimension_numbers = #tpu.dot_dimension_numbers<[1], [0], [0], [1], [0, 0, 1, 1], [], []>, transpose_lhs_hint = false} : vector<256x128xbf16>, vector<128x512xbf16>, vector<256x512xf32> -> vector<256x512xf32>
    %convert_element_type3A_1684 = arith.truncf %mul3A_1675 : vector<256x128xf32> to vector<256x128xbf16>
    %dot_general3A_1685 = arith.constant dense<0.000000e+00> : vector<256x512xf32>
    %dot_general3A_1686 = tpu.matmul %convert_element_type3A_1684, %convert_element_type3A_5, %dot_general3A_1685 {dimension_numbers = #tpu.dot_dimension_numbers<[1], [0], [0], [1], [0, 0, 1, 1], [], []>, transpose_lhs_hint = false} : vector<256x128xbf16>, vector<128x512xbf16>, vector<256x512xf32> -> vector<256x512xf32>
    %jit3A_1687 = arith.constant 0.000000e+00 : f32
    %broadcast_in_dim3A_1688 = vector.shape_cast %gt3A_16 : vector<1x512xi1> to vector<1x512xi1>
    %broadcast_in_dim3A_1689 = vector.broadcast %broadcast_in_dim3A_1688 : vector<1x512xi1> to vector<256x512xi1>
    %broadcast_in_dim3A_1690 = vector.broadcast %jit3A_1687 : f32 to vector<256x512xf32>
    %select_n3A_1691 = arith.select %broadcast_in_dim3A_1689, %dot_general3A_1683, %broadcast_in_dim3A_1690 : vector<256x512xi1>, vector<256x512xf32>
    %add3A_1692 = vector.broadcast %get3A_8 : vector<1x512xf32> to vector<256x512xf32>
    %add3A_1693 = arith.addf %select_n3A_1691, %add3A_1692 : vector<256x512xf32>
    %jit3A_1694 = arith.constant 0.000000e+00 : f32
    %broadcast_in_dim3A_1695 = vector.shape_cast %gt3A_16 : vector<1x512xi1> to vector<1x512xi1>
    %broadcast_in_dim3A_1696 = vector.broadcast %broadcast_in_dim3A_1695 : vector<1x512xi1> to vector<256x512xi1>
    %broadcast_in_dim3A_1697 = vector.broadcast %jit3A_1694 : f32 to vector<256x512xf32>
    %select_n3A_1698 = arith.select %broadcast_in_dim3A_1696, %add3A_1693, %broadcast_in_dim3A_1697 : vector<256x512xi1>, vector<256x512xf32>
    %jit3A_1699 = arith.constant 0.000000e+00 : f32
    %broadcast_in_dim3A_1700 = vector.shape_cast %gt3A_16 : vector<1x512xi1> to vector<1x512xi1>
    %broadcast_in_dim3A_1701 = vector.broadcast %broadcast_in_dim3A_1700 : vector<1x512xi1> to vector<256x512xi1>
    %broadcast_in_dim3A_1702 = vector.broadcast %jit3A_1699 : f32 to vector<256x512xf32>
    %select_n3A_1703 = arith.select %broadcast_in_dim3A_1701, %dot_general3A_1686, %broadcast_in_dim3A_1702 : vector<256x512xi1>, vector<256x512xf32>
    %add3A_1704 = arith.addf %select_n3A_1698, %select_n3A_1703 : vector<256x512xf32>
    %jit3A_1705 = arith.constant 0.000000e+00 : f32
    %broadcast_in_dim3A_1706 = vector.shape_cast %gt3A_16 : vector<1x512xi1> to vector<1x512xi1>
    %broadcast_in_dim3A_1707 = vector.broadcast %broadcast_in_dim3A_1706 : vector<1x512xi1> to vector<256x512xi1>
    %broadcast_in_dim3A_1708 = vector.broadcast %jit3A_1705 : f32 to vector<256x512xf32>
    %select_n3A_1709 = arith.select %broadcast_in_dim3A_1707, %add3A_1704, %broadcast_in_dim3A_1708 : vector<256x512xi1>, vector<256x512xf32>
    %add3A_1710 = vector.broadcast %get3A_11 : vector<1x512xf32> to vector<256x512xf32>
    %add3A_1711 = arith.addf %select_n3A_1709, %add3A_1710 : vector<256x512xf32>
    %slice3A_1712 = vector.extract_strided_slice %add3A_1711 {offsets = [0, 0], sizes = [256, 128], strides = [1, 1]} : vector<256x512xf32> to vector<256x128xf32>
    %logistic3A_1713 = arith.negf %slice3A_1712 : vector<256x128xf32>
    %logistic3A_1714 = math.exp %logistic3A_1713 : vector<256x128xf32>
    %logistic3A_1715 = arith.constant 1.000000e+00 : f32
    %logistic3A_1716 = vector.broadcast %logistic3A_1715 : f32 to vector<256x128xf32>
    %logistic3A_1717 = arith.addf %logistic3A_1716, %logistic3A_1714 : vector<256x128xf32>
    %logistic3A_1718 = arith.divf %logistic3A_1716, %logistic3A_1717 : vector<256x128xf32>
    %slice3A_1719 = vector.extract_strided_slice %add3A_1711 {offsets = [0, 128], sizes = [256, 128], strides = [1, 1]} : vector<256x512xf32> to vector<256x128xf32>
    %logistic3A_1720 = arith.negf %slice3A_1719 : vector<256x128xf32>
    %logistic3A_1721 = math.exp %logistic3A_1720 : vector<256x128xf32>
    %logistic3A_1722 = arith.constant 1.000000e+00 : f32
    %logistic3A_1723 = vector.broadcast %logistic3A_1722 : f32 to vector<256x128xf32>
    %logistic3A_1724 = arith.addf %logistic3A_1723, %logistic3A_1721 : vector<256x128xf32>
    %logistic3A_1725 = arith.divf %logistic3A_1723, %logistic3A_1724 : vector<256x128xf32>
    %slice3A_1726 = vector.extract_strided_slice %add3A_1711 {offsets = [0, 256], sizes = [256, 128], strides = [1, 1]} : vector<256x512xf32> to vector<256x128xf32>
    %tanh3A_1727 = math.tanh %slice3A_1726 : vector<256x128xf32>
    %slice3A_1728 = vector.extract_strided_slice %add3A_1711 {offsets = [0, 384], sizes = [256, 128], strides = [1, 1]} : vector<256x512xf32> to vector<256x128xf32>
    %logistic3A_1729 = arith.negf %slice3A_1728 : vector<256x128xf32>
    %logistic3A_1730 = math.exp %logistic3A_1729 : vector<256x128xf32>
    %logistic3A_1731 = arith.constant 1.000000e+00 : f32
    %logistic3A_1732 = vector.broadcast %logistic3A_1731 : f32 to vector<256x128xf32>
    %logistic3A_1733 = arith.addf %logistic3A_1732, %logistic3A_1730 : vector<256x128xf32>
    %logistic3A_1734 = arith.divf %logistic3A_1732, %logistic3A_1733 : vector<256x128xf32>
    %mul3A_1735 = arith.mulf %logistic3A_1725, %add3A_1673 : vector<256x128xf32>
    %mul3A_1736 = arith.mulf %logistic3A_1718, %tanh3A_1727 : vector<256x128xf32>
    %add3A_1737 = arith.addf %mul3A_1735, %mul3A_1736 : vector<256x128xf32>
    %tanh3A_1738 = math.tanh %add3A_1737 : vector<256x128xf32>
    %mul3A_1739 = arith.mulf %logistic3A_1734, %tanh3A_1738 : vector<256x128xf32>
    %get3A_1740 = arith.constant 0 : index
    %get3A_1741 = arith.constant 27 : index
    %get3A_1742 = arith.constant 0 : index
    %get3A_1743 = vector.load %arg1[%get3A_1740, %get3A_1741, %get3A_1742] : memref<256x32x128xf32, #tpu.memory_space<vmem>>, vector<256x1x128xf32>
    %get3A_1744 = vector.shape_cast %get3A_1743 : vector<256x1x128xf32> to vector<256x128xf32>
    %convert_element_type3A_1745 = arith.truncf %get3A_1744 : vector<256x128xf32> to vector<256x128xbf16>
    %dot_general3A_1746 = arith.constant dense<0.000000e+00> : vector<256x512xf32>
    %dot_general3A_1747 = tpu.matmul %convert_element_type3A_1745, %convert_element_type3A, %dot_general3A_1746 {dimension_numbers = #tpu.dot_dimension_numbers<[1], [0], [0], [1], [0, 0, 1, 1], [], []>, transpose_lhs_hint = false} : vector<256x128xbf16>, vector<128x512xbf16>, vector<256x512xf32> -> vector<256x512xf32>
    %convert_element_type3A_1748 = arith.truncf %mul3A_1739 : vector<256x128xf32> to vector<256x128xbf16>
    %dot_general3A_1749 = arith.constant dense<0.000000e+00> : vector<256x512xf32>
    %dot_general3A_1750 = tpu.matmul %convert_element_type3A_1748, %convert_element_type3A_5, %dot_general3A_1749 {dimension_numbers = #tpu.dot_dimension_numbers<[1], [0], [0], [1], [0, 0, 1, 1], [], []>, transpose_lhs_hint = false} : vector<256x128xbf16>, vector<128x512xbf16>, vector<256x512xf32> -> vector<256x512xf32>
    %jit3A_1751 = arith.constant 0.000000e+00 : f32
    %broadcast_in_dim3A_1752 = vector.shape_cast %gt3A_16 : vector<1x512xi1> to vector<1x512xi1>
    %broadcast_in_dim3A_1753 = vector.broadcast %broadcast_in_dim3A_1752 : vector<1x512xi1> to vector<256x512xi1>
    %broadcast_in_dim3A_1754 = vector.broadcast %jit3A_1751 : f32 to vector<256x512xf32>
    %select_n3A_1755 = arith.select %broadcast_in_dim3A_1753, %dot_general3A_1747, %broadcast_in_dim3A_1754 : vector<256x512xi1>, vector<256x512xf32>
    %add3A_1756 = vector.broadcast %get3A_8 : vector<1x512xf32> to vector<256x512xf32>
    %add3A_1757 = arith.addf %select_n3A_1755, %add3A_1756 : vector<256x512xf32>
    %jit3A_1758 = arith.constant 0.000000e+00 : f32
    %broadcast_in_dim3A_1759 = vector.shape_cast %gt3A_16 : vector<1x512xi1> to vector<1x512xi1>
    %broadcast_in_dim3A_1760 = vector.broadcast %broadcast_in_dim3A_1759 : vector<1x512xi1> to vector<256x512xi1>
    %broadcast_in_dim3A_1761 = vector.broadcast %jit3A_1758 : f32 to vector<256x512xf32>
    %select_n3A_1762 = arith.select %broadcast_in_dim3A_1760, %add3A_1757, %broadcast_in_dim3A_1761 : vector<256x512xi1>, vector<256x512xf32>
    %jit3A_1763 = arith.constant 0.000000e+00 : f32
    %broadcast_in_dim3A_1764 = vector.shape_cast %gt3A_16 : vector<1x512xi1> to vector<1x512xi1>
    %broadcast_in_dim3A_1765 = vector.broadcast %broadcast_in_dim3A_1764 : vector<1x512xi1> to vector<256x512xi1>
    %broadcast_in_dim3A_1766 = vector.broadcast %jit3A_1763 : f32 to vector<256x512xf32>
    %select_n3A_1767 = arith.select %broadcast_in_dim3A_1765, %dot_general3A_1750, %broadcast_in_dim3A_1766 : vector<256x512xi1>, vector<256x512xf32>
    %add3A_1768 = arith.addf %select_n3A_1762, %select_n3A_1767 : vector<256x512xf32>
    %jit3A_1769 = arith.constant 0.000000e+00 : f32
    %broadcast_in_dim3A_1770 = vector.shape_cast %gt3A_16 : vector<1x512xi1> to vector<1x512xi1>
    %broadcast_in_dim3A_1771 = vector.broadcast %broadcast_in_dim3A_1770 : vector<1x512xi1> to vector<256x512xi1>
    %broadcast_in_dim3A_1772 = vector.broadcast %jit3A_1769 : f32 to vector<256x512xf32>
    %select_n3A_1773 = arith.select %broadcast_in_dim3A_1771, %add3A_1768, %broadcast_in_dim3A_1772 : vector<256x512xi1>, vector<256x512xf32>
    %add3A_1774 = vector.broadcast %get3A_11 : vector<1x512xf32> to vector<256x512xf32>
    %add3A_1775 = arith.addf %select_n3A_1773, %add3A_1774 : vector<256x512xf32>
    %slice3A_1776 = vector.extract_strided_slice %add3A_1775 {offsets = [0, 0], sizes = [256, 128], strides = [1, 1]} : vector<256x512xf32> to vector<256x128xf32>
    %logistic3A_1777 = arith.negf %slice3A_1776 : vector<256x128xf32>
    %logistic3A_1778 = math.exp %logistic3A_1777 : vector<256x128xf32>
    %logistic3A_1779 = arith.constant 1.000000e+00 : f32
    %logistic3A_1780 = vector.broadcast %logistic3A_1779 : f32 to vector<256x128xf32>
    %logistic3A_1781 = arith.addf %logistic3A_1780, %logistic3A_1778 : vector<256x128xf32>
    %logistic3A_1782 = arith.divf %logistic3A_1780, %logistic3A_1781 : vector<256x128xf32>
    %slice3A_1783 = vector.extract_strided_slice %add3A_1775 {offsets = [0, 128], sizes = [256, 128], strides = [1, 1]} : vector<256x512xf32> to vector<256x128xf32>
    %logistic3A_1784 = arith.negf %slice3A_1783 : vector<256x128xf32>
    %logistic3A_1785 = math.exp %logistic3A_1784 : vector<256x128xf32>
    %logistic3A_1786 = arith.constant 1.000000e+00 : f32
    %logistic3A_1787 = vector.broadcast %logistic3A_1786 : f32 to vector<256x128xf32>
    %logistic3A_1788 = arith.addf %logistic3A_1787, %logistic3A_1785 : vector<256x128xf32>
    %logistic3A_1789 = arith.divf %logistic3A_1787, %logistic3A_1788 : vector<256x128xf32>
    %slice3A_1790 = vector.extract_strided_slice %add3A_1775 {offsets = [0, 256], sizes = [256, 128], strides = [1, 1]} : vector<256x512xf32> to vector<256x128xf32>
    %tanh3A_1791 = math.tanh %slice3A_1790 : vector<256x128xf32>
    %slice3A_1792 = vector.extract_strided_slice %add3A_1775 {offsets = [0, 384], sizes = [256, 128], strides = [1, 1]} : vector<256x512xf32> to vector<256x128xf32>
    %logistic3A_1793 = arith.negf %slice3A_1792 : vector<256x128xf32>
    %logistic3A_1794 = math.exp %logistic3A_1793 : vector<256x128xf32>
    %logistic3A_1795 = arith.constant 1.000000e+00 : f32
    %logistic3A_1796 = vector.broadcast %logistic3A_1795 : f32 to vector<256x128xf32>
    %logistic3A_1797 = arith.addf %logistic3A_1796, %logistic3A_1794 : vector<256x128xf32>
    %logistic3A_1798 = arith.divf %logistic3A_1796, %logistic3A_1797 : vector<256x128xf32>
    %mul3A_1799 = arith.mulf %logistic3A_1789, %add3A_1737 : vector<256x128xf32>
    %mul3A_1800 = arith.mulf %logistic3A_1782, %tanh3A_1791 : vector<256x128xf32>
    %add3A_1801 = arith.addf %mul3A_1799, %mul3A_1800 : vector<256x128xf32>
    %tanh3A_1802 = math.tanh %add3A_1801 : vector<256x128xf32>
    %mul3A_1803 = arith.mulf %logistic3A_1798, %tanh3A_1802 : vector<256x128xf32>
    %get3A_1804 = arith.constant 0 : index
    %get3A_1805 = arith.constant 28 : index
    %get3A_1806 = arith.constant 0 : index
    %get3A_1807 = vector.load %arg1[%get3A_1804, %get3A_1805, %get3A_1806] : memref<256x32x128xf32, #tpu.memory_space<vmem>>, vector<256x1x128xf32>
    %get3A_1808 = vector.shape_cast %get3A_1807 : vector<256x1x128xf32> to vector<256x128xf32>
    %convert_element_type3A_1809 = arith.truncf %get3A_1808 : vector<256x128xf32> to vector<256x128xbf16>
    %dot_general3A_1810 = arith.constant dense<0.000000e+00> : vector<256x512xf32>
    %dot_general3A_1811 = tpu.matmul %convert_element_type3A_1809, %convert_element_type3A, %dot_general3A_1810 {dimension_numbers = #tpu.dot_dimension_numbers<[1], [0], [0], [1], [0, 0, 1, 1], [], []>, transpose_lhs_hint = false} : vector<256x128xbf16>, vector<128x512xbf16>, vector<256x512xf32> -> vector<256x512xf32>
    %convert_element_type3A_1812 = arith.truncf %mul3A_1803 : vector<256x128xf32> to vector<256x128xbf16>
    %dot_general3A_1813 = arith.constant dense<0.000000e+00> : vector<256x512xf32>
    %dot_general3A_1814 = tpu.matmul %convert_element_type3A_1812, %convert_element_type3A_5, %dot_general3A_1813 {dimension_numbers = #tpu.dot_dimension_numbers<[1], [0], [0], [1], [0, 0, 1, 1], [], []>, transpose_lhs_hint = false} : vector<256x128xbf16>, vector<128x512xbf16>, vector<256x512xf32> -> vector<256x512xf32>
    %jit3A_1815 = arith.constant 0.000000e+00 : f32
    %broadcast_in_dim3A_1816 = vector.shape_cast %gt3A_16 : vector<1x512xi1> to vector<1x512xi1>
    %broadcast_in_dim3A_1817 = vector.broadcast %broadcast_in_dim3A_1816 : vector<1x512xi1> to vector<256x512xi1>
    %broadcast_in_dim3A_1818 = vector.broadcast %jit3A_1815 : f32 to vector<256x512xf32>
    %select_n3A_1819 = arith.select %broadcast_in_dim3A_1817, %dot_general3A_1811, %broadcast_in_dim3A_1818 : vector<256x512xi1>, vector<256x512xf32>
    %add3A_1820 = vector.broadcast %get3A_8 : vector<1x512xf32> to vector<256x512xf32>
    %add3A_1821 = arith.addf %select_n3A_1819, %add3A_1820 : vector<256x512xf32>
    %jit3A_1822 = arith.constant 0.000000e+00 : f32
    %broadcast_in_dim3A_1823 = vector.shape_cast %gt3A_16 : vector<1x512xi1> to vector<1x512xi1>
    %broadcast_in_dim3A_1824 = vector.broadcast %broadcast_in_dim3A_1823 : vector<1x512xi1> to vector<256x512xi1>
    %broadcast_in_dim3A_1825 = vector.broadcast %jit3A_1822 : f32 to vector<256x512xf32>
    %select_n3A_1826 = arith.select %broadcast_in_dim3A_1824, %add3A_1821, %broadcast_in_dim3A_1825 : vector<256x512xi1>, vector<256x512xf32>
    %jit3A_1827 = arith.constant 0.000000e+00 : f32
    %broadcast_in_dim3A_1828 = vector.shape_cast %gt3A_16 : vector<1x512xi1> to vector<1x512xi1>
    %broadcast_in_dim3A_1829 = vector.broadcast %broadcast_in_dim3A_1828 : vector<1x512xi1> to vector<256x512xi1>
    %broadcast_in_dim3A_1830 = vector.broadcast %jit3A_1827 : f32 to vector<256x512xf32>
    %select_n3A_1831 = arith.select %broadcast_in_dim3A_1829, %dot_general3A_1814, %broadcast_in_dim3A_1830 : vector<256x512xi1>, vector<256x512xf32>
    %add3A_1832 = arith.addf %select_n3A_1826, %select_n3A_1831 : vector<256x512xf32>
    %jit3A_1833 = arith.constant 0.000000e+00 : f32
    %broadcast_in_dim3A_1834 = vector.shape_cast %gt3A_16 : vector<1x512xi1> to vector<1x512xi1>
    %broadcast_in_dim3A_1835 = vector.broadcast %broadcast_in_dim3A_1834 : vector<1x512xi1> to vector<256x512xi1>
    %broadcast_in_dim3A_1836 = vector.broadcast %jit3A_1833 : f32 to vector<256x512xf32>
    %select_n3A_1837 = arith.select %broadcast_in_dim3A_1835, %add3A_1832, %broadcast_in_dim3A_1836 : vector<256x512xi1>, vector<256x512xf32>
    %add3A_1838 = vector.broadcast %get3A_11 : vector<1x512xf32> to vector<256x512xf32>
    %add3A_1839 = arith.addf %select_n3A_1837, %add3A_1838 : vector<256x512xf32>
    %slice3A_1840 = vector.extract_strided_slice %add3A_1839 {offsets = [0, 0], sizes = [256, 128], strides = [1, 1]} : vector<256x512xf32> to vector<256x128xf32>
    %logistic3A_1841 = arith.negf %slice3A_1840 : vector<256x128xf32>
    %logistic3A_1842 = math.exp %logistic3A_1841 : vector<256x128xf32>
    %logistic3A_1843 = arith.constant 1.000000e+00 : f32
    %logistic3A_1844 = vector.broadcast %logistic3A_1843 : f32 to vector<256x128xf32>
    %logistic3A_1845 = arith.addf %logistic3A_1844, %logistic3A_1842 : vector<256x128xf32>
    %logistic3A_1846 = arith.divf %logistic3A_1844, %logistic3A_1845 : vector<256x128xf32>
    %slice3A_1847 = vector.extract_strided_slice %add3A_1839 {offsets = [0, 128], sizes = [256, 128], strides = [1, 1]} : vector<256x512xf32> to vector<256x128xf32>
    %logistic3A_1848 = arith.negf %slice3A_1847 : vector<256x128xf32>
    %logistic3A_1849 = math.exp %logistic3A_1848 : vector<256x128xf32>
    %logistic3A_1850 = arith.constant 1.000000e+00 : f32
    %logistic3A_1851 = vector.broadcast %logistic3A_1850 : f32 to vector<256x128xf32>
    %logistic3A_1852 = arith.addf %logistic3A_1851, %logistic3A_1849 : vector<256x128xf32>
    %logistic3A_1853 = arith.divf %logistic3A_1851, %logistic3A_1852 : vector<256x128xf32>
    %slice3A_1854 = vector.extract_strided_slice %add3A_1839 {offsets = [0, 256], sizes = [256, 128], strides = [1, 1]} : vector<256x512xf32> to vector<256x128xf32>
    %tanh3A_1855 = math.tanh %slice3A_1854 : vector<256x128xf32>
    %slice3A_1856 = vector.extract_strided_slice %add3A_1839 {offsets = [0, 384], sizes = [256, 128], strides = [1, 1]} : vector<256x512xf32> to vector<256x128xf32>
    %logistic3A_1857 = arith.negf %slice3A_1856 : vector<256x128xf32>
    %logistic3A_1858 = math.exp %logistic3A_1857 : vector<256x128xf32>
    %logistic3A_1859 = arith.constant 1.000000e+00 : f32
    %logistic3A_1860 = vector.broadcast %logistic3A_1859 : f32 to vector<256x128xf32>
    %logistic3A_1861 = arith.addf %logistic3A_1860, %logistic3A_1858 : vector<256x128xf32>
    %logistic3A_1862 = arith.divf %logistic3A_1860, %logistic3A_1861 : vector<256x128xf32>
    %mul3A_1863 = arith.mulf %logistic3A_1853, %add3A_1801 : vector<256x128xf32>
    %mul3A_1864 = arith.mulf %logistic3A_1846, %tanh3A_1855 : vector<256x128xf32>
    %add3A_1865 = arith.addf %mul3A_1863, %mul3A_1864 : vector<256x128xf32>
    %tanh3A_1866 = math.tanh %add3A_1865 : vector<256x128xf32>
    %mul3A_1867 = arith.mulf %logistic3A_1862, %tanh3A_1866 : vector<256x128xf32>
    %get3A_1868 = arith.constant 0 : index
    %get3A_1869 = arith.constant 29 : index
    %get3A_1870 = arith.constant 0 : index
    %get3A_1871 = vector.load %arg1[%get3A_1868, %get3A_1869, %get3A_1870] : memref<256x32x128xf32, #tpu.memory_space<vmem>>, vector<256x1x128xf32>
    %get3A_1872 = vector.shape_cast %get3A_1871 : vector<256x1x128xf32> to vector<256x128xf32>
    %convert_element_type3A_1873 = arith.truncf %get3A_1872 : vector<256x128xf32> to vector<256x128xbf16>
    %dot_general3A_1874 = arith.constant dense<0.000000e+00> : vector<256x512xf32>
    %dot_general3A_1875 = tpu.matmul %convert_element_type3A_1873, %convert_element_type3A, %dot_general3A_1874 {dimension_numbers = #tpu.dot_dimension_numbers<[1], [0], [0], [1], [0, 0, 1, 1], [], []>, transpose_lhs_hint = false} : vector<256x128xbf16>, vector<128x512xbf16>, vector<256x512xf32> -> vector<256x512xf32>
    %convert_element_type3A_1876 = arith.truncf %mul3A_1867 : vector<256x128xf32> to vector<256x128xbf16>
    %dot_general3A_1877 = arith.constant dense<0.000000e+00> : vector<256x512xf32>
    %dot_general3A_1878 = tpu.matmul %convert_element_type3A_1876, %convert_element_type3A_5, %dot_general3A_1877 {dimension_numbers = #tpu.dot_dimension_numbers<[1], [0], [0], [1], [0, 0, 1, 1], [], []>, transpose_lhs_hint = false} : vector<256x128xbf16>, vector<128x512xbf16>, vector<256x512xf32> -> vector<256x512xf32>
    %jit3A_1879 = arith.constant 0.000000e+00 : f32
    %broadcast_in_dim3A_1880 = vector.shape_cast %gt3A_16 : vector<1x512xi1> to vector<1x512xi1>
    %broadcast_in_dim3A_1881 = vector.broadcast %broadcast_in_dim3A_1880 : vector<1x512xi1> to vector<256x512xi1>
    %broadcast_in_dim3A_1882 = vector.broadcast %jit3A_1879 : f32 to vector<256x512xf32>
    %select_n3A_1883 = arith.select %broadcast_in_dim3A_1881, %dot_general3A_1875, %broadcast_in_dim3A_1882 : vector<256x512xi1>, vector<256x512xf32>
    %add3A_1884 = vector.broadcast %get3A_8 : vector<1x512xf32> to vector<256x512xf32>
    %add3A_1885 = arith.addf %select_n3A_1883, %add3A_1884 : vector<256x512xf32>
    %jit3A_1886 = arith.constant 0.000000e+00 : f32
    %broadcast_in_dim3A_1887 = vector.shape_cast %gt3A_16 : vector<1x512xi1> to vector<1x512xi1>
    %broadcast_in_dim3A_1888 = vector.broadcast %broadcast_in_dim3A_1887 : vector<1x512xi1> to vector<256x512xi1>
    %broadcast_in_dim3A_1889 = vector.broadcast %jit3A_1886 : f32 to vector<256x512xf32>
    %select_n3A_1890 = arith.select %broadcast_in_dim3A_1888, %add3A_1885, %broadcast_in_dim3A_1889 : vector<256x512xi1>, vector<256x512xf32>
    %jit3A_1891 = arith.constant 0.000000e+00 : f32
    %broadcast_in_dim3A_1892 = vector.shape_cast %gt3A_16 : vector<1x512xi1> to vector<1x512xi1>
    %broadcast_in_dim3A_1893 = vector.broadcast %broadcast_in_dim3A_1892 : vector<1x512xi1> to vector<256x512xi1>
    %broadcast_in_dim3A_1894 = vector.broadcast %jit3A_1891 : f32 to vector<256x512xf32>
    %select_n3A_1895 = arith.select %broadcast_in_dim3A_1893, %dot_general3A_1878, %broadcast_in_dim3A_1894 : vector<256x512xi1>, vector<256x512xf32>
    %add3A_1896 = arith.addf %select_n3A_1890, %select_n3A_1895 : vector<256x512xf32>
    %jit3A_1897 = arith.constant 0.000000e+00 : f32
    %broadcast_in_dim3A_1898 = vector.shape_cast %gt3A_16 : vector<1x512xi1> to vector<1x512xi1>
    %broadcast_in_dim3A_1899 = vector.broadcast %broadcast_in_dim3A_1898 : vector<1x512xi1> to vector<256x512xi1>
    %broadcast_in_dim3A_1900 = vector.broadcast %jit3A_1897 : f32 to vector<256x512xf32>
    %select_n3A_1901 = arith.select %broadcast_in_dim3A_1899, %add3A_1896, %broadcast_in_dim3A_1900 : vector<256x512xi1>, vector<256x512xf32>
    %add3A_1902 = vector.broadcast %get3A_11 : vector<1x512xf32> to vector<256x512xf32>
    %add3A_1903 = arith.addf %select_n3A_1901, %add3A_1902 : vector<256x512xf32>
    %slice3A_1904 = vector.extract_strided_slice %add3A_1903 {offsets = [0, 0], sizes = [256, 128], strides = [1, 1]} : vector<256x512xf32> to vector<256x128xf32>
    %logistic3A_1905 = arith.negf %slice3A_1904 : vector<256x128xf32>
    %logistic3A_1906 = math.exp %logistic3A_1905 : vector<256x128xf32>
    %logistic3A_1907 = arith.constant 1.000000e+00 : f32
    %logistic3A_1908 = vector.broadcast %logistic3A_1907 : f32 to vector<256x128xf32>
    %logistic3A_1909 = arith.addf %logistic3A_1908, %logistic3A_1906 : vector<256x128xf32>
    %logistic3A_1910 = arith.divf %logistic3A_1908, %logistic3A_1909 : vector<256x128xf32>
    %slice3A_1911 = vector.extract_strided_slice %add3A_1903 {offsets = [0, 128], sizes = [256, 128], strides = [1, 1]} : vector<256x512xf32> to vector<256x128xf32>
    %logistic3A_1912 = arith.negf %slice3A_1911 : vector<256x128xf32>
    %logistic3A_1913 = math.exp %logistic3A_1912 : vector<256x128xf32>
    %logistic3A_1914 = arith.constant 1.000000e+00 : f32
    %logistic3A_1915 = vector.broadcast %logistic3A_1914 : f32 to vector<256x128xf32>
    %logistic3A_1916 = arith.addf %logistic3A_1915, %logistic3A_1913 : vector<256x128xf32>
    %logistic3A_1917 = arith.divf %logistic3A_1915, %logistic3A_1916 : vector<256x128xf32>
    %slice3A_1918 = vector.extract_strided_slice %add3A_1903 {offsets = [0, 256], sizes = [256, 128], strides = [1, 1]} : vector<256x512xf32> to vector<256x128xf32>
    %tanh3A_1919 = math.tanh %slice3A_1918 : vector<256x128xf32>
    %slice3A_1920 = vector.extract_strided_slice %add3A_1903 {offsets = [0, 384], sizes = [256, 128], strides = [1, 1]} : vector<256x512xf32> to vector<256x128xf32>
    %logistic3A_1921 = arith.negf %slice3A_1920 : vector<256x128xf32>
    %logistic3A_1922 = math.exp %logistic3A_1921 : vector<256x128xf32>
    %logistic3A_1923 = arith.constant 1.000000e+00 : f32
    %logistic3A_1924 = vector.broadcast %logistic3A_1923 : f32 to vector<256x128xf32>
    %logistic3A_1925 = arith.addf %logistic3A_1924, %logistic3A_1922 : vector<256x128xf32>
    %logistic3A_1926 = arith.divf %logistic3A_1924, %logistic3A_1925 : vector<256x128xf32>
    %mul3A_1927 = arith.mulf %logistic3A_1917, %add3A_1865 : vector<256x128xf32>
    %mul3A_1928 = arith.mulf %logistic3A_1910, %tanh3A_1919 : vector<256x128xf32>
    %add3A_1929 = arith.addf %mul3A_1927, %mul3A_1928 : vector<256x128xf32>
    %tanh3A_1930 = math.tanh %add3A_1929 : vector<256x128xf32>
    %mul3A_1931 = arith.mulf %logistic3A_1926, %tanh3A_1930 : vector<256x128xf32>
    %get3A_1932 = arith.constant 0 : index
    %get3A_1933 = arith.constant 30 : index
    %get3A_1934 = arith.constant 0 : index
    %get3A_1935 = vector.load %arg1[%get3A_1932, %get3A_1933, %get3A_1934] : memref<256x32x128xf32, #tpu.memory_space<vmem>>, vector<256x1x128xf32>
    %get3A_1936 = vector.shape_cast %get3A_1935 : vector<256x1x128xf32> to vector<256x128xf32>
    %convert_element_type3A_1937 = arith.truncf %get3A_1936 : vector<256x128xf32> to vector<256x128xbf16>
    %dot_general3A_1938 = arith.constant dense<0.000000e+00> : vector<256x512xf32>
    %dot_general3A_1939 = tpu.matmul %convert_element_type3A_1937, %convert_element_type3A, %dot_general3A_1938 {dimension_numbers = #tpu.dot_dimension_numbers<[1], [0], [0], [1], [0, 0, 1, 1], [], []>, transpose_lhs_hint = false} : vector<256x128xbf16>, vector<128x512xbf16>, vector<256x512xf32> -> vector<256x512xf32>
    %convert_element_type3A_1940 = arith.truncf %mul3A_1931 : vector<256x128xf32> to vector<256x128xbf16>
    %dot_general3A_1941 = arith.constant dense<0.000000e+00> : vector<256x512xf32>
    %dot_general3A_1942 = tpu.matmul %convert_element_type3A_1940, %convert_element_type3A_5, %dot_general3A_1941 {dimension_numbers = #tpu.dot_dimension_numbers<[1], [0], [0], [1], [0, 0, 1, 1], [], []>, transpose_lhs_hint = false} : vector<256x128xbf16>, vector<128x512xbf16>, vector<256x512xf32> -> vector<256x512xf32>
    %jit3A_1943 = arith.constant 0.000000e+00 : f32
    %broadcast_in_dim3A_1944 = vector.shape_cast %gt3A_16 : vector<1x512xi1> to vector<1x512xi1>
    %broadcast_in_dim3A_1945 = vector.broadcast %broadcast_in_dim3A_1944 : vector<1x512xi1> to vector<256x512xi1>
    %broadcast_in_dim3A_1946 = vector.broadcast %jit3A_1943 : f32 to vector<256x512xf32>
    %select_n3A_1947 = arith.select %broadcast_in_dim3A_1945, %dot_general3A_1939, %broadcast_in_dim3A_1946 : vector<256x512xi1>, vector<256x512xf32>
    %add3A_1948 = vector.broadcast %get3A_8 : vector<1x512xf32> to vector<256x512xf32>
    %add3A_1949 = arith.addf %select_n3A_1947, %add3A_1948 : vector<256x512xf32>
    %jit3A_1950 = arith.constant 0.000000e+00 : f32
    %broadcast_in_dim3A_1951 = vector.shape_cast %gt3A_16 : vector<1x512xi1> to vector<1x512xi1>
    %broadcast_in_dim3A_1952 = vector.broadcast %broadcast_in_dim3A_1951 : vector<1x512xi1> to vector<256x512xi1>
    %broadcast_in_dim3A_1953 = vector.broadcast %jit3A_1950 : f32 to vector<256x512xf32>
    %select_n3A_1954 = arith.select %broadcast_in_dim3A_1952, %add3A_1949, %broadcast_in_dim3A_1953 : vector<256x512xi1>, vector<256x512xf32>
    %jit3A_1955 = arith.constant 0.000000e+00 : f32
    %broadcast_in_dim3A_1956 = vector.shape_cast %gt3A_16 : vector<1x512xi1> to vector<1x512xi1>
    %broadcast_in_dim3A_1957 = vector.broadcast %broadcast_in_dim3A_1956 : vector<1x512xi1> to vector<256x512xi1>
    %broadcast_in_dim3A_1958 = vector.broadcast %jit3A_1955 : f32 to vector<256x512xf32>
    %select_n3A_1959 = arith.select %broadcast_in_dim3A_1957, %dot_general3A_1942, %broadcast_in_dim3A_1958 : vector<256x512xi1>, vector<256x512xf32>
    %add3A_1960 = arith.addf %select_n3A_1954, %select_n3A_1959 : vector<256x512xf32>
    %jit3A_1961 = arith.constant 0.000000e+00 : f32
    %broadcast_in_dim3A_1962 = vector.shape_cast %gt3A_16 : vector<1x512xi1> to vector<1x512xi1>
    %broadcast_in_dim3A_1963 = vector.broadcast %broadcast_in_dim3A_1962 : vector<1x512xi1> to vector<256x512xi1>
    %broadcast_in_dim3A_1964 = vector.broadcast %jit3A_1961 : f32 to vector<256x512xf32>
    %select_n3A_1965 = arith.select %broadcast_in_dim3A_1963, %add3A_1960, %broadcast_in_dim3A_1964 : vector<256x512xi1>, vector<256x512xf32>
    %add3A_1966 = vector.broadcast %get3A_11 : vector<1x512xf32> to vector<256x512xf32>
    %add3A_1967 = arith.addf %select_n3A_1965, %add3A_1966 : vector<256x512xf32>
    %slice3A_1968 = vector.extract_strided_slice %add3A_1967 {offsets = [0, 0], sizes = [256, 128], strides = [1, 1]} : vector<256x512xf32> to vector<256x128xf32>
    %logistic3A_1969 = arith.negf %slice3A_1968 : vector<256x128xf32>
    %logistic3A_1970 = math.exp %logistic3A_1969 : vector<256x128xf32>
    %logistic3A_1971 = arith.constant 1.000000e+00 : f32
    %logistic3A_1972 = vector.broadcast %logistic3A_1971 : f32 to vector<256x128xf32>
    %logistic3A_1973 = arith.addf %logistic3A_1972, %logistic3A_1970 : vector<256x128xf32>
    %logistic3A_1974 = arith.divf %logistic3A_1972, %logistic3A_1973 : vector<256x128xf32>
    %slice3A_1975 = vector.extract_strided_slice %add3A_1967 {offsets = [0, 128], sizes = [256, 128], strides = [1, 1]} : vector<256x512xf32> to vector<256x128xf32>
    %logistic3A_1976 = arith.negf %slice3A_1975 : vector<256x128xf32>
    %logistic3A_1977 = math.exp %logistic3A_1976 : vector<256x128xf32>
    %logistic3A_1978 = arith.constant 1.000000e+00 : f32
    %logistic3A_1979 = vector.broadcast %logistic3A_1978 : f32 to vector<256x128xf32>
    %logistic3A_1980 = arith.addf %logistic3A_1979, %logistic3A_1977 : vector<256x128xf32>
    %logistic3A_1981 = arith.divf %logistic3A_1979, %logistic3A_1980 : vector<256x128xf32>
    %slice3A_1982 = vector.extract_strided_slice %add3A_1967 {offsets = [0, 256], sizes = [256, 128], strides = [1, 1]} : vector<256x512xf32> to vector<256x128xf32>
    %tanh3A_1983 = math.tanh %slice3A_1982 : vector<256x128xf32>
    %slice3A_1984 = vector.extract_strided_slice %add3A_1967 {offsets = [0, 384], sizes = [256, 128], strides = [1, 1]} : vector<256x512xf32> to vector<256x128xf32>
    %logistic3A_1985 = arith.negf %slice3A_1984 : vector<256x128xf32>
    %logistic3A_1986 = math.exp %logistic3A_1985 : vector<256x128xf32>
    %logistic3A_1987 = arith.constant 1.000000e+00 : f32
    %logistic3A_1988 = vector.broadcast %logistic3A_1987 : f32 to vector<256x128xf32>
    %logistic3A_1989 = arith.addf %logistic3A_1988, %logistic3A_1986 : vector<256x128xf32>
    %logistic3A_1990 = arith.divf %logistic3A_1988, %logistic3A_1989 : vector<256x128xf32>
    %mul3A_1991 = arith.mulf %logistic3A_1981, %add3A_1929 : vector<256x128xf32>
    %mul3A_1992 = arith.mulf %logistic3A_1974, %tanh3A_1983 : vector<256x128xf32>
    %add3A_1993 = arith.addf %mul3A_1991, %mul3A_1992 : vector<256x128xf32>
    %tanh3A_1994 = math.tanh %add3A_1993 : vector<256x128xf32>
    %mul3A_1995 = arith.mulf %logistic3A_1990, %tanh3A_1994 : vector<256x128xf32>
    %get3A_1996 = arith.constant 0 : index
    %get3A_1997 = arith.constant 31 : index
    %get3A_1998 = arith.constant 0 : index
    %get3A_1999 = vector.load %arg1[%get3A_1996, %get3A_1997, %get3A_1998] : memref<256x32x128xf32, #tpu.memory_space<vmem>>, vector<256x1x128xf32>
    %get3A_2000 = vector.shape_cast %get3A_1999 : vector<256x1x128xf32> to vector<256x128xf32>
    %convert_element_type3A_2001 = arith.truncf %get3A_2000 : vector<256x128xf32> to vector<256x128xbf16>
    %dot_general3A_2002 = arith.constant dense<0.000000e+00> : vector<256x512xf32>
    %dot_general3A_2003 = tpu.matmul %convert_element_type3A_2001, %convert_element_type3A, %dot_general3A_2002 {dimension_numbers = #tpu.dot_dimension_numbers<[1], [0], [0], [1], [0, 0, 1, 1], [], []>, transpose_lhs_hint = false} : vector<256x128xbf16>, vector<128x512xbf16>, vector<256x512xf32> -> vector<256x512xf32>
    %convert_element_type3A_2004 = arith.truncf %mul3A_1995 : vector<256x128xf32> to vector<256x128xbf16>
    %dot_general3A_2005 = arith.constant dense<0.000000e+00> : vector<256x512xf32>
    %dot_general3A_2006 = tpu.matmul %convert_element_type3A_2004, %convert_element_type3A_5, %dot_general3A_2005 {dimension_numbers = #tpu.dot_dimension_numbers<[1], [0], [0], [1], [0, 0, 1, 1], [], []>, transpose_lhs_hint = false} : vector<256x128xbf16>, vector<128x512xbf16>, vector<256x512xf32> -> vector<256x512xf32>
    %jit3A_2007 = arith.constant 0.000000e+00 : f32
    %broadcast_in_dim3A_2008 = vector.shape_cast %gt3A_16 : vector<1x512xi1> to vector<1x512xi1>
    %broadcast_in_dim3A_2009 = vector.broadcast %broadcast_in_dim3A_2008 : vector<1x512xi1> to vector<256x512xi1>
    %broadcast_in_dim3A_2010 = vector.broadcast %jit3A_2007 : f32 to vector<256x512xf32>
    %select_n3A_2011 = arith.select %broadcast_in_dim3A_2009, %dot_general3A_2003, %broadcast_in_dim3A_2010 : vector<256x512xi1>, vector<256x512xf32>
    %add3A_2012 = vector.broadcast %get3A_8 : vector<1x512xf32> to vector<256x512xf32>
    %add3A_2013 = arith.addf %select_n3A_2011, %add3A_2012 : vector<256x512xf32>
    %jit3A_2014 = arith.constant 0.000000e+00 : f32
    %broadcast_in_dim3A_2015 = vector.shape_cast %gt3A_16 : vector<1x512xi1> to vector<1x512xi1>
    %broadcast_in_dim3A_2016 = vector.broadcast %broadcast_in_dim3A_2015 : vector<1x512xi1> to vector<256x512xi1>
    %broadcast_in_dim3A_2017 = vector.broadcast %jit3A_2014 : f32 to vector<256x512xf32>
    %select_n3A_2018 = arith.select %broadcast_in_dim3A_2016, %add3A_2013, %broadcast_in_dim3A_2017 : vector<256x512xi1>, vector<256x512xf32>
    %jit3A_2019 = arith.constant 0.000000e+00 : f32
    %broadcast_in_dim3A_2020 = vector.shape_cast %gt3A_16 : vector<1x512xi1> to vector<1x512xi1>
    %broadcast_in_dim3A_2021 = vector.broadcast %broadcast_in_dim3A_2020 : vector<1x512xi1> to vector<256x512xi1>
    %broadcast_in_dim3A_2022 = vector.broadcast %jit3A_2019 : f32 to vector<256x512xf32>
    %select_n3A_2023 = arith.select %broadcast_in_dim3A_2021, %dot_general3A_2006, %broadcast_in_dim3A_2022 : vector<256x512xi1>, vector<256x512xf32>
    %add3A_2024 = arith.addf %select_n3A_2018, %select_n3A_2023 : vector<256x512xf32>
    %jit3A_2025 = arith.constant 0.000000e+00 : f32
    %broadcast_in_dim3A_2026 = vector.shape_cast %gt3A_16 : vector<1x512xi1> to vector<1x512xi1>
    %broadcast_in_dim3A_2027 = vector.broadcast %broadcast_in_dim3A_2026 : vector<1x512xi1> to vector<256x512xi1>
    %broadcast_in_dim3A_2028 = vector.broadcast %jit3A_2025 : f32 to vector<256x512xf32>
    %select_n3A_2029 = arith.select %broadcast_in_dim3A_2027, %add3A_2024, %broadcast_in_dim3A_2028 : vector<256x512xi1>, vector<256x512xf32>
    %add3A_2030 = vector.broadcast %get3A_11 : vector<1x512xf32> to vector<256x512xf32>
    %add3A_2031 = arith.addf %select_n3A_2029, %add3A_2030 : vector<256x512xf32>
    %slice3A_2032 = vector.extract_strided_slice %add3A_2031 {offsets = [0, 0], sizes = [256, 128], strides = [1, 1]} : vector<256x512xf32> to vector<256x128xf32>
    %logistic3A_2033 = arith.negf %slice3A_2032 : vector<256x128xf32>
    %logistic3A_2034 = math.exp %logistic3A_2033 : vector<256x128xf32>
    %logistic3A_2035 = arith.constant 1.000000e+00 : f32
    %logistic3A_2036 = vector.broadcast %logistic3A_2035 : f32 to vector<256x128xf32>
    %logistic3A_2037 = arith.addf %logistic3A_2036, %logistic3A_2034 : vector<256x128xf32>
    %logistic3A_2038 = arith.divf %logistic3A_2036, %logistic3A_2037 : vector<256x128xf32>
    %slice3A_2039 = vector.extract_strided_slice %add3A_2031 {offsets = [0, 128], sizes = [256, 128], strides = [1, 1]} : vector<256x512xf32> to vector<256x128xf32>
    %logistic3A_2040 = arith.negf %slice3A_2039 : vector<256x128xf32>
    %logistic3A_2041 = math.exp %logistic3A_2040 : vector<256x128xf32>
    %logistic3A_2042 = arith.constant 1.000000e+00 : f32
    %logistic3A_2043 = vector.broadcast %logistic3A_2042 : f32 to vector<256x128xf32>
    %logistic3A_2044 = arith.addf %logistic3A_2043, %logistic3A_2041 : vector<256x128xf32>
    %logistic3A_2045 = arith.divf %logistic3A_2043, %logistic3A_2044 : vector<256x128xf32>
    %slice3A_2046 = vector.extract_strided_slice %add3A_2031 {offsets = [0, 256], sizes = [256, 128], strides = [1, 1]} : vector<256x512xf32> to vector<256x128xf32>
    %tanh3A_2047 = math.tanh %slice3A_2046 : vector<256x128xf32>
    %slice3A_2048 = vector.extract_strided_slice %add3A_2031 {offsets = [0, 384], sizes = [256, 128], strides = [1, 1]} : vector<256x512xf32> to vector<256x128xf32>
    %logistic3A_2049 = arith.negf %slice3A_2048 : vector<256x128xf32>
    %logistic3A_2050 = math.exp %logistic3A_2049 : vector<256x128xf32>
    %logistic3A_2051 = arith.constant 1.000000e+00 : f32
    %logistic3A_2052 = vector.broadcast %logistic3A_2051 : f32 to vector<256x128xf32>
    %logistic3A_2053 = arith.addf %logistic3A_2052, %logistic3A_2050 : vector<256x128xf32>
    %logistic3A_2054 = arith.divf %logistic3A_2052, %logistic3A_2053 : vector<256x128xf32>
    %mul3A_2055 = arith.mulf %logistic3A_2045, %add3A_1993 : vector<256x128xf32>
    %mul3A_2056 = arith.mulf %logistic3A_2038, %tanh3A_2047 : vector<256x128xf32>
    %add3A_2057 = arith.addf %mul3A_2055, %mul3A_2056 : vector<256x128xf32>
    %tanh3A_2058 = math.tanh %add3A_2057 : vector<256x128xf32>
    %mul3A_2059 = arith.mulf %logistic3A_2054, %tanh3A_2058 : vector<256x128xf32>
    %swap3A = arith.constant 0 : index
    %swap3A_2060 = arith.constant 0 : index
    %swap3A_2061 = vector.load %arg7[%swap3A, %swap3A_2060] : memref<256x128xf32, #tpu.memory_space<vmem>>, vector<256x128xf32>
    tpu.vector_store %arg7[%swap3A, %swap3A_2060], %mul3A_2059 {strides = array<i32>} : memref<256x128xf32, #tpu.memory_space<vmem>>, vector<256x128xf32>,
    return
  }
  func.func @transform_0(%arg0: i32) -> (i32, i32, i32) {
    %c0_i32 = arith.constant 0 : i32
    %c0_i32_0 = arith.constant 0 : i32
    %c0_i32_1 = arith.constant 0 : i32
    return %arg0, %c0_i32, %c0_i32_0 : i32, i32, i32
  }
  func.func @transform_1(%arg0: i32) -> (i32, i32) {
    %c0_i32 = arith.constant 0 : i32
    %c0_i32_0 = arith.constant 0 : i32
    %c0_i32_1 = arith.constant 0 : i32
    return %c0_i32, %c0_i32_0 : i32, i32
  }
  func.func @transform_2(%arg0: i32) -> (i32, i32) {
    %c0_i32 = arith.constant 0 : i32
    %c0_i32_0 = arith.constant 0 : i32
    %c0_i32_1 = arith.constant 0 : i32
    return %c0_i32, %c0_i32_0 : i32, i32
  }
  func.func @transform_3(%arg0: i32) -> (i32, i32) {
    %c0_i32 = arith.constant 0 : i32
    %c0_i32_0 = arith.constant 0 : i32
    %c0_i32_1 = arith.constant 0 : i32
    return %c0_i32, %c0_i32_0 : i32, i32
  }
  func.func @transform_4(%arg0: i32) -> (i32, i32) {
    %c0_i32 = arith.constant 0 : i32
    %c0_i32_0 = arith.constant 0 : i32
    %c0_i32_1 = arith.constant 0 : i32
    return %c0_i32, %c0_i32_0 : i32, i32
  }
  func.func @transform_5(%arg0: i32) -> (i32, i32) {
    %c0_i32 = arith.constant 0 : i32
    %c0_i32_0 = arith.constant 0 : i32
    %c0_i32_1 = arith.constant 0 : i32
    return %c0_i32, %c0_i32_0 : i32, i32
  }
  func.func @transform_6(%arg0: i32) -> (i32, i32) {
    %c0_i32 = arith.constant 0 : i32
    %c0_i32_0 = arith.constant 0 : i32
    return %arg0, %c0_i32 : i32, i32
  }
}

module attributes {stable_mosaic.version = 14 : i64} {
  func.func @_knn_body(%arg0: i32, %arg1: memref<256x128xf32, #tpu.memory_space<vmem>>, %arg2: memref<2048x128xf32, #tpu.memory_space<vmem>>, %arg3: memref<256x1xf32, #tpu.memory_space<vmem>>, %arg4: memref<1x2048xf32, #tpu.memory_space<vmem>>, %arg5: memref<256x16xi32, #tpu.memory_space<vmem>>, %arg6: memref<1x1x2048xf32, #tpu.memory_space<vmem>>) attributes {dimension_semantics = [#tpu.dimension_semantics<arbitrary>], iteration_bounds = array<i64: 8>, scalar_prefetch = 0 : i64, scratch_operands = 0 : i64, tpu.core_type = #tpu.core_type<tc>, window_params = [{transform_indices = @transform_0, window_bounds = array<i64: 256, 128>}, {pipeline_mode = #tpu.pipeline_mode<synchronous>, transform_indices = @transform_1, window_bounds = array<i64: 2048, 128>}, {transform_indices = @transform_2, window_bounds = array<i64: 256, 1>}, {pipeline_mode = #tpu.pipeline_mode<synchronous>, transform_indices = @transform_3, window_bounds = array<i64: 1, 2048>}, {transform_indices = @transform_4, window_bounds = array<i64: 256, 16>}, {transform_indices = @transform_5, window_bounds = array<i64: 1, 1, 2048>}]} {
    %get3A = arith.constant 0 : index
    %get3A_0 = arith.constant 0 : index
    %get3A_1 = vector.load %arg1[%get3A, %get3A_0] : memref<256x128xf32, #tpu.memory_space<vmem>>, vector<256x128xf32>
    %get3A_2 = arith.constant 0 : index
    %get3A_3 = arith.constant 0 : index
    %get3A_4 = vector.load %arg2[%get3A_2, %get3A_3] : memref<2048x128xf32, #tpu.memory_space<vmem>>, vector<2048x128xf32>
    %get3A_5 = arith.constant 0 : index
    %get3A_6 = arith.constant 0 : index
    %get3A_7 = vector.load %arg3[%get3A_5, %get3A_6] : memref<256x1xf32, #tpu.memory_space<vmem>>, vector<256x1xf32>
    %get3A_8 = arith.constant 0 : index
    %get3A_9 = arith.constant 0 : index
    %get3A_10 = vector.load %arg4[%get3A_8, %get3A_9] : memref<1x2048xf32, #tpu.memory_space<vmem>>, vector<1x2048xf32>
    %convert_element_type3A = arith.truncf %get3A_1 : vector<256x128xf32> to vector<256x128xbf16>
    %convert_element_type3A_11 = arith.truncf %get3A_4 : vector<2048x128xf32> to vector<2048x128xbf16>
    %dot_general3A = arith.constant dense<0.000000e+00> : vector<256x2048xf32>
    %dot_general3A_12 = tpu.matmul %convert_element_type3A, %convert_element_type3A_11, %dot_general3A {dimension_numbers = #tpu.dot_dimension_numbers<[1], [1], [0], [0], [0, 0, 1, 0], [], []>, transpose_lhs_hint = false} : vector<256x128xbf16>, vector<2048x128xbf16>, vector<256x2048xf32> -> vector<256x2048xf32>
    %add3A = vector.broadcast %get3A_7 : vector<256x1xf32> to vector<256x2048xf32>
    %add3A_13 = vector.broadcast %get3A_10 : vector<1x2048xf32> to vector<256x2048xf32>
    %add3A_14 = arith.addf %add3A, %add3A_13 : vector<256x2048xf32>
    %mul3A = arith.constant 2.000000e+00 : f32
    %mul3A_15 = vector.broadcast %mul3A : f32 to vector<256x2048xf32>
    %mul3A_16 = arith.mulf %mul3A_15, %dot_general3A_12 : vector<256x2048xf32>
    %sub3A = arith.subf %add3A_14, %mul3A_16 : vector<256x2048xf32>
    %mul3A_17 = arith.constant 256 : i32
    %mul3A_18 = arith.muli %arg0, %mul3A_17 : i32
    %iota3A = tpu.iota {dimensions = array<i32: 0>} : vector<256x2048xi32>
    %add3A_19 = vector.broadcast %mul3A_18 : i32 to vector<256x2048xi32>
    %add3A_20 = arith.addi %add3A_19, %iota3A : vector<256x2048xi32>
    %iota3A_21 = tpu.iota {dimensions = array<i32: 1>} : vector<256x2048xi32>
    %eq3A = arith.cmpi eq, %add3A_20, %iota3A_21 : vector<256x2048xi32>
    %jit3A = arith.constant 9.99999995E+11 : f32
    %jit3A_22 = arith.constant 0.000000e+00 : f32
    %broadcast_in_dim3A = vector.broadcast %jit3A : f32 to vector<256x2048xf32>
    %broadcast_in_dim3A_23 = vector.broadcast %jit3A_22 : f32 to vector<256x2048xf32>
    %select_n3A = arith.select %eq3A, %broadcast_in_dim3A, %broadcast_in_dim3A_23 : vector<256x2048xi1>, vector<256x2048xf32>
    %add3A_24 = arith.addf %sub3A, %select_n3A : vector<256x2048xf32>
    %broadcast_in_dim3A_25 = arith.constant 0.000000e+00 : f32
    %broadcast_in_dim3A_26 = vector.broadcast %broadcast_in_dim3A_25 : f32 to vector<256x2048xf32>
    %reduce_min3A = arith.constant dense<0x7F800000> : vector<256xf32>
    %reduce_min3A_27 = vector.multi_reduction <minimumf>, %add3A_24, %reduce_min3A [1] : vector<256x2048xf32> to vector<256xf32>
    %broadcast_in_dim3A_28 = vector.shape_cast %reduce_min3A_27 : vector<256xf32> to vector<256x1xf32>
    %eq3A_29 = vector.broadcast %broadcast_in_dim3A_28 : vector<256x1xf32> to vector<256x2048xf32>
    %eq3A_30 = arith.cmpf oeq, %add3A_24, %eq3A_29 : vector<256x2048xf32>
    %jit3A_31 = arith.constant 2048 : i32
    %broadcast_in_dim3A_32 = vector.broadcast %jit3A_31 : i32 to vector<256x2048xi32>
    %select_n3A_33 = arith.select %eq3A_30, %iota3A_21, %broadcast_in_dim3A_32 : vector<256x2048xi1>, vector<256x2048xi32>
    %reduce_min3A_34 = arith.constant dense<2147483647> : vector<256xi32>
    %reduce_min3A_35 = vector.multi_reduction <minsi>, %select_n3A_33, %reduce_min3A_34 [1] : vector<256x2048xi32> to vector<256xi32>
    %broadcast_in_dim3A_36 = vector.shape_cast %reduce_min3A_35 : vector<256xi32> to vector<256x1xi32>
    %eq3A_37 = vector.broadcast %broadcast_in_dim3A_36 : vector<256x1xi32> to vector<256x2048xi32>
    %eq3A_38 = arith.cmpi eq, %iota3A_21, %eq3A_37 : vector<256x2048xi32>
    %jit3A_39 = arith.constant 1.000000e+00 : f32
    %jit3A_40 = arith.constant 0.000000e+00 : f32
    %broadcast_in_dim3A_41 = vector.broadcast %jit3A_39 : f32 to vector<256x2048xf32>
    %broadcast_in_dim3A_42 = vector.broadcast %jit3A_40 : f32 to vector<256x2048xf32>
    %select_n3A_43 = arith.select %eq3A_38, %broadcast_in_dim3A_41, %broadcast_in_dim3A_42 : vector<256x2048xi1>, vector<256x2048xf32>
    %add3A_44 = arith.addf %broadcast_in_dim3A_26, %select_n3A_43 : vector<256x2048xf32>
    %jit3A_45 = arith.constant 1.000000e+30 : f32
    %broadcast_in_dim3A_46 = vector.broadcast %jit3A_45 : f32 to vector<256x2048xf32>
    %select_n3A_47 = arith.select %eq3A_38, %broadcast_in_dim3A_46, %add3A_24 : vector<256x2048xi1>, vector<256x2048xf32>
    %reduce_min3A_48 = arith.constant dense<0x7F800000> : vector<256xf32>
    %reduce_min3A_49 = vector.multi_reduction <minimumf>, %select_n3A_47, %reduce_min3A_48 [1] : vector<256x2048xf32> to vector<256xf32>
    %broadcast_in_dim3A_50 = vector.shape_cast %reduce_min3A_49 : vector<256xf32> to vector<256x1xf32>
    %eq3A_51 = vector.broadcast %broadcast_in_dim3A_50 : vector<256x1xf32> to vector<256x2048xf32>
    %eq3A_52 = arith.cmpf oeq, %select_n3A_47, %eq3A_51 : vector<256x2048xf32>
    %jit3A_53 = arith.constant 2048 : i32
    %broadcast_in_dim3A_54 = vector.broadcast %jit3A_53 : i32 to vector<256x2048xi32>
    %select_n3A_55 = arith.select %eq3A_52, %iota3A_21, %broadcast_in_dim3A_54 : vector<256x2048xi1>, vector<256x2048xi32>
    %reduce_min3A_56 = arith.constant dense<2147483647> : vector<256xi32>
    %reduce_min3A_57 = vector.multi_reduction <minsi>, %select_n3A_55, %reduce_min3A_56 [1] : vector<256x2048xi32> to vector<256xi32>
    %broadcast_in_dim3A_58 = vector.shape_cast %reduce_min3A_57 : vector<256xi32> to vector<256x1xi32>
    %eq3A_59 = vector.broadcast %broadcast_in_dim3A_58 : vector<256x1xi32> to vector<256x2048xi32>
    %eq3A_60 = arith.cmpi eq, %iota3A_21, %eq3A_59 : vector<256x2048xi32>
    %jit3A_61 = arith.constant 1.000000e+00 : f32
    %jit3A_62 = arith.constant 0.000000e+00 : f32
    %broadcast_in_dim3A_63 = vector.broadcast %jit3A_61 : f32 to vector<256x2048xf32>
    %broadcast_in_dim3A_64 = vector.broadcast %jit3A_62 : f32 to vector<256x2048xf32>
    %select_n3A_65 = arith.select %eq3A_60, %broadcast_in_dim3A_63, %broadcast_in_dim3A_64 : vector<256x2048xi1>, vector<256x2048xf32>
    %add3A_66 = arith.addf %add3A_44, %select_n3A_65 : vector<256x2048xf32>
    %jit3A_67 = arith.constant 1.000000e+30 : f32
    %broadcast_in_dim3A_68 = vector.broadcast %jit3A_67 : f32 to vector<256x2048xf32>
    %select_n3A_69 = arith.select %eq3A_60, %broadcast_in_dim3A_68, %select_n3A_47 : vector<256x2048xi1>, vector<256x2048xf32>
    %reduce_min3A_70 = arith.constant dense<0x7F800000> : vector<256xf32>
    %reduce_min3A_71 = vector.multi_reduction <minimumf>, %select_n3A_69, %reduce_min3A_70 [1] : vector<256x2048xf32> to vector<256xf32>
    %broadcast_in_dim3A_72 = vector.shape_cast %reduce_min3A_71 : vector<256xf32> to vector<256x1xf32>
    %eq3A_73 = vector.broadcast %broadcast_in_dim3A_72 : vector<256x1xf32> to vector<256x2048xf32>
    %eq3A_74 = arith.cmpf oeq, %select_n3A_69, %eq3A_73 : vector<256x2048xf32>
    %jit3A_75 = arith.constant 2048 : i32
    %broadcast_in_dim3A_76 = vector.broadcast %jit3A_75 : i32 to vector<256x2048xi32>
    %select_n3A_77 = arith.select %eq3A_74, %iota3A_21, %broadcast_in_dim3A_76 : vector<256x2048xi1>, vector<256x2048xi32>
    %reduce_min3A_78 = arith.constant dense<2147483647> : vector<256xi32>
    %reduce_min3A_79 = vector.multi_reduction <minsi>, %select_n3A_77, %reduce_min3A_78 [1] : vector<256x2048xi32> to vector<256xi32>
    %broadcast_in_dim3A_80 = vector.shape_cast %reduce_min3A_79 : vector<256xi32> to vector<256x1xi32>
    %eq3A_81 = vector.broadcast %broadcast_in_dim3A_80 : vector<256x1xi32> to vector<256x2048xi32>
    %eq3A_82 = arith.cmpi eq, %iota3A_21, %eq3A_81 : vector<256x2048xi32>
    %jit3A_83 = arith.constant 1.000000e+00 : f32
    %jit3A_84 = arith.constant 0.000000e+00 : f32
    %broadcast_in_dim3A_85 = vector.broadcast %jit3A_83 : f32 to vector<256x2048xf32>
    %broadcast_in_dim3A_86 = vector.broadcast %jit3A_84 : f32 to vector<256x2048xf32>
    %select_n3A_87 = arith.select %eq3A_82, %broadcast_in_dim3A_85, %broadcast_in_dim3A_86 : vector<256x2048xi1>, vector<256x2048xf32>
    %add3A_88 = arith.addf %add3A_66, %select_n3A_87 : vector<256x2048xf32>
    %jit3A_89 = arith.constant 1.000000e+30 : f32
    %broadcast_in_dim3A_90 = vector.broadcast %jit3A_89 : f32 to vector<256x2048xf32>
    %select_n3A_91 = arith.select %eq3A_82, %broadcast_in_dim3A_90, %select_n3A_69 : vector<256x2048xi1>, vector<256x2048xf32>
    %reduce_min3A_92 = arith.constant dense<0x7F800000> : vector<256xf32>
    %reduce_min3A_93 = vector.multi_reduction <minimumf>, %select_n3A_91, %reduce_min3A_92 [1] : vector<256x2048xf32> to vector<256xf32>
    %broadcast_in_dim3A_94 = vector.shape_cast %reduce_min3A_93 : vector<256xf32> to vector<256x1xf32>
    %eq3A_95 = vector.broadcast %broadcast_in_dim3A_94 : vector<256x1xf32> to vector<256x2048xf32>
    %eq3A_96 = arith.cmpf oeq, %select_n3A_91, %eq3A_95 : vector<256x2048xf32>
    %jit3A_97 = arith.constant 2048 : i32
    %broadcast_in_dim3A_98 = vector.broadcast %jit3A_97 : i32 to vector<256x2048xi32>
    %select_n3A_99 = arith.select %eq3A_96, %iota3A_21, %broadcast_in_dim3A_98 : vector<256x2048xi1>, vector<256x2048xi32>
    %reduce_min3A_100 = arith.constant dense<2147483647> : vector<256xi32>
    %reduce_min3A_101 = vector.multi_reduction <minsi>, %select_n3A_99, %reduce_min3A_100 [1] : vector<256x2048xi32> to vector<256xi32>
    %broadcast_in_dim3A_102 = vector.shape_cast %reduce_min3A_101 : vector<256xi32> to vector<256x1xi32>
    %eq3A_103 = vector.broadcast %broadcast_in_dim3A_102 : vector<256x1xi32> to vector<256x2048xi32>
    %eq3A_104 = arith.cmpi eq, %iota3A_21, %eq3A_103 : vector<256x2048xi32>
    %jit3A_105 = arith.constant 1.000000e+00 : f32
    %jit3A_106 = arith.constant 0.000000e+00 : f32
    %broadcast_in_dim3A_107 = vector.broadcast %jit3A_105 : f32 to vector<256x2048xf32>
    %broadcast_in_dim3A_108 = vector.broadcast %jit3A_106 : f32 to vector<256x2048xf32>
    %select_n3A_109 = arith.select %eq3A_104, %broadcast_in_dim3A_107, %broadcast_in_dim3A_108 : vector<256x2048xi1>, vector<256x2048xf32>
    %add3A_110 = arith.addf %add3A_88, %select_n3A_109 : vector<256x2048xf32>
    %jit3A_111 = arith.constant 1.000000e+30 : f32
    %broadcast_in_dim3A_112 = vector.broadcast %jit3A_111 : f32 to vector<256x2048xf32>
    %select_n3A_113 = arith.select %eq3A_104, %broadcast_in_dim3A_112, %select_n3A_91 : vector<256x2048xi1>, vector<256x2048xf32>
    %reduce_min3A_114 = arith.constant dense<0x7F800000> : vector<256xf32>
    %reduce_min3A_115 = vector.multi_reduction <minimumf>, %select_n3A_113, %reduce_min3A_114 [1] : vector<256x2048xf32> to vector<256xf32>
    %broadcast_in_dim3A_116 = vector.shape_cast %reduce_min3A_115 : vector<256xf32> to vector<256x1xf32>
    %eq3A_117 = vector.broadcast %broadcast_in_dim3A_116 : vector<256x1xf32> to vector<256x2048xf32>
    %eq3A_118 = arith.cmpf oeq, %select_n3A_113, %eq3A_117 : vector<256x2048xf32>
    %jit3A_119 = arith.constant 2048 : i32
    %broadcast_in_dim3A_120 = vector.broadcast %jit3A_119 : i32 to vector<256x2048xi32>
    %select_n3A_121 = arith.select %eq3A_118, %iota3A_21, %broadcast_in_dim3A_120 : vector<256x2048xi1>, vector<256x2048xi32>
    %reduce_min3A_122 = arith.constant dense<2147483647> : vector<256xi32>
    %reduce_min3A_123 = vector.multi_reduction <minsi>, %select_n3A_121, %reduce_min3A_122 [1] : vector<256x2048xi32> to vector<256xi32>
    %broadcast_in_dim3A_124 = vector.shape_cast %reduce_min3A_123 : vector<256xi32> to vector<256x1xi32>
    %eq3A_125 = vector.broadcast %broadcast_in_dim3A_124 : vector<256x1xi32> to vector<256x2048xi32>
    %eq3A_126 = arith.cmpi eq, %iota3A_21, %eq3A_125 : vector<256x2048xi32>
    %jit3A_127 = arith.constant 1.000000e+00 : f32
    %jit3A_128 = arith.constant 0.000000e+00 : f32
    %broadcast_in_dim3A_129 = vector.broadcast %jit3A_127 : f32 to vector<256x2048xf32>
    %broadcast_in_dim3A_130 = vector.broadcast %jit3A_128 : f32 to vector<256x2048xf32>
    %select_n3A_131 = arith.select %eq3A_126, %broadcast_in_dim3A_129, %broadcast_in_dim3A_130 : vector<256x2048xi1>, vector<256x2048xf32>
    %add3A_132 = arith.addf %add3A_110, %select_n3A_131 : vector<256x2048xf32>
    %jit3A_133 = arith.constant 1.000000e+30 : f32
    %broadcast_in_dim3A_134 = vector.broadcast %jit3A_133 : f32 to vector<256x2048xf32>
    %select_n3A_135 = arith.select %eq3A_126, %broadcast_in_dim3A_134, %select_n3A_113 : vector<256x2048xi1>, vector<256x2048xf32>
    %reduce_min3A_136 = arith.constant dense<0x7F800000> : vector<256xf32>
    %reduce_min3A_137 = vector.multi_reduction <minimumf>, %select_n3A_135, %reduce_min3A_136 [1] : vector<256x2048xf32> to vector<256xf32>
    %broadcast_in_dim3A_138 = vector.shape_cast %reduce_min3A_137 : vector<256xf32> to vector<256x1xf32>
    %eq3A_139 = vector.broadcast %broadcast_in_dim3A_138 : vector<256x1xf32> to vector<256x2048xf32>
    %eq3A_140 = arith.cmpf oeq, %select_n3A_135, %eq3A_139 : vector<256x2048xf32>
    %jit3A_141 = arith.constant 2048 : i32
    %broadcast_in_dim3A_142 = vector.broadcast %jit3A_141 : i32 to vector<256x2048xi32>
    %select_n3A_143 = arith.select %eq3A_140, %iota3A_21, %broadcast_in_dim3A_142 : vector<256x2048xi1>, vector<256x2048xi32>
    %reduce_min3A_144 = arith.constant dense<2147483647> : vector<256xi32>
    %reduce_min3A_145 = vector.multi_reduction <minsi>, %select_n3A_143, %reduce_min3A_144 [1] : vector<256x2048xi32> to vector<256xi32>
    %broadcast_in_dim3A_146 = vector.shape_cast %reduce_min3A_145 : vector<256xi32> to vector<256x1xi32>
    %eq3A_147 = vector.broadcast %broadcast_in_dim3A_146 : vector<256x1xi32> to vector<256x2048xi32>
    %eq3A_148 = arith.cmpi eq, %iota3A_21, %eq3A_147 : vector<256x2048xi32>
    %jit3A_149 = arith.constant 1.000000e+00 : f32
    %jit3A_150 = arith.constant 0.000000e+00 : f32
    %broadcast_in_dim3A_151 = vector.broadcast %jit3A_149 : f32 to vector<256x2048xf32>
    %broadcast_in_dim3A_152 = vector.broadcast %jit3A_150 : f32 to vector<256x2048xf32>
    %select_n3A_153 = arith.select %eq3A_148, %broadcast_in_dim3A_151, %broadcast_in_dim3A_152 : vector<256x2048xi1>, vector<256x2048xf32>
    %add3A_154 = arith.addf %add3A_132, %select_n3A_153 : vector<256x2048xf32>
    %jit3A_155 = arith.constant 1.000000e+30 : f32
    %broadcast_in_dim3A_156 = vector.broadcast %jit3A_155 : f32 to vector<256x2048xf32>
    %select_n3A_157 = arith.select %eq3A_148, %broadcast_in_dim3A_156, %select_n3A_135 : vector<256x2048xi1>, vector<256x2048xf32>
    %reduce_min3A_158 = arith.constant dense<0x7F800000> : vector<256xf32>
    %reduce_min3A_159 = vector.multi_reduction <minimumf>, %select_n3A_157, %reduce_min3A_158 [1] : vector<256x2048xf32> to vector<256xf32>
    %broadcast_in_dim3A_160 = vector.shape_cast %reduce_min3A_159 : vector<256xf32> to vector<256x1xf32>
    %eq3A_161 = vector.broadcast %broadcast_in_dim3A_160 : vector<256x1xf32> to vector<256x2048xf32>
    %eq3A_162 = arith.cmpf oeq, %select_n3A_157, %eq3A_161 : vector<256x2048xf32>
    %jit3A_163 = arith.constant 2048 : i32
    %broadcast_in_dim3A_164 = vector.broadcast %jit3A_163 : i32 to vector<256x2048xi32>
    %select_n3A_165 = arith.select %eq3A_162, %iota3A_21, %broadcast_in_dim3A_164 : vector<256x2048xi1>, vector<256x2048xi32>
    %reduce_min3A_166 = arith.constant dense<2147483647> : vector<256xi32>
    %reduce_min3A_167 = vector.multi_reduction <minsi>, %select_n3A_165, %reduce_min3A_166 [1] : vector<256x2048xi32> to vector<256xi32>
    %broadcast_in_dim3A_168 = vector.shape_cast %reduce_min3A_167 : vector<256xi32> to vector<256x1xi32>
    %eq3A_169 = vector.broadcast %broadcast_in_dim3A_168 : vector<256x1xi32> to vector<256x2048xi32>
    %eq3A_170 = arith.cmpi eq, %iota3A_21, %eq3A_169 : vector<256x2048xi32>
    %jit3A_171 = arith.constant 1.000000e+00 : f32
    %jit3A_172 = arith.constant 0.000000e+00 : f32
    %broadcast_in_dim3A_173 = vector.broadcast %jit3A_171 : f32 to vector<256x2048xf32>
    %broadcast_in_dim3A_174 = vector.broadcast %jit3A_172 : f32 to vector<256x2048xf32>
    %select_n3A_175 = arith.select %eq3A_170, %broadcast_in_dim3A_173, %broadcast_in_dim3A_174 : vector<256x2048xi1>, vector<256x2048xf32>
    %add3A_176 = arith.addf %add3A_154, %select_n3A_175 : vector<256x2048xf32>
    %jit3A_177 = arith.constant 1.000000e+30 : f32
    %broadcast_in_dim3A_178 = vector.broadcast %jit3A_177 : f32 to vector<256x2048xf32>
    %select_n3A_179 = arith.select %eq3A_170, %broadcast_in_dim3A_178, %select_n3A_157 : vector<256x2048xi1>, vector<256x2048xf32>
    %reduce_min3A_180 = arith.constant dense<0x7F800000> : vector<256xf32>
    %reduce_min3A_181 = vector.multi_reduction <minimumf>, %select_n3A_179, %reduce_min3A_180 [1] : vector<256x2048xf32> to vector<256xf32>
    %broadcast_in_dim3A_182 = vector.shape_cast %reduce_min3A_181 : vector<256xf32> to vector<256x1xf32>
    %eq3A_183 = vector.broadcast %broadcast_in_dim3A_182 : vector<256x1xf32> to vector<256x2048xf32>
    %eq3A_184 = arith.cmpf oeq, %select_n3A_179, %eq3A_183 : vector<256x2048xf32>
    %jit3A_185 = arith.constant 2048 : i32
    %broadcast_in_dim3A_186 = vector.broadcast %jit3A_185 : i32 to vector<256x2048xi32>
    %select_n3A_187 = arith.select %eq3A_184, %iota3A_21, %broadcast_in_dim3A_186 : vector<256x2048xi1>, vector<256x2048xi32>
    %reduce_min3A_188 = arith.constant dense<2147483647> : vector<256xi32>
    %reduce_min3A_189 = vector.multi_reduction <minsi>, %select_n3A_187, %reduce_min3A_188 [1] : vector<256x2048xi32> to vector<256xi32>
    %broadcast_in_dim3A_190 = vector.shape_cast %reduce_min3A_189 : vector<256xi32> to vector<256x1xi32>
    %eq3A_191 = vector.broadcast %broadcast_in_dim3A_190 : vector<256x1xi32> to vector<256x2048xi32>
    %eq3A_192 = arith.cmpi eq, %iota3A_21, %eq3A_191 : vector<256x2048xi32>
    %jit3A_193 = arith.constant 1.000000e+00 : f32
    %jit3A_194 = arith.constant 0.000000e+00 : f32
    %broadcast_in_dim3A_195 = vector.broadcast %jit3A_193 : f32 to vector<256x2048xf32>
    %broadcast_in_dim3A_196 = vector.broadcast %jit3A_194 : f32 to vector<256x2048xf32>
    %select_n3A_197 = arith.select %eq3A_192, %broadcast_in_dim3A_195, %broadcast_in_dim3A_196 : vector<256x2048xi1>, vector<256x2048xf32>
    %add3A_198 = arith.addf %add3A_176, %select_n3A_197 : vector<256x2048xf32>
    %jit3A_199 = arith.constant 1.000000e+30 : f32
    %broadcast_in_dim3A_200 = vector.broadcast %jit3A_199 : f32 to vector<256x2048xf32>
    %select_n3A_201 = arith.select %eq3A_192, %broadcast_in_dim3A_200, %select_n3A_179 : vector<256x2048xi1>, vector<256x2048xf32>
    %reduce_min3A_202 = arith.constant dense<0x7F800000> : vector<256xf32>
    %reduce_min3A_203 = vector.multi_reduction <minimumf>, %select_n3A_201, %reduce_min3A_202 [1] : vector<256x2048xf32> to vector<256xf32>
    %broadcast_in_dim3A_204 = vector.shape_cast %reduce_min3A_203 : vector<256xf32> to vector<256x1xf32>
    %eq3A_205 = vector.broadcast %broadcast_in_dim3A_204 : vector<256x1xf32> to vector<256x2048xf32>
    %eq3A_206 = arith.cmpf oeq, %select_n3A_201, %eq3A_205 : vector<256x2048xf32>
    %jit3A_207 = arith.constant 2048 : i32
    %broadcast_in_dim3A_208 = vector.broadcast %jit3A_207 : i32 to vector<256x2048xi32>
    %select_n3A_209 = arith.select %eq3A_206, %iota3A_21, %broadcast_in_dim3A_208 : vector<256x2048xi1>, vector<256x2048xi32>
    %reduce_min3A_210 = arith.constant dense<2147483647> : vector<256xi32>
    %reduce_min3A_211 = vector.multi_reduction <minsi>, %select_n3A_209, %reduce_min3A_210 [1] : vector<256x2048xi32> to vector<256xi32>
    %broadcast_in_dim3A_212 = vector.shape_cast %reduce_min3A_211 : vector<256xi32> to vector<256x1xi32>
    %eq3A_213 = vector.broadcast %broadcast_in_dim3A_212 : vector<256x1xi32> to vector<256x2048xi32>
    %eq3A_214 = arith.cmpi eq, %iota3A_21, %eq3A_213 : vector<256x2048xi32>
    %jit3A_215 = arith.constant 1.000000e+00 : f32
    %jit3A_216 = arith.constant 0.000000e+00 : f32
    %broadcast_in_dim3A_217 = vector.broadcast %jit3A_215 : f32 to vector<256x2048xf32>
    %broadcast_in_dim3A_218 = vector.broadcast %jit3A_216 : f32 to vector<256x2048xf32>
    %select_n3A_219 = arith.select %eq3A_214, %broadcast_in_dim3A_217, %broadcast_in_dim3A_218 : vector<256x2048xi1>, vector<256x2048xf32>
    %add3A_220 = arith.addf %add3A_198, %select_n3A_219 : vector<256x2048xf32>
    %jit3A_221 = arith.constant 1.000000e+30 : f32
    %broadcast_in_dim3A_222 = vector.broadcast %jit3A_221 : f32 to vector<256x2048xf32>
    %select_n3A_223 = arith.select %eq3A_214, %broadcast_in_dim3A_222, %select_n3A_201 : vector<256x2048xi1>, vector<256x2048xf32>
    %reduce_min3A_224 = arith.constant dense<0x7F800000> : vector<256xf32>
    %reduce_min3A_225 = vector.multi_reduction <minimumf>, %select_n3A_223, %reduce_min3A_224 [1] : vector<256x2048xf32> to vector<256xf32>
    %broadcast_in_dim3A_226 = vector.shape_cast %reduce_min3A_225 : vector<256xf32> to vector<256x1xf32>
    %eq3A_227 = vector.broadcast %broadcast_in_dim3A_226 : vector<256x1xf32> to vector<256x2048xf32>
    %eq3A_228 = arith.cmpf oeq, %select_n3A_223, %eq3A_227 : vector<256x2048xf32>
    %jit3A_229 = arith.constant 2048 : i32
    %broadcast_in_dim3A_230 = vector.broadcast %jit3A_229 : i32 to vector<256x2048xi32>
    %select_n3A_231 = arith.select %eq3A_228, %iota3A_21, %broadcast_in_dim3A_230 : vector<256x2048xi1>, vector<256x2048xi32>
    %reduce_min3A_232 = arith.constant dense<2147483647> : vector<256xi32>
    %reduce_min3A_233 = vector.multi_reduction <minsi>, %select_n3A_231, %reduce_min3A_232 [1] : vector<256x2048xi32> to vector<256xi32>
    %broadcast_in_dim3A_234 = vector.shape_cast %reduce_min3A_233 : vector<256xi32> to vector<256x1xi32>
    %eq3A_235 = vector.broadcast %broadcast_in_dim3A_234 : vector<256x1xi32> to vector<256x2048xi32>
    %eq3A_236 = arith.cmpi eq, %iota3A_21, %eq3A_235 : vector<256x2048xi32>
    %jit3A_237 = arith.constant 1.000000e+00 : f32
    %jit3A_238 = arith.constant 0.000000e+00 : f32
    %broadcast_in_dim3A_239 = vector.broadcast %jit3A_237 : f32 to vector<256x2048xf32>
    %broadcast_in_dim3A_240 = vector.broadcast %jit3A_238 : f32 to vector<256x2048xf32>
    %select_n3A_241 = arith.select %eq3A_236, %broadcast_in_dim3A_239, %broadcast_in_dim3A_240 : vector<256x2048xi1>, vector<256x2048xf32>
    %add3A_242 = arith.addf %add3A_220, %select_n3A_241 : vector<256x2048xf32>
    %jit3A_243 = arith.constant 1.000000e+30 : f32
    %broadcast_in_dim3A_244 = vector.broadcast %jit3A_243 : f32 to vector<256x2048xf32>
    %select_n3A_245 = arith.select %eq3A_236, %broadcast_in_dim3A_244, %select_n3A_223 : vector<256x2048xi1>, vector<256x2048xf32>
    %reduce_min3A_246 = arith.constant dense<0x7F800000> : vector<256xf32>
    %reduce_min3A_247 = vector.multi_reduction <minimumf>, %select_n3A_245, %reduce_min3A_246 [1] : vector<256x2048xf32> to vector<256xf32>
    %broadcast_in_dim3A_248 = vector.shape_cast %reduce_min3A_247 : vector<256xf32> to vector<256x1xf32>
    %eq3A_249 = vector.broadcast %broadcast_in_dim3A_248 : vector<256x1xf32> to vector<256x2048xf32>
    %eq3A_250 = arith.cmpf oeq, %select_n3A_245, %eq3A_249 : vector<256x2048xf32>
    %jit3A_251 = arith.constant 2048 : i32
    %broadcast_in_dim3A_252 = vector.broadcast %jit3A_251 : i32 to vector<256x2048xi32>
    %select_n3A_253 = arith.select %eq3A_250, %iota3A_21, %broadcast_in_dim3A_252 : vector<256x2048xi1>, vector<256x2048xi32>
    %reduce_min3A_254 = arith.constant dense<2147483647> : vector<256xi32>
    %reduce_min3A_255 = vector.multi_reduction <minsi>, %select_n3A_253, %reduce_min3A_254 [1] : vector<256x2048xi32> to vector<256xi32>
    %broadcast_in_dim3A_256 = vector.shape_cast %reduce_min3A_255 : vector<256xi32> to vector<256x1xi32>
    %eq3A_257 = vector.broadcast %broadcast_in_dim3A_256 : vector<256x1xi32> to vector<256x2048xi32>
    %eq3A_258 = arith.cmpi eq, %iota3A_21, %eq3A_257 : vector<256x2048xi32>
    %jit3A_259 = arith.constant 1.000000e+00 : f32
    %jit3A_260 = arith.constant 0.000000e+00 : f32
    %broadcast_in_dim3A_261 = vector.broadcast %jit3A_259 : f32 to vector<256x2048xf32>
    %broadcast_in_dim3A_262 = vector.broadcast %jit3A_260 : f32 to vector<256x2048xf32>
    %select_n3A_263 = arith.select %eq3A_258, %broadcast_in_dim3A_261, %broadcast_in_dim3A_262 : vector<256x2048xi1>, vector<256x2048xf32>
    %add3A_264 = arith.addf %add3A_242, %select_n3A_263 : vector<256x2048xf32>
    %jit3A_265 = arith.constant 1.000000e+30 : f32
    %broadcast_in_dim3A_266 = vector.broadcast %jit3A_265 : f32 to vector<256x2048xf32>
    %select_n3A_267 = arith.select %eq3A_258, %broadcast_in_dim3A_266, %select_n3A_245 : vector<256x2048xi1>, vector<256x2048xf32>
    %reduce_min3A_268 = arith.constant dense<0x7F800000> : vector<256xf32>
    %reduce_min3A_269 = vector.multi_reduction <minimumf>, %select_n3A_267, %reduce_min3A_268 [1] : vector<256x2048xf32> to vector<256xf32>
    %broadcast_in_dim3A_270 = vector.shape_cast %reduce_min3A_269 : vector<256xf32> to vector<256x1xf32>
    %eq3A_271 = vector.broadcast %broadcast_in_dim3A_270 : vector<256x1xf32> to vector<256x2048xf32>
    %eq3A_272 = arith.cmpf oeq, %select_n3A_267, %eq3A_271 : vector<256x2048xf32>
    %jit3A_273 = arith.constant 2048 : i32
    %broadcast_in_dim3A_274 = vector.broadcast %jit3A_273 : i32 to vector<256x2048xi32>
    %select_n3A_275 = arith.select %eq3A_272, %iota3A_21, %broadcast_in_dim3A_274 : vector<256x2048xi1>, vector<256x2048xi32>
    %reduce_min3A_276 = arith.constant dense<2147483647> : vector<256xi32>
    %reduce_min3A_277 = vector.multi_reduction <minsi>, %select_n3A_275, %reduce_min3A_276 [1] : vector<256x2048xi32> to vector<256xi32>
    %broadcast_in_dim3A_278 = vector.shape_cast %reduce_min3A_277 : vector<256xi32> to vector<256x1xi32>
    %eq3A_279 = vector.broadcast %broadcast_in_dim3A_278 : vector<256x1xi32> to vector<256x2048xi32>
    %eq3A_280 = arith.cmpi eq, %iota3A_21, %eq3A_279 : vector<256x2048xi32>
    %jit3A_281 = arith.constant 1.000000e+00 : f32
    %jit3A_282 = arith.constant 0.000000e+00 : f32
    %broadcast_in_dim3A_283 = vector.broadcast %jit3A_281 : f32 to vector<256x2048xf32>
    %broadcast_in_dim3A_284 = vector.broadcast %jit3A_282 : f32 to vector<256x2048xf32>
    %select_n3A_285 = arith.select %eq3A_280, %broadcast_in_dim3A_283, %broadcast_in_dim3A_284 : vector<256x2048xi1>, vector<256x2048xf32>
    %add3A_286 = arith.addf %add3A_264, %select_n3A_285 : vector<256x2048xf32>
    %jit3A_287 = arith.constant 1.000000e+30 : f32
    %broadcast_in_dim3A_288 = vector.broadcast %jit3A_287 : f32 to vector<256x2048xf32>
    %select_n3A_289 = arith.select %eq3A_280, %broadcast_in_dim3A_288, %select_n3A_267 : vector<256x2048xi1>, vector<256x2048xf32>
    %reduce_min3A_290 = arith.constant dense<0x7F800000> : vector<256xf32>
    %reduce_min3A_291 = vector.multi_reduction <minimumf>, %select_n3A_289, %reduce_min3A_290 [1] : vector<256x2048xf32> to vector<256xf32>
    %broadcast_in_dim3A_292 = vector.shape_cast %reduce_min3A_291 : vector<256xf32> to vector<256x1xf32>
    %eq3A_293 = vector.broadcast %broadcast_in_dim3A_292 : vector<256x1xf32> to vector<256x2048xf32>
    %eq3A_294 = arith.cmpf oeq, %select_n3A_289, %eq3A_293 : vector<256x2048xf32>
    %jit3A_295 = arith.constant 2048 : i32
    %broadcast_in_dim3A_296 = vector.broadcast %jit3A_295 : i32 to vector<256x2048xi32>
    %select_n3A_297 = arith.select %eq3A_294, %iota3A_21, %broadcast_in_dim3A_296 : vector<256x2048xi1>, vector<256x2048xi32>
    %reduce_min3A_298 = arith.constant dense<2147483647> : vector<256xi32>
    %reduce_min3A_299 = vector.multi_reduction <minsi>, %select_n3A_297, %reduce_min3A_298 [1] : vector<256x2048xi32> to vector<256xi32>
    %broadcast_in_dim3A_300 = vector.shape_cast %reduce_min3A_299 : vector<256xi32> to vector<256x1xi32>
    %eq3A_301 = vector.broadcast %broadcast_in_dim3A_300 : vector<256x1xi32> to vector<256x2048xi32>
    %eq3A_302 = arith.cmpi eq, %iota3A_21, %eq3A_301 : vector<256x2048xi32>
    %jit3A_303 = arith.constant 1.000000e+00 : f32
    %jit3A_304 = arith.constant 0.000000e+00 : f32
    %broadcast_in_dim3A_305 = vector.broadcast %jit3A_303 : f32 to vector<256x2048xf32>
    %broadcast_in_dim3A_306 = vector.broadcast %jit3A_304 : f32 to vector<256x2048xf32>
    %select_n3A_307 = arith.select %eq3A_302, %broadcast_in_dim3A_305, %broadcast_in_dim3A_306 : vector<256x2048xi1>, vector<256x2048xf32>
    %add3A_308 = arith.addf %add3A_286, %select_n3A_307 : vector<256x2048xf32>
    %jit3A_309 = arith.constant 1.000000e+30 : f32
    %broadcast_in_dim3A_310 = vector.broadcast %jit3A_309 : f32 to vector<256x2048xf32>
    %select_n3A_311 = arith.select %eq3A_302, %broadcast_in_dim3A_310, %select_n3A_289 : vector<256x2048xi1>, vector<256x2048xf32>
    %reduce_min3A_312 = arith.constant dense<0x7F800000> : vector<256xf32>
    %reduce_min3A_313 = vector.multi_reduction <minimumf>, %select_n3A_311, %reduce_min3A_312 [1] : vector<256x2048xf32> to vector<256xf32>
    %broadcast_in_dim3A_314 = vector.shape_cast %reduce_min3A_313 : vector<256xf32> to vector<256x1xf32>
    %eq3A_315 = vector.broadcast %broadcast_in_dim3A_314 : vector<256x1xf32> to vector<256x2048xf32>
    %eq3A_316 = arith.cmpf oeq, %select_n3A_311, %eq3A_315 : vector<256x2048xf32>
    %jit3A_317 = arith.constant 2048 : i32
    %broadcast_in_dim3A_318 = vector.broadcast %jit3A_317 : i32 to vector<256x2048xi32>
    %select_n3A_319 = arith.select %eq3A_316, %iota3A_21, %broadcast_in_dim3A_318 : vector<256x2048xi1>, vector<256x2048xi32>
    %reduce_min3A_320 = arith.constant dense<2147483647> : vector<256xi32>
    %reduce_min3A_321 = vector.multi_reduction <minsi>, %select_n3A_319, %reduce_min3A_320 [1] : vector<256x2048xi32> to vector<256xi32>
    %broadcast_in_dim3A_322 = vector.shape_cast %reduce_min3A_321 : vector<256xi32> to vector<256x1xi32>
    %eq3A_323 = vector.broadcast %broadcast_in_dim3A_322 : vector<256x1xi32> to vector<256x2048xi32>
    %eq3A_324 = arith.cmpi eq, %iota3A_21, %eq3A_323 : vector<256x2048xi32>
    %jit3A_325 = arith.constant 1.000000e+00 : f32
    %jit3A_326 = arith.constant 0.000000e+00 : f32
    %broadcast_in_dim3A_327 = vector.broadcast %jit3A_325 : f32 to vector<256x2048xf32>
    %broadcast_in_dim3A_328 = vector.broadcast %jit3A_326 : f32 to vector<256x2048xf32>
    %select_n3A_329 = arith.select %eq3A_324, %broadcast_in_dim3A_327, %broadcast_in_dim3A_328 : vector<256x2048xi1>, vector<256x2048xf32>
    %add3A_330 = arith.addf %add3A_308, %select_n3A_329 : vector<256x2048xf32>
    %jit3A_331 = arith.constant 1.000000e+30 : f32
    %broadcast_in_dim3A_332 = vector.broadcast %jit3A_331 : f32 to vector<256x2048xf32>
    %select_n3A_333 = arith.select %eq3A_324, %broadcast_in_dim3A_332, %select_n3A_311 : vector<256x2048xi1>, vector<256x2048xf32>
    %reduce_min3A_334 = arith.constant dense<0x7F800000> : vector<256xf32>
    %reduce_min3A_335 = vector.multi_reduction <minimumf>, %select_n3A_333, %reduce_min3A_334 [1] : vector<256x2048xf32> to vector<256xf32>
    %broadcast_in_dim3A_336 = vector.shape_cast %reduce_min3A_335 : vector<256xf32> to vector<256x1xf32>
    %eq3A_337 = vector.broadcast %broadcast_in_dim3A_336 : vector<256x1xf32> to vector<256x2048xf32>
    %eq3A_338 = arith.cmpf oeq, %select_n3A_333, %eq3A_337 : vector<256x2048xf32>
    %jit3A_339 = arith.constant 2048 : i32
    %broadcast_in_dim3A_340 = vector.broadcast %jit3A_339 : i32 to vector<256x2048xi32>
    %select_n3A_341 = arith.select %eq3A_338, %iota3A_21, %broadcast_in_dim3A_340 : vector<256x2048xi1>, vector<256x2048xi32>
    %reduce_min3A_342 = arith.constant dense<2147483647> : vector<256xi32>
    %reduce_min3A_343 = vector.multi_reduction <minsi>, %select_n3A_341, %reduce_min3A_342 [1] : vector<256x2048xi32> to vector<256xi32>
    %broadcast_in_dim3A_344 = vector.shape_cast %reduce_min3A_343 : vector<256xi32> to vector<256x1xi32>
    %eq3A_345 = vector.broadcast %broadcast_in_dim3A_344 : vector<256x1xi32> to vector<256x2048xi32>
    %eq3A_346 = arith.cmpi eq, %iota3A_21, %eq3A_345 : vector<256x2048xi32>
    %jit3A_347 = arith.constant 1.000000e+00 : f32
    %jit3A_348 = arith.constant 0.000000e+00 : f32
    %broadcast_in_dim3A_349 = vector.broadcast %jit3A_347 : f32 to vector<256x2048xf32>
    %broadcast_in_dim3A_350 = vector.broadcast %jit3A_348 : f32 to vector<256x2048xf32>
    %select_n3A_351 = arith.select %eq3A_346, %broadcast_in_dim3A_349, %broadcast_in_dim3A_350 : vector<256x2048xi1>, vector<256x2048xf32>
    %add3A_352 = arith.addf %add3A_330, %select_n3A_351 : vector<256x2048xf32>
    %jit3A_353 = arith.constant 1.000000e+30 : f32
    %broadcast_in_dim3A_354 = vector.broadcast %jit3A_353 : f32 to vector<256x2048xf32>
    %select_n3A_355 = arith.select %eq3A_346, %broadcast_in_dim3A_354, %select_n3A_333 : vector<256x2048xi1>, vector<256x2048xf32>
    %reduce_min3A_356 = arith.constant dense<0x7F800000> : vector<256xf32>
    %reduce_min3A_357 = vector.multi_reduction <minimumf>, %select_n3A_355, %reduce_min3A_356 [1] : vector<256x2048xf32> to vector<256xf32>
    %broadcast_in_dim3A_358 = vector.shape_cast %reduce_min3A_357 : vector<256xf32> to vector<256x1xf32>
    %eq3A_359 = vector.broadcast %broadcast_in_dim3A_358 : vector<256x1xf32> to vector<256x2048xf32>
    %eq3A_360 = arith.cmpf oeq, %select_n3A_355, %eq3A_359 : vector<256x2048xf32>
    %jit3A_361 = arith.constant 2048 : i32
    %broadcast_in_dim3A_362 = vector.broadcast %jit3A_361 : i32 to vector<256x2048xi32>
    %select_n3A_363 = arith.select %eq3A_360, %iota3A_21, %broadcast_in_dim3A_362 : vector<256x2048xi1>, vector<256x2048xi32>
    %reduce_min3A_364 = arith.constant dense<2147483647> : vector<256xi32>
    %reduce_min3A_365 = vector.multi_reduction <minsi>, %select_n3A_363, %reduce_min3A_364 [1] : vector<256x2048xi32> to vector<256xi32>
    %broadcast_in_dim3A_366 = vector.shape_cast %reduce_min3A_365 : vector<256xi32> to vector<256x1xi32>
    %eq3A_367 = vector.broadcast %broadcast_in_dim3A_366 : vector<256x1xi32> to vector<256x2048xi32>
    %eq3A_368 = arith.cmpi eq, %iota3A_21, %eq3A_367 : vector<256x2048xi32>
    %jit3A_369 = arith.constant 1.000000e+00 : f32
    %jit3A_370 = arith.constant 0.000000e+00 : f32
    %broadcast_in_dim3A_371 = vector.broadcast %jit3A_369 : f32 to vector<256x2048xf32>
    %broadcast_in_dim3A_372 = vector.broadcast %jit3A_370 : f32 to vector<256x2048xf32>
    %select_n3A_373 = arith.select %eq3A_368, %broadcast_in_dim3A_371, %broadcast_in_dim3A_372 : vector<256x2048xi1>, vector<256x2048xf32>
    %add3A_374 = arith.addf %add3A_352, %select_n3A_373 : vector<256x2048xf32>
    %concatenate3A = tpu.concatenate %broadcast_in_dim3A_36, %broadcast_in_dim3A_58, %broadcast_in_dim3A_80, %broadcast_in_dim3A_102, %broadcast_in_dim3A_124, %broadcast_in_dim3A_146, %broadcast_in_dim3A_168, %broadcast_in_dim3A_190, %broadcast_in_dim3A_212, %broadcast_in_dim3A_234, %broadcast_in_dim3A_256, %broadcast_in_dim3A_278, %broadcast_in_dim3A_300, %broadcast_in_dim3A_322, %broadcast_in_dim3A_344, %broadcast_in_dim3A_366 in 1 : vector<256x1xi32>, vector<256x1xi32>, vector<256x1xi32>, vector<256x1xi32>, vector<256x1xi32>, vector<256x1xi32>, vector<256x1xi32>, vector<256x1xi32>, vector<256x1xi32>, vector<256x1xi32>, vector<256x1xi32>, vector<256x1xi32>, vector<256x1xi32>, vector<256x1xi32>, vector<256x1xi32>, vector<256x1xi32> -> vector<256x16xi32>
    %swap3A = arith.constant 0 : index
    %swap3A_375 = arith.constant 0 : index
    %swap3A_376 = vector.load %arg5[%swap3A, %swap3A_375] : memref<256x16xi32, #tpu.memory_space<vmem>>, vector<256x16xi32>
    tpu.vector_store %arg5[%swap3A, %swap3A_375], %concatenate3A {strides = array<i32>} : memref<256x16xi32, #tpu.memory_space<vmem>>, vector<256x16xi32>,
    %reduce_sum3A = arith.constant dense<0.000000e+00> : vector<2048xf32>
    %reduce_sum3A_377 = vector.multi_reduction <add>, %add3A_374, %reduce_sum3A [0] : vector<256x2048xf32> to vector<2048xf32>
    %broadcast_in_dim3A_378 = vector.shape_cast %reduce_sum3A_377 : vector<2048xf32> to vector<1x2048xf32>
    %reshape3A = vector.shape_cast %broadcast_in_dim3A_378 : vector<1x2048xf32> to vector<1x1x2048xf32>
    %swap3A_379 = arith.constant 0 : index
    %swap3A_380 = arith.constant 0 : index
    %swap3A_381 = arith.constant 0 : index
    %swap3A_382 = vector.load %arg6[%swap3A_379, %swap3A_380, %swap3A_381] : memref<1x1x2048xf32, #tpu.memory_space<vmem>>, vector<1x1x2048xf32>
    tpu.vector_store %arg6[%swap3A_379, %swap3A_380, %swap3A_381], %reshape3A {strides = array<i32>} : memref<1x1x2048xf32, #tpu.memory_space<vmem>>, vector<1x1x2048xf32>,
    return
  }
  func.func @transform_0(%arg0: i32) -> (i32, i32) {
    %c0_i32 = arith.constant 0 : i32
    %c0_i32_0 = arith.constant 0 : i32
    return %arg0, %c0_i32 : i32, i32
  }
  func.func @transform_1(%arg0: i32) -> (i32, i32) {
    %c0_i32 = arith.constant 0 : i32
    %c0_i32_0 = arith.constant 0 : i32
    %c0_i32_1 = arith.constant 0 : i32
    return %c0_i32, %c0_i32_0 : i32, i32
  }
  func.func @transform_2(%arg0: i32) -> (i32, i32) {
    %c0_i32 = arith.constant 0 : i32
    %c0_i32_0 = arith.constant 0 : i32
    return %arg0, %c0_i32 : i32, i32
  }
  func.func @transform_3(%arg0: i32) -> (i32, i32) {
    %c0_i32 = arith.constant 0 : i32
    %c0_i32_0 = arith.constant 0 : i32
    %c0_i32_1 = arith.constant 0 : i32
    return %c0_i32, %c0_i32_0 : i32, i32
  }
  func.func @transform_4(%arg0: i32) -> (i32, i32) {
    %c0_i32 = arith.constant 0 : i32
    %c0_i32_0 = arith.constant 0 : i32
    return %arg0, %c0_i32 : i32, i32
  }
  func.func @transform_5(%arg0: i32) -> (i32, i32, i32) {
    %c0_i32 = arith.constant 0 : i32
    %c0_i32_0 = arith.constant 0 : i32
    %c0_i32_1 = arith.constant 0 : i32
    return %arg0, %c0_i32, %c0_i32_0 : i32, i32, i32
  }
}

module attributes {stable_mosaic.version = 14 : i64} {
  func.func @_mix_body(%arg0: memref<2048x128xf32, #tpu.memory_space<vmem>>, %arg1: memref<2048x128xf32, #tpu.memory_space<vmem>>, %arg2: memref<128x128xf32, #tpu.memory_space<vmem>>, %arg3: memref<1x128xf32, #tpu.memory_space<vmem>>, %arg4: memref<128x128xf32, #tpu.memory_space<vmem>>, %arg5: memref<128x128xf32, #tpu.memory_space<vmem>>, %arg6: memref<1x128xf32, #tpu.memory_space<vmem>>, %arg7: memref<2048x128xf32, #tpu.memory_space<vmem>>) attributes {dimension_semantics = [], scalar_prefetch = 0 : i64, scratch_operands = 0 : i64, tpu.core_type = #tpu.core_type<tc>} {
    %get3A = arith.constant 0 : index
    %get3A_0 = arith.constant 0 : index
    %get3A_1 = vector.load %arg0[%get3A, %get3A_0] : memref<2048x128xf32, #tpu.memory_space<vmem>>, vector<2048x128xf32>
    %get3A_2 = arith.constant 0 : index
    %get3A_3 = arith.constant 0 : index
    %get3A_4 = vector.load %arg1[%get3A_2, %get3A_3] : memref<2048x128xf32, #tpu.memory_space<vmem>>, vector<2048x128xf32>
    %add3A = arith.addf %get3A_1, %get3A_4 : vector<2048x128xf32>
    %mul3A = arith.constant 0.0588235296 : f32
    %mul3A_5 = vector.broadcast %mul3A : f32 to vector<2048x128xf32>
    %mul3A_6 = arith.mulf %add3A, %mul3A_5 : vector<2048x128xf32>
    %get3A_7 = arith.constant 0 : index
    %get3A_8 = arith.constant 0 : index
    %get3A_9 = vector.load %arg2[%get3A_7, %get3A_8] : memref<128x128xf32, #tpu.memory_space<vmem>>, vector<128x128xf32>
    %convert_element_type3A = arith.truncf %mul3A_6 : vector<2048x128xf32> to vector<2048x128xbf16>
    %convert_element_type3A_10 = arith.truncf %get3A_9 : vector<128x128xf32> to vector<128x128xbf16>
    %dot_general3A = arith.constant dense<0.000000e+00> : vector<2048x128xf32>
    %dot_general3A_11 = tpu.matmul %convert_element_type3A, %convert_element_type3A_10, %dot_general3A {dimension_numbers = #tpu.dot_dimension_numbers<[1], [0], [0], [1], [0, 0, 1, 1], [], []>, transpose_lhs_hint = false} : vector<2048x128xbf16>, vector<128x128xbf16>, vector<2048x128xf32> -> vector<2048x128xf32>
    %get3A_12 = arith.constant 0 : index
    %get3A_13 = arith.constant 0 : index
    %get3A_14 = vector.load %arg3[%get3A_12, %get3A_13] : memref<1x128xf32, #tpu.memory_space<vmem>>, vector<1x128xf32>
    %add3A_15 = vector.broadcast %get3A_14 : vector<1x128xf32> to vector<2048x128xf32>
    %add3A_16 = arith.addf %dot_general3A_11, %add3A_15 : vector<2048x128xf32>
    %get3A_17 = arith.constant 0 : index
    %get3A_18 = arith.constant 0 : index
    %get3A_19 = vector.load %arg4[%get3A_17, %get3A_18] : memref<128x128xf32, #tpu.memory_space<vmem>>, vector<128x128xf32>
    %convert_element_type3A_20 = arith.truncf %get3A_1 : vector<2048x128xf32> to vector<2048x128xbf16>
    %convert_element_type3A_21 = arith.truncf %get3A_19 : vector<128x128xf32> to vector<128x128xbf16>
    %dot_general3A_22 = arith.constant dense<0.000000e+00> : vector<2048x128xf32>
    %dot_general3A_23 = tpu.matmul %convert_element_type3A_20, %convert_element_type3A_21, %dot_general3A_22 {dimension_numbers = #tpu.dot_dimension_numbers<[1], [0], [0], [1], [0, 0, 1, 1], [], []>, transpose_lhs_hint = false} : vector<2048x128xbf16>, vector<128x128xbf16>, vector<2048x128xf32> -> vector<2048x128xf32>
    %add3A_24 = arith.addf %add3A_16, %dot_general3A_23 : vector<2048x128xf32>
    %max3A = arith.constant 0.000000e+00 : f32
    %max3A_25 = vector.broadcast %max3A : f32 to vector<2048x128xf32>
    %max3A_26 = arith.maximumf %add3A_24, %max3A_25 : vector<2048x128xf32>
    %get3A_27 = arith.constant 0 : index
    %get3A_28 = arith.constant 0 : index
    %get3A_29 = vector.load %arg5[%get3A_27, %get3A_28] : memref<128x128xf32, #tpu.memory_space<vmem>>, vector<128x128xf32>
    %convert_element_type3A_30 = arith.truncf %max3A_26 : vector<2048x128xf32> to vector<2048x128xbf16>
    %convert_element_type3A_31 = arith.truncf %get3A_29 : vector<128x128xf32> to vector<128x128xbf16>
    %dot_general3A_32 = arith.constant dense<0.000000e+00> : vector<2048x128xf32>
    %dot_general3A_33 = tpu.matmul %convert_element_type3A_30, %convert_element_type3A_31, %dot_general3A_32 {dimension_numbers = #tpu.dot_dimension_numbers<[1], [0], [0], [1], [0, 0, 1, 1], [], []>, transpose_lhs_hint = false} : vector<2048x128xbf16>, vector<128x128xbf16>, vector<2048x128xf32> -> vector<2048x128xf32>
    %get3A_34 = arith.constant 0 : index
    %get3A_35 = arith.constant 0 : index
    %get3A_36 = vector.load %arg6[%get3A_34, %get3A_35] : memref<1x128xf32, #tpu.memory_space<vmem>>, vector<1x128xf32>
    %add3A_37 = vector.broadcast %get3A_36 : vector<1x128xf32> to vector<2048x128xf32>
    %add3A_38 = arith.addf %dot_general3A_33, %add3A_37 : vector<2048x128xf32>
    %iota3A = tpu.iota {dimensions = array<i32: 1>} : vector<2048x128xi32>
    %lt3A = arith.constant 16 : i32
    %lt3A_39 = vector.broadcast %lt3A : i32 to vector<2048x128xi32>
    %lt3A_40 = arith.cmpi slt, %iota3A, %lt3A_39 : vector<2048x128xi32>
    %jit3A = arith.constant -1.000000e+30 : f32
    %broadcast_in_dim3A = vector.broadcast %jit3A : f32 to vector<2048x128xf32>
    %select_n3A = arith.select %lt3A_40, %add3A_38, %broadcast_in_dim3A : vector<2048x128xi1>, vector<2048x128xf32>
    %reduce_max3A = arith.constant dense<0xFF800000> : vector<2048xf32>
    %reduce_max3A_41 = vector.multi_reduction <maximumf>, %select_n3A, %reduce_max3A [1] : vector<2048x128xf32> to vector<2048xf32>
    %broadcast_in_dim3A_42 = vector.shape_cast %reduce_max3A_41 : vector<2048xf32> to vector<2048x1xf32>
    %lt3A_43 = arith.constant 16 : i32
    %lt3A_44 = vector.broadcast %lt3A_43 : i32 to vector<2048x128xi32>
    %lt3A_45 = arith.cmpi slt, %iota3A, %lt3A_44 : vector<2048x128xi32>
    %sub3A = vector.broadcast %broadcast_in_dim3A_42 : vector<2048x1xf32> to vector<2048x128xf32>
    %sub3A_46 = arith.subf %select_n3A, %sub3A : vector<2048x128xf32>
    %exp3A = math.exp %sub3A_46 : vector<2048x128xf32>
    %jit3A_47 = arith.constant 0.000000e+00 : f32
    %broadcast_in_dim3A_48 = vector.broadcast %jit3A_47 : f32 to vector<2048x128xf32>
    %select_n3A_49 = arith.select %lt3A_45, %exp3A, %broadcast_in_dim3A_48 : vector<2048x128xi1>, vector<2048x128xf32>
    %reduce_sum3A = arith.constant dense<0.000000e+00> : vector<2048xf32>
    %reduce_sum3A_50 = vector.multi_reduction <add>, %select_n3A_49, %reduce_sum3A [1] : vector<2048x128xf32> to vector<2048xf32>
    %broadcast_in_dim3A_51 = vector.shape_cast %reduce_sum3A_50 : vector<2048xf32> to vector<2048x1xf32>
    %div3A = vector.broadcast %broadcast_in_dim3A_51 : vector<2048x1xf32> to vector<2048x128xf32>
    %div3A_52 = arith.divf %select_n3A_49, %div3A : vector<2048x128xf32>
    %swap3A = arith.constant 0 : index
    %swap3A_53 = arith.constant 0 : index
    %swap3A_54 = vector.load %arg7[%swap3A, %swap3A_53] : memref<2048x128xf32, #tpu.memory_space<vmem>>, vector<2048x128xf32>
    tpu.vector_store %arg7[%swap3A, %swap3A_53], %div3A_52 {strides = array<i32>} : memref<2048x128xf32, #tpu.memory_space<vmem>>, vector<2048x128xf32>,
    return
  }
}

module attributes {stable_mosaic.version = 14 : i64} {
  func.func @_gmat_body(%arg0: i32, %arg1: memref<256x16xi32, #tpu.memory_space<vmem>>, %arg2: memref<2048x128xf32, #tpu.memory_space<vmem>>, %arg3: memref<256x128xf32, #tpu.memory_space<vmem>>) attributes {dimension_semantics = [#tpu.dimension_semantics<arbitrary>], iteration_bounds = array<i64: 8>, scalar_prefetch = 0 : i64, scratch_operands = 0 : i64, tpu.core_type = #tpu.core_type<tc>, window_params = [{transform_indices = @transform_0, window_bounds = array<i64: 256, 16>}, {pipeline_mode = #tpu.pipeline_mode<synchronous>, transform_indices = @transform_1, window_bounds = array<i64: 2048, 128>}, {transform_indices = @transform_2, window_bounds = array<i64: 256, 128>}]} {
    %get3A = arith.constant 0 : index
    %get3A_0 = arith.constant 0 : index
    %get3A_1 = vector.load %arg1[%get3A, %get3A_0] : memref<256x16xi32, #tpu.memory_space<vmem>>, vector<256x16xi32>
    %get3A_2 = arith.constant 0 : index
    %get3A_3 = arith.constant 0 : index
    %get3A_4 = vector.load %arg2[%get3A_2, %get3A_3] : memref<2048x128xf32, #tpu.memory_space<vmem>>, vector<2048x128xf32>
    %convert_element_type3A = arith.truncf %get3A_4 : vector<2048x128xf32> to vector<2048x128xbf16>
    %iota3A = tpu.iota {dimensions = array<i32: 1>} : vector<256x2048xi32>
    %broadcast_in_dim3A = arith.constant 0.000000e+00 : f32
    %broadcast_in_dim3A_5 = vector.broadcast %broadcast_in_dim3A : f32 to vector<256x2048xf32>
    %slice3A = vector.extract_strided_slice %get3A_1 {offsets = [0, 0], sizes = [256, 1], strides = [1, 1]} : vector<256x16xi32> to vector<256x1xi32>
    %eq3A = vector.broadcast %slice3A : vector<256x1xi32> to vector<256x2048xi32>
    %eq3A_6 = arith.cmpi eq, %iota3A, %eq3A : vector<256x2048xi32>
    %jit3A = arith.constant 1.000000e+00 : f32
    %jit3A_7 = arith.constant 0.000000e+00 : f32
    %broadcast_in_dim3A_8 = vector.broadcast %jit3A : f32 to vector<256x2048xf32>
    %broadcast_in_dim3A_9 = vector.broadcast %jit3A_7 : f32 to vector<256x2048xf32>
    %select_n3A = arith.select %eq3A_6, %broadcast_in_dim3A_8, %broadcast_in_dim3A_9 : vector<256x2048xi1>, vector<256x2048xf32>
    %add3A = arith.addf %broadcast_in_dim3A_5, %select_n3A : vector<256x2048xf32>
    %slice3A_10 = vector.extract_strided_slice %get3A_1 {offsets = [0, 1], sizes = [256, 1], strides = [1, 1]} : vector<256x16xi32> to vector<256x1xi32>
    %eq3A_11 = vector.broadcast %slice3A_10 : vector<256x1xi32> to vector<256x2048xi32>
    %eq3A_12 = arith.cmpi eq, %iota3A, %eq3A_11 : vector<256x2048xi32>
    %jit3A_13 = arith.constant 1.000000e+00 : f32
    %jit3A_14 = arith.constant 0.000000e+00 : f32
    %broadcast_in_dim3A_15 = vector.broadcast %jit3A_13 : f32 to vector<256x2048xf32>
    %broadcast_in_dim3A_16 = vector.broadcast %jit3A_14 : f32 to vector<256x2048xf32>
    %select_n3A_17 = arith.select %eq3A_12, %broadcast_in_dim3A_15, %broadcast_in_dim3A_16 : vector<256x2048xi1>, vector<256x2048xf32>
    %add3A_18 = arith.addf %add3A, %select_n3A_17 : vector<256x2048xf32>
    %slice3A_19 = vector.extract_strided_slice %get3A_1 {offsets = [0, 2], sizes = [256, 1], strides = [1, 1]} : vector<256x16xi32> to vector<256x1xi32>
    %eq3A_20 = vector.broadcast %slice3A_19 : vector<256x1xi32> to vector<256x2048xi32>
    %eq3A_21 = arith.cmpi eq, %iota3A, %eq3A_20 : vector<256x2048xi32>
    %jit3A_22 = arith.constant 1.000000e+00 : f32
    %jit3A_23 = arith.constant 0.000000e+00 : f32
    %broadcast_in_dim3A_24 = vector.broadcast %jit3A_22 : f32 to vector<256x2048xf32>
    %broadcast_in_dim3A_25 = vector.broadcast %jit3A_23 : f32 to vector<256x2048xf32>
    %select_n3A_26 = arith.select %eq3A_21, %broadcast_in_dim3A_24, %broadcast_in_dim3A_25 : vector<256x2048xi1>, vector<256x2048xf32>
    %add3A_27 = arith.addf %add3A_18, %select_n3A_26 : vector<256x2048xf32>
    %slice3A_28 = vector.extract_strided_slice %get3A_1 {offsets = [0, 3], sizes = [256, 1], strides = [1, 1]} : vector<256x16xi32> to vector<256x1xi32>
    %eq3A_29 = vector.broadcast %slice3A_28 : vector<256x1xi32> to vector<256x2048xi32>
    %eq3A_30 = arith.cmpi eq, %iota3A, %eq3A_29 : vector<256x2048xi32>
    %jit3A_31 = arith.constant 1.000000e+00 : f32
    %jit3A_32 = arith.constant 0.000000e+00 : f32
    %broadcast_in_dim3A_33 = vector.broadcast %jit3A_31 : f32 to vector<256x2048xf32>
    %broadcast_in_dim3A_34 = vector.broadcast %jit3A_32 : f32 to vector<256x2048xf32>
    %select_n3A_35 = arith.select %eq3A_30, %broadcast_in_dim3A_33, %broadcast_in_dim3A_34 : vector<256x2048xi1>, vector<256x2048xf32>
    %add3A_36 = arith.addf %add3A_27, %select_n3A_35 : vector<256x2048xf32>
    %slice3A_37 = vector.extract_strided_slice %get3A_1 {offsets = [0, 4], sizes = [256, 1], strides = [1, 1]} : vector<256x16xi32> to vector<256x1xi32>
    %eq3A_38 = vector.broadcast %slice3A_37 : vector<256x1xi32> to vector<256x2048xi32>
    %eq3A_39 = arith.cmpi eq, %iota3A, %eq3A_38 : vector<256x2048xi32>
    %jit3A_40 = arith.constant 1.000000e+00 : f32
    %jit3A_41 = arith.constant 0.000000e+00 : f32
    %broadcast_in_dim3A_42 = vector.broadcast %jit3A_40 : f32 to vector<256x2048xf32>
    %broadcast_in_dim3A_43 = vector.broadcast %jit3A_41 : f32 to vector<256x2048xf32>
    %select_n3A_44 = arith.select %eq3A_39, %broadcast_in_dim3A_42, %broadcast_in_dim3A_43 : vector<256x2048xi1>, vector<256x2048xf32>
    %add3A_45 = arith.addf %add3A_36, %select_n3A_44 : vector<256x2048xf32>
    %slice3A_46 = vector.extract_strided_slice %get3A_1 {offsets = [0, 5], sizes = [256, 1], strides = [1, 1]} : vector<256x16xi32> to vector<256x1xi32>
    %eq3A_47 = vector.broadcast %slice3A_46 : vector<256x1xi32> to vector<256x2048xi32>
    %eq3A_48 = arith.cmpi eq, %iota3A, %eq3A_47 : vector<256x2048xi32>
    %jit3A_49 = arith.constant 1.000000e+00 : f32
    %jit3A_50 = arith.constant 0.000000e+00 : f32
    %broadcast_in_dim3A_51 = vector.broadcast %jit3A_49 : f32 to vector<256x2048xf32>
    %broadcast_in_dim3A_52 = vector.broadcast %jit3A_50 : f32 to vector<256x2048xf32>
    %select_n3A_53 = arith.select %eq3A_48, %broadcast_in_dim3A_51, %broadcast_in_dim3A_52 : vector<256x2048xi1>, vector<256x2048xf32>
    %add3A_54 = arith.addf %add3A_45, %select_n3A_53 : vector<256x2048xf32>
    %slice3A_55 = vector.extract_strided_slice %get3A_1 {offsets = [0, 6], sizes = [256, 1], strides = [1, 1]} : vector<256x16xi32> to vector<256x1xi32>
    %eq3A_56 = vector.broadcast %slice3A_55 : vector<256x1xi32> to vector<256x2048xi32>
    %eq3A_57 = arith.cmpi eq, %iota3A, %eq3A_56 : vector<256x2048xi32>
    %jit3A_58 = arith.constant 1.000000e+00 : f32
    %jit3A_59 = arith.constant 0.000000e+00 : f32
    %broadcast_in_dim3A_60 = vector.broadcast %jit3A_58 : f32 to vector<256x2048xf32>
    %broadcast_in_dim3A_61 = vector.broadcast %jit3A_59 : f32 to vector<256x2048xf32>
    %select_n3A_62 = arith.select %eq3A_57, %broadcast_in_dim3A_60, %broadcast_in_dim3A_61 : vector<256x2048xi1>, vector<256x2048xf32>
    %add3A_63 = arith.addf %add3A_54, %select_n3A_62 : vector<256x2048xf32>
    %slice3A_64 = vector.extract_strided_slice %get3A_1 {offsets = [0, 7], sizes = [256, 1], strides = [1, 1]} : vector<256x16xi32> to vector<256x1xi32>
    %eq3A_65 = vector.broadcast %slice3A_64 : vector<256x1xi32> to vector<256x2048xi32>
    %eq3A_66 = arith.cmpi eq, %iota3A, %eq3A_65 : vector<256x2048xi32>
    %jit3A_67 = arith.constant 1.000000e+00 : f32
    %jit3A_68 = arith.constant 0.000000e+00 : f32
    %broadcast_in_dim3A_69 = vector.broadcast %jit3A_67 : f32 to vector<256x2048xf32>
    %broadcast_in_dim3A_70 = vector.broadcast %jit3A_68 : f32 to vector<256x2048xf32>
    %select_n3A_71 = arith.select %eq3A_66, %broadcast_in_dim3A_69, %broadcast_in_dim3A_70 : vector<256x2048xi1>, vector<256x2048xf32>
    %add3A_72 = arith.addf %add3A_63, %select_n3A_71 : vector<256x2048xf32>
    %slice3A_73 = vector.extract_strided_slice %get3A_1 {offsets = [0, 8], sizes = [256, 1], strides = [1, 1]} : vector<256x16xi32> to vector<256x1xi32>
    %eq3A_74 = vector.broadcast %slice3A_73 : vector<256x1xi32> to vector<256x2048xi32>
    %eq3A_75 = arith.cmpi eq, %iota3A, %eq3A_74 : vector<256x2048xi32>
    %jit3A_76 = arith.constant 1.000000e+00 : f32
    %jit3A_77 = arith.constant 0.000000e+00 : f32
    %broadcast_in_dim3A_78 = vector.broadcast %jit3A_76 : f32 to vector<256x2048xf32>
    %broadcast_in_dim3A_79 = vector.broadcast %jit3A_77 : f32 to vector<256x2048xf32>
    %select_n3A_80 = arith.select %eq3A_75, %broadcast_in_dim3A_78, %broadcast_in_dim3A_79 : vector<256x2048xi1>, vector<256x2048xf32>
    %add3A_81 = arith.addf %add3A_72, %select_n3A_80 : vector<256x2048xf32>
    %slice3A_82 = vector.extract_strided_slice %get3A_1 {offsets = [0, 9], sizes = [256, 1], strides = [1, 1]} : vector<256x16xi32> to vector<256x1xi32>
    %eq3A_83 = vector.broadcast %slice3A_82 : vector<256x1xi32> to vector<256x2048xi32>
    %eq3A_84 = arith.cmpi eq, %iota3A, %eq3A_83 : vector<256x2048xi32>
    %jit3A_85 = arith.constant 1.000000e+00 : f32
    %jit3A_86 = arith.constant 0.000000e+00 : f32
    %broadcast_in_dim3A_87 = vector.broadcast %jit3A_85 : f32 to vector<256x2048xf32>
    %broadcast_in_dim3A_88 = vector.broadcast %jit3A_86 : f32 to vector<256x2048xf32>
    %select_n3A_89 = arith.select %eq3A_84, %broadcast_in_dim3A_87, %broadcast_in_dim3A_88 : vector<256x2048xi1>, vector<256x2048xf32>
    %add3A_90 = arith.addf %add3A_81, %select_n3A_89 : vector<256x2048xf32>
    %slice3A_91 = vector.extract_strided_slice %get3A_1 {offsets = [0, 10], sizes = [256, 1], strides = [1, 1]} : vector<256x16xi32> to vector<256x1xi32>
    %eq3A_92 = vector.broadcast %slice3A_91 : vector<256x1xi32> to vector<256x2048xi32>
    %eq3A_93 = arith.cmpi eq, %iota3A, %eq3A_92 : vector<256x2048xi32>
    %jit3A_94 = arith.constant 1.000000e+00 : f32
    %jit3A_95 = arith.constant 0.000000e+00 : f32
    %broadcast_in_dim3A_96 = vector.broadcast %jit3A_94 : f32 to vector<256x2048xf32>
    %broadcast_in_dim3A_97 = vector.broadcast %jit3A_95 : f32 to vector<256x2048xf32>
    %select_n3A_98 = arith.select %eq3A_93, %broadcast_in_dim3A_96, %broadcast_in_dim3A_97 : vector<256x2048xi1>, vector<256x2048xf32>
    %add3A_99 = arith.addf %add3A_90, %select_n3A_98 : vector<256x2048xf32>
    %slice3A_100 = vector.extract_strided_slice %get3A_1 {offsets = [0, 11], sizes = [256, 1], strides = [1, 1]} : vector<256x16xi32> to vector<256x1xi32>
    %eq3A_101 = vector.broadcast %slice3A_100 : vector<256x1xi32> to vector<256x2048xi32>
    %eq3A_102 = arith.cmpi eq, %iota3A, %eq3A_101 : vector<256x2048xi32>
    %jit3A_103 = arith.constant 1.000000e+00 : f32
    %jit3A_104 = arith.constant 0.000000e+00 : f32
    %broadcast_in_dim3A_105 = vector.broadcast %jit3A_103 : f32 to vector<256x2048xf32>
    %broadcast_in_dim3A_106 = vector.broadcast %jit3A_104 : f32 to vector<256x2048xf32>
    %select_n3A_107 = arith.select %eq3A_102, %broadcast_in_dim3A_105, %broadcast_in_dim3A_106 : vector<256x2048xi1>, vector<256x2048xf32>
    %add3A_108 = arith.addf %add3A_99, %select_n3A_107 : vector<256x2048xf32>
    %slice3A_109 = vector.extract_strided_slice %get3A_1 {offsets = [0, 12], sizes = [256, 1], strides = [1, 1]} : vector<256x16xi32> to vector<256x1xi32>
    %eq3A_110 = vector.broadcast %slice3A_109 : vector<256x1xi32> to vector<256x2048xi32>
    %eq3A_111 = arith.cmpi eq, %iota3A, %eq3A_110 : vector<256x2048xi32>
    %jit3A_112 = arith.constant 1.000000e+00 : f32
    %jit3A_113 = arith.constant 0.000000e+00 : f32
    %broadcast_in_dim3A_114 = vector.broadcast %jit3A_112 : f32 to vector<256x2048xf32>
    %broadcast_in_dim3A_115 = vector.broadcast %jit3A_113 : f32 to vector<256x2048xf32>
    %select_n3A_116 = arith.select %eq3A_111, %broadcast_in_dim3A_114, %broadcast_in_dim3A_115 : vector<256x2048xi1>, vector<256x2048xf32>
    %add3A_117 = arith.addf %add3A_108, %select_n3A_116 : vector<256x2048xf32>
    %slice3A_118 = vector.extract_strided_slice %get3A_1 {offsets = [0, 13], sizes = [256, 1], strides = [1, 1]} : vector<256x16xi32> to vector<256x1xi32>
    %eq3A_119 = vector.broadcast %slice3A_118 : vector<256x1xi32> to vector<256x2048xi32>
    %eq3A_120 = arith.cmpi eq, %iota3A, %eq3A_119 : vector<256x2048xi32>
    %jit3A_121 = arith.constant 1.000000e+00 : f32
    %jit3A_122 = arith.constant 0.000000e+00 : f32
    %broadcast_in_dim3A_123 = vector.broadcast %jit3A_121 : f32 to vector<256x2048xf32>
    %broadcast_in_dim3A_124 = vector.broadcast %jit3A_122 : f32 to vector<256x2048xf32>
    %select_n3A_125 = arith.select %eq3A_120, %broadcast_in_dim3A_123, %broadcast_in_dim3A_124 : vector<256x2048xi1>, vector<256x2048xf32>
    %add3A_126 = arith.addf %add3A_117, %select_n3A_125 : vector<256x2048xf32>
    %slice3A_127 = vector.extract_strided_slice %get3A_1 {offsets = [0, 14], sizes = [256, 1], strides = [1, 1]} : vector<256x16xi32> to vector<256x1xi32>
    %eq3A_128 = vector.broadcast %slice3A_127 : vector<256x1xi32> to vector<256x2048xi32>
    %eq3A_129 = arith.cmpi eq, %iota3A, %eq3A_128 : vector<256x2048xi32>
    %jit3A_130 = arith.constant 1.000000e+00 : f32
    %jit3A_131 = arith.constant 0.000000e+00 : f32
    %broadcast_in_dim3A_132 = vector.broadcast %jit3A_130 : f32 to vector<256x2048xf32>
    %broadcast_in_dim3A_133 = vector.broadcast %jit3A_131 : f32 to vector<256x2048xf32>
    %select_n3A_134 = arith.select %eq3A_129, %broadcast_in_dim3A_132, %broadcast_in_dim3A_133 : vector<256x2048xi1>, vector<256x2048xf32>
    %add3A_135 = arith.addf %add3A_126, %select_n3A_134 : vector<256x2048xf32>
    %slice3A_136 = vector.extract_strided_slice %get3A_1 {offsets = [0, 15], sizes = [256, 1], strides = [1, 1]} : vector<256x16xi32> to vector<256x1xi32>
    %eq3A_137 = vector.broadcast %slice3A_136 : vector<256x1xi32> to vector<256x2048xi32>
    %eq3A_138 = arith.cmpi eq, %iota3A, %eq3A_137 : vector<256x2048xi32>
    %jit3A_139 = arith.constant 1.000000e+00 : f32
    %jit3A_140 = arith.constant 0.000000e+00 : f32
    %broadcast_in_dim3A_141 = vector.broadcast %jit3A_139 : f32 to vector<256x2048xf32>
    %broadcast_in_dim3A_142 = vector.broadcast %jit3A_140 : f32 to vector<256x2048xf32>
    %select_n3A_143 = arith.select %eq3A_138, %broadcast_in_dim3A_141, %broadcast_in_dim3A_142 : vector<256x2048xi1>, vector<256x2048xf32>
    %add3A_144 = arith.addf %add3A_135, %select_n3A_143 : vector<256x2048xf32>
    %convert_element_type3A_145 = arith.truncf %add3A_144 : vector<256x2048xf32> to vector<256x2048xbf16>
    %dot_general3A = arith.constant dense<0.000000e+00> : vector<256x128xf32>
    %dot_general3A_146 = tpu.matmul %convert_element_type3A_145, %convert_element_type3A, %dot_general3A {dimension_numbers = #tpu.dot_dimension_numbers<[1], [0], [0], [1], [0, 0, 1, 1], [], []>, transpose_lhs_hint = false} : vector<256x2048xbf16>, vector<2048x128xbf16>, vector<256x128xf32> -> vector<256x128xf32>
    %swap3A = arith.constant 0 : index
    %swap3A_147 = arith.constant 0 : index
    %swap3A_148 = vector.load %arg3[%swap3A, %swap3A_147] : memref<256x128xf32, #tpu.memory_space<vmem>>, vector<256x128xf32>
    tpu.vector_store %arg3[%swap3A, %swap3A_147], %dot_general3A_146 {strides = array<i32>} : memref<256x128xf32, #tpu.memory_space<vmem>>, vector<256x128xf32>,
    return
  }
  func.func @transform_0(%arg0: i32) -> (i32, i32) {
    %c0_i32 = arith.constant 0 : i32
    %c0_i32_0 = arith.constant 0 : i32
    return %arg0, %c0_i32 : i32, i32
  }
  func.func @transform_1(%arg0: i32) -> (i32, i32) {
    %c0_i32 = arith.constant 0 : i32
    %c0_i32_0 = arith.constant 0 : i32
    %c0_i32_1 = arith.constant 0 : i32
    return %c0_i32, %c0_i32_0 : i32, i32
  }
  func.func @transform_2(%arg0: i32) -> (i32, i32) {
    %c0_i32 = arith.constant 0 : i32
    %c0_i32_0 = arith.constant 0 : i32
    return %arg0, %c0_i32 : i32, i32
  }
}

module attributes {stable_mosaic.version = 14 : i64} {
  func.func @_loss_body(%arg0: memref<2048x128xf32, #tpu.memory_space<vmem>>, %arg1: memref<2048x128xf32, #tpu.memory_space<vmem>>, %arg2: memref<2048x128xf32, #tpu.memory_space<vmem>>, %arg3: memref<8x2048xf32, #tpu.memory_space<vmem>>, %arg4: memref<1x128xf32, #tpu.memory_space<vmem>>) attributes {dimension_semantics = [], scalar_prefetch = 0 : i64, scratch_operands = 0 : i64, tpu.core_type = #tpu.core_type<tc>} {
    %get3A = arith.constant 0 : index
    %get3A_0 = arith.constant 0 : index
    %get3A_1 = vector.load %arg0[%get3A, %get3A_0] : memref<2048x128xf32, #tpu.memory_space<vmem>>, vector<2048x128xf32>
    %get3A_2 = arith.constant 0 : index
    %get3A_3 = arith.constant 0 : index
    %get3A_4 = vector.load %arg1[%get3A_2, %get3A_3] : memref<2048x128xf32, #tpu.memory_space<vmem>>, vector<2048x128xf32>
    %get3A_5 = arith.constant 0 : index
    %get3A_6 = arith.constant 0 : index
    %get3A_7 = vector.load %arg2[%get3A_5, %get3A_6] : memref<2048x128xf32, #tpu.memory_space<vmem>>, vector<2048x128xf32>
    %get3A_8 = arith.constant 0 : index
    %get3A_9 = arith.constant 0 : index
    %get3A_10 = vector.load %arg3[%get3A_8, %get3A_9] : memref<8x2048xf32, #tpu.memory_space<vmem>>, vector<8x2048xf32>
    %iota3A = tpu.iota {dimensions = array<i32: 0>} : vector<128x128xi32>
    %iota3A_11 = tpu.iota {dimensions = array<i32: 1>} : vector<128x128xi32>
    %eq3A = arith.cmpi eq, %iota3A, %iota3A_11 : vector<128x128xi32>
    %lt3A = arith.constant 16 : i32
    %lt3A_12 = vector.broadcast %lt3A : i32 to vector<128x128xi32>
    %lt3A_13 = arith.cmpi slt, %iota3A, %lt3A_12 : vector<128x128xi32>
    %and3A = arith.andi %eq3A, %lt3A_13 : vector<128x128xi1>
    %jit3A = arith.constant 1.000000e+00 : f32
    %jit3A_14 = arith.constant 0.000000e+00 : f32
    %broadcast_in_dim3A = vector.broadcast %jit3A : f32 to vector<128x128xf32>
    %broadcast_in_dim3A_15 = vector.broadcast %jit3A_14 : f32 to vector<128x128xf32>
    %select_n3A = arith.select %and3A, %broadcast_in_dim3A, %broadcast_in_dim3A_15 : vector<128x128xi1>, vector<128x128xf32>
    %convert_element_type3A = arith.truncf %get3A_4 : vector<2048x128xf32> to vector<2048x128xbf16>
    %convert_element_type3A_16 = arith.truncf %get3A_7 : vector<2048x128xf32> to vector<2048x128xbf16>
    %dot_general3A = arith.constant dense<0.000000e+00> : vector<128x128xf32>
    %dot_general3A_17 = tpu.matmul %convert_element_type3A_16, %convert_element_type3A, %dot_general3A {dimension_numbers = #tpu.dot_dimension_numbers<[0], [0], [1], [1], [0, 1, 1, 1], [], []>, transpose_lhs_hint = false} : vector<2048x128xbf16>, vector<2048x128xbf16>, vector<128x128xf32> -> vector<128x128xf32>
    %mul3A = arith.mulf %dot_general3A_17, %select_n3A : vector<128x128xf32>
    %reduce_sum3A = arith.constant dense<0.000000e+00> : vector<128xf32>
    %reduce_sum3A_18 = vector.multi_reduction <add>, %mul3A, %reduce_sum3A [0] : vector<128x128xf32> to vector<128xf32>
    %broadcast_in_dim3A_19 = vector.shape_cast %reduce_sum3A_18 : vector<128xf32> to vector<1x128xf32>
    %reduce_sum3A_20 = arith.constant dense<0.000000e+00> : vector<2048xf32>
    %reduce_sum3A_21 = vector.multi_reduction <add>, %get3A_10, %reduce_sum3A_20 [0] : vector<8x2048xf32> to vector<2048xf32>
    %broadcast_in_dim3A_22 = vector.shape_cast %reduce_sum3A_21 : vector<2048xf32> to vector<1x2048xf32>
    %convert_element_type3A_23 = arith.truncf %broadcast_in_dim3A_22 : vector<1x2048xf32> to vector<1x2048xbf16>
    %dot_general3A_24 = arith.constant dense<0.000000e+00> : vector<1x128xf32>
    %dot_general3A_25 = tpu.matmul %convert_element_type3A_23, %convert_element_type3A, %dot_general3A_24 {dimension_numbers = #tpu.dot_dimension_numbers<[1], [0], [0], [1], [0, 0, 1, 1], [], []>, transpose_lhs_hint = false} : vector<1x2048xbf16>, vector<2048x128xbf16>, vector<1x128xf32> -> vector<1x128xf32>
    %mul3A_26 = arith.mulf %dot_general3A_25, %dot_general3A_25 : vector<1x128xf32>
    %mul3A_27 = arith.constant 5.000000e-01 : f32
    %mul3A_28 = vector.broadcast %mul3A_27 : f32 to vector<1x128xf32>
    %mul3A_29 = arith.mulf %mul3A_26, %mul3A_28 : vector<1x128xf32>
    %mul3A_30 = arith.constant 6.10351563E-5 : f32
    %mul3A_31 = vector.broadcast %mul3A_30 : f32 to vector<1x128xf32>
    %mul3A_32 = arith.mulf %mul3A_29, %mul3A_31 : vector<1x128xf32>
    %sub3A = arith.subf %broadcast_in_dim3A_19, %mul3A_32 : vector<1x128xf32>
    %reduce_sum3A_33 = vector.shape_cast %sub3A : vector<1x128xf32> to vector<1x1x128xf32>
    %reduce_sum3A_34 = arith.constant dense<0.000000e+00> : vector<1xf32>
    %reduce_sum3A_35 = vector.multi_reduction <add>, %reduce_sum3A_33, %reduce_sum3A_34 [1, 2] : vector<1x1x128xf32> to vector<1xf32>
    %reduce_sum3A_36 = vector.shape_cast %reduce_sum3A_35 : vector<1xf32> to vector<1x1x1xf32>
    %reduce_sum3A_37 = vector.extract %reduce_sum3A_36[0, 0, 0] : f32 from vector<1x1x1xf32>
    %neg3A = arith.constant 0.000000e+00 : f32
    %neg3A_38 = arith.subf %neg3A, %reduce_sum3A_37 : f32
    %mul3A_39 = arith.constant 5.000000e-01 : f32
    %mul3A_40 = arith.mulf %neg3A_38, %mul3A_39 : f32
    %mul3A_41 = arith.constant 6.10351563E-5 : f32
    %mul3A_42 = arith.mulf %mul3A_40, %mul3A_41 : f32
    %dot_general3A_43 = arith.constant dense<0.000000e+00> : vector<128x128xf32>
    %dot_general3A_44 = tpu.matmul %get3A_1, %get3A_1, %dot_general3A_43 {dimension_numbers = #tpu.dot_dimension_numbers<[0], [0], [1], [1], [0, 1, 1, 1], [], []>, transpose_lhs_hint = false} : vector<2048x128xf32>, vector<2048x128xf32>, vector<128x128xf32> -> vector<128x128xf32>
    %reduce_sum3A_45 = arith.constant dense<0.000000e+00> : vector<128xf32>
    %reduce_sum3A_46 = vector.multi_reduction <add>, %get3A_1, %reduce_sum3A_45 [0] : vector<2048x128xf32> to vector<128xf32>
    %broadcast_in_dim3A_47 = vector.shape_cast %reduce_sum3A_46 : vector<128xf32> to vector<1x128xf32>
    %mul3A_48 = arith.mulf %dot_general3A_44, %dot_general3A_44 : vector<128x128xf32>
    %reduce_sum3A_49 = vector.shape_cast %mul3A_48 : vector<128x128xf32> to vector<1x128x128xf32>
    %reduce_sum3A_50 = arith.constant dense<0.000000e+00> : vector<1xf32>
    %reduce_sum3A_51 = vector.multi_reduction <add>, %reduce_sum3A_49, %reduce_sum3A_50 [1, 2] : vector<1x128x128xf32> to vector<1xf32>
    %reduce_sum3A_52 = vector.shape_cast %reduce_sum3A_51 : vector<1xf32> to vector<1x1x1xf32>
    %reduce_sum3A_53 = vector.extract %reduce_sum3A_52[0, 0, 0] : f32 from vector<1x1x1xf32>
    %sqrt3A = math.sqrt %reduce_sum3A_53 : f32
    %div3A = vector.broadcast %sqrt3A : f32 to vector<128x128xf32>
    %div3A_54 = arith.divf %dot_general3A_44, %div3A : vector<128x128xf32>
    %mul3A_55 = arith.constant 2.500000e-01 : f32
    %mul3A_56 = vector.broadcast %mul3A_55 : f32 to vector<128x128xf32>
    %mul3A_57 = arith.mulf %select_n3A, %mul3A_56 : vector<128x128xf32>
    %sub3A_58 = arith.subf %div3A_54, %mul3A_57 : vector<128x128xf32>
    %mul3A_59 = arith.mulf %sub3A_58, %sub3A_58 : vector<128x128xf32>
    %reduce_sum3A_60 = vector.shape_cast %mul3A_59 : vector<128x128xf32> to vector<1x128x128xf32>
    %reduce_sum3A_61 = arith.constant dense<0.000000e+00> : vector<1xf32>
    %reduce_sum3A_62 = vector.multi_reduction <add>, %reduce_sum3A_60, %reduce_sum3A_61 [1, 2] : vector<1x128x128xf32> to vector<1xf32>
    %reduce_sum3A_63 = vector.shape_cast %reduce_sum3A_62 : vector<1xf32> to vector<1x1x1xf32>
    %reduce_sum3A_64 = vector.extract %reduce_sum3A_63[0, 0, 0] : f32 from vector<1x1x1xf32>
    %sqrt3A_65 = math.sqrt %reduce_sum3A_64 : f32
    %mul3A_66 = arith.mulf %broadcast_in_dim3A_47, %broadcast_in_dim3A_47 : vector<1x128xf32>
    %reduce_sum3A_67 = vector.shape_cast %mul3A_66 : vector<1x128xf32> to vector<1x1x128xf32>
    %reduce_sum3A_68 = arith.constant dense<0.000000e+00> : vector<1xf32>
    %reduce_sum3A_69 = vector.multi_reduction <add>, %reduce_sum3A_67, %reduce_sum3A_68 [1, 2] : vector<1x1x128xf32> to vector<1xf32>
    %reduce_sum3A_70 = vector.shape_cast %reduce_sum3A_69 : vector<1xf32> to vector<1x1x1xf32>
    %reduce_sum3A_71 = vector.extract %reduce_sum3A_70[0, 0, 0] : f32 from vector<1x1x1xf32>
    %sqrt3A_72 = math.sqrt %reduce_sum3A_71 : f32
    %mul3A_73 = arith.constant 0.001953125 : f32
    %mul3A_74 = arith.mulf %sqrt3A_72, %mul3A_73 : f32
    %sub3A_75 = arith.constant 1.000000e+00 : f32
    %sub3A_76 = arith.subf %mul3A_74, %sub3A_75 : f32
    %iota3A_77 = tpu.iota {dimensions = array<i32: 1>} : vector<1x128xi32>
    %eq3A_78 = arith.constant 0 : i32
    %eq3A_79 = vector.broadcast %eq3A_78 : i32 to vector<1x128xi32>
    %eq3A_80 = arith.cmpi eq, %iota3A_77, %eq3A_79 : vector<1x128xi32>
    %eq3A_81 = arith.constant 1 : i32
    %eq3A_82 = vector.broadcast %eq3A_81 : i32 to vector<1x128xi32>
    %eq3A_83 = arith.cmpi eq, %iota3A_77, %eq3A_82 : vector<1x128xi32>
    %eq3A_84 = arith.constant 2 : i32
    %eq3A_85 = vector.broadcast %eq3A_84 : i32 to vector<1x128xi32>
    %eq3A_86 = arith.cmpi eq, %iota3A_77, %eq3A_85 : vector<1x128xi32>
    %jit3A_87 = arith.constant 0.000000e+00 : f32
    %broadcast_in_dim3A_88 = vector.broadcast %sub3A_76 : f32 to vector<1x128xf32>
    %broadcast_in_dim3A_89 = vector.broadcast %jit3A_87 : f32 to vector<1x128xf32>
    %select_n3A_90 = arith.select %eq3A_86, %broadcast_in_dim3A_88, %broadcast_in_dim3A_89 : vector<1x128xi1>, vector<1x128xf32>
    %broadcast_in_dim3A_91 = vector.broadcast %sqrt3A_65 : f32 to vector<1x128xf32>
    %select_n3A_92 = arith.select %eq3A_83, %broadcast_in_dim3A_91, %select_n3A_90 : vector<1x128xi1>, vector<1x128xf32>
    %broadcast_in_dim3A_93 = vector.broadcast %mul3A_42 : f32 to vector<1x128xf32>
    %select_n3A_94 = arith.select %eq3A_80, %broadcast_in_dim3A_93, %select_n3A_92 : vector<1x128xi1>, vector<1x128xf32>
    %swap3A = arith.constant 0 : index
    %swap3A_95 = arith.constant 0 : index
    %swap3A_96 = vector.load %arg4[%swap3A, %swap3A_95] : memref<1x128xf32, #tpu.memory_space<vmem>>, vector<1x128xf32>
    tpu.vector_store %arg4[%swap3A, %swap3A_95], %select_n3A_94 {strides = array<i32>} : memref<1x128xf32, #tpu.memory_space<vmem>>, vector<1x128xf32>,
    return
  }
}

</mosaic_0001>

<sc_bundles>
// kernel: kernel.8.cloned.1.call-start
scs
__scs_entry_jumppad:
0x0: {  	(pc) =	sbr.rel $0x88, $3  }
0x1: {  	(tag) =	ssettag $0x0;
	lr =	simm.s32 $0x1  }
0x2: {  	[smem:$0x3F97] =	sst lr;
	_ =	strace $0xD0000000  }
0x3: {  	_ = 	snop  }
0x4: {  	_ = 	snop  }
0x5: {  	_ = 	snop  }
0x6: {  	_ = 	snop  }
0x7: {  	_ = 	snop  }
__scs_overlays_trampoline_lowered:
0x8: {  	[smem:$0x3FA6] =	sst s0  }
0x9: {  	[smem:$0x3FA7] =	sst s1  }
0xa: {  	[smem:$0x3FA8] =	sst s2  }
0xb: {  	[smem:$0x3FA9] =	sst s3  }
0xc: {  	[smem:$0x3FAA] =	sst s4  }
0xd: {  	[smem:$0x3FAB] =	sst s5  }
0xe: {  	[smem:$0x3FAC] =	sst s6  }
0xf: {  	[smem:$0x3FAD] =	sst s7  }
0x10: {  	[smem:$0x3FAE] =	sst s8  }
0x11: {  	[smem:$0x3FAF] =	sst s9;
	s0 =	simm.s32 @!p0 $0x0  }
0x12: {  	s1 =	sld [smem:$0x3F95];
	s0 =	simm.s32 @p0 $0x1  }
0x13: {  	[smem:$0x3FB0] =	sst s0;
	s0 =	simm.s32 @!p1 $0x0  }
0x14: {  	s2 =	sld [smem:$0x3F94];
	s0 =	simm.s32 @p1 $0x1  }
0x15: {  	[smem:$0x3FB1] =	sst s0;
	s0 =	simm.s32 @!p2 $0x0  }
0x16: {  	s3 =	sld [smem:$0x3FDB];
	s0 =	simm.s32 @p2 $0x1  }
0x17: {  	s4 =	simm.s32 $0x1BF5;
	[smem:$0x3FB3] =	sst s0  }
0x18: {  	s0 =	sld [smem:$0x3F96];
	_ =	swait.ge [sflag:s4], $0x0  }
0x19: {  	s7 =	sld [smem:$0x3F97]  }
0x1a: {  	s8 =	sadd.s32 $0xFFFFE003, lr  }
0x1b: {  	s9 =	sadd.s32 $0xFFFFFEF7, lr;
	s5 =	simm.s32 $0xFFFFFFFF;
	p2 =	slt.u32 s8, $0xFFFFF086  }
0x1c: {  	p1 =	slt.u32 s9, $0xF7A;
	s5 =	simm.s32 @!p2 $0x0  }
0x1d: {  	s5 =	simm.s32 @p1 $0x1;
	p0 =	seq.s32 s7, s2  }
0x1e: {  	s7 =	smul.u32 @!p0 $0xF7A, s2;
	p2 =	seq.s32 @!p0 s5, $0x0  }
0x1f: {  	s9 =	smul.u32 $0xF7A, s1;
	s8 =	simm.s32 @!p0 $0x1BF5;
	p2 =	por !p2, p0  }
0x20: {  	[sflag:s8] =	ssyncset.s32 @!p0 $0xFFFFF086;
	s6 =	sadd.s32 @!p0 s3, s7;
	s7 =	simm.s32 @!p0 $0x108  }
0x21: {  	s3 =	sadd.s32 s3, s9;
	s6 =	sadd.s32 @!p0 $0x88, s6;
	s7 =	simm.s32 @p2 $0x1082  }
0x22: {  	[simem:s7], [sflag:s8] =	dma.local @!p0 [hbm:s6], $0xF7A  }
0x23: {  	s9 =	sor.u32 $0xD0000000, s2;
	s6 =	simm.s32 $0x108;
	_ =	swait.ge @!p0 [sflag:s8], $0x0  }
0x24: {  	s3 =	sadd.s32 $0x88, s3;
	s6 =	simm.s32 @!p1 $0x1082;
	[sflag:s4] =	ssyncset.s32 $0xFFFFF086  }
0x25: {  	[simem:s6], [sflag:s4] =	dma.local [hbm:s3], $0xF7A  }
0x26: {  	[smem:$0x3F97] =	sst s1;
	(tag) =	ssettag s2;
	_ =	strace s9  }
0x27: {  	s1 =	sld [smem:$0x3FA7]  }
0x28: {  	s2 =	sld [smem:$0x3FA8]  }
0x29: {  	s4 =	sld [smem:$0x3FAA]  }
0x2a: {  	p0 =	seq.s32 s5, $0x0;
	s5 =	sld [smem:$0x3FAB]  }
0x2b: {  	s6 =	sld [smem:$0x3FAC]  }
0x2c: {  	s7 =	sld [smem:$0x3FAD]  }
0x2d: {  	s3 =	simm.s32 $0x108;
	s8 =	sld [smem:$0x3FAE]  }
0x2e: {  	s3 =	simm.s32 @!p0 $0x1082;
	s9 =	sld [smem:$0x3FAF]  }
0x2f: {  	lr =	sadd.s32 s0, s3;
	s0 =	sld [smem:$0x3FA6]  }
0x30: {  	s3 =	sld [smem:$0x3FA9]  }
0x31: {  	[smem:$0x3FB2] =	sst s10  }
0x32: {  	s10 =	sld [smem:$0x3FB0];
	_ =	sdelay $0x3  }
0x33: {  	p0 =	seq.s32 s10, $0x1;
	s10 =	sld [smem:$0x3FB2];
	_ =	sdelay $0x3  }
0x34: {  	[smem:$0x3FB2] =	sst s10  }
0x35: {  	s10 =	sld [smem:$0x3FB1];
	_ =	sdelay $0x3  }
0x36: {  	p1 =	seq.s32 s10, $0x1;
	s10 =	sld [smem:$0x3FB2];
	_ =	sdelay $0x3  }
0x37: {  	[smem:$0x3FB2] =	sst s10  }
0x38: {  	s10 =	sld [smem:$0x3FB3]  }
0x39: {  	_ = 	snop;
	(pc) =	sbr.ind lr, $3  }
0x3a: {  	_ = 	snop  }
0x3b: {  	_ = 	snop  }
0x3c: {  	p2 =	seq.s32 s10, $0x1;
	s10 =	sld [smem:$0x3FB2]  }
0x3d: {  	_ =	shalt  }
0x3e: {  	_ =	shalt  }
0x3f: {  	_ =	shalt  }
0x40: {  	_ =	shalt  }
0x41: {  	_ =	shalt  }
0x42: {  	_ =	shalt  }
0x43: {  	_ =	shalt  }
0x44: {  	_ =	shalt  }
0x45: {  	_ =	shalt  }
0x46: {  	_ =	shalt  }
0x47: {  	_ =	shalt  }
0x48: {  	_ =	shalt  }
0x49: {  	_ =	shalt  }
0x4a: {  	_ =	shalt  }
0x4b: {  	_ =	shalt  }
0x4c: {  	_ =	shalt  }
0x4d: {  	_ =	shalt  }
0x4e: {  	_ =	shalt  }
0x4f: {  	_ =	shalt  }
0x50: {  	_ =	shalt  }
0x51: {  	_ =	shalt  }
0x52: {  	_ =	shalt  }
0x53: {  	_ =	shalt  }
0x54: {  	_ =	shalt  }
0x55: {  	_ =	shalt  }
0x56: {  	_ =	shalt  }
0x57: {  	_ =	shalt  }
0x58: {  	_ =	shalt  }
0x59: {  	_ =	shalt  }
0x5a: {  	_ =	shalt  }
0x5b: {  	_ =	shalt  }
0x5c: {  	_ =	shalt  }
0x5d: {  	_ =	shalt  }
0x5e: {  	_ =	shalt  }
0x5f: {  	_ =	shalt  }
0x60: {  	_ =	shalt  }
0x61: {  	_ =	shalt  }
0x62: {  	_ =	shalt  }
0x63: {  	_ =	shalt  }
0x64: {  	_ =	shalt  }
0x65: {  	_ =	shalt  }
0x66: {  	_ =	shalt  }
0x67: {  	_ =	shalt  }
0x68: {  	_ =	shalt  }
0x69: {  	_ =	shalt  }
0x6a: {  	_ =	shalt  }
0x6b: {  	_ =	shalt  }
0x6c: {  	_ =	shalt  }
0x6d: {  	_ =	shalt  }
0x6e: {  	_ =	shalt  }
0x6f: {  	_ =	shalt  }
0x70: {  	_ =	shalt  }
0x71: {  	_ =	shalt  }
0x72: {  	_ =	shalt  }
0x73: {  	_ =	shalt  }
0x74: {  	_ =	shalt  }
0x75: {  	_ =	shalt  }
0x76: {  	_ =	shalt  }
0x77: {  	_ =	shalt  }
0x78: {  	_ =	shalt  }
0x79: {  	_ =	shalt  }
0x7a: {  	_ =	shalt  }
0x7b: {  	_ =	shalt  }
0x7c: {  	_ =	shalt  }
0x7d: {  	_ =	shalt  }
0x7e: {  	_ =	shalt  }
0x7f: {  	_ =	shalt  }
0x80: {  	_ =	shalt  }
0x81: {  	_ =	shalt  }
0x82: {  	_ =	shalt  }
0x83: {  	_ =	shalt  }
0x84: {  	_ =	shalt  }
0x85: {  	_ =	shalt  }
0x86: {  	_ =	shalt  }
0x87: {  	_ =	shalt  }
.Lfunc_end0:
.L_simem_size_0:
called_computation_lowered:
.L_overlay_start_0:
0x88: {  	s2 =	sld [smem:$0x3FD9]  }
0x89: {  	s3 =	sld [smem:$0x3FFE];
	_ =	sdelay $0x1  }
0x8a: {  	s1 =	srdreg.scid  }
0x8b: {  	s0 =	sand.u32 $0x1, s1  }
0x8c: {  	s14 =	sshll.u32 s0, $0xA;
	s2 =	sadd.s32 s3, s2  }
0x8d: {  	s2 =	sadd.s32 s2, s14  }
0x8e: {  	[smem:$0x3FBE] =	sst s2  }
0x8f: {  	_ = 	snop  }
0x90: {  	s2 =	sld [smem:$0x3FD0];
	_ =	sdelay $0x2  }
0x91: {  	s15 =	simm.s32 $0xA;
	s4 =	simm.s32 $0x10  }
0x92: {  	[smem:s4], [sflag:s15] =	dma.local [hbm:s2], $0x1  }
0x93: {  	_ =	swait.eq [sflag:s15], $0x1  }
0x94: {  	[sflag:s15] =	ssyncset.done $0x0  }
0x95: {  	[sflag:s15] =	ssyncadd.s32 $0xFFFFFFFF  }
0x96: {  	s16 =	sld [smem:$0x10];
	(tm) =	ssettm $0x1  }
0x97: {  	s17 =	sld [smem:$0x3FFB];
	_ =	sdelay $0x3  }
0x98: {  	_ =	strace s17  }
0x99: {  	s3 =	sld [smem:$0x3FFC];
	_ =	sdelay $0x3  }
0x9a: {  	_ =	strace s3  }
0x9b: {  	s3 =	sld [smem:$0x3FFD];
	_ =	sdelay $0x3  }
0x9c: {  	_ =	strace s3  }
0x9d: {  	_ =	strace $0x8FFFFFFF  }
0x9e: {  	s18 =	sld [smem:$0x3FDB];
	_ =	sdelay $0x1  }
0x9f: {  	s19 =	simm.s32 $_scs_section_size  }
0xa0: {  	s5 =	simm.s32 $_size__tile_overlayer_lowered;
	s6 =	simm.s32 $_tile_overlayer_lowered  }
0xa1: {  	s22 =	simm.s32 $0x1BFF;
	s21 =	sshll.u32 s6, $0x1;
	s3 =	sadd.s32 s19, s18  }
0xa2: {  	s7 =	simm.s32 $0x0;
	s20 =	sshll.u32 s5, $0x1;
	s5 =	sadd.s32 s21, s3  }
0xa3: {  	[timem:s7], [sflag:s22] =	dma.local [hbm:s5], s20  }
0xa4: {  	_ =	swait.ge [sflag:s22], s20  }
0xa5: {  	s4 =	ssub.s32 $0x0, s20;
	[sflag:s22] =	ssyncset.done $0x0  }
0xa6: {  	[sflag:s22] =	ssyncadd.s32 s4;
	_ =	sdelay $0x1  }
0xa7: {  	s23 =	simm.s32 $0x1B8B  }
0xa8: {  	_ =	swait.ge [sflag:s23], $0x1  }
0xa9: {  	[sflag:s23] =	ssyncset.done $0x0  }
0xaa: {  	s25 =	simm.s32 $0x1B8E;
	s24 =	sld [smem:$0x3FFE];
	[sflag:s23] =	ssyncadd.s32 $0xFFFFFFFF  }
0xab: {  	s26 =	simm.s32 $execute0_lowered;
	[smem:$0x3FD2] =	sst s25  }
0xac: {  	s5 =	sshll.u32 s26, $0x1;
	_ =	strace $0x80000046;
	[dreg:$0x1] =	wrdreg $0xFFFFFFFF  }
0xad: {  	s28 =	simm.s32 $_size_execute0_lowered;
	s3 =	sadd.s32 s3, s5;
	[dreg:$0x0] =	wrdreg $0x0  }
0xae: {  	s5 =	sshll.u32 s28, $0x1;
	[dreg:$0x2] =	wrdreg s3  }
0xaf: {  	[dreg:$0x3] =	wrdreg s5  }
0xb0: {  	[dreg:$0x4] =	wrdreg $0xC0  }
0xb1: {  	_ =	task [dreg:s7], $0x5FFFF  }
0xb2: {  	[dreg:$0x1] =	wrdreg $0xFFFFFFFF  }
0xb3: {  	[dreg:$0x0] =	wrdreg $0x60  }
0xb4: {  	[dreg:$0x2] =	wrdreg s24  }
0xb5: {  	[dreg:$0x3] =	wrdreg s16  }
0xb6: {  	[dreg:$0x4] =	wrdreg $0x9  }
0xb7: {  	_ =	task.clear_ibuf [dreg:s7], $0x5FFFF;
	_ =	strace $0x90000046  }
0xb8: {  	s29 =	simm.s32 $0x9;
	_ =	strace $0x80000048  }
0xb9: {  	_ =	swait.ge [sflag:s29], $0x1  }
0xba: {  	[sflag:s29] =	ssyncadd.s32 $0xFFFFFFFF  }
0xbb: {  	_ =	strace $0x90000048  }
0xbc: {  	_ =	sfence  }
0xbd: {  	s30 =	sld [smem:$0x0];
	_ =	sdelay $0x2  }
0xbe: {  	s31 =	sshll.u32 s1, $0xD;
	s1 =	sshrl.u32 s1, $0x2  }
0xbf: {  	s3 =	sand.u32 $0x4000, s31;
	s1 =	sadd.s32 s1, s30  }
0xc0: {  	s0 =	sor.u32 s3, s0;
	s1 =	sshll.u32 s1, $0x11  }
0xc1: {  	s0 =	sor.u32 s1, s0  }
0xc2: {  	s0 =	sadd.s32 $0x8F2B, s0  }
0xc3: {  	[sflag:s0] =	ssyncadd.remote.s32 $0x1  }
0xc4: {  	_ =	sfence.sel $0xFFFF  }
0xc5: {  	[dreg:$0x0] =	wrdreg $0xFFFFFFFF;
	(pc) =	sbr.abs _section_cstart, $3  }
0xc6: {  	[dreg:$0x1] =	wrdreg $0xFFFFFFFF  }
0xc7: {  	_ =	task.clear_ibuf [dreg:s7], $0x2FFFF;
	_ =	strace $0x9FFFFFFF  }
0xc8: {  	(tm) =	ssettm $0x7FFFFFFF  }
0xc9: {  	_ =	shalt  }
tec
execute0_lowered:
.L_overlay_start_1:
0x0: {  	(tag) =	ssettag $0x1  }
0x1: {  	s4 =	rddreg [dreg:$0x0]  }
0x2: {  	s5 =	rddreg [dreg:$0x1]  }
0x3: {  	s0 =	rddreg [dreg:$0x2]  }
0x4: {  	s2 =	simm.s32 $0x0;
	s3 =	srdreg.scid;
	s1 =	stileid.u32  }
0x5: {  	s10 =	simm.s32 $0x1;
	s11 =	simm.s32 $0x10200;
	s12 =	simm.s32 $0x0  }
0x6: {  	[smem:$0x7FF] =	sst s2;
	s6 =	sand.u32 $0x1, s3;
	s7 =	sshll.u32 s1, $0x1  }
0x7: {  	s3 =	sadd.s32 $0x1800, s4;
	_ =	strace $0x80000047;
	s7 =	sor.u32 s6, s7  }
0x8: {  	s6 =	ssub.s32 $0x2, s6;
	s8 =	sshll.u32 s7, $0xA;
	s7 =	sshll.u32 s7, $0x7  }
0x9: {  	s9 =	sshrl.u32 s6, $0x1;
	s8 =	sadd.s32 s8, s4;
	s4 =	sadd.s32 s5, s7  }
0xa: {  	s31 =	ssub.s32 s6, s9;
	s9 =	simm.s32 $0x200;
	s5 =	sadd.s32 $0x40, s4  }
0xb: {  	s6 =	sadd.s32 $0x9800, s8;
	s7 =	smax.u32 s31, $0x1;
	s8 =	simm.s32 $0x2  }
.LBB2_1:
0xc: {  	[tilespmem:s2], [sflag:$0x2] =	stream.linear.gather [hbm4b:s4+s2], $0x200, $0x38;
	[tilespmem:$0x12200] =	vst v63  }
0xd: {  	_ =	swait.ge [sflag:s8], $0x200  }
0xe: {  	[sflag:s8] =	ssyncset.done $0x0  }
0xf: {  	[sflag:s8] =	ssyncadd.s32 $0xFFFFFE00  }
0x10: {  	[tilespmem:s9], [sflag:$0x1] =	stream.indirect.gather [hbm4b:s3+s9], $0x80, s2, s9, $0xb8;
	[tilespmem:$0x12200] =	vst v63  }
0x11: {  	_ =	swait.ge [sflag:s10], $0x10000  }
0x12: {  	[sflag:s10] =	ssyncset.done $0x0  }
0x13: {  	s13 =	simm.s32 $0x600;
	[sflag:s10] =	ssyncadd.s32 $0xFFFF0000  }
0x14: {  	v0 =	vld [tilespmem:s13+$0xFFFFFC80]  }
0x15: {  	v1 =	vld [tilespmem:s13+$0xFFFFFC00];
	_ =	sdelay $0x1  }
0x16: {  	v2 =	vld [tilespmem:s13+$0xFFFFFD00];
	_ =	sdelay $0x1  }
0x17: {  	v3 =	vld [tilespmem:s13+$0xFFFFFD80]  }
0x18: {  	v0 =	vadd.f32 v0, v1  }
0x19: {  	v1 =	vld [tilespmem:s13+$0xFFFFFE00]  }
0x1a: {  	v0 =	vadd.f32 v2, v0  }
0x1b: {  	v2 =	vld [tilespmem:s13+$0xFFFFFE80]  }
0x1c: {  	v0 =	vadd.f32 v3, v0  }
0x1d: {  	v3 =	vld [tilespmem:s13+$0xFFFFFF00]  }
0x1e: {  	v0 =	vadd.f32 v1, v0  }
0x1f: {  	v1 =	vld [tilespmem:s13+$0xFFFFFF80]  }
0x20: {  	v0 =	vadd.f32 v2, v0  }
0x21: {  	v2 =	vld [tilespmem:s13+$0x0]  }
0x22: {  	v0 =	vadd.f32 v3, v0  }
0x23: {  	v3 =	vld [tilespmem:s13+$0x80]  }
0x24: {  	v0 =	vadd.f32 v1, v0  }
0x25: {  	v1 =	vld [tilespmem:s13+$0x100]  }
0x26: {  	v0 =	vadd.f32 v2, v0  }
0x27: {  	v2 =	vld [tilespmem:s13+$0x180]  }
0x28: {  	v0 =	vadd.f32 v3, v0  }
0x29: {  	v3 =	vld [tilespmem:s13+$0x200]  }
0x2a: {  	v0 =	vadd.f32 v1, v0  }
0x2b: {  	v1 =	vld [tilespmem:s13+$0x280]  }
0x2c: {  	v0 =	vadd.f32 v2, v0  }
0x2d: {  	v2 =	vld [tilespmem:s13+$0x300]  }
0x2e: {  	v0 =	vadd.f32 v3, v0  }
0x2f: {  	v3 =	vld [tilespmem:s13+$0x380]  }
0x30: {  	v0 =	vadd.f32 v1, v0;
	_ =	sdelay $0x1  }
0x31: {  	v0 =	vadd.f32 v2, v0;
	_ =	sdelay $0x1  }
0x32: {  	v0 =	vadd.f32 v3, v0  }
0x33: {  	s14 =	simm.s32 $0x0  }
0x34: {  	[tilespmem:s14+$0x10200] =	vst v0  }
0x35: {  	v0 =	vld [tilespmem:s13+$0xFFFFFC10]  }
0x36: {  	v1 =	vld [tilespmem:s13+$0xFFFFFC90];
	_ =	sdelay $0x1  }
0x37: {  	v2 =	vld [tilespmem:s13+$0xFFFFFD10];
	_ =	sdelay $0x1  }
0x38: {  	v3 =	vld [tilespmem:s13+$0xFFFFFD90]  }
0x39: {  	v0 =	vadd.f32 v1, v0  }
0x3a: {  	v1 =	vld [tilespmem:s13+$0xFFFFFE10]  }
0x3b: {  	v0 =	vadd.f32 v2, v0  }
0x3c: {  	v2 =	vld [tilespmem:s13+$0xFFFFFE90]  }
0x3d: {  	v0 =	vadd.f32 v3, v0  }
0x3e: {  	v3 =	vld [tilespmem:s13+$0xFFFFFF10]  }
0x3f: {  	v0 =	vadd.f32 v1, v0  }
0x40: {  	v1 =	vld [tilespmem:s13+$0xFFFFFF90]  }
0x41: {  	v0 =	vadd.f32 v2, v0  }
0x42: {  	v2 =	vld [tilespmem:s13+$0x10]  }
0x43: {  	v0 =	vadd.f32 v3, v0  }
0x44: {  	v3 =	vld [tilespmem:s13+$0x90]  }
0x45: {  	v0 =	vadd.f32 v1, v0  }
0x46: {  	v1 =	vld [tilespmem:s13+$0x110]  }
0x47: {  	v0 =	vadd.f32 v2, v0  }
0x48: {  	v2 =	vld [tilespmem:s13+$0x190]  }
0x49: {  	v0 =	vadd.f32 v3, v0  }
0x4a: {  	v3 =	vld [tilespmem:s13+$0x210]  }
0x4b: {  	v0 =	vadd.f32 v1, v0  }
0x4c: {  	v1 =	vld [tilespmem:s13+$0x290]  }
0x4d: {  	v0 =	vadd.f32 v2, v0  }
0x4e: {  	v2 =	vld [tilespmem:s13+$0x310]  }
0x4f: {  	v0 =	vadd.f32 v3, v0  }
0x50: {  	v3 =	vld [tilespmem:s13+$0x390]  }
0x51: {  	v0 =	vadd.f32 v1, v0;
	_ =	sdelay $0x1  }
0x52: {  	v0 =	vadd.f32 v2, v0;
	_ =	sdelay $0x1  }
0x53: {  	v0 =	vadd.f32 v3, v0;
	_ =	sdelay $0x1  }
0x54: {  	[tilespmem:s14+$0x10210] =	vst v0  }
0x55: {  	v0 =	vld [tilespmem:s13+$0xFFFFFC20]  }
0x56: {  	v1 =	vld [tilespmem:s13+$0xFFFFFCA0];
	_ =	sdelay $0x1  }
0x57: {  	v2 =	vld [tilespmem:s13+$0xFFFFFD20];
	_ =	sdelay $0x1  }
0x58: {  	v3 =	vld [tilespmem:s13+$0xFFFFFDA0]  }
0x59: {  	v0 =	vadd.f32 v1, v0  }
0x5a: {  	v1 =	vld [tilespmem:s13+$0xFFFFFE20]  }
0x5b: {  	v0 =	vadd.f32 v2, v0  }
0x5c: {  	v2 =	vld [tilespmem:s13+$0xFFFFFEA0]  }
0x5d: {  	v0 =	vadd.f32 v3, v0  }
0x5e: {  	v3 =	vld [tilespmem:s13+$0xFFFFFF20]  }
0x5f: {  	v0 =	vadd.f32 v1, v0  }
0x60: {  	v1 =	vld [tilespmem:s13+$0xFFFFFFA0]  }
0x61: {  	v0 =	vadd.f32 v2, v0  }
0x62: {  	v2 =	vld [tilespmem:s13+$0x20]  }
0x63: {  	v0 =	vadd.f32 v3, v0  }
0x64: {  	v3 =	vld [tilespmem:s13+$0xA0]  }
0x65: {  	v0 =	vadd.f32 v1, v0  }
0x66: {  	v1 =	vld [tilespmem:s13+$0x120]  }
0x67: {  	v0 =	vadd.f32 v2, v0  }
0x68: {  	v2 =	vld [tilespmem:s13+$0x1A0]  }
0x69: {  	v0 =	vadd.f32 v3, v0  }
0x6a: {  	v3 =	vld [tilespmem:s13+$0x220]  }
0x6b: {  	v0 =	vadd.f32 v1, v0  }
0x6c: {  	v1 =	vld [tilespmem:s13+$0x2A0]  }
0x6d: {  	v0 =	vadd.f32 v2, v0  }
0x6e: {  	v2 =	vld [tilespmem:s13+$0x320]  }
0x6f: {  	v0 =	vadd.f32 v3, v0  }
0x70: {  	v3 =	vld [tilespmem:s13+$0x3A0]  }
0x71: {  	v0 =	vadd.f32 v1, v0;
	_ =	sdelay $0x1  }
0x72: {  	v0 =	vadd.f32 v2, v0;
	_ =	sdelay $0x1  }
0x73: {  	v0 =	vadd.f32 v3, v0;
	_ =	sdelay $0x1  }
0x74: {  	[tilespmem:s14+$0x10220] =	vst v0  }
0x75: {  	v0 =	vld [tilespmem:s13+$0xFFFFFC30]  }
0x76: {  	v1 =	vld [tilespmem:s13+$0xFFFFFCB0];
	_ =	sdelay $0x1  }
0x77: {  	v2 =	vld [tilespmem:s13+$0xFFFFFD30];
	_ =	sdelay $0x1  }
0x78: {  	v3 =	vld [tilespmem:s13+$0xFFFFFDB0]  }
0x79: {  	v0 =	vadd.f32 v1, v0  }
0x7a: {  	v1 =	vld [tilespmem:s13+$0xFFFFFE30]  }
0x7b: {  	v0 =	vadd.f32 v2, v0  }
0x7c: {  	v2 =	vld [tilespmem:s13+$0xFFFFFEB0]  }
0x7d: {  	v0 =	vadd.f32 v3, v0  }
0x7e: {  	v3 =	vld [tilespmem:s13+$0xFFFFFF30]  }
0x7f: {  	v0 =	vadd.f32 v1, v0  }
0x80: {  	v1 =	vld [tilespmem:s13+$0xFFFFFFB0]  }
0x81: {  	v0 =	vadd.f32 v2, v0  }
0x82: {  	v2 =	vld [tilespmem:s13+$0x30]  }
0x83: {  	v0 =	vadd.f32 v3, v0  }
0x84: {  	v3 =	vld [tilespmem:s13+$0xB0]  }
0x85: {  	v0 =	vadd.f32 v1, v0  }
0x86: {  	v1 =	vld [tilespmem:s13+$0x130]  }
0x87: {  	v0 =	vadd.f32 v2, v0  }
0x88: {  	v2 =	vld [tilespmem:s13+$0x1B0]  }
0x89: {  	v0 =	vadd.f32 v3, v0  }
0x8a: {  	v3 =	vld [tilespmem:s13+$0x230]  }
0x8b: {  	v0 =	vadd.f32 v1, v0  }
0x8c: {  	v1 =	vld [tilespmem:s13+$0x2B0]  }
0x8d: {  	v0 =	vadd.f32 v2, v0  }
0x8e: {  	v2 =	vld [tilespmem:s13+$0x330]  }
0x8f: {  	v0 =	vadd.f32 v3, v0  }
0x90: {  	v3 =	vld [tilespmem:s13+$0x3B0]  }
0x91: {  	v0 =	vadd.f32 v1, v0;
	_ =	sdelay $0x1  }
0x92: {  	v0 =	vadd.f32 v2, v0;
	_ =	sdelay $0x1  }
0x93: {  	v0 =	vadd.f32 v3, v0;
	_ =	sdelay $0x1  }
0x94: {  	[tilespmem:s14+$0x10230] =	vst v0  }
0x95: {  	v0 =	vld [tilespmem:s13+$0xFFFFFC40]  }
0x96: {  	v1 =	vld [tilespmem:s13+$0xFFFFFCC0];
	_ =	sdelay $0x1  }
0x97: {  	v2 =	vld [tilespmem:s13+$0xFFFFFD40];
	_ =	sdelay $0x1  }
0x98: {  	v3 =	vld [tilespmem:s13+$0xFFFFFDC0]  }
0x99: {  	v0 =	vadd.f32 v1, v0  }
0x9a: {  	v1 =	vld [tilespmem:s13+$0xFFFFFE40]  }
0x9b: {  	v0 =	vadd.f32 v2, v0  }
0x9c: {  	v2 =	vld [tilespmem:s13+$0xFFFFFEC0]  }
0x9d: {  	v0 =	vadd.f32 v3, v0  }
0x9e: {  	v3 =	vld [tilespmem:s13+$0xFFFFFF40]  }
0x9f: {  	v0 =	vadd.f32 v1, v0  }
0xa0: {  	v1 =	vld [tilespmem:s13+$0xFFFFFFC0]  }
0xa1: {  	v0 =	vadd.f32 v2, v0  }
0xa2: {  	v2 =	vld [tilespmem:s13+$0x40]  }
0xa3: {  	v0 =	vadd.f32 v3, v0  }
0xa4: {  	v3 =	vld [tilespmem:s13+$0xC0]  }
0xa5: {  	v0 =	vadd.f32 v1, v0  }
0xa6: {  	v1 =	vld [tilespmem:s13+$0x140]  }
0xa7: {  	v0 =	vadd.f32 v2, v0  }
0xa8: {  	v2 =	vld [tilespmem:s13+$0x1C0]  }
0xa9: {  	v0 =	vadd.f32 v3, v0  }
0xaa: {  	v3 =	vld [tilespmem:s13+$0x240]  }
0xab: {  	v0 =	vadd.f32 v1, v0  }
0xac: {  	v1 =	vld [tilespmem:s13+$0x2C0]  }
0xad: {  	v0 =	vadd.f32 v2, v0  }
0xae: {  	v2 =	vld [tilespmem:s13+$0x340]  }
0xaf: {  	v0 =	vadd.f32 v3, v0  }
0xb0: {  	v3 =	vld [tilespmem:s13+$0x3C0]  }
0xb1: {  	v0 =	vadd.f32 v1, v0;
	_ =	sdelay $0x1  }
0xb2: {  	v0 =	vadd.f32 v2, v0;
	_ =	sdelay $0x1  }
0xb3: {  	v0 =	vadd.f32 v3, v0;
	_ =	sdelay $0x1  }
0xb4: {  	[tilespmem:s14+$0x10240] =	vst v0  }
0xb5: {  	v0 =	vld [tilespmem:s13+$0xFFFFFC50]  }
0xb6: {  	v1 =	vld [tilespmem:s13+$0xFFFFFCD0];
	_ =	sdelay $0x1  }
0xb7: {  	v2 =	vld [tilespmem:s13+$0xFFFFFD50];
	_ =	sdelay $0x1  }
0xb8: {  	v3 =	vld [tilespmem:s13+$0xFFFFFDD0]  }
0xb9: {  	v0 =	vadd.f32 v1, v0  }
0xba: {  	v1 =	vld [tilespmem:s13+$0xFFFFFE50]  }
0xbb: {  	v0 =	vadd.f32 v2, v0  }
0xbc: {  	v2 =	vld [tilespmem:s13+$0xFFFFFED0]  }
0xbd: {  	v0 =	vadd.f32 v3, v0  }
0xbe: {  	v3 =	vld [tilespmem:s13+$0xFFFFFF50]  }
0xbf: {  	v0 =	vadd.f32 v1, v0  }
0xc0: {  	v1 =	vld [tilespmem:s13+$0xFFFFFFD0]  }
0xc1: {  	v0 =	vadd.f32 v2, v0  }
0xc2: {  	v2 =	vld [tilespmem:s13+$0x50]  }
0xc3: {  	v0 =	vadd.f32 v3, v0  }
0xc4: {  	v3 =	vld [tilespmem:s13+$0xD0]  }
0xc5: {  	v0 =	vadd.f32 v1, v0  }
0xc6: {  	v1 =	vld [tilespmem:s13+$0x150]  }
0xc7: {  	v0 =	vadd.f32 v2, v0  }
0xc8: {  	v2 =	vld [tilespmem:s13+$0x1D0]  }
0xc9: {  	v0 =	vadd.f32 v3, v0  }
0xca: {  	v3 =	vld [tilespmem:s13+$0x250]  }
0xcb: {  	v0 =	vadd.f32 v1, v0  }
0xcc: {  	v1 =	vld [tilespmem:s13+$0x2D0]  }
0xcd: {  	v0 =	vadd.f32 v2, v0  }
0xce: {  	v2 =	vld [tilespmem:s13+$0x350]  }
0xcf: {  	v0 =	vadd.f32 v3, v0  }
0xd0: {  	v3 =	vld [tilespmem:s13+$0x3D0]  }
0xd1: {  	v0 =	vadd.f32 v1, v0;
	_ =	sdelay $0x1  }
0xd2: {  	v0 =	vadd.f32 v2, v0;
	_ =	sdelay $0x1  }
0xd3: {  	v0 =	vadd.f32 v3, v0;
	_ =	sdelay $0x1  }
0xd4: {  	[tilespmem:s14+$0x10250] =	vst v0  }
0xd5: {  	v0 =	vld [tilespmem:s13+$0xFFFFFC60]  }
0xd6: {  	v1 =	vld [tilespmem:s13+$0xFFFFFCE0];
	_ =	sdelay $0x1  }
0xd7: {  	v2 =	vld [tilespmem:s13+$0xFFFFFD60];
	_ =	sdelay $0x1  }
0xd8: {  	v3 =	vld [tilespmem:s13+$0xFFFFFDE0]  }
0xd9: {  	v0 =	vadd.f32 v1, v0  }
0xda: {  	v1 =	vld [tilespmem:s13+$0xFFFFFE60]  }
0xdb: {  	v0 =	vadd.f32 v2, v0  }
0xdc: {  	v2 =	vld [tilespmem:s13+$0xFFFFFEE0]  }
0xdd: {  	v0 =	vadd.f32 v3, v0  }
0xde: {  	v3 =	vld [tilespmem:s13+$0xFFFFFF60]  }
0xdf: {  	v0 =	vadd.f32 v1, v0  }
0xe0: {  	v1 =	vld [tilespmem:s13+$0xFFFFFFE0]  }
0xe1: {  	v0 =	vadd.f32 v2, v0  }
0xe2: {  	v2 =	vld [tilespmem:s13+$0x60]  }
0xe3: {  	v0 =	vadd.f32 v3, v0  }
0xe4: {  	v3 =	vld [tilespmem:s13+$0xE0]  }
0xe5: {  	v0 =	vadd.f32 v1, v0  }
0xe6: {  	v1 =	vld [tilespmem:s13+$0x160]  }
0xe7: {  	v0 =	vadd.f32 v2, v0  }
0xe8: {  	v2 =	vld [tilespmem:s13+$0x1E0]  }
0xe9: {  	v0 =	vadd.f32 v3, v0  }
0xea: {  	v3 =	vld [tilespmem:s13+$0x260]  }
0xeb: {  	v0 =	vadd.f32 v1, v0  }
0xec: {  	v1 =	vld [tilespmem:s13+$0x2E0]  }
0xed: {  	v0 =	vadd.f32 v2, v0  }
0xee: {  	v2 =	vld [tilespmem:s13+$0x360]  }
0xef: {  	v0 =	vadd.f32 v3, v0  }
0xf0: {  	v3 =	vld [tilespmem:s13+$0x3E0]  }
0xf1: {  	v0 =	vadd.f32 v1, v0;
	_ =	sdelay $0x1  }
0xf2: {  	v0 =	vadd.f32 v2, v0;
	_ =	sdelay $0x1  }
0xf3: {  	v0 =	vadd.f32 v3, v0;
	_ =	sdelay $0x1  }
0xf4: {  	[tilespmem:s14+$0x10260] =	vst v0  }
0xf5: {  	v0 =	vld [tilespmem:s13+$0xFFFFFC70]  }
0xf6: {  	v1 =	vld [tilespmem:s13+$0xFFFFFCF0];
	_ =	sdelay $0x1  }
0xf7: {  	v2 =	vld [tilespmem:s13+$0xFFFFFD70];
	_ =	sdelay $0x1  }
0xf8: {  	v3 =	vld [tilespmem:s13+$0xFFFFFDF0]  }
0xf9: {  	v0 =	vadd.f32 v1, v0  }
0xfa: {  	v1 =	vld [tilespmem:s13+$0xFFFFFE70]  }
0xfb: {  	v0 =	vadd.f32 v2, v0  }
0xfc: {  	v2 =	vld [tilespmem:s13+$0xFFFFFEF0]  }
0xfd: {  	v0 =	vadd.f32 v3, v0  }
0xfe: {  	v3 =	vld [tilespmem:s13+$0xFFFFFF70]  }
0xff: {  	v0 =	vadd.f32 v1, v0  }
0x100: {  	v1 =	vld [tilespmem:s13+$0xFFFFFFF0]  }
0x101: {  	v0 =	vadd.f32 v2, v0  }
0x102: {  	v2 =	vld [tilespmem:s13+$0x70]  }
0x103: {  	v0 =	vadd.f32 v3, v0  }
0x104: {  	v3 =	vld [tilespmem:s13+$0xF0]  }
0x105: {  	v0 =	vadd.f32 v1, v0  }
0x106: {  	v1 =	vld [tilespmem:s13+$0x170]  }
0x107: {  	v0 =	vadd.f32 v2, v0  }
0x108: {  	v4 =	vld [tilespmem:s13+$0x1F0]  }
0x109: {  	v2 =	vadd.f32 v3, v0  }
0x10a: {  	v3 =	vld [tilespmem:s13+$0x270]  }
0x10b: {  	v0 =	vld [tilespmem:s13+$0x2F0];
	v5 =	vadd.f32 v1, v2  }
0x10c: {  	v1 =	vld [tilespmem:s13+$0x370]  }
0x10d: {  	s15 =	simm.s32 $0x200;
	v2 =	vld [tilespmem:s13+$0x3F0];
	v4 =	vadd.f32 v4, v5  }
.LBB2_2:
0x10e: {  	p0 =	sne.s32 s15, $0x3E00  }
0x10f: {  	s13 =	sadd.s32 $0x800, s13;
	s16 =	smov.u32 s15;
	s15 =	sadd.s32 $0x200, s15;
	v3 =	vadd.f32 v3, v4  }
0x110: {  	_ = 	snop  }
0x111: {  	v0 =	vadd.f32 v0, v3;
	_ =	sdelay $0x1  }
0x112: {  	v0 =	vadd.f32 v1, v0;
	_ =	sdelay $0x1  }
0x113: {  	v0 =	vadd.f32 v2, v0;
	_ =	sdelay $0x1  }
0x114: {  	[tilespmem:s14+$0x10270] =	vst v0  }
0x115: {  	v0 =	vld [tilespmem:s13+$0xFFFFFC80]  }
0x116: {  	v1 =	vld [tilespmem:s13+$0xFFFFFC00]  }
0x117: {  	v2 =	vld [tilespmem:s13+$0xFFFFFD00];
	_ =	sdelay $0x2  }
0x118: {  	v3 =	vld [tilespmem:s13+$0xFFFFFD80]  }
0x119: {  	v0 =	vadd.f32 v0, v1  }
0x11a: {  	v1 =	vld [tilespmem:s13+$0xFFFFFE00]  }
0x11b: {  	v0 =	vadd.f32 v2, v0  }
0x11c: {  	v2 =	vld [tilespmem:s13+$0xFFFFFE80]  }
0x11d: {  	v0 =	vadd.f32 v3, v0  }
0x11e: {  	v3 =	vld [tilespmem:s13+$0xFFFFFF00]  }
0x11f: {  	v0 =	vadd.f32 v1, v0  }
0x120: {  	v1 =	vld [tilespmem:s13+$0xFFFFFF80]  }
0x121: {  	v0 =	vadd.f32 v2, v0  }
0x122: {  	v2 =	vld [tilespmem:s13+$0x0]  }
0x123: {  	v0 =	vadd.f32 v3, v0  }
0x124: {  	v3 =	vld [tilespmem:s13+$0x80]  }
0x125: {  	v0 =	vadd.f32 v1, v0  }
0x126: {  	v1 =	vld [tilespmem:s13+$0x100]  }
0x127: {  	v0 =	vadd.f32 v2, v0  }
0x128: {  	v2 =	vld [tilespmem:s13+$0x180]  }
0x129: {  	v0 =	vadd.f32 v3, v0  }
0x12a: {  	v3 =	vld [tilespmem:s13+$0x200]  }
0x12b: {  	v0 =	vadd.f32 v1, v0  }
0x12c: {  	v1 =	vld [tilespmem:s13+$0x280]  }
0x12d: {  	v0 =	vadd.f32 v2, v0  }
0x12e: {  	v2 =	vld [tilespmem:s13+$0x300]  }
0x12f: {  	v0 =	vadd.f32 v3, v0  }
0x130: {  	v3 =	vld [tilespmem:s13+$0x380]  }
0x131: {  	v0 =	vadd.f32 v1, v0;
	_ =	sdelay $0x1  }
0x132: {  	v0 =	vadd.f32 v2, v0;
	_ =	sdelay $0x1  }
0x133: {  	v0 =	vadd.f32 v3, v0  }
0x134: {  	s14 =	sshra.s32 s16, $0x2  }
0x135: {  	[tilespmem:s14+$0x10200] =	vst v0  }
0x136: {  	v0 =	vld [tilespmem:s13+$0xFFFFFC10]  }
0x137: {  	v1 =	vld [tilespmem:s13+$0xFFFFFC90];
	_ =	sdelay $0x1  }
0x138: {  	v2 =	vld [tilespmem:s13+$0xFFFFFD10];
	_ =	sdelay $0x1  }
0x139: {  	v3 =	vld [tilespmem:s13+$0xFFFFFD90]  }
0x13a: {  	v0 =	vadd.f32 v1, v0  }
0x13b: {  	v1 =	vld [tilespmem:s13+$0xFFFFFE10]  }
0x13c: {  	v0 =	vadd.f32 v2, v0  }
0x13d: {  	v2 =	vld [tilespmem:s13+$0xFFFFFE90]  }
0x13e: {  	v0 =	vadd.f32 v3, v0  }
0x13f: {  	v3 =	vld [tilespmem:s13+$0xFFFFFF10]  }
0x140: {  	v0 =	vadd.f32 v1, v0  }
0x141: {  	v1 =	vld [tilespmem:s13+$0xFFFFFF90]  }
0x142: {  	v0 =	vadd.f32 v2, v0  }
0x143: {  	v2 =	vld [tilespmem:s13+$0x10]  }
0x144: {  	v0 =	vadd.f32 v3, v0  }
0x145: {  	v3 =	vld [tilespmem:s13+$0x90]  }
0x146: {  	v0 =	vadd.f32 v1, v0  }
0x147: {  	v1 =	vld [tilespmem:s13+$0x110]  }
0x148: {  	v0 =	vadd.f32 v2, v0  }
0x149: {  	v2 =	vld [tilespmem:s13+$0x190]  }
0x14a: {  	v0 =	vadd.f32 v3, v0  }
0x14b: {  	v3 =	vld [tilespmem:s13+$0x210]  }
0x14c: {  	v0 =	vadd.f32 v1, v0  }
0x14d: {  	v1 =	vld [tilespmem:s13+$0x290]  }
0x14e: {  	v0 =	vadd.f32 v2, v0  }
0x14f: {  	v2 =	vld [tilespmem:s13+$0x310]  }
0x150: {  	v0 =	vadd.f32 v3, v0  }
0x151: {  	v3 =	vld [tilespmem:s13+$0x390]  }
0x152: {  	v0 =	vadd.f32 v1, v0;
	_ =	sdelay $0x1  }
0x153: {  	v0 =	vadd.f32 v2, v0;
	_ =	sdelay $0x1  }
0x154: {  	v0 =	vadd.f32 v3, v0;
	_ =	sdelay $0x1  }
0x155: {  	[tilespmem:s14+$0x10210] =	vst v0  }
0x156: {  	v0 =	vld [tilespmem:s13+$0xFFFFFC20]  }
0x157: {  	v1 =	vld [tilespmem:s13+$0xFFFFFCA0];
	_ =	sdelay $0x1  }
0x158: {  	v2 =	vld [tilespmem:s13+$0xFFFFFD20];
	_ =	sdelay $0x1  }
0x159: {  	v3 =	vld [tilespmem:s13+$0xFFFFFDA0]  }
0x15a: {  	v0 =	vadd.f32 v1, v0  }
0x15b: {  	v1 =	vld [tilespmem:s13+$0xFFFFFE20]  }
0x15c: {  	v0 =	vadd.f32 v2, v0  }
0x15d: {  	v2 =	vld [tilespmem:s13+$0xFFFFFEA0]  }
0x15e: {  	v0 =	vadd.f32 v3, v0  }
0x15f: {  	v3 =	vld [tilespmem:s13+$0xFFFFFF20]  }
0x160: {  	v0 =	vadd.f32 v1, v0  }
0x161: {  	v1 =	vld [tilespmem:s13+$0xFFFFFFA0]  }
0x162: {  	v0 =	vadd.f32 v2, v0  }
0x163: {  	v2 =	vld [tilespmem:s13+$0x20]  }
0x164: {  	v0 =	vadd.f32 v3, v0  }
0x165: {  	v3 =	vld [tilespmem:s13+$0xA0]  }
0x166: {  	v0 =	vadd.f32 v1, v0  }
0x167: {  	v1 =	vld [tilespmem:s13+$0x120]  }
0x168: {  	v0 =	vadd.f32 v2, v0  }
0x169: {  	v2 =	vld [tilespmem:s13+$0x1A0]  }
0x16a: {  	v0 =	vadd.f32 v3, v0  }
0x16b: {  	v3 =	vld [tilespmem:s13+$0x220]  }
0x16c: {  	v0 =	vadd.f32 v1, v0  }
0x16d: {  	v1 =	vld [tilespmem:s13+$0x2A0]  }
0x16e: {  	v0 =	vadd.f32 v2, v0  }
0x16f: {  	v2 =	vld [tilespmem:s13+$0x320]  }
0x170: {  	v0 =	vadd.f32 v3, v0  }
0x171: {  	v3 =	vld [tilespmem:s13+$0x3A0]  }
0x172: {  	v0 =	vadd.f32 v1, v0;
	_ =	sdelay $0x1  }
0x173: {  	v0 =	vadd.f32 v2, v0;
	_ =	sdelay $0x1  }
0x174: {  	v0 =	vadd.f32 v3, v0;
	_ =	sdelay $0x1  }
0x175: {  	[tilespmem:s14+$0x10220] =	vst v0  }
0x176: {  	v0 =	vld [tilespmem:s13+$0xFFFFFC30]  }
0x177: {  	v1 =	vld [tilespmem:s13+$0xFFFFFCB0]  }
0x178: {  	v2 =	vld [tilespmem:s13+$0xFFFFFD30];
	_ =	sdelay $0x2  }
0x179: {  	v3 =	vld [tilespmem:s13+$0xFFFFFDB0]  }
0x17a: {  	v0 =	vadd.f32 v1, v0  }
0x17b: {  	v1 =	vld [tilespmem:s13+$0xFFFFFE30]  }
0x17c: {  	v0 =	vadd.f32 v2, v0  }
0x17d: {  	v2 =	vld [tilespmem:s13+$0xFFFFFEB0]  }
0x17e: {  	v0 =	vadd.f32 v3, v0  }
0x17f: {  	v3 =	vld [tilespmem:s13+$0xFFFFFF30]  }
0x180: {  	v0 =	vadd.f32 v1, v0  }
0x181: {  	v1 =	vld [tilespmem:s13+$0xFFFFFFB0]  }
0x182: {  	v0 =	vadd.f32 v2, v0  }
0x183: {  	v2 =	vld [tilespmem:s13+$0x30]  }
0x184: {  	v0 =	vadd.f32 v3, v0  }
0x185: {  	v3 =	vld [tilespmem:s13+$0xB0]  }
0x186: {  	v0 =	vadd.f32 v1, v0  }
0x187: {  	v1 =	vld [tilespmem:s13+$0x130]  }
0x188: {  	v0 =	vadd.f32 v2, v0  }
0x189: {  	v2 =	vld [tilespmem:s13+$0x1B0]  }
0x18a: {  	v0 =	vadd.f32 v3, v0  }
0x18b: {  	v3 =	vld [tilespmem:s13+$0x230]  }
0x18c: {  	v0 =	vadd.f32 v1, v0  }
0x18d: {  	v1 =	vld [tilespmem:s13+$0x2B0]  }
0x18e: {  	v0 =	vadd.f32 v2, v0  }
0x18f: {  	v2 =	vld [tilespmem:s13+$0x330]  }
0x190: {  	v0 =	vadd.f32 v3, v0  }
0x191: {  	v3 =	vld [tilespmem:s13+$0x3B0]  }
0x192: {  	v0 =	vadd.f32 v1, v0;
	_ =	sdelay $0x1  }
0x193: {  	v0 =	vadd.f32 v2, v0;
	_ =	sdelay $0x1  }
0x194: {  	v0 =	vadd.f32 v3, v0;
	_ =	sdelay $0x1  }
0x195: {  	[tilespmem:s14+$0x10230] =	vst v0  }
0x196: {  	v0 =	vld [tilespmem:s13+$0xFFFFFC40]  }
0x197: {  	v1 =	vld [tilespmem:s13+$0xFFFFFCC0]  }
0x198: {  	v2 =	vld [tilespmem:s13+$0xFFFFFD40];
	_ =	sdelay $0x2  }
0x199: {  	v3 =	vld [tilespmem:s13+$0xFFFFFDC0]  }
0x19a: {  	v0 =	vadd.f32 v1, v0  }
0x19b: {  	v1 =	vld [tilespmem:s13+$0xFFFFFE40]  }
0x19c: {  	v0 =	vadd.f32 v2, v0  }
0x19d: {  	v2 =	vld [tilespmem:s13+$0xFFFFFEC0]  }
0x19e: {  	v0 =	vadd.f32 v3, v0  }
0x19f: {  	v3 =	vld [tilespmem:s13+$0xFFFFFF40]  }
0x1a0: {  	v0 =	vadd.f32 v1, v0  }
0x1a1: {  	v1 =	vld [tilespmem:s13+$0xFFFFFFC0]  }
0x1a2: {  	v0 =	vadd.f32 v2, v0  }
0x1a3: {  	v2 =	vld [tilespmem:s13+$0x40]  }
0x1a4: {  	v0 =	vadd.f32 v3, v0  }
0x1a5: {  	v3 =	vld [tilespmem:s13+$0xC0]  }
0x1a6: {  	v0 =	vadd.f32 v1, v0  }
0x1a7: {  	v1 =	vld [tilespmem:s13+$0x140]  }
0x1a8: {  	v0 =	vadd.f32 v2, v0  }
0x1a9: {  	v2 =	vld [tilespmem:s13+$0x1C0]  }
0x1aa: {  	v0 =	vadd.f32 v3, v0  }
0x1ab: {  	v3 =	vld [tilespmem:s13+$0x240]  }
0x1ac: {  	v0 =	vadd.f32 v1, v0  }
0x1ad: {  	v1 =	vld [tilespmem:s13+$0x2C0]  }
0x1ae: {  	v0 =	vadd.f32 v2, v0  }
0x1af: {  	v2 =	vld [tilespmem:s13+$0x340]  }
0x1b0: {  	v0 =	vadd.f32 v3, v0  }
0x1b1: {  	v3 =	vld [tilespmem:s13+$0x3C0]  }
0x1b2: {  	v0 =	vadd.f32 v1, v0;
	_ =	sdelay $0x1  }
0x1b3: {  	v0 =	vadd.f32 v2, v0;
	_ =	sdelay $0x1  }
0x1b4: {  	v0 =	vadd.f32 v3, v0;
	_ =	sdelay $0x1  }
0x1b5: {  	[tilespmem:s14+$0x10240] =	vst v0  }
0x1b6: {  	v0 =	vld [tilespmem:s13+$0xFFFFFC50]  }
0x1b7: {  	v1 =	vld [tilespmem:s13+$0xFFFFFCD0]  }
0x1b8: {  	v2 =	vld [tilespmem:s13+$0xFFFFFD50]  }
0x1b9: {  	v3 =	vld [tilespmem:s13+$0xFFFFFDD0]  }
0x1ba: {  	v4 =	vld [tilespmem:s13+$0xFFFFFE50]  }
0x1bb: {  	v5 =	vld [tilespmem:s13+$0xFFFFFED0]  }
0x1bc: {  	v0 =	vadd.f32 v1, v0;
	v1 =	vld [tilespmem:s13+$0xFFFFFF50]  }
0x1bd: {  	v6 =	vld [tilespmem:s13+$0xFFFFFFD0]  }
0x1be: {  	v0 =	vadd.f32 v2, v0;
	v2 =	vld [tilespmem:s13+$0x50]  }
0x1bf: {  	v7 =	vld [tilespmem:s13+$0xD0]  }
0x1c0: {  	v0 =	vadd.f32 v3, v0;
	v3 =	vld [tilespmem:s13+$0x150]  }
0x1c1: {  	v8 =	vld [tilespmem:s13+$0x1D0]  }
0x1c2: {  	v0 =	vadd.f32 v4, v0;
	v4 =	vld [tilespmem:s13+$0x250]  }
0x1c3: {  	v9 =	vld [tilespmem:s13+$0x2D0]  }
0x1c4: {  	v0 =	vadd.f32 v5, v0;
	v5 =	vld [tilespmem:s13+$0x350]  }
0x1c5: {  	v10 =	vld [tilespmem:s13+$0x3D0]  }
0x1c6: {  	v0 =	vadd.f32 v1, v0;
	_ =	sdelay $0x1  }
0x1c7: {  	v0 =	vadd.f32 v6, v0;
	_ =	sdelay $0x1  }
0x1c8: {  	v0 =	vadd.f32 v2, v0;
	_ =	sdelay $0x1  }
0x1c9: {  	v0 =	vadd.f32 v7, v0;
	_ =	sdelay $0x1  }
0x1ca: {  	v0 =	vadd.f32 v3, v0;
	_ =	sdelay $0x1  }
0x1cb: {  	v0 =	vadd.f32 v8, v0;
	_ =	sdelay $0x1  }
0x1cc: {  	v0 =	vadd.f32 v4, v0;
	_ =	sdelay $0x1  }
0x1cd: {  	v0 =	vadd.f32 v9, v0;
	_ =	sdelay $0x1  }
0x1ce: {  	v0 =	vadd.f32 v5, v0;
	_ =	sdelay $0x1  }
0x1cf: {  	v0 =	vadd.f32 v10, v0;
	_ =	sdelay $0x1  }
0x1d0: {  	[tilespmem:s14+$0x10250] =	vst v0  }
0x1d1: {  	v0 =	vld [tilespmem:s13+$0xFFFFFC60]  }
0x1d2: {  	v1 =	vld [tilespmem:s13+$0xFFFFFCE0]  }
0x1d3: {  	v2 =	vld [tilespmem:s13+$0xFFFFFD60]  }
0x1d4: {  	v3 =	vld [tilespmem:s13+$0xFFFFFDE0]  }
0x1d5: {  	v4 =	vld [tilespmem:s13+$0xFFFFFE60]  }
0x1d6: {  	v5 =	vld [tilespmem:s13+$0xFFFFFEE0]  }
0x1d7: {  	v0 =	vadd.f32 v1, v0;
	v1 =	vld [tilespmem:s13+$0xFFFFFF60]  }
0x1d8: {  	v6 =	vld [tilespmem:s13+$0xFFFFFFE0]  }
0x1d9: {  	v0 =	vadd.f32 v2, v0;
	v2 =	vld [tilespmem:s13+$0x60]  }
0x1da: {  	v7 =	vld [tilespmem:s13+$0xE0]  }
0x1db: {  	v0 =	vadd.f32 v3, v0;
	v3 =	vld [tilespmem:s13+$0x160]  }
0x1dc: {  	v8 =	vld [tilespmem:s13+$0x1E0]  }
0x1dd: {  	v0 =	vadd.f32 v4, v0;
	v4 =	vld [tilespmem:s13+$0x260]  }
0x1de: {  	v9 =	vld [tilespmem:s13+$0x2E0]  }
0x1df: {  	v0 =	vadd.f32 v5, v0;
	v5 =	vld [tilespmem:s13+$0x360]  }
0x1e0: {  	v10 =	vld [tilespmem:s13+$0x3E0]  }
0x1e1: {  	v0 =	vadd.f32 v1, v0;
	_ =	sdelay $0x1  }
0x1e2: {  	v0 =	vadd.f32 v6, v0;
	_ =	sdelay $0x1  }
0x1e3: {  	v0 =	vadd.f32 v2, v0;
	_ =	sdelay $0x1  }
0x1e4: {  	v0 =	vadd.f32 v7, v0;
	_ =	sdelay $0x1  }
0x1e5: {  	v0 =	vadd.f32 v3, v0;
	_ =	sdelay $0x1  }
0x1e6: {  	v0 =	vadd.f32 v8, v0;
	_ =	sdelay $0x1  }
0x1e7: {  	v0 =	vadd.f32 v4, v0;
	_ =	sdelay $0x1  }
0x1e8: {  	v0 =	vadd.f32 v9, v0;
	_ =	sdelay $0x1  }
0x1e9: {  	v0 =	vadd.f32 v5, v0;
	_ =	sdelay $0x1  }
0x1ea: {  	v0 =	vadd.f32 v10, v0;
	_ =	sdelay $0x1  }
0x1eb: {  	[tilespmem:s14+$0x10260] =	vst v0  }
0x1ec: {  	v0 =	vld [tilespmem:s13+$0xFFFFFC70]  }
0x1ed: {  	v1 =	vld [tilespmem:s13+$0xFFFFFCF0]  }
0x1ee: {  	v2 =	vld [tilespmem:s13+$0xFFFFFD70]  }
0x1ef: {  	v3 =	vld [tilespmem:s13+$0xFFFFFDF0]  }
0x1f0: {  	v4 =	vld [tilespmem:s13+$0xFFFFFE70]  }
0x1f1: {  	v5 =	vld [tilespmem:s13+$0xFFFFFEF0]  }
0x1f2: {  	v0 =	vadd.f32 v1, v0;
	v6 =	vld [tilespmem:s13+$0xFFFFFF70]  }
0x1f3: {  	v7 =	vld [tilespmem:s13+$0xFFFFFFF0]  }
0x1f4: {  	v0 =	vadd.f32 v2, v0;
	v8 =	vld [tilespmem:s13+$0x70]  }
0x1f5: {  	v9 =	vld [tilespmem:s13+$0xF0]  }
0x1f6: {  	v0 =	vadd.f32 v3, v0;
	v10 =	vld [tilespmem:s13+$0x170]  }
0x1f7: {  	v11 =	vld [tilespmem:s13+$0x1F0]  }
0x1f8: {  	v1 =	vadd.f32 v4, v0;
	v3 =	vld [tilespmem:s13+$0x270]  }
0x1f9: {  	v0 =	vld [tilespmem:s13+$0x2F0]  }
0x1fa: {  	v4 =	vadd.f32 v5, v1;
	v1 =	vld [tilespmem:s13+$0x370]  }
0x1fb: {  	v2 =	vld [tilespmem:s13+$0x3F0]  }
0x1fc: {  	v4 =	vadd.f32 v6, v4;
	_ =	sdelay $0x1  }
0x1fd: {  	v4 =	vadd.f32 v7, v4;
	_ =	sdelay $0x1  }
0x1fe: {  	v4 =	vadd.f32 v8, v4;
	_ =	sdelay $0x1  }
.Ltmp0:
0x1ff: {  	v4 =	vadd.f32 v9, v4;
	(pc) =	sbr.rel @p0 .LBB2_2-.Ltmp0, $3  }
0x200: {  	_ = 	snop  }
0x201: {  	v4 =	vadd.f32 v10, v4;
	_ =	sdelay $0x1  }
0x202: {  	v4 =	vadd.f32 v11, v4  }
0x203: {  	_ = 	snop  }
0x204: {  	v3 =	vadd.f32 v3, v4;
	_ =	sdelay $0x1  }
0x205: {  	v0 =	vadd.f32 v0, v3;
	_ =	sdelay $0x1  }
0x206: {  	v0 =	vadd.f32 v1, v0;
	_ =	sdelay $0x1  }
0x207: {  	v0 =	vadd.f32 v2, v0;
	_ =	sdelay $0x1  }
0x208: {  	s13 =	simm.s32 $0x0;
	[tilespmem:s14+$0x10270] =	vst v0  }
0x209: {  	[tilespmem:s13], [sflag:$0x2] =	stream.linear.gather [hbm4b:s5+s13], $0x200, $0x38;
	[tilespmem:$0x12200] =	vst v63  }
0x20a: {  	_ =	swait.ge [sflag:s8], $0x200  }
0x20b: {  	[sflag:s8] =	ssyncset.done $0x0  }
0x20c: {  	[sflag:s8] =	ssyncadd.s32 $0xFFFFFE00  }
0x20d: {  	[tilespmem:s9], [sflag:$0x1] =	stream.indirect.gather [hbm4b:s3+s9], $0x80, s13, s9, $0xb8;
	[tilespmem:$0x12200] =	vst v63  }
0x20e: {  	_ =	swait.ge [sflag:s10], $0x10000  }
0x20f: {  	[sflag:s10] =	ssyncset.done $0x0  }
0x210: {  	s13 =	simm.s32 $0x600;
	[sflag:s10] =	ssyncadd.s32 $0xFFFF0000  }
0x211: {  	v0 =	vld [tilespmem:s13+$0xFFFFFC80]  }
0x212: {  	v1 =	vld [tilespmem:s13+$0xFFFFFC00];
	_ =	sdelay $0x1  }
0x213: {  	v2 =	vld [tilespmem:s13+$0xFFFFFD00];
	_ =	sdelay $0x1  }
0x214: {  	v3 =	vld [tilespmem:s13+$0xFFFFFD80]  }
0x215: {  	v0 =	vadd.f32 v0, v1  }
0x216: {  	v1 =	vld [tilespmem:s13+$0xFFFFFE00]  }
0x217: {  	v0 =	vadd.f32 v2, v0  }
0x218: {  	v2 =	vld [tilespmem:s13+$0xFFFFFE80]  }
0x219: {  	v0 =	vadd.f32 v3, v0  }
0x21a: {  	v3 =	vld [tilespmem:s13+$0xFFFFFF00]  }
0x21b: {  	v0 =	vadd.f32 v1, v0  }
0x21c: {  	v1 =	vld [tilespmem:s13+$0xFFFFFF80]  }
0x21d: {  	v0 =	vadd.f32 v2, v0  }
0x21e: {  	v2 =	vld [tilespmem:s13+$0x0]  }
0x21f: {  	v0 =	vadd.f32 v3, v0  }
0x220: {  	v3 =	vld [tilespmem:s13+$0x80]  }
0x221: {  	v0 =	vadd.f32 v1, v0  }
0x222: {  	v1 =	vld [tilespmem:s13+$0x100]  }
0x223: {  	v0 =	vadd.f32 v2, v0  }
0x224: {  	v2 =	vld [tilespmem:s13+$0x180]  }
0x225: {  	v0 =	vadd.f32 v3, v0  }
0x226: {  	v3 =	vld [tilespmem:s13+$0x200]  }
0x227: {  	v0 =	vadd.f32 v1, v0  }
0x228: {  	v1 =	vld [tilespmem:s13+$0x280]  }
0x229: {  	v0 =	vadd.f32 v2, v0  }
0x22a: {  	v2 =	vld [tilespmem:s13+$0x300]  }
0x22b: {  	v0 =	vadd.f32 v3, v0  }
0x22c: {  	v3 =	vld [tilespmem:s13+$0x380]  }
0x22d: {  	v0 =	vadd.f32 v1, v0;
	_ =	sdelay $0x1  }
0x22e: {  	v0 =	vadd.f32 v2, v0;
	_ =	sdelay $0x1  }
0x22f: {  	v0 =	vadd.f32 v3, v0  }
0x230: {  	s14 =	simm.s32 $0x0  }
0x231: {  	[tilespmem:s14+$0x11200] =	vst v0  }
0x232: {  	v0 =	vld [tilespmem:s13+$0xFFFFFC10]  }
0x233: {  	v1 =	vld [tilespmem:s13+$0xFFFFFC90];
	_ =	sdelay $0x1  }
0x234: {  	v2 =	vld [tilespmem:s13+$0xFFFFFD10];
	_ =	sdelay $0x1  }
0x235: {  	v3 =	vld [tilespmem:s13+$0xFFFFFD90]  }
0x236: {  	v0 =	vadd.f32 v1, v0  }
0x237: {  	v1 =	vld [tilespmem:s13+$0xFFFFFE10]  }
0x238: {  	v0 =	vadd.f32 v2, v0  }
0x239: {  	v2 =	vld [tilespmem:s13+$0xFFFFFE90]  }
0x23a: {  	v0 =	vadd.f32 v3, v0  }
0x23b: {  	v3 =	vld [tilespmem:s13+$0xFFFFFF10]  }
0x23c: {  	v0 =	vadd.f32 v1, v0  }
0x23d: {  	v1 =	vld [tilespmem:s13+$0xFFFFFF90]  }
0x23e: {  	v0 =	vadd.f32 v2, v0  }
0x23f: {  	v2 =	vld [tilespmem:s13+$0x10]  }
0x240: {  	v0 =	vadd.f32 v3, v0  }
0x241: {  	v3 =	vld [tilespmem:s13+$0x90]  }
0x242: {  	v0 =	vadd.f32 v1, v0  }
0x243: {  	v1 =	vld [tilespmem:s13+$0x110]  }
0x244: {  	v0 =	vadd.f32 v2, v0  }
0x245: {  	v2 =	vld [tilespmem:s13+$0x190]  }
0x246: {  	v0 =	vadd.f32 v3, v0  }
0x247: {  	v3 =	vld [tilespmem:s13+$0x210]  }
0x248: {  	v0 =	vadd.f32 v1, v0  }
0x249: {  	v1 =	vld [tilespmem:s13+$0x290]  }
0x24a: {  	v0 =	vadd.f32 v2, v0  }
0x24b: {  	v2 =	vld [tilespmem:s13+$0x310]  }
0x24c: {  	v0 =	vadd.f32 v3, v0  }
0x24d: {  	v3 =	vld [tilespmem:s13+$0x390]  }
0x24e: {  	v0 =	vadd.f32 v1, v0;
	_ =	sdelay $0x1  }
0x24f: {  	v0 =	vadd.f32 v2, v0;
	_ =	sdelay $0x1  }
0x250: {  	v0 =	vadd.f32 v3, v0;
	_ =	sdelay $0x1  }
0x251: {  	[tilespmem:s14+$0x11210] =	vst v0  }
0x252: {  	v0 =	vld [tilespmem:s13+$0xFFFFFC20]  }
0x253: {  	v1 =	vld [tilespmem:s13+$0xFFFFFCA0];
	_ =	sdelay $0x1  }
0x254: {  	v2 =	vld [tilespmem:s13+$0xFFFFFD20];
	_ =	sdelay $0x1  }
0x255: {  	v3 =	vld [tilespmem:s13+$0xFFFFFDA0]  }
0x256: {  	v0 =	vadd.f32 v1, v0  }
0x257: {  	v1 =	vld [tilespmem:s13+$0xFFFFFE20]  }
0x258: {  	v0 =	vadd.f32 v2, v0  }
0x259: {  	v2 =	vld [tilespmem:s13+$0xFFFFFEA0]  }
0x25a: {  	v0 =	vadd.f32 v3, v0  }
0x25b: {  	v3 =	vld [tilespmem:s13+$0xFFFFFF20]  }
0x25c: {  	v0 =	vadd.f32 v1, v0  }
0x25d: {  	v1 =	vld [tilespmem:s13+$0xFFFFFFA0]  }
0x25e: {  	v0 =	vadd.f32 v2, v0  }
0x25f: {  	v2 =	vld [tilespmem:s13+$0x20]  }
0x260: {  	v0 =	vadd.f32 v3, v0  }
0x261: {  	v3 =	vld [tilespmem:s13+$0xA0]  }
0x262: {  	v0 =	vadd.f32 v1, v0  }
0x263: {  	v1 =	vld [tilespmem:s13+$0x120]  }
0x264: {  	v0 =	vadd.f32 v2, v0  }
0x265: {  	v2 =	vld [tilespmem:s13+$0x1A0]  }
0x266: {  	v0 =	vadd.f32 v3, v0  }
0x267: {  	v3 =	vld [tilespmem:s13+$0x220]  }
0x268: {  	v0 =	vadd.f32 v1, v0  }
0x269: {  	v1 =	vld [tilespmem:s13+$0x2A0]  }
0x26a: {  	v0 =	vadd.f32 v2, v0  }
0x26b: {  	v2 =	vld [tilespmem:s13+$0x320]  }
0x26c: {  	v0 =	vadd.f32 v3, v0  }
0x26d: {  	v3 =	vld [tilespmem:s13+$0x3A0]  }
0x26e: {  	v0 =	vadd.f32 v1, v0;
	_ =	sdelay $0x1  }
0x26f: {  	v0 =	vadd.f32 v2, v0;
	_ =	sdelay $0x1  }
0x270: {  	v0 =	vadd.f32 v3, v0;
	_ =	sdelay $0x1  }
0x271: {  	[tilespmem:s14+$0x11220] =	vst v0  }
0x272: {  	v0 =	vld [tilespmem:s13+$0xFFFFFC30]  }
0x273: {  	v1 =	vld [tilespmem:s13+$0xFFFFFCB0];
	_ =	sdelay $0x1  }
0x274: {  	v2 =	vld [tilespmem:s13+$0xFFFFFD30];
	_ =	sdelay $0x1  }
0x275: {  	v3 =	vld [tilespmem:s13+$0xFFFFFDB0]  }
0x276: {  	v0 =	vadd.f32 v1, v0  }
0x277: {  	v1 =	vld [tilespmem:s13+$0xFFFFFE30]  }
0x278: {  	v0 =	vadd.f32 v2, v0  }
0x279: {  	v2 =	vld [tilespmem:s13+$0xFFFFFEB0]  }
0x27a: {  	v0 =	vadd.f32 v3, v0  }
0x27b: {  	v3 =	vld [tilespmem:s13+$0xFFFFFF30]  }
0x27c: {  	v0 =	vadd.f32 v1, v0  }
0x27d: {  	v1 =	vld [tilespmem:s13+$0xFFFFFFB0]  }
0x27e: {  	v0 =	vadd.f32 v2, v0  }
0x27f: {  	v2 =	vld [tilespmem:s13+$0x30]  }
0x280: {  	v0 =	vadd.f32 v3, v0  }
0x281: {  	v3 =	vld [tilespmem:s13+$0xB0]  }
0x282: {  	v0 =	vadd.f32 v1, v0  }
0x283: {  	v1 =	vld [tilespmem:s13+$0x130]  }
0x284: {  	v0 =	vadd.f32 v2, v0  }
0x285: {  	v2 =	vld [tilespmem:s13+$0x1B0]  }
0x286: {  	v0 =	vadd.f32 v3, v0  }
0x287: {  	v3 =	vld [tilespmem:s13+$0x230]  }
0x288: {  	v0 =	vadd.f32 v1, v0  }
0x289: {  	v1 =	vld [tilespmem:s13+$0x2B0]  }
0x28a: {  	v0 =	vadd.f32 v2, v0  }
0x28b: {  	v2 =	vld [tilespmem:s13+$0x330]  }
0x28c: {  	v0 =	vadd.f32 v3, v0  }
0x28d: {  	v3 =	vld [tilespmem:s13+$0x3B0]  }
0x28e: {  	v0 =	vadd.f32 v1, v0;
	_ =	sdelay $0x1  }
0x28f: {  	v0 =	vadd.f32 v2, v0;
	_ =	sdelay $0x1  }
0x290: {  	v0 =	vadd.f32 v3, v0;
	_ =	sdelay $0x1  }
0x291: {  	[tilespmem:s14+$0x11230] =	vst v0  }
0x292: {  	v0 =	vld [tilespmem:s13+$0xFFFFFC40]  }
0x293: {  	v1 =	vld [tilespmem:s13+$0xFFFFFCC0];
	_ =	sdelay $0x1  }
0x294: {  	v2 =	vld [tilespmem:s13+$0xFFFFFD40];
	_ =	sdelay $0x1  }
0x295: {  	v3 =	vld [tilespmem:s13+$0xFFFFFDC0]  }
0x296: {  	v0 =	vadd.f32 v1, v0  }
0x297: {  	v1 =	vld [tilespmem:s13+$0xFFFFFE40]  }
0x298: {  	v0 =	vadd.f32 v2, v0  }
0x299: {  	v2 =	vld [tilespmem:s13+$0xFFFFFEC0]  }
0x29a: {  	v0 =	vadd.f32 v3, v0  }
0x29b: {  	v3 =	vld [tilespmem:s13+$0xFFFFFF40]  }
0x29c: {  	v0 =	vadd.f32 v1, v0  }
0x29d: {  	v1 =	vld [tilespmem:s13+$0xFFFFFFC0]  }
0x29e: {  	v0 =	vadd.f32 v2, v0  }
0x29f: {  	v2 =	vld [tilespmem:s13+$0x40]  }
0x2a0: {  	v0 =	vadd.f32 v3, v0  }
0x2a1: {  	v3 =	vld [tilespmem:s13+$0xC0]  }
0x2a2: {  	v0 =	vadd.f32 v1, v0  }
0x2a3: {  	v1 =	vld [tilespmem:s13+$0x140]  }
0x2a4: {  	v0 =	vadd.f32 v2, v0  }
0x2a5: {  	v2 =	vld [tilespmem:s13+$0x1C0]  }
0x2a6: {  	v0 =	vadd.f32 v3, v0  }
0x2a7: {  	v3 =	vld [tilespmem:s13+$0x240]  }
0x2a8: {  	v0 =	vadd.f32 v1, v0  }
0x2a9: {  	v1 =	vld [tilespmem:s13+$0x2C0]  }
0x2aa: {  	v0 =	vadd.f32 v2, v0  }
0x2ab: {  	v2 =	vld [tilespmem:s13+$0x340]  }
0x2ac: {  	v0 =	vadd.f32 v3, v0  }
0x2ad: {  	v3 =	vld [tilespmem:s13+$0x3C0]  }
0x2ae: {  	v0 =	vadd.f32 v1, v0;
	_ =	sdelay $0x1  }
0x2af: {  	v0 =	vadd.f32 v2, v0;
	_ =	sdelay $0x1  }
0x2b0: {  	v0 =	vadd.f32 v3, v0;
	_ =	sdelay $0x1  }
0x2b1: {  	[tilespmem:s14+$0x11240] =	vst v0  }
0x2b2: {  	v0 =	vld [tilespmem:s13+$0xFFFFFC50]  }
0x2b3: {  	v1 =	vld [tilespmem:s13+$0xFFFFFCD0];
	_ =	sdelay $0x1  }
0x2b4: {  	v2 =	vld [tilespmem:s13+$0xFFFFFD50];
	_ =	sdelay $0x1  }
0x2b5: {  	v3 =	vld [tilespmem:s13+$0xFFFFFDD0]  }
0x2b6: {  	v0 =	vadd.f32 v1, v0  }
0x2b7: {  	v1 =	vld [tilespmem:s13+$0xFFFFFE50]  }
0x2b8: {  	v0 =	vadd.f32 v2, v0  }
0x2b9: {  	v2 =	vld [tilespmem:s13+$0xFFFFFED0]  }
0x2ba: {  	v0 =	vadd.f32 v3, v0  }
0x2bb: {  	v3 =	vld [tilespmem:s13+$0xFFFFFF50]  }
0x2bc: {  	v0 =	vadd.f32 v1, v0  }
0x2bd: {  	v1 =	vld [tilespmem:s13+$0xFFFFFFD0]  }
0x2be: {  	v0 =	vadd.f32 v2, v0  }
0x2bf: {  	v2 =	vld [tilespmem:s13+$0x50]  }
0x2c0: {  	v0 =	vadd.f32 v3, v0  }
0x2c1: {  	v3 =	vld [tilespmem:s13+$0xD0]  }
0x2c2: {  	v0 =	vadd.f32 v1, v0  }
0x2c3: {  	v1 =	vld [tilespmem:s13+$0x150]  }
0x2c4: {  	v0 =	vadd.f32 v2, v0  }
0x2c5: {  	v2 =	vld [tilespmem:s13+$0x1D0]  }
0x2c6: {  	v0 =	vadd.f32 v3, v0  }
0x2c7: {  	v3 =	vld [tilespmem:s13+$0x250]  }
0x2c8: {  	v0 =	vadd.f32 v1, v0  }
0x2c9: {  	v1 =	vld [tilespmem:s13+$0x2D0]  }
0x2ca: {  	v0 =	vadd.f32 v2, v0  }
0x2cb: {  	v2 =	vld [tilespmem:s13+$0x350]  }
0x2cc: {  	v0 =	vadd.f32 v3, v0  }
0x2cd: {  	v3 =	vld [tilespmem:s13+$0x3D0]  }
0x2ce: {  	v0 =	vadd.f32 v1, v0;
	_ =	sdelay $0x1  }
0x2cf: {  	v0 =	vadd.f32 v2, v0;
	_ =	sdelay $0x1  }
0x2d0: {  	v0 =	vadd.f32 v3, v0;
	_ =	sdelay $0x1  }
0x2d1: {  	[tilespmem:s14+$0x11250] =	vst v0  }
0x2d2: {  	v0 =	vld [tilespmem:s13+$0xFFFFFC60]  }
0x2d3: {  	v1 =	vld [tilespmem:s13+$0xFFFFFCE0];
	_ =	sdelay $0x1  }
0x2d4: {  	v2 =	vld [tilespmem:s13+$0xFFFFFD60];
	_ =	sdelay $0x1  }
0x2d5: {  	v3 =	vld [tilespmem:s13+$0xFFFFFDE0]  }
0x2d6: {  	v0 =	vadd.f32 v1, v0  }
0x2d7: {  	v1 =	vld [tilespmem:s13+$0xFFFFFE60]  }
0x2d8: {  	v0 =	vadd.f32 v2, v0  }
0x2d9: {  	v2 =	vld [tilespmem:s13+$0xFFFFFEE0]  }
0x2da: {  	v0 =	vadd.f32 v3, v0  }
0x2db: {  	v3 =	vld [tilespmem:s13+$0xFFFFFF60]  }
0x2dc: {  	v0 =	vadd.f32 v1, v0  }
0x2dd: {  	v1 =	vld [tilespmem:s13+$0xFFFFFFE0]  }
0x2de: {  	v0 =	vadd.f32 v2, v0  }
0x2df: {  	v2 =	vld [tilespmem:s13+$0x60]  }
0x2e0: {  	v0 =	vadd.f32 v3, v0  }
0x2e1: {  	v3 =	vld [tilespmem:s13+$0xE0]  }
0x2e2: {  	v0 =	vadd.f32 v1, v0  }
0x2e3: {  	v1 =	vld [tilespmem:s13+$0x160]  }
0x2e4: {  	v0 =	vadd.f32 v2, v0  }
0x2e5: {  	v2 =	vld [tilespmem:s13+$0x1E0]  }
0x2e6: {  	v0 =	vadd.f32 v3, v0  }
0x2e7: {  	v3 =	vld [tilespmem:s13+$0x260]  }
0x2e8: {  	v0 =	vadd.f32 v1, v0  }
0x2e9: {  	v1 =	vld [tilespmem:s13+$0x2E0]  }
0x2ea: {  	v0 =	vadd.f32 v2, v0  }
0x2eb: {  	v2 =	vld [tilespmem:s13+$0x360]  }
0x2ec: {  	v0 =	vadd.f32 v3, v0  }
0x2ed: {  	v3 =	vld [tilespmem:s13+$0x3E0]  }
0x2ee: {  	v0 =	vadd.f32 v1, v0;
	_ =	sdelay $0x1  }
0x2ef: {  	v0 =	vadd.f32 v2, v0;
	_ =	sdelay $0x1  }
0x2f0: {  	v0 =	vadd.f32 v3, v0;
	_ =	sdelay $0x1  }
0x2f1: {  	[tilespmem:s14+$0x11260] =	vst v0  }
0x2f2: {  	v0 =	vld [tilespmem:s13+$0xFFFFFC70]  }
0x2f3: {  	v1 =	vld [tilespmem:s13+$0xFFFFFCF0];
	_ =	sdelay $0x1  }
0x2f4: {  	v2 =	vld [tilespmem:s13+$0xFFFFFD70];
	_ =	sdelay $0x1  }
0x2f5: {  	v3 =	vld [tilespmem:s13+$0xFFFFFDF0]  }
0x2f6: {  	v0 =	vadd.f32 v1, v0  }
0x2f7: {  	v1 =	vld [tilespmem:s13+$0xFFFFFE70]  }
0x2f8: {  	v0 =	vadd.f32 v2, v0  }
0x2f9: {  	v2 =	vld [tilespmem:s13+$0xFFFFFEF0]  }
0x2fa: {  	v0 =	vadd.f32 v3, v0  }
0x2fb: {  	v3 =	vld [tilespmem:s13+$0xFFFFFF70]  }
0x2fc: {  	v0 =	vadd.f32 v1, v0  }
0x2fd: {  	v1 =	vld [tilespmem:s13+$0xFFFFFFF0]  }
0x2fe: {  	v0 =	vadd.f32 v2, v0  }
0x2ff: {  	v2 =	vld [tilespmem:s13+$0x70]  }
0x300: {  	v0 =	vadd.f32 v3, v0  }
0x301: {  	v3 =	vld [tilespmem:s13+$0xF0]  }
0x302: {  	v0 =	vadd.f32 v1, v0  }
0x303: {  	v1 =	vld [tilespmem:s13+$0x170]  }
0x304: {  	v0 =	vadd.f32 v2, v0  }
0x305: {  	v4 =	vld [tilespmem:s13+$0x1F0]  }
0x306: {  	v2 =	vadd.f32 v3, v0  }
0x307: {  	v3 =	vld [tilespmem:s13+$0x270]  }
0x308: {  	v0 =	vld [tilespmem:s13+$0x2F0];
	v5 =	vadd.f32 v1, v2  }
0x309: {  	v1 =	vld [tilespmem:s13+$0x370]  }
0x30a: {  	s15 =	simm.s32 $0x200;
	v2 =	vld [tilespmem:s13+$0x3F0];
	v4 =	vadd.f32 v4, v5  }
.LBB2_4:
0x30b: {  	p0 =	sne.s32 s15, $0x3E00  }
0x30c: {  	s13 =	sadd.s32 $0x800, s13;
	s16 =	smov.u32 s15;
	s15 =	sadd.s32 $0x200, s15;
	v3 =	vadd.f32 v3, v4  }
0x30d: {  	_ = 	snop  }
0x30e: {  	v0 =	vadd.f32 v0, v3;
	_ =	sdelay $0x1  }
0x30f: {  	v0 =	vadd.f32 v1, v0;
	_ =	sdelay $0x1  }
0x310: {  	v0 =	vadd.f32 v2, v0;
	_ =	sdelay $0x1  }
0x311: {  	[tilespmem:s14+$0x11270] =	vst v0  }
0x312: {  	v0 =	vld [tilespmem:s13+$0xFFFFFC80]  }
0x313: {  	v1 =	vld [tilespmem:s13+$0xFFFFFC00]  }
0x314: {  	v2 =	vld [tilespmem:s13+$0xFFFFFD00];
	_ =	sdelay $0x2  }
0x315: {  	v3 =	vld [tilespmem:s13+$0xFFFFFD80]  }
0x316: {  	v0 =	vadd.f32 v0, v1  }
0x317: {  	v1 =	vld [tilespmem:s13+$0xFFFFFE00]  }
0x318: {  	v0 =	vadd.f32 v2, v0  }
0x319: {  	v2 =	vld [tilespmem:s13+$0xFFFFFE80]  }
0x31a: {  	v0 =	vadd.f32 v3, v0  }
0x31b: {  	v3 =	vld [tilespmem:s13+$0xFFFFFF00]  }
0x31c: {  	v0 =	vadd.f32 v1, v0  }
0x31d: {  	v1 =	vld [tilespmem:s13+$0xFFFFFF80]  }
0x31e: {  	v0 =	vadd.f32 v2, v0  }
0x31f: {  	v2 =	vld [tilespmem:s13+$0x0]  }
0x320: {  	v0 =	vadd.f32 v3, v0  }
0x321: {  	v3 =	vld [tilespmem:s13+$0x80]  }
0x322: {  	v0 =	vadd.f32 v1, v0  }
0x323: {  	v1 =	vld [tilespmem:s13+$0x100]  }
0x324: {  	v0 =	vadd.f32 v2, v0  }
0x325: {  	v2 =	vld [tilespmem:s13+$0x180]  }
0x326: {  	v0 =	vadd.f32 v3, v0  }
0x327: {  	v3 =	vld [tilespmem:s13+$0x200]  }
0x328: {  	v0 =	vadd.f32 v1, v0  }
0x329: {  	v1 =	vld [tilespmem:s13+$0x280]  }
0x32a: {  	v0 =	vadd.f32 v2, v0  }
0x32b: {  	v2 =	vld [tilespmem:s13+$0x300]  }
0x32c: {  	v0 =	vadd.f32 v3, v0  }
0x32d: {  	v3 =	vld [tilespmem:s13+$0x380]  }
0x32e: {  	v0 =	vadd.f32 v1, v0;
	_ =	sdelay $0x1  }
0x32f: {  	v0 =	vadd.f32 v2, v0;
	_ =	sdelay $0x1  }
0x330: {  	v0 =	vadd.f32 v3, v0  }
0x331: {  	s14 =	sshra.s32 s16, $0x2  }
0x332: {  	[tilespmem:s14+$0x11200] =	vst v0  }
0x333: {  	v0 =	vld [tilespmem:s13+$0xFFFFFC10]  }
0x334: {  	v1 =	vld [tilespmem:s13+$0xFFFFFC90];
	_ =	sdelay $0x1  }
0x335: {  	v2 =	vld [tilespmem:s13+$0xFFFFFD10];
	_ =	sdelay $0x1  }
0x336: {  	v3 =	vld [tilespmem:s13+$0xFFFFFD90]  }
0x337: {  	v0 =	vadd.f32 v1, v0  }
0x338: {  	v1 =	vld [tilespmem:s13+$0xFFFFFE10]  }
0x339: {  	v0 =	vadd.f32 v2, v0  }
0x33a: {  	v2 =	vld [tilespmem:s13+$0xFFFFFE90]  }
0x33b: {  	v0 =	vadd.f32 v3, v0  }
0x33c: {  	v3 =	vld [tilespmem:s13+$0xFFFFFF10]  }
0x33d: {  	v0 =	vadd.f32 v1, v0  }
0x33e: {  	v1 =	vld [tilespmem:s13+$0xFFFFFF90]  }
0x33f: {  	v0 =	vadd.f32 v2, v0  }
0x340: {  	v2 =	vld [tilespmem:s13+$0x10]  }
0x341: {  	v0 =	vadd.f32 v3, v0  }
0x342: {  	v3 =	vld [tilespmem:s13+$0x90]  }
0x343: {  	v0 =	vadd.f32 v1, v0  }
0x344: {  	v1 =	vld [tilespmem:s13+$0x110]  }
0x345: {  	v0 =	vadd.f32 v2, v0  }
0x346: {  	v2 =	vld [tilespmem:s13+$0x190]  }
0x347: {  	v0 =	vadd.f32 v3, v0  }
0x348: {  	v3 =	vld [tilespmem:s13+$0x210]  }
0x349: {  	v0 =	vadd.f32 v1, v0  }
0x34a: {  	v1 =	vld [tilespmem:s13+$0x290]  }
0x34b: {  	v0 =	vadd.f32 v2, v0  }
0x34c: {  	v2 =	vld [tilespmem:s13+$0x310]  }
0x34d: {  	v0 =	vadd.f32 v3, v0  }
0x34e: {  	v3 =	vld [tilespmem:s13+$0x390]  }
0x34f: {  	v0 =	vadd.f32 v1, v0;
	_ =	sdelay $0x1  }
0x350: {  	v0 =	vadd.f32 v2, v0;
	_ =	sdelay $0x1  }
0x351: {  	v0 =	vadd.f32 v3, v0;
	_ =	sdelay $0x1  }
0x352: {  	[tilespmem:s14+$0x11210] =	vst v0  }
0x353: {  	v0 =	vld [tilespmem:s13+$0xFFFFFC20]  }
0x354: {  	v1 =	vld [tilespmem:s13+$0xFFFFFCA0];
	_ =	sdelay $0x1  }
0x355: {  	v2 =	vld [tilespmem:s13+$0xFFFFFD20];
	_ =	sdelay $0x1  }
0x356: {  	v3 =	vld [tilespmem:s13+$0xFFFFFDA0]  }
0x357: {  	v0 =	vadd.f32 v1, v0  }
0x358: {  	v1 =	vld [tilespmem:s13+$0xFFFFFE20]  }
0x359: {  	v0 =	vadd.f32 v2, v0  }
0x35a: {  	v2 =	vld [tilespmem:s13+$0xFFFFFEA0]  }
0x35b: {  	v0 =	vadd.f32 v3, v0  }
0x35c: {  	v3 =	vld [tilespmem:s13+$0xFFFFFF20]  }
0x35d: {  	v0 =	vadd.f32 v1, v0  }
0x35e: {  	v1 =	vld [tilespmem:s13+$0xFFFFFFA0]  }
0x35f: {  	v0 =	vadd.f32 v2, v0  }
0x360: {  	v2 =	vld [tilespmem:s13+$0x20]  }
0x361: {  	v0 =	vadd.f32 v3, v0  }
0x362: {  	v3 =	vld [tilespmem:s13+$0xA0]  }
0x363: {  	v0 =	vadd.f32 v1, v0  }
0x364: {  	v1 =	vld [tilespmem:s13+$0x120]  }
0x365: {  	v0 =	vadd.f32 v2, v0  }
0x366: {  	v2 =	vld [tilespmem:s13+$0x1A0]  }
0x367: {  	v0 =	vadd.f32 v3, v0  }
0x368: {  	v3 =	vld [tilespmem:s13+$0x220]  }
0x369: {  	v0 =	vadd.f32 v1, v0  }
0x36a: {  	v1 =	vld [tilespmem:s13+$0x2A0]  }
0x36b: {  	v0 =	vadd.f32 v2, v0  }
0x36c: {  	v2 =	vld [tilespmem:s13+$0x320]  }
0x36d: {  	v0 =	vadd.f32 v3, v0  }
0x36e: {  	v3 =	vld [tilespmem:s13+$0x3A0]  }
0x36f: {  	v0 =	vadd.f32 v1, v0;
	_ =	sdelay $0x1  }
0x370: {  	v0 =	vadd.f32 v2, v0;
	_ =	sdelay $0x1  }
0x371: {  	v0 =	vadd.f32 v3, v0;
	_ =	sdelay $0x1  }
0x372: {  	[tilespmem:s14+$0x11220] =	vst v0  }
0x373: {  	v0 =	vld [tilespmem:s13+$0xFFFFFC30]  }
0x374: {  	v1 =	vld [tilespmem:s13+$0xFFFFFCB0]  }
0x375: {  	v2 =	vld [tilespmem:s13+$0xFFFFFD30];
	_ =	sdelay $0x2  }
0x376: {  	v3 =	vld [tilespmem:s13+$0xFFFFFDB0]  }
0x377: {  	v0 =	vadd.f32 v1, v0  }
0x378: {  	v1 =	vld [tilespmem:s13+$0xFFFFFE30]  }
0x379: {  	v0 =	vadd.f32 v2, v0  }
0x37a: {  	v2 =	vld [tilespmem:s13+$0xFFFFFEB0]  }
0x37b: {  	v0 =	vadd.f32 v3, v0  }
0x37c: {  	v3 =	vld [tilespmem:s13+$0xFFFFFF30]  }
0x37d: {  	v0 =	vadd.f32 v1, v0  }
0x37e: {  	v1 =	vld [tilespmem:s13+$0xFFFFFFB0]  }
0x37f: {  	v0 =	vadd.f32 v2, v0  }
0x380: {  	v2 =	vld [tilespmem:s13+$0x30]  }
0x381: {  	v0 =	vadd.f32 v3, v0  }
0x382: {  	v3 =	vld [tilespmem:s13+$0xB0]  }
0x383: {  	v0 =	vadd.f32 v1, v0  }
0x384: {  	v1 =	vld [tilespmem:s13+$0x130]  }
0x385: {  	v0 =	vadd.f32 v2, v0  }
0x386: {  	v2 =	vld [tilespmem:s13+$0x1B0]  }
0x387: {  	v0 =	vadd.f32 v3, v0  }
0x388: {  	v3 =	vld [tilespmem:s13+$0x230]  }
0x389: {  	v0 =	vadd.f32 v1, v0  }
0x38a: {  	v1 =	vld [tilespmem:s13+$0x2B0]  }
0x38b: {  	v0 =	vadd.f32 v2, v0  }
0x38c: {  	v2 =	vld [tilespmem:s13+$0x330]  }
0x38d: {  	v0 =	vadd.f32 v3, v0  }
0x38e: {  	v3 =	vld [tilespmem:s13+$0x3B0]  }
0x38f: {  	v0 =	vadd.f32 v1, v0;
	_ =	sdelay $0x1  }
0x390: {  	v0 =	vadd.f32 v2, v0;
	_ =	sdelay $0x1  }
0x391: {  	v0 =	vadd.f32 v3, v0;
	_ =	sdelay $0x1  }
0x392: {  	[tilespmem:s14+$0x11230] =	vst v0  }
0x393: {  	v0 =	vld [tilespmem:s13+$0xFFFFFC40]  }
0x394: {  	v1 =	vld [tilespmem:s13+$0xFFFFFCC0]  }
0x395: {  	v2 =	vld [tilespmem:s13+$0xFFFFFD40];
	_ =	sdelay $0x2  }
0x396: {  	v3 =	vld [tilespmem:s13+$0xFFFFFDC0]  }
0x397: {  	v0 =	vadd.f32 v1, v0  }
0x398: {  	v1 =	vld [tilespmem:s13+$0xFFFFFE40]  }
0x399: {  	v0 =	vadd.f32 v2, v0  }
0x39a: {  	v2 =	vld [tilespmem:s13+$0xFFFFFEC0]  }
0x39b: {  	v0 =	vadd.f32 v3, v0  }
0x39c: {  	v3 =	vld [tilespmem:s13+$0xFFFFFF40]  }
0x39d: {  	v0 =	vadd.f32 v1, v0  }
0x39e: {  	v1 =	vld [tilespmem:s13+$0xFFFFFFC0]  }
0x39f: {  	v0 =	vadd.f32 v2, v0  }
0x3a0: {  	v2 =	vld [tilespmem:s13+$0x40]  }
0x3a1: {  	v0 =	vadd.f32 v3, v0  }
0x3a2: {  	v3 =	vld [tilespmem:s13+$0xC0]  }
0x3a3: {  	v0 =	vadd.f32 v1, v0  }
0x3a4: {  	v1 =	vld [tilespmem:s13+$0x140]  }
0x3a5: {  	v0 =	vadd.f32 v2, v0  }
0x3a6: {  	v2 =	vld [tilespmem:s13+$0x1C0]  }
0x3a7: {  	v0 =	vadd.f32 v3, v0  }
0x3a8: {  	v3 =	vld [tilespmem:s13+$0x240]  }
0x3a9: {  	v0 =	vadd.f32 v1, v0  }
0x3aa: {  	v1 =	vld [tilespmem:s13+$0x2C0]  }
0x3ab: {  	v0 =	vadd.f32 v2, v0  }
0x3ac: {  	v2 =	vld [tilespmem:s13+$0x340]  }
0x3ad: {  	v0 =	vadd.f32 v3, v0  }
0x3ae: {  	v3 =	vld [tilespmem:s13+$0x3C0]  }
0x3af: {  	v0 =	vadd.f32 v1, v0;
	_ =	sdelay $0x1  }
0x3b0: {  	v0 =	vadd.f32 v2, v0;
	_ =	sdelay $0x1  }
0x3b1: {  	v0 =	vadd.f32 v3, v0;
	_ =	sdelay $0x1  }
0x3b2: {  	[tilespmem:s14+$0x11240] =	vst v0  }
0x3b3: {  	v0 =	vld [tilespmem:s13+$0xFFFFFC50]  }
0x3b4: {  	v1 =	vld [tilespmem:s13+$0xFFFFFCD0]  }
0x3b5: {  	v2 =	vld [tilespmem:s13+$0xFFFFFD50]  }
0x3b6: {  	v3 =	vld [tilespmem:s13+$0xFFFFFDD0]  }
0x3b7: {  	v4 =	vld [tilespmem:s13+$0xFFFFFE50]  }
0x3b8: {  	v5 =	vld [tilespmem:s13+$0xFFFFFED0]  }
0x3b9: {  	v0 =	vadd.f32 v1, v0;
	v1 =	vld [tilespmem:s13+$0xFFFFFF50]  }
0x3ba: {  	v6 =	vld [tilespmem:s13+$0xFFFFFFD0]  }
0x3bb: {  	v0 =	vadd.f32 v2, v0;
	v2 =	vld [tilespmem:s13+$0x50]  }
0x3bc: {  	v7 =	vld [tilespmem:s13+$0xD0]  }
0x3bd: {  	v0 =	vadd.f32 v3, v0;
	v3 =	vld [tilespmem:s13+$0x150]  }
0x3be: {  	v8 =	vld [tilespmem:s13+$0x1D0]  }
0x3bf: {  	v0 =	vadd.f32 v4, v0;
	v4 =	vld [tilespmem:s13+$0x250]  }
0x3c0: {  	v9 =	vld [tilespmem:s13+$0x2D0]  }
0x3c1: {  	v0 =	vadd.f32 v5, v0;
	v5 =	vld [tilespmem:s13+$0x350]  }
0x3c2: {  	v10 =	vld [tilespmem:s13+$0x3D0]  }
0x3c3: {  	v0 =	vadd.f32 v1, v0;
	_ =	sdelay $0x1  }
0x3c4: {  	v0 =	vadd.f32 v6, v0;
	_ =	sdelay $0x1  }
0x3c5: {  	v0 =	vadd.f32 v2, v0;
	_ =	sdelay $0x1  }
0x3c6: {  	v0 =	vadd.f32 v7, v0;
	_ =	sdelay $0x1  }
0x3c7: {  	v0 =	vadd.f32 v3, v0;
	_ =	sdelay $0x1  }
0x3c8: {  	v0 =	vadd.f32 v8, v0;
	_ =	sdelay $0x1  }
0x3c9: {  	v0 =	vadd.f32 v4, v0;
	_ =	sdelay $0x1  }
0x3ca: {  	v0 =	vadd.f32 v9, v0;
	_ =	sdelay $0x1  }
0x3cb: {  	v0 =	vadd.f32 v5, v0;
	_ =	sdelay $0x1  }
0x3cc: {  	v0 =	vadd.f32 v10, v0;
	_ =	sdelay $0x1  }
0x3cd: {  	[tilespmem:s14+$0x11250] =	vst v0  }
0x3ce: {  	v0 =	vld [tilespmem:s13+$0xFFFFFC60]  }
0x3cf: {  	v1 =	vld [tilespmem:s13+$0xFFFFFCE0]  }
0x3d0: {  	v2 =	vld [tilespmem:s13+$0xFFFFFD60]  }
0x3d1: {  	v3 =	vld [tilespmem:s13+$0xFFFFFDE0]  }
0x3d2: {  	v4 =	vld [tilespmem:s13+$0xFFFFFE60]  }
0x3d3: {  	v5 =	vld [tilespmem:s13+$0xFFFFFEE0]  }
0x3d4: {  	v0 =	vadd.f32 v1, v0;
	v1 =	vld [tilespmem:s13+$0xFFFFFF60]  }
0x3d5: {  	v6 =	vld [tilespmem:s13+$0xFFFFFFE0]  }
0x3d6: {  	v0 =	vadd.f32 v2, v0;
	v2 =	vld [tilespmem:s13+$0x60]  }
0x3d7: {  	v7 =	vld [tilespmem:s13+$0xE0]  }
0x3d8: {  	v0 =	vadd.f32 v3, v0;
	v3 =	vld [tilespmem:s13+$0x160]  }
0x3d9: {  	v8 =	vld [tilespmem:s13+$0x1E0]  }
0x3da: {  	v0 =	vadd.f32 v4, v0;
	v4 =	vld [tilespmem:s13+$0x260]  }
0x3db: {  	v9 =	vld [tilespmem:s13+$0x2E0]  }
0x3dc: {  	v0 =	vadd.f32 v5, v0;
	v5 =	vld [tilespmem:s13+$0x360]  }
0x3dd: {  	v10 =	vld [tilespmem:s13+$0x3E0]  }
0x3de: {  	v0 =	vadd.f32 v1, v0;
	_ =	sdelay $0x1  }
0x3df: {  	v0 =	vadd.f32 v6, v0;
	_ =	sdelay $0x1  }
0x3e0: {  	v0 =	vadd.f32 v2, v0;
	_ =	sdelay $0x1  }
0x3e1: {  	v0 =	vadd.f32 v7, v0;
	_ =	sdelay $0x1  }
0x3e2: {  	v0 =	vadd.f32 v3, v0;
	_ =	sdelay $0x1  }
0x3e3: {  	v0 =	vadd.f32 v8, v0;
	_ =	sdelay $0x1  }
0x3e4: {  	v0 =	vadd.f32 v4, v0;
	_ =	sdelay $0x1  }
0x3e5: {  	v0 =	vadd.f32 v9, v0;
	_ =	sdelay $0x1  }
0x3e6: {  	v0 =	vadd.f32 v5, v0;
	_ =	sdelay $0x1  }
0x3e7: {  	v0 =	vadd.f32 v10, v0;
	_ =	sdelay $0x1  }
0x3e8: {  	[tilespmem:s14+$0x11260] =	vst v0  }
0x3e9: {  	v0 =	vld [tilespmem:s13+$0xFFFFFC70]  }
0x3ea: {  	v1 =	vld [tilespmem:s13+$0xFFFFFCF0]  }
0x3eb: {  	v2 =	vld [tilespmem:s13+$0xFFFFFD70]  }
0x3ec: {  	v3 =	vld [tilespmem:s13+$0xFFFFFDF0]  }
0x3ed: {  	v4 =	vld [tilespmem:s13+$0xFFFFFE70]  }
0x3ee: {  	v5 =	vld [tilespmem:s13+$0xFFFFFEF0]  }
0x3ef: {  	v0 =	vadd.f32 v1, v0;
	v6 =	vld [tilespmem:s13+$0xFFFFFF70]  }
0x3f0: {  	v7 =	vld [tilespmem:s13+$0xFFFFFFF0]  }
0x3f1: {  	v0 =	vadd.f32 v2, v0;
	v8 =	vld [tilespmem:s13+$0x70]  }
0x3f2: {  	v9 =	vld [tilespmem:s13+$0xF0]  }
0x3f3: {  	v0 =	vadd.f32 v3, v0;
	v10 =	vld [tilespmem:s13+$0x170]  }
0x3f4: {  	v11 =	vld [tilespmem:s13+$0x1F0]  }
0x3f5: {  	v1 =	vadd.f32 v4, v0;
	v3 =	vld [tilespmem:s13+$0x270]  }
0x3f6: {  	v0 =	vld [tilespmem:s13+$0x2F0]  }
0x3f7: {  	v4 =	vadd.f32 v5, v1;
	v1 =	vld [tilespmem:s13+$0x370]  }
0x3f8: {  	v2 =	vld [tilespmem:s13+$0x3F0]  }
0x3f9: {  	v4 =	vadd.f32 v6, v4;
	_ =	sdelay $0x1  }
0x3fa: {  	v4 =	vadd.f32 v7, v4;
	_ =	sdelay $0x1  }
0x3fb: {  	v4 =	vadd.f32 v8, v4;
	_ =	sdelay $0x1  }
.Ltmp1:
0x3fc: {  	v4 =	vadd.f32 v9, v4;
	(pc) =	sbr.rel @p0 .LBB2_4-.Ltmp1, $3  }
0x3fd: {  	_ = 	snop  }
0x3fe: {  	v4 =	vadd.f32 v10, v4;
	_ =	sdelay $0x1  }
0x3ff: {  	v4 =	vadd.f32 v11, v4  }
0x400: {  	_ = 	snop  }
0x401: {  	v3 =	vadd.f32 v3, v4;
	_ =	sdelay $0x1  }
0x402: {  	v0 =	vadd.f32 v0, v3;
	_ =	sdelay $0x1  }
0x403: {  	v0 =	vadd.f32 v1, v0;
	_ =	sdelay $0x1  }
0x404: {  	s12 =	sadd.s32 $0x1, s12;
	v0 =	vadd.f32 v2, v0  }
0x405: {  	p0 =	sne.s32 s12, s7  }
.Ltmp2:
0x406: {  	[tilespmem:s14+$0x11270] =	vst v0;
	(pc) =	sbr.rel @p0 .LBB2_1-.Ltmp2, $4  }
0x407: {  	[hbm4b:s6+s2] =	stream.linear.scatter [tilespmem:s11], [sflag:$0x2], $0x2000, $0x38;
	[tilespmem:$0x12200] =	vst v63  }
0x408: {  	_ =	swait.ge [sflag:s8], $0x2000  }
0x409: {  	[sflag:s8] =	ssyncset.done $0x0  }
0x40a: {  	[sflag:s8] =	ssyncadd.s32 $0xFFFFE000  }
0x40b: {  	_ =	sfence.sel $0x180000  }
0x40c: {  	[bflag:$0x0] =	sbarrier.arrive $0xFFFF  }
0x40d: {  	p0 =	sne.s32 s1, $0x0;
	_ =	strace $0x90000047  }
0x40e: {  	s0 =	sadd.s32 @!p0 $0x100000, s0;
	[bflag:$0x2] =	sbarrier.arrive $0xFFFF  }
0x40f: {  	[sflag:s0] =	ssyncadd.tile.s32 @!p0 $0x1;
	_ =	shalt  }
.Lfunc_end2:
_tile_overlayer_lowered:
.L_overlay_start_2:
0x410: {  	(tag) =	ssettag $0x2  }
0x411: {  	s0 =	rddreg [dreg:$0x0];
	s2 =	stileid.u32  }
0x412: {  	s1 =	rddreg [dreg:$0x1];
	p0 =	sne.s32 s2, $0x0  }
0x413: {  	s3 =	rddreg [dreg:$0x2];
	[bflag:$0x3] =	sbarrier.arrive $0xFFFF;
	s2 =	simm.s32 @!p0 $0x1C02  }
0x414: {  	[timem:s3], [sflag:s2] =	dma.local @!p0 [hbm:s0], s1  }
0x415: {  	s0 =	simm.s32 @!p0 $0x2  }
0x416: {  	_ =	swait.ge @!p0 [sflag:s0], s1  }
0x417: {  	s1 =	ssub.s32 @!p0 $0x0, s1;
	[sflag:s0] =	ssyncset.done @!p0 $0x0  }
0x418: {  	[sflag:s0] =	ssyncadd.s32 @!p0 s1  }
0x419: {  	[bflag:$0x3] =	sbarrier.arrive $0xFFFF  }
0x41a: {  	_ =	shalt  }

</sc_bundles>
